<compile_context>
chip_gen: v7x
topology: tpu7x:2x2x1
jax: 0.10.2.dev20260603
libtpu: 0.0.44.dev20260713+nightly
codegen_flags: <defaults>
</compile_context>

<pallas_src>
import functools

import jax
import jax.numpy as jnp
from jax import lax
from jax.experimental import pallas as pl
from jax.experimental.pallas import tpu as pltpu
from jax.experimental.pallas import tpu_sc as plsc

_D = 16
_B = 16384
_H = 50
_C = 20
_BETA = 0.5
_N = 1000001

_HP = 56
_CPD = 24
_OP = 32

_NC = 2
_NS = 16
_NW = _NC * _NS
_RPW = _B // _NW

_RBLK = 32768
_SH = _RBLK.bit_length() - 1
_G = (_N + _RBLK - 1) // _RBLK
_WH_LINES = _G * (_RBLK // 8)
_CT_LINES = _G * (_RBLK // 4)


def _sc_body(hrow_hbm, crow_hbm, wh_hbm, wct_hbm,
             out_hbm,
             hg_v, cg_v, out_v,
             hb0, cb0, hb1, cb1,
             hs0, cs0, hs1, cs1):
    wid = lax.axis_index("s") * _NC + lax.axis_index("c")
    base = wid * _RPW

    pltpu.sync_copy(hrow_hbm.at[pl.ds(base * _HP, _RPW * _HP)], hg_v)
    pltpu.sync_copy(crow_hbm.at[pl.ds(base * _CPD, _RPW * _CPD)], cg_v)

    hbufs = (hb0, hb1)
    cbufs = (cb0, cb1)
    hsems = (hs0, hs1)
    csems = (cs0, cs1)

    _HG = _HP + _H
    _CG = _CPD + _C

    def issue(pair, b):
        pltpu.async_copy(
            wh_hbm.at[hg_v.at[pl.ds(pair * 2 * _HP, _HG)]],
            hbufs[b], hsems[b])
        pltpu.async_copy(
            wct_hbm.at[cg_v.at[pl.ds(pair * 2 * _CPD, _CG)]],
            cbufs[b], csems[b])

    def wait(pair, b):
        pltpu.make_async_copy(
            wh_hbm.at[hg_v.at[pl.ds(pair * 2 * _HP, _HG)]],
            hbufs[b], hsems[b]).wait()
        pltpu.make_async_copy(
            wct_hbm.at[cg_v.at[pl.ds(pair * 2 * _CPD, _CG)]],
            cbufs[b], csems[b]).wait()

    lanes = lax.iota(jnp.int32, _D)

    def compute(row, b, ho, co):
        hb = hbufs[b]
        cb = cbufs[b]
        accs = [hb[ho], hb[ho + 1] * _BETA,
                hb[ho + 2] * _BETA ** 2, hb[ho + 3] * _BETA ** 3]
        for h in range(4, _H):
            accs[h % 4] = accs[h % 4] + hb[ho + h] * (_BETA ** h)
        acc = (accs[0] + accs[1]) + (accs[2] + accs[3])
        ctx = [cb[co + c, 0:_D] for c in range(_C)]
        ss = [ctx[0], ctx[1], ctx[2], ctx[3]]
        for c in range(4, _C):
            ss[c % 4] = ss[c % 4] + ctx[c]
        s = (ss[0] + ss[1]) + (ss[2] + ss[3])
        a = acc + s
        lo = jnp.zeros((_D,), jnp.float32)
        hi = jnp.zeros((_D,), jnp.float32)
        for c in range(_C):
            tgt = cb[co + c, _D:2 * _D]
            u = jnp.sum(tgt * (a - ctx[c]))
            if c < _D:
                lo = jnp.where(lanes == c, u, lo)
            else:
                hi = jnp.where(lanes == (c - _D), u, hi)
        out_v[pl.ds(row * _OP, _D)] = lo
        out_v[pl.ds(row * _OP + _D, _D)] = hi

    issue(0, 0)

    def body(i, carry):
        p = i * 2
        for b in range(2):
            pair = p + b
            nxt = pair + 1

            @pl.when(nxt < _RPW // 2)
            def _():
                issue(nxt, 1 - b)

            wait(pair, b)
            compute(pair * 2, b, 0, 0)
            compute(pair * 2 + 1, b, _HP, _CPD)
        return carry

    lax.fori_loop(0, _RPW // 4, body, 0, unroll=False)

    pltpu.sync_copy(out_v, out_hbm.at[pl.ds(base * _OP, _RPW * _OP)])


_sc_utilities = functools.partial(
    pl.kernel,
    out_type=jax.ShapeDtypeStruct((_B * _OP,), jnp.float32),
    mesh=plsc.VectorSubcoreMesh(core_axis_name="c", subcore_axis_name="s"),
    compiler_params=pltpu.CompilerParams(
        needs_layout_passes=False, use_tc_tiling_on_sc=False),
    scratch_types=[
        pltpu.VMEM((_RPW * _HP,), jnp.int32),
        pltpu.VMEM((_RPW * _CPD,), jnp.int32),
        pltpu.VMEM((_RPW * _OP,), jnp.float32),
        pltpu.VMEM((_HP + _H, _D), jnp.float32),
        pltpu.VMEM((_CPD + _C, 2 * _D), jnp.float32),
        pltpu.VMEM((_HP + _H, _D), jnp.float32),
        pltpu.VMEM((_CPD + _C, 2 * _D), jnp.float32),
        pltpu.SemaphoreType.DMA,
        pltpu.SemaphoreType.DMA,
        pltpu.SemaphoreType.DMA,
        pltpu.SemaphoreType.DMA,
    ],
)(_sc_body)


def _mxu_t(x):
    eye = jnp.eye(128, dtype=jnp.float32)
    return lax.dot_general(x, eye, (((0,), (0,)), ((), ())),
                           preferred_element_type=jnp.float32)


def _repack_body(ht_ref, ct_ref, tt_ref, oh_ref, oct_ref):
    xh = ht_ref[...]
    w8 = _RBLK // 8
    out2h = jnp.concatenate(
        [xh[:, k * w8:(k + 1) * w8] for k in range(8)], axis=0)
    oh_ref[...] = _mxu_t(out2h)
    xc = ct_ref[...]
    xt = tt_ref[...]
    w4 = _RBLK // 4
    parts = []
    for k in range(4):
        parts.append(xc[:, k * w4:(k + 1) * w4])
        parts.append(xt[:, k * w4:(k + 1) * w4])
    out2c = jnp.concatenate(parts, axis=0)
    oct_ref[...] = _mxu_t(out2c)


def _repack_tables(Wh, Wc, Wt):
    return pl.pallas_call(
        _repack_body,
        grid=(_G,),
        in_specs=[pl.BlockSpec((_D, _RBLK), lambda i: (0, i)),
                  pl.BlockSpec((_D, _RBLK), lambda i: (0, i)),
                  pl.BlockSpec((_D, _RBLK), lambda i: (0, i))],
        out_specs=[pl.BlockSpec((_RBLK // 8, 128), lambda i: (i, 0)),
                   pl.BlockSpec((_RBLK // 4, 128), lambda i: (i, 0))],
        out_shape=[jax.ShapeDtypeStruct((_WH_LINES, 128), jnp.float32),
                   jax.ShapeDtypeStruct((_CT_LINES, 128), jnp.float32)],
    )(Wh.T, Wc.T, Wt.T)


def _softmax_body(u_ref, len_ref, o_ref):
    u = u_ref[...]
    ln = len_ref[...]
    col = lax.broadcasted_iota(jnp.int32, u.shape, 1)
    u = jnp.where((col >= ln) | (col >= _C), -jnp.inf, u)
    m = jnp.max(u, axis=1, keepdims=True)
    sh = u - m
    lse = jnp.log(jnp.sum(jnp.exp(sh), axis=1, keepdims=True))
    o_ref[...] = (sh - lse)[:, :_C]


_BLK = 2048


def _tc_logsoftmax(util, lens2d):
    return pl.pallas_call(
        _softmax_body,
        grid=(_B // _BLK,),
        in_specs=[
            pl.BlockSpec((_BLK, _OP), lambda i: (i, 0)),
            pl.BlockSpec((_BLK, 1), lambda i: (i, 0)),
        ],
        out_specs=pl.BlockSpec((_BLK, _C), lambda i: (i, 0)),
        out_shape=jax.ShapeDtypeStruct((_B, _C), jnp.float32),
    )(util, lens2d)


def kernel(histories, history_lengths, choice_sets, choice_set_lengths,
           Wh, Wc, Wt):
    del history_lengths
    hp = jnp.pad(histories, ((0, 0), (0, _HP - _H)), mode="edge")
    cp = jnp.pad(choice_sets, ((0, 0), (0, _CPD - _C)), mode="edge")
    hrow = ((hp >> _SH) * _RBLK + (hp & (_RBLK // 8 - 1)) * 8
            + ((hp >> (_SH - 3)) & 7)).reshape(-1)
    crow = ((cp >> _SH) * _RBLK + (cp & (_RBLK // 4 - 1)) * 4
            + ((cp >> (_SH - 2)) & 3)).reshape(-1)
    wh, wct = _repack_tables(Wh, Wc, Wt)
    whv = wh.reshape(_WH_LINES * 8, _D)
    wctv = wct.reshape(_CT_LINES * 4, 2 * _D)
    util = _sc_utilities(hrow, crow, whv, wctv).reshape(_B, _OP)
    return _tc_logsoftmax(util, choice_set_lengths.reshape(_B, 1))

# --- scband reference (transcript-rebuilt; emitter-appended) ---
"""Pipeline reference for scband-history-cdm-21414706938719 (READ-ONLY COPY).

The authoritative reference and input builder live on the scoring server;
editing this copy changes nothing except your own understanding.
"""

import jax, jax.numpy as jnp
import numpy as np

NUM_ITEMS = 1000000
DIM = 16
PAD = NUM_ITEMS
B = 16384
H = 50
C = 20
BETA = 0.5

def setup_inputs(seed: int = 0) -> dict:
    key = jax.random.key(seed)
    k1, k2, k3, k4, k5, k6, k7 = jax.random.split(key, 7)
    histories = jax.random.randint(k1, (B, H), 0, NUM_ITEMS)
    history_lengths = jax.random.randint(k2, (B,), 0, H) + 1
    choice_sets = jax.random.randint(k3, (B, C), 0, NUM_ITEMS)
    choice_set_lengths = jax.random.randint(k4, (B,), 0, C) + 1
    Wh = jax.random.normal(k5, (NUM_ITEMS + 1, DIM), dtype=jnp.float32)
    Wc = jax.random.normal(k6, (NUM_ITEMS + 1, DIM), dtype=jnp.float32)
    Wt = jax.random.normal(k7, (NUM_ITEMS + 1, DIM), dtype=jnp.float32)
    return {
        "histories": histories,
        "history_lengths": history_lengths,
        "choice_sets": choice_sets,
        "choice_set_lengths": choice_set_lengths,
        "Wh": Wh,
        "Wc": Wc,
        "Wt": Wt,
    }

def reference(histories, history_lengths, choice_sets, choice_set_lengths, Wh, Wc, Wt):
    # pad row is zeroed at the start of forward (torch does this under no_grad)
    Wh = Wh.at[PAD].set(0.0)
    Wc = Wc.at[PAD].set(0.0)
    Wt = Wt.at[PAD].set(0.0)
    history_vecs = jnp.take(Wh, histories, axis=0)      # [B, H, D]
    context_vecs = jnp.take(Wc, choice_sets, axis=0)    # [B, C, D]
    target_vecs = jnp.take(Wt, choice_sets, axis=0)     # [B, C, D]
    context_sums = context_vecs.sum(axis=1, keepdims=True) - context_vecs  # [B, C, D]
    history_weight = jnp.power(jnp.full((H,), BETA, dtype=jnp.float32), jnp.arange(H, dtype=jnp.float32))[:, None]  # [H, 1]
    weighted_history_sums = (history_weight * history_vecs).sum(axis=1, keepdims=True)  # [B, 1, D]
    utilities = (target_vecs * (context_sums + weighted_history_sums)).sum(axis=2)  # [B, C]
    mask = jnp.arange(C)[None, :] >= choice_set_lengths[:, None]
    utilities = jnp.where(mask, -jnp.inf, utilities)
    return jax.nn.log_softmax(utilities, axis=1)

if __name__ == "__main__":
    import jax
    _d = setup_inputs()
    print(jax.jit(kernel)(*tuple(_d.values())))

</pallas_src>

<mosaic_0001>
#map = affine_map<(d0, d1) -> (0)>
#map1 = affine_map<(d0, d1) -> (0, 0)>
module attributes {stable_mosaic.version = 14 : i64} {
  func.func @_sc_body(%arg0: i32, %arg1: i32, %arg2: memref<917504xi32, #tpu.memory_space<hbm>>, %arg3: memref<393216xi32, #tpu.memory_space<hbm>>, %arg4: memref<1015808x16xf32, #tpu.memory_space<hbm>>, %arg5: memref<1015808x32xf32, #tpu.memory_space<hbm>>, %arg6: memref<524288xf32, #tpu.memory_space<hbm>>, %arg7: memref<28672xi32, #tpu.memory_space<vmem>>, %arg8: memref<12288xi32, #tpu.memory_space<vmem>>, %arg9: memref<16384xf32, #tpu.memory_space<vmem>>, %arg10: memref<106x16xf32, #tpu.memory_space<vmem>>, %arg11: memref<44x32xf32, #tpu.memory_space<vmem>>, %arg12: memref<106x16xf32, #tpu.memory_space<vmem>>, %arg13: memref<44x32xf32, #tpu.memory_space<vmem>>, %arg14: memref<!tpu.dma_semaphore, #tpu.memory_space<semaphore_mem>>, %arg15: memref<!tpu.dma_semaphore, #tpu.memory_space<semaphore_mem>>, %arg16: memref<!tpu.dma_semaphore, #tpu.memory_space<semaphore_mem>>, %arg17: memref<!tpu.dma_semaphore, #tpu.memory_space<semaphore_mem>>) attributes {dimension_semantics = [#tpu.dimension_semantics<core_parallel>, #tpu.dimension_semantics<subcore_parallel>], iteration_bounds = array<i64: 2, 16>, scalar_prefetch = 0 : i64, scratch_operands = 11 : i64, tpu.core_type = #tpu.core_type<sc_vector_subcore>, window_params = [{transform_indices = #map}, {transform_indices = #map}, {transform_indices = #map1}, {transform_indices = #map1}, {transform_indices = #map}]} {
    %mul3A = arith.constant 2 : i32
    %mul3A_0 = arith.muli %arg1, %mul3A : i32
    %add3A = arith.addi %mul3A_0, %arg0 : i32
    %mul3A_1 = arith.constant 512 : i32
    %mul3A_2 = arith.muli %add3A, %mul3A_1 : i32
    %mul3A_3 = arith.constant 56 : i32
    %mul3A_4 = arith.muli %mul3A_2, %mul3A_3 : i32
    "tpu.region"() ({
      %run_scoped3A = tpu.sem_alloc : memref<!tpu.dma_semaphore, #tpu.memory_space<semaphore_mem>>
      %dma_start3A_23 = tpu.memref_slice %arg2[%mul3A_4] : memref<917504xi32, #tpu.memory_space<hbm>> -> memref<28672xi32, #tpu.memory_space<hbm>>
      %dma_start3A_24 = tpu.memref_slice %arg2[%mul3A_4] : memref<917504xi32, #tpu.memory_space<hbm>> -> memref<28672xi32, #tpu.memory_space<hbm>>
      tpu.enqueue_dma source(%dma_start3A_24 : memref<28672xi32, #tpu.memory_space<hbm>>) target(%arg7 : memref<28672xi32, #tpu.memory_space<vmem>>) target_semaphore(%run_scoped3A : memref<!tpu.dma_semaphore, #tpu.memory_space<semaphore_mem>>)
      %dma_wait3A = tpu.memref_slice %arg2[%mul3A_4] : memref<917504xi32, #tpu.memory_space<hbm>> -> memref<28672xi32, #tpu.memory_space<hbm>>
      %dma_wait3A_25 = tpu.memref_slice %arg2[%mul3A_4] : memref<917504xi32, #tpu.memory_space<hbm>> -> memref<28672xi32, #tpu.memory_space<hbm>>
      tpu.wait_dma2 semaphore(%run_scoped3A : memref<!tpu.dma_semaphore, #tpu.memory_space<semaphore_mem>>) src(%dma_wait3A_25 : memref<28672xi32, #tpu.memory_space<hbm>>) dst(%arg7 : memref<28672xi32, #tpu.memory_space<vmem>>)
      tpu.yield
    }) : () -> ()
    %mul3A_5 = arith.constant 24 : i32
    %mul3A_6 = arith.muli %mul3A_2, %mul3A_5 : i32
    "tpu.region"() ({
      %run_scoped3A = tpu.sem_alloc : memref<!tpu.dma_semaphore, #tpu.memory_space<semaphore_mem>>
      %dma_start3A_23 = tpu.memref_slice %arg3[%mul3A_6] : memref<393216xi32, #tpu.memory_space<hbm>> -> memref<12288xi32, #tpu.memory_space<hbm>>
      %dma_start3A_24 = tpu.memref_slice %arg3[%mul3A_6] : memref<393216xi32, #tpu.memory_space<hbm>> -> memref<12288xi32, #tpu.memory_space<hbm>>
      tpu.enqueue_dma source(%dma_start3A_24 : memref<12288xi32, #tpu.memory_space<hbm>>) target(%arg8 : memref<12288xi32, #tpu.memory_space<vmem>>) target_semaphore(%run_scoped3A : memref<!tpu.dma_semaphore, #tpu.memory_space<semaphore_mem>>)
      %dma_wait3A = tpu.memref_slice %arg3[%mul3A_6] : memref<393216xi32, #tpu.memory_space<hbm>> -> memref<12288xi32, #tpu.memory_space<hbm>>
      %dma_wait3A_25 = tpu.memref_slice %arg3[%mul3A_6] : memref<393216xi32, #tpu.memory_space<hbm>> -> memref<12288xi32, #tpu.memory_space<hbm>>
      tpu.wait_dma2 semaphore(%run_scoped3A : memref<!tpu.dma_semaphore, #tpu.memory_space<semaphore_mem>>) src(%dma_wait3A_25 : memref<12288xi32, #tpu.memory_space<hbm>>) dst(%arg8 : memref<12288xi32, #tpu.memory_space<vmem>>)
      tpu.yield
    }) : () -> ()
    %iota3A = tpu.iota {dimensions = array<i32: 0>} : vector<16xi32>
    %dma_start3A = arith.constant 0 : i32
    %dma_start3A_7 = tpu.memref_slice %arg7[%dma_start3A] : memref<28672xi32, #tpu.memory_space<vmem>> -> memref<106xi32, #tpu.memory_space<vmem>>
    %dma_start3A_8 = arith.constant 0 : i32
    %dma_start3A_9 = arith.constant 0 : i32
    %dma_start3A_10 = tpu.memref_slice %arg4[%dma_start3A_8, %dma_start3A_9] : memref<1015808x16xf32, #tpu.memory_space<hbm>> -> memref<1015808x16xf32, #tpu.memory_space<hbm>>
    tpu.enqueue_indirect_dma source(%dma_start3A_10 : memref<1015808x16xf32, #tpu.memory_space<hbm>>) target(%arg10 : memref<106x16xf32, #tpu.memory_space<vmem>>) offsets(%dma_start3A_7 : memref<106xi32, #tpu.memory_space<vmem>>) semaphore(%arg14 : memref<!tpu.dma_semaphore, #tpu.memory_space<semaphore_mem>>)
    %dma_start3A_11 = arith.constant 0 : i32
    %dma_start3A_12 = tpu.memref_slice %arg8[%dma_start3A_11] : memref<12288xi32, #tpu.memory_space<vmem>> -> memref<44xi32, #tpu.memory_space<vmem>>
    %dma_start3A_13 = arith.constant 0 : i32
    %dma_start3A_14 = arith.constant 0 : i32
    %dma_start3A_15 = tpu.memref_slice %arg5[%dma_start3A_13, %dma_start3A_14] : memref<1015808x32xf32, #tpu.memory_space<hbm>> -> memref<1015808x32xf32, #tpu.memory_space<hbm>>
    tpu.enqueue_indirect_dma source(%dma_start3A_15 : memref<1015808x32xf32, #tpu.memory_space<hbm>>) target(%arg11 : memref<44x32xf32, #tpu.memory_space<vmem>>) offsets(%dma_start3A_12 : memref<44xi32, #tpu.memory_space<vmem>>) semaphore(%arg15 : memref<!tpu.dma_semaphore, #tpu.memory_space<semaphore_mem>>)
    %scan3A = arith.constant 0 : i32
    %scan3A_16 = arith.constant 0 : i32
    %scan3A_17 = arith.constant 128 : i32
    %scan3A_18 = arith.addi %scan3A_16, %scan3A_17 : i32
    %scan3A_19 = arith.constant 1 : i32
    scf.for %scan3A_23 = %scan3A_16 to %scan3A_18 step %scan3A_19  : i32 {
      %mul3A_24 = arith.constant 2 : i32
      %mul3A_25 = arith.muli %scan3A_23, %mul3A_24 : i32
      %add3A_26 = arith.constant 0 : i32
      %add3A_27 = arith.addi %mul3A_25, %add3A_26 : i32
      %add3A_28 = arith.constant 1 : i32
      %add3A_29 = arith.addi %add3A_27, %add3A_28 : i32
      %lt3A = arith.constant 256 : i32
      %lt3A_30 = arith.cmpi slt, %add3A_29, %lt3A : i32
      %convert_element_type3A = arith.extui %lt3A_30 : i1 to i32
      %cond3A = arith.constant 0 : i32
      %cond3A_31 = arith.cmpi ne, %convert_element_type3A, %cond3A : i32
      scf.if %cond3A_31 {
        %mul3A_3317 = arith.constant 2 : i32
        %mul3A_3318 = arith.muli %add3A_29, %mul3A_3317 : i32
        %mul3A_3319 = arith.constant 56 : i32
        %mul3A_3320 = arith.muli %mul3A_3318, %mul3A_3319 : i32
        %dma_start3A_3321 = tpu.memref_slice %arg7[%mul3A_3320] : memref<28672xi32, #tpu.memory_space<vmem>> -> memref<106xi32, #tpu.memory_space<vmem>>
        %dma_start3A_3322 = arith.constant 0 : i32
        %dma_start3A_3323 = arith.constant 0 : i32
        %dma_start3A_3324 = tpu.memref_slice %arg4[%dma_start3A_3322, %dma_start3A_3323] : memref<1015808x16xf32, #tpu.memory_space<hbm>> -> memref<1015808x16xf32, #tpu.memory_space<hbm>>
        tpu.enqueue_indirect_dma source(%dma_start3A_3324 : memref<1015808x16xf32, #tpu.memory_space<hbm>>) target(%arg12 : memref<106x16xf32, #tpu.memory_space<vmem>>) offsets(%dma_start3A_3321 : memref<106xi32, #tpu.memory_space<vmem>>) semaphore(%arg16 : memref<!tpu.dma_semaphore, #tpu.memory_space<semaphore_mem>>)
        %mul3A_3325 = arith.constant 2 : i32
        %mul3A_3326 = arith.muli %add3A_29, %mul3A_3325 : i32
        %mul3A_3327 = arith.constant 24 : i32
        %mul3A_3328 = arith.muli %mul3A_3326, %mul3A_3327 : i32
        %dma_start3A_3329 = tpu.memref_slice %arg8[%mul3A_3328] : memref<12288xi32, #tpu.memory_space<vmem>> -> memref<44xi32, #tpu.memory_space<vmem>>
        %dma_start3A_3330 = arith.constant 0 : i32
        %dma_start3A_3331 = arith.constant 0 : i32
        %dma_start3A_3332 = tpu.memref_slice %arg5[%dma_start3A_3330, %dma_start3A_3331] : memref<1015808x32xf32, #tpu.memory_space<hbm>> -> memref<1015808x32xf32, #tpu.memory_space<hbm>>
        tpu.enqueue_indirect_dma source(%dma_start3A_3332 : memref<1015808x32xf32, #tpu.memory_space<hbm>>) target(%arg13 : memref<44x32xf32, #tpu.memory_space<vmem>>) offsets(%dma_start3A_3329 : memref<44xi32, #tpu.memory_space<vmem>>) semaphore(%arg17 : memref<!tpu.dma_semaphore, #tpu.memory_space<semaphore_mem>>)
      } else {
      }
      %mul3A_32 = arith.constant 2 : i32
      %mul3A_33 = arith.muli %add3A_27, %mul3A_32 : i32
      %mul3A_34 = arith.constant 56 : i32
      %mul3A_35 = arith.muli %mul3A_33, %mul3A_34 : i32
      %dma_wait3A = tpu.memref_slice %arg7[%mul3A_35] : memref<28672xi32, #tpu.memory_space<vmem>> -> memref<106xi32, #tpu.memory_space<vmem>>
      %dma_wait3A_36 = arith.constant 0 : i32
      %dma_wait3A_37 = arith.constant 0 : i32
      %dma_wait3A_38 = tpu.memref_slice %arg4[%dma_wait3A_36, %dma_wait3A_37] : memref<1015808x16xf32, #tpu.memory_space<hbm>> -> memref<1015808x16xf32, #tpu.memory_space<hbm>>
      tpu.wait_indirect_dma semaphore(%arg14 : memref<!tpu.dma_semaphore, #tpu.memory_space<semaphore_mem>>) src(%dma_wait3A_38 : memref<1015808x16xf32, #tpu.memory_space<hbm>>) dst(%arg10 : memref<106x16xf32, #tpu.memory_space<vmem>>)
      %mul3A_39 = arith.constant 2 : i32
      %mul3A_40 = arith.muli %add3A_27, %mul3A_39 : i32
      %mul3A_41 = arith.constant 24 : i32
      %mul3A_42 = arith.muli %mul3A_40, %mul3A_41 : i32
      %dma_wait3A_43 = tpu.memref_slice %arg8[%mul3A_42] : memref<12288xi32, #tpu.memory_space<vmem>> -> memref<44xi32, #tpu.memory_space<vmem>>
      %dma_wait3A_44 = arith.constant 0 : i32
      %dma_wait3A_45 = arith.constant 0 : i32
      %dma_wait3A_46 = tpu.memref_slice %arg5[%dma_wait3A_44, %dma_wait3A_45] : memref<1015808x32xf32, #tpu.memory_space<hbm>> -> memref<1015808x32xf32, #tpu.memory_space<hbm>>
      tpu.wait_indirect_dma semaphore(%arg15 : memref<!tpu.dma_semaphore, #tpu.memory_space<semaphore_mem>>) src(%dma_wait3A_46 : memref<1015808x32xf32, #tpu.memory_space<hbm>>) dst(%arg11 : memref<44x32xf32, #tpu.memory_space<vmem>>)
      %mul3A_47 = arith.constant 2 : i32
      %mul3A_48 = arith.muli %add3A_27, %mul3A_47 : i32
      %get3A = arith.constant 0 : i32
      %get3A_49 = arith.index_cast %get3A : i32 to index
      %get3A_50 = arith.constant 0 : index
      %get3A_51 = tpu.vector_load %arg10[%get3A_49, %get3A_50] {strides = array<i32>} : memref<106x16xf32, #tpu.memory_space<vmem>>, vector<16xf32>,
      %get3A_52 = arith.constant 1 : i32
      %get3A_53 = arith.index_cast %get3A_52 : i32 to index
      %get3A_54 = arith.constant 0 : index
      %get3A_55 = tpu.vector_load %arg10[%get3A_53, %get3A_54] {strides = array<i32>} : memref<106x16xf32, #tpu.memory_space<vmem>>, vector<16xf32>,
      %mul3A_56 = arith.constant 5.000000e-01 : f32
      %mul3A_57 = vector.broadcast %mul3A_56 : f32 to vector<16xf32>
      %mul3A_58 = arith.mulf %get3A_55, %mul3A_57 : vector<16xf32>
      %get3A_59 = arith.constant 2 : i32
      %get3A_60 = arith.index_cast %get3A_59 : i32 to index
      %get3A_61 = arith.constant 0 : index
      %get3A_62 = tpu.vector_load %arg10[%get3A_60, %get3A_61] {strides = array<i32>} : memref<106x16xf32, #tpu.memory_space<vmem>>, vector<16xf32>,
      %mul3A_63 = arith.constant 2.500000e-01 : f32
      %mul3A_64 = vector.broadcast %mul3A_63 : f32 to vector<16xf32>
      %mul3A_65 = arith.mulf %get3A_62, %mul3A_64 : vector<16xf32>
      %get3A_66 = arith.constant 3 : i32
      %get3A_67 = arith.index_cast %get3A_66 : i32 to index
      %get3A_68 = arith.constant 0 : index
      %get3A_69 = tpu.vector_load %arg10[%get3A_67, %get3A_68] {strides = array<i32>} : memref<106x16xf32, #tpu.memory_space<vmem>>, vector<16xf32>,
      %mul3A_70 = arith.constant 1.250000e-01 : f32
      %mul3A_71 = vector.broadcast %mul3A_70 : f32 to vector<16xf32>
      %mul3A_72 = arith.mulf %get3A_69, %mul3A_71 : vector<16xf32>
      %get3A_73 = arith.constant 4 : i32
      %get3A_74 = arith.index_cast %get3A_73 : i32 to index
      %get3A_75 = arith.constant 0 : index
      %get3A_76 = tpu.vector_load %arg10[%get3A_74, %get3A_75] {strides = array<i32>} : memref<106x16xf32, #tpu.memory_space<vmem>>, vector<16xf32>,
      %mul3A_77 = arith.constant 6.250000e-02 : f32
      %mul3A_78 = vector.broadcast %mul3A_77 : f32 to vector<16xf32>
      %mul3A_79 = arith.mulf %get3A_76, %mul3A_78 : vector<16xf32>
      %add3A_80 = arith.addf %get3A_51, %mul3A_79 : vector<16xf32>
      %get3A_81 = arith.constant 5 : i32
      %get3A_82 = arith.index_cast %get3A_81 : i32 to index
      %get3A_83 = arith.constant 0 : index
      %get3A_84 = tpu.vector_load %arg10[%get3A_82, %get3A_83] {strides = array<i32>} : memref<106x16xf32, #tpu.memory_space<vmem>>, vector<16xf32>,
      %mul3A_85 = arith.constant 3.125000e-02 : f32
      %mul3A_86 = vector.broadcast %mul3A_85 : f32 to vector<16xf32>
      %mul3A_87 = arith.mulf %get3A_84, %mul3A_86 : vector<16xf32>
      %add3A_88 = arith.addf %mul3A_58, %mul3A_87 : vector<16xf32>
      %get3A_89 = arith.constant 6 : i32
      %get3A_90 = arith.index_cast %get3A_89 : i32 to index
      %get3A_91 = arith.constant 0 : index
      %get3A_92 = tpu.vector_load %arg10[%get3A_90, %get3A_91] {strides = array<i32>} : memref<106x16xf32, #tpu.memory_space<vmem>>, vector<16xf32>,
      %mul3A_93 = arith.constant 1.562500e-02 : f32
      %mul3A_94 = vector.broadcast %mul3A_93 : f32 to vector<16xf32>
      %mul3A_95 = arith.mulf %get3A_92, %mul3A_94 : vector<16xf32>
      %add3A_96 = arith.addf %mul3A_65, %mul3A_95 : vector<16xf32>
      %get3A_97 = arith.constant 7 : i32
      %get3A_98 = arith.index_cast %get3A_97 : i32 to index
      %get3A_99 = arith.constant 0 : index
      %get3A_100 = tpu.vector_load %arg10[%get3A_98, %get3A_99] {strides = array<i32>} : memref<106x16xf32, #tpu.memory_space<vmem>>, vector<16xf32>,
      %mul3A_101 = arith.constant 7.812500e-03 : f32
      %mul3A_102 = vector.broadcast %mul3A_101 : f32 to vector<16xf32>
      %mul3A_103 = arith.mulf %get3A_100, %mul3A_102 : vector<16xf32>
      %add3A_104 = arith.addf %mul3A_72, %mul3A_103 : vector<16xf32>
      %get3A_105 = arith.constant 8 : i32
      %get3A_106 = arith.index_cast %get3A_105 : i32 to index
      %get3A_107 = arith.constant 0 : index
      %get3A_108 = tpu.vector_load %arg10[%get3A_106, %get3A_107] {strides = array<i32>} : memref<106x16xf32, #tpu.memory_space<vmem>>, vector<16xf32>,
      %mul3A_109 = arith.constant 3.906250e-03 : f32
      %mul3A_110 = vector.broadcast %mul3A_109 : f32 to vector<16xf32>
      %mul3A_111 = arith.mulf %get3A_108, %mul3A_110 : vector<16xf32>
      %add3A_112 = arith.addf %add3A_80, %mul3A_111 : vector<16xf32>
      %get3A_113 = arith.constant 9 : i32
      %get3A_114 = arith.index_cast %get3A_113 : i32 to index
      %get3A_115 = arith.constant 0 : index
      %get3A_116 = tpu.vector_load %arg10[%get3A_114, %get3A_115] {strides = array<i32>} : memref<106x16xf32, #tpu.memory_space<vmem>>, vector<16xf32>,
      %mul3A_117 = arith.constant 0.001953125 : f32
      %mul3A_118 = vector.broadcast %mul3A_117 : f32 to vector<16xf32>
      %mul3A_119 = arith.mulf %get3A_116, %mul3A_118 : vector<16xf32>
      %add3A_120 = arith.addf %add3A_88, %mul3A_119 : vector<16xf32>
      %get3A_121 = arith.constant 10 : i32
      %get3A_122 = arith.index_cast %get3A_121 : i32 to index
      %get3A_123 = arith.constant 0 : index
      %get3A_124 = tpu.vector_load %arg10[%get3A_122, %get3A_123] {strides = array<i32>} : memref<106x16xf32, #tpu.memory_space<vmem>>, vector<16xf32>,
      %mul3A_125 = arith.constant 9.765625E-4 : f32
      %mul3A_126 = vector.broadcast %mul3A_125 : f32 to vector<16xf32>
      %mul3A_127 = arith.mulf %get3A_124, %mul3A_126 : vector<16xf32>
      %add3A_128 = arith.addf %add3A_96, %mul3A_127 : vector<16xf32>
      %get3A_129 = arith.constant 11 : i32
      %get3A_130 = arith.index_cast %get3A_129 : i32 to index
      %get3A_131 = arith.constant 0 : index
      %get3A_132 = tpu.vector_load %arg10[%get3A_130, %get3A_131] {strides = array<i32>} : memref<106x16xf32, #tpu.memory_space<vmem>>, vector<16xf32>,
      %mul3A_133 = arith.constant 4.8828125E-4 : f32
      %mul3A_134 = vector.broadcast %mul3A_133 : f32 to vector<16xf32>
      %mul3A_135 = arith.mulf %get3A_132, %mul3A_134 : vector<16xf32>
      %add3A_136 = arith.addf %add3A_104, %mul3A_135 : vector<16xf32>
      %get3A_137 = arith.constant 12 : i32
      %get3A_138 = arith.index_cast %get3A_137 : i32 to index
      %get3A_139 = arith.constant 0 : index
      %get3A_140 = tpu.vector_load %arg10[%get3A_138, %get3A_139] {strides = array<i32>} : memref<106x16xf32, #tpu.memory_space<vmem>>, vector<16xf32>,
      %mul3A_141 = arith.constant 2.44140625E-4 : f32
      %mul3A_142 = vector.broadcast %mul3A_141 : f32 to vector<16xf32>
      %mul3A_143 = arith.mulf %get3A_140, %mul3A_142 : vector<16xf32>
      %add3A_144 = arith.addf %add3A_112, %mul3A_143 : vector<16xf32>
      %get3A_145 = arith.constant 13 : i32
      %get3A_146 = arith.index_cast %get3A_145 : i32 to index
      %get3A_147 = arith.constant 0 : index
      %get3A_148 = tpu.vector_load %arg10[%get3A_146, %get3A_147] {strides = array<i32>} : memref<106x16xf32, #tpu.memory_space<vmem>>, vector<16xf32>,
      %mul3A_149 = arith.constant 1.22070313E-4 : f32
      %mul3A_150 = vector.broadcast %mul3A_149 : f32 to vector<16xf32>
      %mul3A_151 = arith.mulf %get3A_148, %mul3A_150 : vector<16xf32>
      %add3A_152 = arith.addf %add3A_120, %mul3A_151 : vector<16xf32>
      %get3A_153 = arith.constant 14 : i32
      %get3A_154 = arith.index_cast %get3A_153 : i32 to index
      %get3A_155 = arith.constant 0 : index
      %get3A_156 = tpu.vector_load %arg10[%get3A_154, %get3A_155] {strides = array<i32>} : memref<106x16xf32, #tpu.memory_space<vmem>>, vector<16xf32>,
      %mul3A_157 = arith.constant 6.10351563E-5 : f32
      %mul3A_158 = vector.broadcast %mul3A_157 : f32 to vector<16xf32>
      %mul3A_159 = arith.mulf %get3A_156, %mul3A_158 : vector<16xf32>
      %add3A_160 = arith.addf %add3A_128, %mul3A_159 : vector<16xf32>
      %get3A_161 = arith.constant 15 : i32
      %get3A_162 = arith.index_cast %get3A_161 : i32 to index
      %get3A_163 = arith.constant 0 : index
      %get3A_164 = tpu.vector_load %arg10[%get3A_162, %get3A_163] {strides = array<i32>} : memref<106x16xf32, #tpu.memory_space<vmem>>, vector<16xf32>,
      %mul3A_165 = arith.constant 3.05175781E-5 : f32
      %mul3A_166 = vector.broadcast %mul3A_165 : f32 to vector<16xf32>
      %mul3A_167 = arith.mulf %get3A_164, %mul3A_166 : vector<16xf32>
      %add3A_168 = arith.addf %add3A_136, %mul3A_167 : vector<16xf32>
      %get3A_169 = arith.constant 16 : i32
      %get3A_170 = arith.index_cast %get3A_169 : i32 to index
      %get3A_171 = arith.constant 0 : index
      %get3A_172 = tpu.vector_load %arg10[%get3A_170, %get3A_171] {strides = array<i32>} : memref<106x16xf32, #tpu.memory_space<vmem>>, vector<16xf32>,
      %mul3A_173 = arith.constant 1.52587891E-5 : f32
      %mul3A_174 = vector.broadcast %mul3A_173 : f32 to vector<16xf32>
      %mul3A_175 = arith.mulf %get3A_172, %mul3A_174 : vector<16xf32>
      %add3A_176 = arith.addf %add3A_144, %mul3A_175 : vector<16xf32>
      %get3A_177 = arith.constant 17 : i32
      %get3A_178 = arith.index_cast %get3A_177 : i32 to index
      %get3A_179 = arith.constant 0 : index
      %get3A_180 = tpu.vector_load %arg10[%get3A_178, %get3A_179] {strides = array<i32>} : memref<106x16xf32, #tpu.memory_space<vmem>>, vector<16xf32>,
      %mul3A_181 = arith.constant 7.62939453E-6 : f32
      %mul3A_182 = vector.broadcast %mul3A_181 : f32 to vector<16xf32>
      %mul3A_183 = arith.mulf %get3A_180, %mul3A_182 : vector<16xf32>
      %add3A_184 = arith.addf %add3A_152, %mul3A_183 : vector<16xf32>
      %get3A_185 = arith.constant 18 : i32
      %get3A_186 = arith.index_cast %get3A_185 : i32 to index
      %get3A_187 = arith.constant 0 : index
      %get3A_188 = tpu.vector_load %arg10[%get3A_186, %get3A_187] {strides = array<i32>} : memref<106x16xf32, #tpu.memory_space<vmem>>, vector<16xf32>,
      %mul3A_189 = arith.constant 3.81469727E-6 : f32
      %mul3A_190 = vector.broadcast %mul3A_189 : f32 to vector<16xf32>
      %mul3A_191 = arith.mulf %get3A_188, %mul3A_190 : vector<16xf32>
      %add3A_192 = arith.addf %add3A_160, %mul3A_191 : vector<16xf32>
      %get3A_193 = arith.constant 19 : i32
      %get3A_194 = arith.index_cast %get3A_193 : i32 to index
      %get3A_195 = arith.constant 0 : index
      %get3A_196 = tpu.vector_load %arg10[%get3A_194, %get3A_195] {strides = array<i32>} : memref<106x16xf32, #tpu.memory_space<vmem>>, vector<16xf32>,
      %mul3A_197 = arith.constant 1.90734863E-6 : f32
      %mul3A_198 = vector.broadcast %mul3A_197 : f32 to vector<16xf32>
      %mul3A_199 = arith.mulf %get3A_196, %mul3A_198 : vector<16xf32>
      %add3A_200 = arith.addf %add3A_168, %mul3A_199 : vector<16xf32>
      %get3A_201 = arith.constant 20 : i32
      %get3A_202 = arith.index_cast %get3A_201 : i32 to index
      %get3A_203 = arith.constant 0 : index
      %get3A_204 = tpu.vector_load %arg10[%get3A_202, %get3A_203] {strides = array<i32>} : memref<106x16xf32, #tpu.memory_space<vmem>>, vector<16xf32>,
      %mul3A_205 = arith.constant 9.53674316E-7 : f32
      %mul3A_206 = vector.broadcast %mul3A_205 : f32 to vector<16xf32>
      %mul3A_207 = arith.mulf %get3A_204, %mul3A_206 : vector<16xf32>
      %add3A_208 = arith.addf %add3A_176, %mul3A_207 : vector<16xf32>
      %get3A_209 = arith.constant 21 : i32
      %get3A_210 = arith.index_cast %get3A_209 : i32 to index
      %get3A_211 = arith.constant 0 : index
      %get3A_212 = tpu.vector_load %arg10[%get3A_210, %get3A_211] {strides = array<i32>} : memref<106x16xf32, #tpu.memory_space<vmem>>, vector<16xf32>,
      %mul3A_213 = arith.constant 4.76837158E-7 : f32
      %mul3A_214 = vector.broadcast %mul3A_213 : f32 to vector<16xf32>
      %mul3A_215 = arith.mulf %get3A_212, %mul3A_214 : vector<16xf32>
      %add3A_216 = arith.addf %add3A_184, %mul3A_215 : vector<16xf32>
      %get3A_217 = arith.constant 22 : i32
      %get3A_218 = arith.index_cast %get3A_217 : i32 to index
      %get3A_219 = arith.constant 0 : index
      %get3A_220 = tpu.vector_load %arg10[%get3A_218, %get3A_219] {strides = array<i32>} : memref<106x16xf32, #tpu.memory_space<vmem>>, vector<16xf32>,
      %mul3A_221 = arith.constant 2.38418579E-7 : f32
      %mul3A_222 = vector.broadcast %mul3A_221 : f32 to vector<16xf32>
      %mul3A_223 = arith.mulf %get3A_220, %mul3A_222 : vector<16xf32>
      %add3A_224 = arith.addf %add3A_192, %mul3A_223 : vector<16xf32>
      %get3A_225 = arith.constant 23 : i32
      %get3A_226 = arith.index_cast %get3A_225 : i32 to index
      %get3A_227 = arith.constant 0 : index
      %get3A_228 = tpu.vector_load %arg10[%get3A_226, %get3A_227] {strides = array<i32>} : memref<106x16xf32, #tpu.memory_space<vmem>>, vector<16xf32>,
      %mul3A_229 = arith.constant 1.1920929E-7 : f32
      %mul3A_230 = vector.broadcast %mul3A_229 : f32 to vector<16xf32>
      %mul3A_231 = arith.mulf %get3A_228, %mul3A_230 : vector<16xf32>
      %add3A_232 = arith.addf %add3A_200, %mul3A_231 : vector<16xf32>
      %get3A_233 = arith.constant 24 : i32
      %get3A_234 = arith.index_cast %get3A_233 : i32 to index
      %get3A_235 = arith.constant 0 : index
      %get3A_236 = tpu.vector_load %arg10[%get3A_234, %get3A_235] {strides = array<i32>} : memref<106x16xf32, #tpu.memory_space<vmem>>, vector<16xf32>,
      %mul3A_237 = arith.constant 5.96046448E-8 : f32
      %mul3A_238 = vector.broadcast %mul3A_237 : f32 to vector<16xf32>
      %mul3A_239 = arith.mulf %get3A_236, %mul3A_238 : vector<16xf32>
      %add3A_240 = arith.addf %add3A_208, %mul3A_239 : vector<16xf32>
      %get3A_241 = arith.constant 25 : i32
      %get3A_242 = arith.index_cast %get3A_241 : i32 to index
      %get3A_243 = arith.constant 0 : index
      %get3A_244 = tpu.vector_load %arg10[%get3A_242, %get3A_243] {strides = array<i32>} : memref<106x16xf32, #tpu.memory_space<vmem>>, vector<16xf32>,
      %mul3A_245 = arith.constant 2.98023224E-8 : f32
      %mul3A_246 = vector.broadcast %mul3A_245 : f32 to vector<16xf32>
      %mul3A_247 = arith.mulf %get3A_244, %mul3A_246 : vector<16xf32>
      %add3A_248 = arith.addf %add3A_216, %mul3A_247 : vector<16xf32>
      %get3A_249 = arith.constant 26 : i32
      %get3A_250 = arith.index_cast %get3A_249 : i32 to index
      %get3A_251 = arith.constant 0 : index
      %get3A_252 = tpu.vector_load %arg10[%get3A_250, %get3A_251] {strides = array<i32>} : memref<106x16xf32, #tpu.memory_space<vmem>>, vector<16xf32>,
      %mul3A_253 = arith.constant 1.49011612E-8 : f32
      %mul3A_254 = vector.broadcast %mul3A_253 : f32 to vector<16xf32>
      %mul3A_255 = arith.mulf %get3A_252, %mul3A_254 : vector<16xf32>
      %add3A_256 = arith.addf %add3A_224, %mul3A_255 : vector<16xf32>
      %get3A_257 = arith.constant 27 : i32
      %get3A_258 = arith.index_cast %get3A_257 : i32 to index
      %get3A_259 = arith.constant 0 : index
      %get3A_260 = tpu.vector_load %arg10[%get3A_258, %get3A_259] {strides = array<i32>} : memref<106x16xf32, #tpu.memory_space<vmem>>, vector<16xf32>,
      %mul3A_261 = arith.constant 7.4505806E-9 : f32
      %mul3A_262 = vector.broadcast %mul3A_261 : f32 to vector<16xf32>
      %mul3A_263 = arith.mulf %get3A_260, %mul3A_262 : vector<16xf32>
      %add3A_264 = arith.addf %add3A_232, %mul3A_263 : vector<16xf32>
      %get3A_265 = arith.constant 28 : i32
      %get3A_266 = arith.index_cast %get3A_265 : i32 to index
      %get3A_267 = arith.constant 0 : index
      %get3A_268 = tpu.vector_load %arg10[%get3A_266, %get3A_267] {strides = array<i32>} : memref<106x16xf32, #tpu.memory_space<vmem>>, vector<16xf32>,
      %mul3A_269 = arith.constant 3.7252903E-9 : f32
      %mul3A_270 = vector.broadcast %mul3A_269 : f32 to vector<16xf32>
      %mul3A_271 = arith.mulf %get3A_268, %mul3A_270 : vector<16xf32>
      %add3A_272 = arith.addf %add3A_240, %mul3A_271 : vector<16xf32>
      %get3A_273 = arith.constant 29 : i32
      %get3A_274 = arith.index_cast %get3A_273 : i32 to index
      %get3A_275 = arith.constant 0 : index
      %get3A_276 = tpu.vector_load %arg10[%get3A_274, %get3A_275] {strides = array<i32>} : memref<106x16xf32, #tpu.memory_space<vmem>>, vector<16xf32>,
      %mul3A_277 = arith.constant 1.86264515E-9 : f32
      %mul3A_278 = vector.broadcast %mul3A_277 : f32 to vector<16xf32>
      %mul3A_279 = arith.mulf %get3A_276, %mul3A_278 : vector<16xf32>
      %add3A_280 = arith.addf %add3A_248, %mul3A_279 : vector<16xf32>
      %get3A_281 = arith.constant 30 : i32
      %get3A_282 = arith.index_cast %get3A_281 : i32 to index
      %get3A_283 = arith.constant 0 : index
      %get3A_284 = tpu.vector_load %arg10[%get3A_282, %get3A_283] {strides = array<i32>} : memref<106x16xf32, #tpu.memory_space<vmem>>, vector<16xf32>,
      %mul3A_285 = arith.constant 9.31322574E-10 : f32
      %mul3A_286 = vector.broadcast %mul3A_285 : f32 to vector<16xf32>
      %mul3A_287 = arith.mulf %get3A_284, %mul3A_286 : vector<16xf32>
      %add3A_288 = arith.addf %add3A_256, %mul3A_287 : vector<16xf32>
      %get3A_289 = arith.constant 31 : i32
      %get3A_290 = arith.index_cast %get3A_289 : i32 to index
      %get3A_291 = arith.constant 0 : index
      %get3A_292 = tpu.vector_load %arg10[%get3A_290, %get3A_291] {strides = array<i32>} : memref<106x16xf32, #tpu.memory_space<vmem>>, vector<16xf32>,
      %mul3A_293 = arith.constant 4.65661287E-10 : f32
      %mul3A_294 = vector.broadcast %mul3A_293 : f32 to vector<16xf32>
      %mul3A_295 = arith.mulf %get3A_292, %mul3A_294 : vector<16xf32>
      %add3A_296 = arith.addf %add3A_264, %mul3A_295 : vector<16xf32>
      %get3A_297 = arith.constant 32 : i32
      %get3A_298 = arith.index_cast %get3A_297 : i32 to index
      %get3A_299 = arith.constant 0 : index
      %get3A_300 = tpu.vector_load %arg10[%get3A_298, %get3A_299] {strides = array<i32>} : memref<106x16xf32, #tpu.memory_space<vmem>>, vector<16xf32>,
      %mul3A_301 = arith.constant 2.32830644E-10 : f32
      %mul3A_302 = vector.broadcast %mul3A_301 : f32 to vector<16xf32>
      %mul3A_303 = arith.mulf %get3A_300, %mul3A_302 : vector<16xf32>
      %add3A_304 = arith.addf %add3A_272, %mul3A_303 : vector<16xf32>
      %get3A_305 = arith.constant 33 : i32
      %get3A_306 = arith.index_cast %get3A_305 : i32 to index
      %get3A_307 = arith.constant 0 : index
      %get3A_308 = tpu.vector_load %arg10[%get3A_306, %get3A_307] {strides = array<i32>} : memref<106x16xf32, #tpu.memory_space<vmem>>, vector<16xf32>,
      %mul3A_309 = arith.constant 1.16415322E-10 : f32
      %mul3A_310 = vector.broadcast %mul3A_309 : f32 to vector<16xf32>
      %mul3A_311 = arith.mulf %get3A_308, %mul3A_310 : vector<16xf32>
      %add3A_312 = arith.addf %add3A_280, %mul3A_311 : vector<16xf32>
      %get3A_313 = arith.constant 34 : i32
      %get3A_314 = arith.index_cast %get3A_313 : i32 to index
      %get3A_315 = arith.constant 0 : index
      %get3A_316 = tpu.vector_load %arg10[%get3A_314, %get3A_315] {strides = array<i32>} : memref<106x16xf32, #tpu.memory_space<vmem>>, vector<16xf32>,
      %mul3A_317 = arith.constant 5.82076609E-11 : f32
      %mul3A_318 = vector.broadcast %mul3A_317 : f32 to vector<16xf32>
      %mul3A_319 = arith.mulf %get3A_316, %mul3A_318 : vector<16xf32>
      %add3A_320 = arith.addf %add3A_288, %mul3A_319 : vector<16xf32>
      %get3A_321 = arith.constant 35 : i32
      %get3A_322 = arith.index_cast %get3A_321 : i32 to index
      %get3A_323 = arith.constant 0 : index
      %get3A_324 = tpu.vector_load %arg10[%get3A_322, %get3A_323] {strides = array<i32>} : memref<106x16xf32, #tpu.memory_space<vmem>>, vector<16xf32>,
      %mul3A_325 = arith.constant 2.91038305E-11 : f32
      %mul3A_326 = vector.broadcast %mul3A_325 : f32 to vector<16xf32>
      %mul3A_327 = arith.mulf %get3A_324, %mul3A_326 : vector<16xf32>
      %add3A_328 = arith.addf %add3A_296, %mul3A_327 : vector<16xf32>
      %get3A_329 = arith.constant 36 : i32
      %get3A_330 = arith.index_cast %get3A_329 : i32 to index
      %get3A_331 = arith.constant 0 : index
      %get3A_332 = tpu.vector_load %arg10[%get3A_330, %get3A_331] {strides = array<i32>} : memref<106x16xf32, #tpu.memory_space<vmem>>, vector<16xf32>,
      %mul3A_333 = arith.constant 1.45519152E-11 : f32
      %mul3A_334 = vector.broadcast %mul3A_333 : f32 to vector<16xf32>
      %mul3A_335 = arith.mulf %get3A_332, %mul3A_334 : vector<16xf32>
      %add3A_336 = arith.addf %add3A_304, %mul3A_335 : vector<16xf32>
      %get3A_337 = arith.constant 37 : i32
      %get3A_338 = arith.index_cast %get3A_337 : i32 to index
      %get3A_339 = arith.constant 0 : index
      %get3A_340 = tpu.vector_load %arg10[%get3A_338, %get3A_339] {strides = array<i32>} : memref<106x16xf32, #tpu.memory_space<vmem>>, vector<16xf32>,
      %mul3A_341 = arith.constant 7.27595761E-12 : f32
      %mul3A_342 = vector.broadcast %mul3A_341 : f32 to vector<16xf32>
      %mul3A_343 = arith.mulf %get3A_340, %mul3A_342 : vector<16xf32>
      %add3A_344 = arith.addf %add3A_312, %mul3A_343 : vector<16xf32>
      %get3A_345 = arith.constant 38 : i32
      %get3A_346 = arith.index_cast %get3A_345 : i32 to index
      %get3A_347 = arith.constant 0 : index
      %get3A_348 = tpu.vector_load %arg10[%get3A_346, %get3A_347] {strides = array<i32>} : memref<106x16xf32, #tpu.memory_space<vmem>>, vector<16xf32>,
      %mul3A_349 = arith.constant 3.63797881E-12 : f32
      %mul3A_350 = vector.broadcast %mul3A_349 : f32 to vector<16xf32>
      %mul3A_351 = arith.mulf %get3A_348, %mul3A_350 : vector<16xf32>
      %add3A_352 = arith.addf %add3A_320, %mul3A_351 : vector<16xf32>
      %get3A_353 = arith.constant 39 : i32
      %get3A_354 = arith.index_cast %get3A_353 : i32 to index
      %get3A_355 = arith.constant 0 : index
      %get3A_356 = tpu.vector_load %arg10[%get3A_354, %get3A_355] {strides = array<i32>} : memref<106x16xf32, #tpu.memory_space<vmem>>, vector<16xf32>,
      %mul3A_357 = arith.constant 1.8189894E-12 : f32
      %mul3A_358 = vector.broadcast %mul3A_357 : f32 to vector<16xf32>
      %mul3A_359 = arith.mulf %get3A_356, %mul3A_358 : vector<16xf32>
      %add3A_360 = arith.addf %add3A_328, %mul3A_359 : vector<16xf32>
      %get3A_361 = arith.constant 40 : i32
      %get3A_362 = arith.index_cast %get3A_361 : i32 to index
      %get3A_363 = arith.constant 0 : index
      %get3A_364 = tpu.vector_load %arg10[%get3A_362, %get3A_363] {strides = array<i32>} : memref<106x16xf32, #tpu.memory_space<vmem>>, vector<16xf32>,
      %mul3A_365 = arith.constant 9.09494702E-13 : f32
      %mul3A_366 = vector.broadcast %mul3A_365 : f32 to vector<16xf32>
      %mul3A_367 = arith.mulf %get3A_364, %mul3A_366 : vector<16xf32>
      %add3A_368 = arith.addf %add3A_336, %mul3A_367 : vector<16xf32>
      %get3A_369 = arith.constant 41 : i32
      %get3A_370 = arith.index_cast %get3A_369 : i32 to index
      %get3A_371 = arith.constant 0 : index
      %get3A_372 = tpu.vector_load %arg10[%get3A_370, %get3A_371] {strides = array<i32>} : memref<106x16xf32, #tpu.memory_space<vmem>>, vector<16xf32>,
      %mul3A_373 = arith.constant 4.54747351E-13 : f32
      %mul3A_374 = vector.broadcast %mul3A_373 : f32 to vector<16xf32>
      %mul3A_375 = arith.mulf %get3A_372, %mul3A_374 : vector<16xf32>
      %add3A_376 = arith.addf %add3A_344, %mul3A_375 : vector<16xf32>
      %get3A_377 = arith.constant 42 : i32
      %get3A_378 = arith.index_cast %get3A_377 : i32 to index
      %get3A_379 = arith.constant 0 : index
      %get3A_380 = tpu.vector_load %arg10[%get3A_378, %get3A_379] {strides = array<i32>} : memref<106x16xf32, #tpu.memory_space<vmem>>, vector<16xf32>,
      %mul3A_381 = arith.constant 2.27373675E-13 : f32
      %mul3A_382 = vector.broadcast %mul3A_381 : f32 to vector<16xf32>
      %mul3A_383 = arith.mulf %get3A_380, %mul3A_382 : vector<16xf32>
      %add3A_384 = arith.addf %add3A_352, %mul3A_383 : vector<16xf32>
      %get3A_385 = arith.constant 43 : i32
      %get3A_386 = arith.index_cast %get3A_385 : i32 to index
      %get3A_387 = arith.constant 0 : index
      %get3A_388 = tpu.vector_load %arg10[%get3A_386, %get3A_387] {strides = array<i32>} : memref<106x16xf32, #tpu.memory_space<vmem>>, vector<16xf32>,
      %mul3A_389 = arith.constant 1.13686838E-13 : f32
      %mul3A_390 = vector.broadcast %mul3A_389 : f32 to vector<16xf32>
      %mul3A_391 = arith.mulf %get3A_388, %mul3A_390 : vector<16xf32>
      %add3A_392 = arith.addf %add3A_360, %mul3A_391 : vector<16xf32>
      %get3A_393 = arith.constant 44 : i32
      %get3A_394 = arith.index_cast %get3A_393 : i32 to index
      %get3A_395 = arith.constant 0 : index
      %get3A_396 = tpu.vector_load %arg10[%get3A_394, %get3A_395] {strides = array<i32>} : memref<106x16xf32, #tpu.memory_space<vmem>>, vector<16xf32>,
      %mul3A_397 = arith.constant 5.68434189E-14 : f32
      %mul3A_398 = vector.broadcast %mul3A_397 : f32 to vector<16xf32>
      %mul3A_399 = arith.mulf %get3A_396, %mul3A_398 : vector<16xf32>
      %add3A_400 = arith.addf %add3A_368, %mul3A_399 : vector<16xf32>
      %get3A_401 = arith.constant 45 : i32
      %get3A_402 = arith.index_cast %get3A_401 : i32 to index
      %get3A_403 = arith.constant 0 : index
      %get3A_404 = tpu.vector_load %arg10[%get3A_402, %get3A_403] {strides = array<i32>} : memref<106x16xf32, #tpu.memory_space<vmem>>, vector<16xf32>,
      %mul3A_405 = arith.constant 2.84217094E-14 : f32
      %mul3A_406 = vector.broadcast %mul3A_405 : f32 to vector<16xf32>
      %mul3A_407 = arith.mulf %get3A_404, %mul3A_406 : vector<16xf32>
      %add3A_408 = arith.addf %add3A_376, %mul3A_407 : vector<16xf32>
      %get3A_409 = arith.constant 46 : i32
      %get3A_410 = arith.index_cast %get3A_409 : i32 to index
      %get3A_411 = arith.constant 0 : index
      %get3A_412 = tpu.vector_load %arg10[%get3A_410, %get3A_411] {strides = array<i32>} : memref<106x16xf32, #tpu.memory_space<vmem>>, vector<16xf32>,
      %mul3A_413 = arith.constant 1.42108547E-14 : f32
      %mul3A_414 = vector.broadcast %mul3A_413 : f32 to vector<16xf32>
      %mul3A_415 = arith.mulf %get3A_412, %mul3A_414 : vector<16xf32>
      %add3A_416 = arith.addf %add3A_384, %mul3A_415 : vector<16xf32>
      %get3A_417 = arith.constant 47 : i32
      %get3A_418 = arith.index_cast %get3A_417 : i32 to index
      %get3A_419 = arith.constant 0 : index
      %get3A_420 = tpu.vector_load %arg10[%get3A_418, %get3A_419] {strides = array<i32>} : memref<106x16xf32, #tpu.memory_space<vmem>>, vector<16xf32>,
      %mul3A_421 = arith.constant 7.10542735E-15 : f32
      %mul3A_422 = vector.broadcast %mul3A_421 : f32 to vector<16xf32>
      %mul3A_423 = arith.mulf %get3A_420, %mul3A_422 : vector<16xf32>
      %add3A_424 = arith.addf %add3A_392, %mul3A_423 : vector<16xf32>
      %get3A_425 = arith.constant 48 : i32
      %get3A_426 = arith.index_cast %get3A_425 : i32 to index
      %get3A_427 = arith.constant 0 : index
      %get3A_428 = tpu.vector_load %arg10[%get3A_426, %get3A_427] {strides = array<i32>} : memref<106x16xf32, #tpu.memory_space<vmem>>, vector<16xf32>,
      %mul3A_429 = arith.constant 3.55271368E-15 : f32
      %mul3A_430 = vector.broadcast %mul3A_429 : f32 to vector<16xf32>
      %mul3A_431 = arith.mulf %get3A_428, %mul3A_430 : vector<16xf32>
      %add3A_432 = arith.addf %add3A_400, %mul3A_431 : vector<16xf32>
      %get3A_433 = arith.constant 49 : i32
      %get3A_434 = arith.index_cast %get3A_433 : i32 to index
      %get3A_435 = arith.constant 0 : index
      %get3A_436 = tpu.vector_load %arg10[%get3A_434, %get3A_435] {strides = array<i32>} : memref<106x16xf32, #tpu.memory_space<vmem>>, vector<16xf32>,
      %mul3A_437 = arith.constant 1.77635684E-15 : f32
      %mul3A_438 = vector.broadcast %mul3A_437 : f32 to vector<16xf32>
      %mul3A_439 = arith.mulf %get3A_436, %mul3A_438 : vector<16xf32>
      %add3A_440 = arith.addf %add3A_408, %mul3A_439 : vector<16xf32>
      %add3A_441 = arith.addf %add3A_432, %add3A_440 : vector<16xf32>
      %add3A_442 = arith.addf %add3A_416, %add3A_424 : vector<16xf32>
      %add3A_443 = arith.addf %add3A_441, %add3A_442 : vector<16xf32>
      %get3A_444 = arith.constant 0 : i32
      %get3A_445 = arith.index_cast %get3A_444 : i32 to index
      %get3A_446 = arith.constant 0 : index
      %get3A_447 = tpu.vector_load %arg11[%get3A_445, %get3A_446] {strides = array<i32>} : memref<44x32xf32, #tpu.memory_space<vmem>>, vector<16xf32>,
      %get3A_448 = arith.constant 1 : i32
      %get3A_449 = arith.index_cast %get3A_448 : i32 to index
      %get3A_450 = arith.constant 0 : index
      %get3A_451 = tpu.vector_load %arg11[%get3A_449, %get3A_450] {strides = array<i32>} : memref<44x32xf32, #tpu.memory_space<vmem>>, vector<16xf32>,
      %get3A_452 = arith.constant 2 : i32
      %get3A_453 = arith.index_cast %get3A_452 : i32 to index
      %get3A_454 = arith.constant 0 : index
      %get3A_455 = tpu.vector_load %arg11[%get3A_453, %get3A_454] {strides = array<i32>} : memref<44x32xf32, #tpu.memory_space<vmem>>, vector<16xf32>,
      %get3A_456 = arith.constant 3 : i32
      %get3A_457 = arith.index_cast %get3A_456 : i32 to index
      %get3A_458 = arith.constant 0 : index
      %get3A_459 = tpu.vector_load %arg11[%get3A_457, %get3A_458] {strides = array<i32>} : memref<44x32xf32, #tpu.memory_space<vmem>>, vector<16xf32>,
      %get3A_460 = arith.constant 4 : i32
      %get3A_461 = arith.index_cast %get3A_460 : i32 to index
      %get3A_462 = arith.constant 0 : index
      %get3A_463 = tpu.vector_load %arg11[%get3A_461, %get3A_462] {strides = array<i32>} : memref<44x32xf32, #tpu.memory_space<vmem>>, vector<16xf32>,
      %get3A_464 = arith.constant 5 : i32
      %get3A_465 = arith.index_cast %get3A_464 : i32 to index
      %get3A_466 = arith.constant 0 : index
      %get3A_467 = tpu.vector_load %arg11[%get3A_465, %get3A_466] {strides = array<i32>} : memref<44x32xf32, #tpu.memory_space<vmem>>, vector<16xf32>,
      %get3A_468 = arith.constant 6 : i32
      %get3A_469 = arith.index_cast %get3A_468 : i32 to index
      %get3A_470 = arith.constant 0 : index
      %get3A_471 = tpu.vector_load %arg11[%get3A_469, %get3A_470] {strides = array<i32>} : memref<44x32xf32, #tpu.memory_space<vmem>>, vector<16xf32>,
      %get3A_472 = arith.constant 7 : i32
      %get3A_473 = arith.index_cast %get3A_472 : i32 to index
      %get3A_474 = arith.constant 0 : index
      %get3A_475 = tpu.vector_load %arg11[%get3A_473, %get3A_474] {strides = array<i32>} : memref<44x32xf32, #tpu.memory_space<vmem>>, vector<16xf32>,
      %get3A_476 = arith.constant 8 : i32
      %get3A_477 = arith.index_cast %get3A_476 : i32 to index
      %get3A_478 = arith.constant 0 : index
      %get3A_479 = tpu.vector_load %arg11[%get3A_477, %get3A_478] {strides = array<i32>} : memref<44x32xf32, #tpu.memory_space<vmem>>, vector<16xf32>,
      %get3A_480 = arith.constant 9 : i32
      %get3A_481 = arith.index_cast %get3A_480 : i32 to index
      %get3A_482 = arith.constant 0 : index
      %get3A_483 = tpu.vector_load %arg11[%get3A_481, %get3A_482] {strides = array<i32>} : memref<44x32xf32, #tpu.memory_space<vmem>>, vector<16xf32>,
      %get3A_484 = arith.constant 10 : i32
      %get3A_485 = arith.index_cast %get3A_484 : i32 to index
      %get3A_486 = arith.constant 0 : index
      %get3A_487 = tpu.vector_load %arg11[%get3A_485, %get3A_486] {strides = array<i32>} : memref<44x32xf32, #tpu.memory_space<vmem>>, vector<16xf32>,
      %get3A_488 = arith.constant 11 : i32
      %get3A_489 = arith.index_cast %get3A_488 : i32 to index
      %get3A_490 = arith.constant 0 : index
      %get3A_491 = tpu.vector_load %arg11[%get3A_489, %get3A_490] {strides = array<i32>} : memref<44x32xf32, #tpu.memory_space<vmem>>, vector<16xf32>,
      %get3A_492 = arith.constant 12 : i32
      %get3A_493 = arith.index_cast %get3A_492 : i32 to index
      %get3A_494 = arith.constant 0 : index
      %get3A_495 = tpu.vector_load %arg11[%get3A_493, %get3A_494] {strides = array<i32>} : memref<44x32xf32, #tpu.memory_space<vmem>>, vector<16xf32>,
      %get3A_496 = arith.constant 13 : i32
      %get3A_497 = arith.index_cast %get3A_496 : i32 to index
      %get3A_498 = arith.constant 0 : index
      %get3A_499 = tpu.vector_load %arg11[%get3A_497, %get3A_498] {strides = array<i32>} : memref<44x32xf32, #tpu.memory_space<vmem>>, vector<16xf32>,
      %get3A_500 = arith.constant 14 : i32
      %get3A_501 = arith.index_cast %get3A_500 : i32 to index
      %get3A_502 = arith.constant 0 : index
      %get3A_503 = tpu.vector_load %arg11[%get3A_501, %get3A_502] {strides = array<i32>} : memref<44x32xf32, #tpu.memory_space<vmem>>, vector<16xf32>,
      %get3A_504 = arith.constant 15 : i32
      %get3A_505 = arith.index_cast %get3A_504 : i32 to index
      %get3A_506 = arith.constant 0 : index
      %get3A_507 = tpu.vector_load %arg11[%get3A_505, %get3A_506] {strides = array<i32>} : memref<44x32xf32, #tpu.memory_space<vmem>>, vector<16xf32>,
      %get3A_508 = arith.constant 16 : i32
      %get3A_509 = arith.index_cast %get3A_508 : i32 to index
      %get3A_510 = arith.constant 0 : index
      %get3A_511 = tpu.vector_load %arg11[%get3A_509, %get3A_510] {strides = array<i32>} : memref<44x32xf32, #tpu.memory_space<vmem>>, vector<16xf32>,
      %get3A_512 = arith.constant 17 : i32
      %get3A_513 = arith.index_cast %get3A_512 : i32 to index
      %get3A_514 = arith.constant 0 : index
      %get3A_515 = tpu.vector_load %arg11[%get3A_513, %get3A_514] {strides = array<i32>} : memref<44x32xf32, #tpu.memory_space<vmem>>, vector<16xf32>,
      %get3A_516 = arith.constant 18 : i32
      %get3A_517 = arith.index_cast %get3A_516 : i32 to index
      %get3A_518 = arith.constant 0 : index
      %get3A_519 = tpu.vector_load %arg11[%get3A_517, %get3A_518] {strides = array<i32>} : memref<44x32xf32, #tpu.memory_space<vmem>>, vector<16xf32>,
      %get3A_520 = arith.constant 19 : i32
      %get3A_521 = arith.index_cast %get3A_520 : i32 to index
      %get3A_522 = arith.constant 0 : index
      %get3A_523 = tpu.vector_load %arg11[%get3A_521, %get3A_522] {strides = array<i32>} : memref<44x32xf32, #tpu.memory_space<vmem>>, vector<16xf32>,
      %add3A_524 = arith.addf %get3A_447, %get3A_463 : vector<16xf32>
      %add3A_525 = arith.addf %get3A_451, %get3A_467 : vector<16xf32>
      %add3A_526 = arith.addf %get3A_455, %get3A_471 : vector<16xf32>
      %add3A_527 = arith.addf %get3A_459, %get3A_475 : vector<16xf32>
      %add3A_528 = arith.addf %add3A_524, %get3A_479 : vector<16xf32>
      %add3A_529 = arith.addf %add3A_525, %get3A_483 : vector<16xf32>
      %add3A_530 = arith.addf %add3A_526, %get3A_487 : vector<16xf32>
      %add3A_531 = arith.addf %add3A_527, %get3A_491 : vector<16xf32>
      %add3A_532 = arith.addf %add3A_528, %get3A_495 : vector<16xf32>
      %add3A_533 = arith.addf %add3A_529, %get3A_499 : vector<16xf32>
      %add3A_534 = arith.addf %add3A_530, %get3A_503 : vector<16xf32>
      %add3A_535 = arith.addf %add3A_531, %get3A_507 : vector<16xf32>
      %add3A_536 = arith.addf %add3A_532, %get3A_511 : vector<16xf32>
      %add3A_537 = arith.addf %add3A_533, %get3A_515 : vector<16xf32>
      %add3A_538 = arith.addf %add3A_534, %get3A_519 : vector<16xf32>
      %add3A_539 = arith.addf %add3A_535, %get3A_523 : vector<16xf32>
      %add3A_540 = arith.addf %add3A_536, %add3A_537 : vector<16xf32>
      %add3A_541 = arith.addf %add3A_538, %add3A_539 : vector<16xf32>
      %add3A_542 = arith.addf %add3A_540, %add3A_541 : vector<16xf32>
      %add3A_543 = arith.addf %add3A_443, %add3A_542 : vector<16xf32>
      %broadcast_in_dim3A = arith.constant 0.000000e+00 : f32
      %broadcast_in_dim3A_544 = vector.broadcast %broadcast_in_dim3A : f32 to vector<16xf32>
      %broadcast_in_dim3A_545 = arith.constant 0.000000e+00 : f32
      %broadcast_in_dim3A_546 = vector.broadcast %broadcast_in_dim3A_545 : f32 to vector<16xf32>
      %get3A_547 = arith.constant 0 : i32
      %get3A_548 = arith.index_cast %get3A_547 : i32 to index
      %get3A_549 = arith.constant 16 : index
      %get3A_550 = tpu.vector_load %arg11[%get3A_548, %get3A_549] {strides = array<i32>} : memref<44x32xf32, #tpu.memory_space<vmem>>, vector<16xf32>,
      %sub3A = arith.subf %add3A_543, %get3A_447 : vector<16xf32>
      %mul3A_551 = arith.mulf %get3A_550, %sub3A : vector<16xf32>
      %reduce_sum3A = arith.constant true
      %reduce_sum3A_552 = vector.broadcast %reduce_sum3A : i1 to vector<16xi1>
      %reduce_sum3A_553 = tpu.scan <sum>, %mul3A_551 masked %reduce_sum3A_552 : vector<16xf32>, vector<16xi1> -> vector<16xf32>
      %reduce_sum3A_554 = vector.extract %reduce_sum3A_553[15] : f32 from vector<16xf32>
      %eq3A = arith.constant 0 : i32
      %eq3A_555 = vector.broadcast %eq3A : i32 to vector<16xi32>
      %eq3A_556 = arith.cmpi eq, %iota3A, %eq3A_555 : vector<16xi32>
      %broadcast_in_dim3A_557 = vector.broadcast %reduce_sum3A_554 : f32 to vector<16xf32>
      %select_n3A = arith.select %eq3A_556, %broadcast_in_dim3A_557, %broadcast_in_dim3A_544 : vector<16xi1>, vector<16xf32>
      %get3A_558 = arith.constant 1 : i32
      %get3A_559 = arith.index_cast %get3A_558 : i32 to index
      %get3A_560 = arith.constant 16 : index
      %get3A_561 = tpu.vector_load %arg11[%get3A_559, %get3A_560] {strides = array<i32>} : memref<44x32xf32, #tpu.memory_space<vmem>>, vector<16xf32>,
      %sub3A_562 = arith.subf %add3A_543, %get3A_451 : vector<16xf32>
      %mul3A_563 = arith.mulf %get3A_561, %sub3A_562 : vector<16xf32>
      %reduce_sum3A_564 = arith.constant true
      %reduce_sum3A_565 = vector.broadcast %reduce_sum3A_564 : i1 to vector<16xi1>
      %reduce_sum3A_566 = tpu.scan <sum>, %mul3A_563 masked %reduce_sum3A_565 : vector<16xf32>, vector<16xi1> -> vector<16xf32>
      %reduce_sum3A_567 = vector.extract %reduce_sum3A_566[15] : f32 from vector<16xf32>
      %eq3A_568 = arith.constant 1 : i32
      %eq3A_569 = vector.broadcast %eq3A_568 : i32 to vector<16xi32>
      %eq3A_570 = arith.cmpi eq, %iota3A, %eq3A_569 : vector<16xi32>
      %broadcast_in_dim3A_571 = vector.broadcast %reduce_sum3A_567 : f32 to vector<16xf32>
      %select_n3A_572 = arith.select %eq3A_570, %broadcast_in_dim3A_571, %select_n3A : vector<16xi1>, vector<16xf32>
      %get3A_573 = arith.constant 2 : i32
      %get3A_574 = arith.index_cast %get3A_573 : i32 to index
      %get3A_575 = arith.constant 16 : index
      %get3A_576 = tpu.vector_load %arg11[%get3A_574, %get3A_575] {strides = array<i32>} : memref<44x32xf32, #tpu.memory_space<vmem>>, vector<16xf32>,
      %sub3A_577 = arith.subf %add3A_543, %get3A_455 : vector<16xf32>
      %mul3A_578 = arith.mulf %get3A_576, %sub3A_577 : vector<16xf32>
      %reduce_sum3A_579 = arith.constant true
      %reduce_sum3A_580 = vector.broadcast %reduce_sum3A_579 : i1 to vector<16xi1>
      %reduce_sum3A_581 = tpu.scan <sum>, %mul3A_578 masked %reduce_sum3A_580 : vector<16xf32>, vector<16xi1> -> vector<16xf32>
      %reduce_sum3A_582 = vector.extract %reduce_sum3A_581[15] : f32 from vector<16xf32>
      %eq3A_583 = arith.constant 2 : i32
      %eq3A_584 = vector.broadcast %eq3A_583 : i32 to vector<16xi32>
      %eq3A_585 = arith.cmpi eq, %iota3A, %eq3A_584 : vector<16xi32>
      %broadcast_in_dim3A_586 = vector.broadcast %reduce_sum3A_582 : f32 to vector<16xf32>
      %select_n3A_587 = arith.select %eq3A_585, %broadcast_in_dim3A_586, %select_n3A_572 : vector<16xi1>, vector<16xf32>
      %get3A_588 = arith.constant 3 : i32
      %get3A_589 = arith.index_cast %get3A_588 : i32 to index
      %get3A_590 = arith.constant 16 : index
      %get3A_591 = tpu.vector_load %arg11[%get3A_589, %get3A_590] {strides = array<i32>} : memref<44x32xf32, #tpu.memory_space<vmem>>, vector<16xf32>,
      %sub3A_592 = arith.subf %add3A_543, %get3A_459 : vector<16xf32>
      %mul3A_593 = arith.mulf %get3A_591, %sub3A_592 : vector<16xf32>
      %reduce_sum3A_594 = arith.constant true
      %reduce_sum3A_595 = vector.broadcast %reduce_sum3A_594 : i1 to vector<16xi1>
      %reduce_sum3A_596 = tpu.scan <sum>, %mul3A_593 masked %reduce_sum3A_595 : vector<16xf32>, vector<16xi1> -> vector<16xf32>
      %reduce_sum3A_597 = vector.extract %reduce_sum3A_596[15] : f32 from vector<16xf32>
      %eq3A_598 = arith.constant 3 : i32
      %eq3A_599 = vector.broadcast %eq3A_598 : i32 to vector<16xi32>
      %eq3A_600 = arith.cmpi eq, %iota3A, %eq3A_599 : vector<16xi32>
      %broadcast_in_dim3A_601 = vector.broadcast %reduce_sum3A_597 : f32 to vector<16xf32>
      %select_n3A_602 = arith.select %eq3A_600, %broadcast_in_dim3A_601, %select_n3A_587 : vector<16xi1>, vector<16xf32>
      %get3A_603 = arith.constant 4 : i32
      %get3A_604 = arith.index_cast %get3A_603 : i32 to index
      %get3A_605 = arith.constant 16 : index
      %get3A_606 = tpu.vector_load %arg11[%get3A_604, %get3A_605] {strides = array<i32>} : memref<44x32xf32, #tpu.memory_space<vmem>>, vector<16xf32>,
      %sub3A_607 = arith.subf %add3A_543, %get3A_463 : vector<16xf32>
      %mul3A_608 = arith.mulf %get3A_606, %sub3A_607 : vector<16xf32>
      %reduce_sum3A_609 = arith.constant true
      %reduce_sum3A_610 = vector.broadcast %reduce_sum3A_609 : i1 to vector<16xi1>
      %reduce_sum3A_611 = tpu.scan <sum>, %mul3A_608 masked %reduce_sum3A_610 : vector<16xf32>, vector<16xi1> -> vector<16xf32>
      %reduce_sum3A_612 = vector.extract %reduce_sum3A_611[15] : f32 from vector<16xf32>
      %eq3A_613 = arith.constant 4 : i32
      %eq3A_614 = vector.broadcast %eq3A_613 : i32 to vector<16xi32>
      %eq3A_615 = arith.cmpi eq, %iota3A, %eq3A_614 : vector<16xi32>
      %broadcast_in_dim3A_616 = vector.broadcast %reduce_sum3A_612 : f32 to vector<16xf32>
      %select_n3A_617 = arith.select %eq3A_615, %broadcast_in_dim3A_616, %select_n3A_602 : vector<16xi1>, vector<16xf32>
      %get3A_618 = arith.constant 5 : i32
      %get3A_619 = arith.index_cast %get3A_618 : i32 to index
      %get3A_620 = arith.constant 16 : index
      %get3A_621 = tpu.vector_load %arg11[%get3A_619, %get3A_620] {strides = array<i32>} : memref<44x32xf32, #tpu.memory_space<vmem>>, vector<16xf32>,
      %sub3A_622 = arith.subf %add3A_543, %get3A_467 : vector<16xf32>
      %mul3A_623 = arith.mulf %get3A_621, %sub3A_622 : vector<16xf32>
      %reduce_sum3A_624 = arith.constant true
      %reduce_sum3A_625 = vector.broadcast %reduce_sum3A_624 : i1 to vector<16xi1>
      %reduce_sum3A_626 = tpu.scan <sum>, %mul3A_623 masked %reduce_sum3A_625 : vector<16xf32>, vector<16xi1> -> vector<16xf32>
      %reduce_sum3A_627 = vector.extract %reduce_sum3A_626[15] : f32 from vector<16xf32>
      %eq3A_628 = arith.constant 5 : i32
      %eq3A_629 = vector.broadcast %eq3A_628 : i32 to vector<16xi32>
      %eq3A_630 = arith.cmpi eq, %iota3A, %eq3A_629 : vector<16xi32>
      %broadcast_in_dim3A_631 = vector.broadcast %reduce_sum3A_627 : f32 to vector<16xf32>
      %select_n3A_632 = arith.select %eq3A_630, %broadcast_in_dim3A_631, %select_n3A_617 : vector<16xi1>, vector<16xf32>
      %get3A_633 = arith.constant 6 : i32
      %get3A_634 = arith.index_cast %get3A_633 : i32 to index
      %get3A_635 = arith.constant 16 : index
      %get3A_636 = tpu.vector_load %arg11[%get3A_634, %get3A_635] {strides = array<i32>} : memref<44x32xf32, #tpu.memory_space<vmem>>, vector<16xf32>,
      %sub3A_637 = arith.subf %add3A_543, %get3A_471 : vector<16xf32>
      %mul3A_638 = arith.mulf %get3A_636, %sub3A_637 : vector<16xf32>
      %reduce_sum3A_639 = arith.constant true
      %reduce_sum3A_640 = vector.broadcast %reduce_sum3A_639 : i1 to vector<16xi1>
      %reduce_sum3A_641 = tpu.scan <sum>, %mul3A_638 masked %reduce_sum3A_640 : vector<16xf32>, vector<16xi1> -> vector<16xf32>
      %reduce_sum3A_642 = vector.extract %reduce_sum3A_641[15] : f32 from vector<16xf32>
      %eq3A_643 = arith.constant 6 : i32
      %eq3A_644 = vector.broadcast %eq3A_643 : i32 to vector<16xi32>
      %eq3A_645 = arith.cmpi eq, %iota3A, %eq3A_644 : vector<16xi32>
      %broadcast_in_dim3A_646 = vector.broadcast %reduce_sum3A_642 : f32 to vector<16xf32>
      %select_n3A_647 = arith.select %eq3A_645, %broadcast_in_dim3A_646, %select_n3A_632 : vector<16xi1>, vector<16xf32>
      %get3A_648 = arith.constant 7 : i32
      %get3A_649 = arith.index_cast %get3A_648 : i32 to index
      %get3A_650 = arith.constant 16 : index
      %get3A_651 = tpu.vector_load %arg11[%get3A_649, %get3A_650] {strides = array<i32>} : memref<44x32xf32, #tpu.memory_space<vmem>>, vector<16xf32>,
      %sub3A_652 = arith.subf %add3A_543, %get3A_475 : vector<16xf32>
      %mul3A_653 = arith.mulf %get3A_651, %sub3A_652 : vector<16xf32>
      %reduce_sum3A_654 = arith.constant true
      %reduce_sum3A_655 = vector.broadcast %reduce_sum3A_654 : i1 to vector<16xi1>
      %reduce_sum3A_656 = tpu.scan <sum>, %mul3A_653 masked %reduce_sum3A_655 : vector<16xf32>, vector<16xi1> -> vector<16xf32>
      %reduce_sum3A_657 = vector.extract %reduce_sum3A_656[15] : f32 from vector<16xf32>
      %eq3A_658 = arith.constant 7 : i32
      %eq3A_659 = vector.broadcast %eq3A_658 : i32 to vector<16xi32>
      %eq3A_660 = arith.cmpi eq, %iota3A, %eq3A_659 : vector<16xi32>
      %broadcast_in_dim3A_661 = vector.broadcast %reduce_sum3A_657 : f32 to vector<16xf32>
      %select_n3A_662 = arith.select %eq3A_660, %broadcast_in_dim3A_661, %select_n3A_647 : vector<16xi1>, vector<16xf32>
      %get3A_663 = arith.constant 8 : i32
      %get3A_664 = arith.index_cast %get3A_663 : i32 to index
      %get3A_665 = arith.constant 16 : index
      %get3A_666 = tpu.vector_load %arg11[%get3A_664, %get3A_665] {strides = array<i32>} : memref<44x32xf32, #tpu.memory_space<vmem>>, vector<16xf32>,
      %sub3A_667 = arith.subf %add3A_543, %get3A_479 : vector<16xf32>
      %mul3A_668 = arith.mulf %get3A_666, %sub3A_667 : vector<16xf32>
      %reduce_sum3A_669 = arith.constant true
      %reduce_sum3A_670 = vector.broadcast %reduce_sum3A_669 : i1 to vector<16xi1>
      %reduce_sum3A_671 = tpu.scan <sum>, %mul3A_668 masked %reduce_sum3A_670 : vector<16xf32>, vector<16xi1> -> vector<16xf32>
      %reduce_sum3A_672 = vector.extract %reduce_sum3A_671[15] : f32 from vector<16xf32>
      %eq3A_673 = arith.constant 8 : i32
      %eq3A_674 = vector.broadcast %eq3A_673 : i32 to vector<16xi32>
      %eq3A_675 = arith.cmpi eq, %iota3A, %eq3A_674 : vector<16xi32>
      %broadcast_in_dim3A_676 = vector.broadcast %reduce_sum3A_672 : f32 to vector<16xf32>
      %select_n3A_677 = arith.select %eq3A_675, %broadcast_in_dim3A_676, %select_n3A_662 : vector<16xi1>, vector<16xf32>
      %get3A_678 = arith.constant 9 : i32
      %get3A_679 = arith.index_cast %get3A_678 : i32 to index
      %get3A_680 = arith.constant 16 : index
      %get3A_681 = tpu.vector_load %arg11[%get3A_679, %get3A_680] {strides = array<i32>} : memref<44x32xf32, #tpu.memory_space<vmem>>, vector<16xf32>,
      %sub3A_682 = arith.subf %add3A_543, %get3A_483 : vector<16xf32>
      %mul3A_683 = arith.mulf %get3A_681, %sub3A_682 : vector<16xf32>
      %reduce_sum3A_684 = arith.constant true
      %reduce_sum3A_685 = vector.broadcast %reduce_sum3A_684 : i1 to vector<16xi1>
      %reduce_sum3A_686 = tpu.scan <sum>, %mul3A_683 masked %reduce_sum3A_685 : vector<16xf32>, vector<16xi1> -> vector<16xf32>
      %reduce_sum3A_687 = vector.extract %reduce_sum3A_686[15] : f32 from vector<16xf32>
      %eq3A_688 = arith.constant 9 : i32
      %eq3A_689 = vector.broadcast %eq3A_688 : i32 to vector<16xi32>
      %eq3A_690 = arith.cmpi eq, %iota3A, %eq3A_689 : vector<16xi32>
      %broadcast_in_dim3A_691 = vector.broadcast %reduce_sum3A_687 : f32 to vector<16xf32>
      %select_n3A_692 = arith.select %eq3A_690, %broadcast_in_dim3A_691, %select_n3A_677 : vector<16xi1>, vector<16xf32>
      %get3A_693 = arith.constant 10 : i32
      %get3A_694 = arith.index_cast %get3A_693 : i32 to index
      %get3A_695 = arith.constant 16 : index
      %get3A_696 = tpu.vector_load %arg11[%get3A_694, %get3A_695] {strides = array<i32>} : memref<44x32xf32, #tpu.memory_space<vmem>>, vector<16xf32>,
      %sub3A_697 = arith.subf %add3A_543, %get3A_487 : vector<16xf32>
      %mul3A_698 = arith.mulf %get3A_696, %sub3A_697 : vector<16xf32>
      %reduce_sum3A_699 = arith.constant true
      %reduce_sum3A_700 = vector.broadcast %reduce_sum3A_699 : i1 to vector<16xi1>
      %reduce_sum3A_701 = tpu.scan <sum>, %mul3A_698 masked %reduce_sum3A_700 : vector<16xf32>, vector<16xi1> -> vector<16xf32>
      %reduce_sum3A_702 = vector.extract %reduce_sum3A_701[15] : f32 from vector<16xf32>
      %eq3A_703 = arith.constant 10 : i32
      %eq3A_704 = vector.broadcast %eq3A_703 : i32 to vector<16xi32>
      %eq3A_705 = arith.cmpi eq, %iota3A, %eq3A_704 : vector<16xi32>
      %broadcast_in_dim3A_706 = vector.broadcast %reduce_sum3A_702 : f32 to vector<16xf32>
      %select_n3A_707 = arith.select %eq3A_705, %broadcast_in_dim3A_706, %select_n3A_692 : vector<16xi1>, vector<16xf32>
      %get3A_708 = arith.constant 11 : i32
      %get3A_709 = arith.index_cast %get3A_708 : i32 to index
      %get3A_710 = arith.constant 16 : index
      %get3A_711 = tpu.vector_load %arg11[%get3A_709, %get3A_710] {strides = array<i32>} : memref<44x32xf32, #tpu.memory_space<vmem>>, vector<16xf32>,
      %sub3A_712 = arith.subf %add3A_543, %get3A_491 : vector<16xf32>
      %mul3A_713 = arith.mulf %get3A_711, %sub3A_712 : vector<16xf32>
      %reduce_sum3A_714 = arith.constant true
      %reduce_sum3A_715 = vector.broadcast %reduce_sum3A_714 : i1 to vector<16xi1>
      %reduce_sum3A_716 = tpu.scan <sum>, %mul3A_713 masked %reduce_sum3A_715 : vector<16xf32>, vector<16xi1> -> vector<16xf32>
      %reduce_sum3A_717 = vector.extract %reduce_sum3A_716[15] : f32 from vector<16xf32>
      %eq3A_718 = arith.constant 11 : i32
      %eq3A_719 = vector.broadcast %eq3A_718 : i32 to vector<16xi32>
      %eq3A_720 = arith.cmpi eq, %iota3A, %eq3A_719 : vector<16xi32>
      %broadcast_in_dim3A_721 = vector.broadcast %reduce_sum3A_717 : f32 to vector<16xf32>
      %select_n3A_722 = arith.select %eq3A_720, %broadcast_in_dim3A_721, %select_n3A_707 : vector<16xi1>, vector<16xf32>
      %get3A_723 = arith.constant 12 : i32
      %get3A_724 = arith.index_cast %get3A_723 : i32 to index
      %get3A_725 = arith.constant 16 : index
      %get3A_726 = tpu.vector_load %arg11[%get3A_724, %get3A_725] {strides = array<i32>} : memref<44x32xf32, #tpu.memory_space<vmem>>, vector<16xf32>,
      %sub3A_727 = arith.subf %add3A_543, %get3A_495 : vector<16xf32>
      %mul3A_728 = arith.mulf %get3A_726, %sub3A_727 : vector<16xf32>
      %reduce_sum3A_729 = arith.constant true
      %reduce_sum3A_730 = vector.broadcast %reduce_sum3A_729 : i1 to vector<16xi1>
      %reduce_sum3A_731 = tpu.scan <sum>, %mul3A_728 masked %reduce_sum3A_730 : vector<16xf32>, vector<16xi1> -> vector<16xf32>
      %reduce_sum3A_732 = vector.extract %reduce_sum3A_731[15] : f32 from vector<16xf32>
      %eq3A_733 = arith.constant 12 : i32
      %eq3A_734 = vector.broadcast %eq3A_733 : i32 to vector<16xi32>
      %eq3A_735 = arith.cmpi eq, %iota3A, %eq3A_734 : vector<16xi32>
      %broadcast_in_dim3A_736 = vector.broadcast %reduce_sum3A_732 : f32 to vector<16xf32>
      %select_n3A_737 = arith.select %eq3A_735, %broadcast_in_dim3A_736, %select_n3A_722 : vector<16xi1>, vector<16xf32>
      %get3A_738 = arith.constant 13 : i32
      %get3A_739 = arith.index_cast %get3A_738 : i32 to index
      %get3A_740 = arith.constant 16 : index
      %get3A_741 = tpu.vector_load %arg11[%get3A_739, %get3A_740] {strides = array<i32>} : memref<44x32xf32, #tpu.memory_space<vmem>>, vector<16xf32>,
      %sub3A_742 = arith.subf %add3A_543, %get3A_499 : vector<16xf32>
      %mul3A_743 = arith.mulf %get3A_741, %sub3A_742 : vector<16xf32>
      %reduce_sum3A_744 = arith.constant true
      %reduce_sum3A_745 = vector.broadcast %reduce_sum3A_744 : i1 to vector<16xi1>
      %reduce_sum3A_746 = tpu.scan <sum>, %mul3A_743 masked %reduce_sum3A_745 : vector<16xf32>, vector<16xi1> -> vector<16xf32>
      %reduce_sum3A_747 = vector.extract %reduce_sum3A_746[15] : f32 from vector<16xf32>
      %eq3A_748 = arith.constant 13 : i32
      %eq3A_749 = vector.broadcast %eq3A_748 : i32 to vector<16xi32>
      %eq3A_750 = arith.cmpi eq, %iota3A, %eq3A_749 : vector<16xi32>
      %broadcast_in_dim3A_751 = vector.broadcast %reduce_sum3A_747 : f32 to vector<16xf32>
      %select_n3A_752 = arith.select %eq3A_750, %broadcast_in_dim3A_751, %select_n3A_737 : vector<16xi1>, vector<16xf32>
      %get3A_753 = arith.constant 14 : i32
      %get3A_754 = arith.index_cast %get3A_753 : i32 to index
      %get3A_755 = arith.constant 16 : index
      %get3A_756 = tpu.vector_load %arg11[%get3A_754, %get3A_755] {strides = array<i32>} : memref<44x32xf32, #tpu.memory_space<vmem>>, vector<16xf32>,
      %sub3A_757 = arith.subf %add3A_543, %get3A_503 : vector<16xf32>
      %mul3A_758 = arith.mulf %get3A_756, %sub3A_757 : vector<16xf32>
      %reduce_sum3A_759 = arith.constant true
      %reduce_sum3A_760 = vector.broadcast %reduce_sum3A_759 : i1 to vector<16xi1>
      %reduce_sum3A_761 = tpu.scan <sum>, %mul3A_758 masked %reduce_sum3A_760 : vector<16xf32>, vector<16xi1> -> vector<16xf32>
      %reduce_sum3A_762 = vector.extract %reduce_sum3A_761[15] : f32 from vector<16xf32>
      %eq3A_763 = arith.constant 14 : i32
      %eq3A_764 = vector.broadcast %eq3A_763 : i32 to vector<16xi32>
      %eq3A_765 = arith.cmpi eq, %iota3A, %eq3A_764 : vector<16xi32>
      %broadcast_in_dim3A_766 = vector.broadcast %reduce_sum3A_762 : f32 to vector<16xf32>
      %select_n3A_767 = arith.select %eq3A_765, %broadcast_in_dim3A_766, %select_n3A_752 : vector<16xi1>, vector<16xf32>
      %get3A_768 = arith.constant 15 : i32
      %get3A_769 = arith.index_cast %get3A_768 : i32 to index
      %get3A_770 = arith.constant 16 : index
      %get3A_771 = tpu.vector_load %arg11[%get3A_769, %get3A_770] {strides = array<i32>} : memref<44x32xf32, #tpu.memory_space<vmem>>, vector<16xf32>,
      %sub3A_772 = arith.subf %add3A_543, %get3A_507 : vector<16xf32>
      %mul3A_773 = arith.mulf %get3A_771, %sub3A_772 : vector<16xf32>
      %reduce_sum3A_774 = arith.constant true
      %reduce_sum3A_775 = vector.broadcast %reduce_sum3A_774 : i1 to vector<16xi1>
      %reduce_sum3A_776 = tpu.scan <sum>, %mul3A_773 masked %reduce_sum3A_775 : vector<16xf32>, vector<16xi1> -> vector<16xf32>
      %reduce_sum3A_777 = vector.extract %reduce_sum3A_776[15] : f32 from vector<16xf32>
      %eq3A_778 = arith.constant 15 : i32
      %eq3A_779 = vector.broadcast %eq3A_778 : i32 to vector<16xi32>
      %eq3A_780 = arith.cmpi eq, %iota3A, %eq3A_779 : vector<16xi32>
      %broadcast_in_dim3A_781 = vector.broadcast %reduce_sum3A_777 : f32 to vector<16xf32>
      %select_n3A_782 = arith.select %eq3A_780, %broadcast_in_dim3A_781, %select_n3A_767 : vector<16xi1>, vector<16xf32>
      %get3A_783 = arith.constant 16 : i32
      %get3A_784 = arith.index_cast %get3A_783 : i32 to index
      %get3A_785 = arith.constant 16 : index
      %get3A_786 = tpu.vector_load %arg11[%get3A_784, %get3A_785] {strides = array<i32>} : memref<44x32xf32, #tpu.memory_space<vmem>>, vector<16xf32>,
      %sub3A_787 = arith.subf %add3A_543, %get3A_511 : vector<16xf32>
      %mul3A_788 = arith.mulf %get3A_786, %sub3A_787 : vector<16xf32>
      %reduce_sum3A_789 = arith.constant true
      %reduce_sum3A_790 = vector.broadcast %reduce_sum3A_789 : i1 to vector<16xi1>
      %reduce_sum3A_791 = tpu.scan <sum>, %mul3A_788 masked %reduce_sum3A_790 : vector<16xf32>, vector<16xi1> -> vector<16xf32>
      %reduce_sum3A_792 = vector.extract %reduce_sum3A_791[15] : f32 from vector<16xf32>
      %eq3A_793 = arith.constant 0 : i32
      %eq3A_794 = vector.broadcast %eq3A_793 : i32 to vector<16xi32>
      %eq3A_795 = arith.cmpi eq, %iota3A, %eq3A_794 : vector<16xi32>
      %broadcast_in_dim3A_796 = vector.broadcast %reduce_sum3A_792 : f32 to vector<16xf32>
      %select_n3A_797 = arith.select %eq3A_795, %broadcast_in_dim3A_796, %broadcast_in_dim3A_546 : vector<16xi1>, vector<16xf32>
      %get3A_798 = arith.constant 17 : i32
      %get3A_799 = arith.index_cast %get3A_798 : i32 to index
      %get3A_800 = arith.constant 16 : index
      %get3A_801 = tpu.vector_load %arg11[%get3A_799, %get3A_800] {strides = array<i32>} : memref<44x32xf32, #tpu.memory_space<vmem>>, vector<16xf32>,
      %sub3A_802 = arith.subf %add3A_543, %get3A_515 : vector<16xf32>
      %mul3A_803 = arith.mulf %get3A_801, %sub3A_802 : vector<16xf32>
      %reduce_sum3A_804 = arith.constant true
      %reduce_sum3A_805 = vector.broadcast %reduce_sum3A_804 : i1 to vector<16xi1>
      %reduce_sum3A_806 = tpu.scan <sum>, %mul3A_803 masked %reduce_sum3A_805 : vector<16xf32>, vector<16xi1> -> vector<16xf32>
      %reduce_sum3A_807 = vector.extract %reduce_sum3A_806[15] : f32 from vector<16xf32>
      %eq3A_808 = arith.constant 1 : i32
      %eq3A_809 = vector.broadcast %eq3A_808 : i32 to vector<16xi32>
      %eq3A_810 = arith.cmpi eq, %iota3A, %eq3A_809 : vector<16xi32>
      %broadcast_in_dim3A_811 = vector.broadcast %reduce_sum3A_807 : f32 to vector<16xf32>
      %select_n3A_812 = arith.select %eq3A_810, %broadcast_in_dim3A_811, %select_n3A_797 : vector<16xi1>, vector<16xf32>
      %get3A_813 = arith.constant 18 : i32
      %get3A_814 = arith.index_cast %get3A_813 : i32 to index
      %get3A_815 = arith.constant 16 : index
      %get3A_816 = tpu.vector_load %arg11[%get3A_814, %get3A_815] {strides = array<i32>} : memref<44x32xf32, #tpu.memory_space<vmem>>, vector<16xf32>,
      %sub3A_817 = arith.subf %add3A_543, %get3A_519 : vector<16xf32>
      %mul3A_818 = arith.mulf %get3A_816, %sub3A_817 : vector<16xf32>
      %reduce_sum3A_819 = arith.constant true
      %reduce_sum3A_820 = vector.broadcast %reduce_sum3A_819 : i1 to vector<16xi1>
      %reduce_sum3A_821 = tpu.scan <sum>, %mul3A_818 masked %reduce_sum3A_820 : vector<16xf32>, vector<16xi1> -> vector<16xf32>
      %reduce_sum3A_822 = vector.extract %reduce_sum3A_821[15] : f32 from vector<16xf32>
      %eq3A_823 = arith.constant 2 : i32
      %eq3A_824 = vector.broadcast %eq3A_823 : i32 to vector<16xi32>
      %eq3A_825 = arith.cmpi eq, %iota3A, %eq3A_824 : vector<16xi32>
      %broadcast_in_dim3A_826 = vector.broadcast %reduce_sum3A_822 : f32 to vector<16xf32>
      %select_n3A_827 = arith.select %eq3A_825, %broadcast_in_dim3A_826, %select_n3A_812 : vector<16xi1>, vector<16xf32>
      %get3A_828 = arith.constant 19 : i32
      %get3A_829 = arith.index_cast %get3A_828 : i32 to index
      %get3A_830 = arith.constant 16 : index
      %get3A_831 = tpu.vector_load %arg11[%get3A_829, %get3A_830] {strides = array<i32>} : memref<44x32xf32, #tpu.memory_space<vmem>>, vector<16xf32>,
      %sub3A_832 = arith.subf %add3A_543, %get3A_523 : vector<16xf32>
      %mul3A_833 = arith.mulf %get3A_831, %sub3A_832 : vector<16xf32>
      %reduce_sum3A_834 = arith.constant true
      %reduce_sum3A_835 = vector.broadcast %reduce_sum3A_834 : i1 to vector<16xi1>
      %reduce_sum3A_836 = tpu.scan <sum>, %mul3A_833 masked %reduce_sum3A_835 : vector<16xf32>, vector<16xi1> -> vector<16xf32>
      %reduce_sum3A_837 = vector.extract %reduce_sum3A_836[15] : f32 from vector<16xf32>
      %eq3A_838 = arith.constant 3 : i32
      %eq3A_839 = vector.broadcast %eq3A_838 : i32 to vector<16xi32>
      %eq3A_840 = arith.cmpi eq, %iota3A, %eq3A_839 : vector<16xi32>
      %broadcast_in_dim3A_841 = vector.broadcast %reduce_sum3A_837 : f32 to vector<16xf32>
      %select_n3A_842 = arith.select %eq3A_840, %broadcast_in_dim3A_841, %select_n3A_827 : vector<16xi1>, vector<16xf32>
      %mul3A_843 = arith.constant 32 : i32
      %mul3A_844 = arith.muli %mul3A_48, %mul3A_843 : i32
      %swap3A = arith.index_cast %mul3A_844 : i32 to index
      %swap3A_845 = tpu.vector_load %arg9[%swap3A] {strides = array<i32>} : memref<16384xf32, #tpu.memory_space<vmem>>, vector<16xf32>,
      tpu.vector_store %arg9[%swap3A], %select_n3A_782 {strides = array<i32>} : memref<16384xf32, #tpu.memory_space<vmem>>, vector<16xf32>,
      %mul3A_846 = arith.constant 32 : i32
      %mul3A_847 = arith.muli %mul3A_48, %mul3A_846 : i32
      %add3A_848 = arith.constant 16 : i32
      %add3A_849 = arith.addi %mul3A_847, %add3A_848 : i32
      %swap3A_850 = arith.index_cast %add3A_849 : i32 to index
      %swap3A_851 = tpu.vector_load %arg9[%swap3A_850] {strides = array<i32>} : memref<16384xf32, #tpu.memory_space<vmem>>, vector<16xf32>,
      tpu.vector_store %arg9[%swap3A_850], %select_n3A_842 {strides = array<i32>} : memref<16384xf32, #tpu.memory_space<vmem>>, vector<16xf32>,
      %mul3A_852 = arith.constant 2 : i32
      %mul3A_853 = arith.muli %add3A_27, %mul3A_852 : i32
      %add3A_854 = arith.constant 1 : i32
      %add3A_855 = arith.addi %mul3A_853, %add3A_854 : i32
      %get3A_856 = arith.constant 56 : i32
      %get3A_857 = arith.index_cast %get3A_856 : i32 to index
      %get3A_858 = arith.constant 0 : index
      %get3A_859 = tpu.vector_load %arg10[%get3A_857, %get3A_858] {strides = array<i32>} : memref<106x16xf32, #tpu.memory_space<vmem>>, vector<16xf32>,
      %get3A_860 = arith.constant 57 : i32
      %get3A_861 = arith.index_cast %get3A_860 : i32 to index
      %get3A_862 = arith.constant 0 : index
      %get3A_863 = tpu.vector_load %arg10[%get3A_861, %get3A_862] {strides = array<i32>} : memref<106x16xf32, #tpu.memory_space<vmem>>, vector<16xf32>,
      %mul3A_864 = arith.constant 5.000000e-01 : f32
      %mul3A_865 = vector.broadcast %mul3A_864 : f32 to vector<16xf32>
      %mul3A_866 = arith.mulf %get3A_863, %mul3A_865 : vector<16xf32>
      %get3A_867 = arith.constant 58 : i32
      %get3A_868 = arith.index_cast %get3A_867 : i32 to index
      %get3A_869 = arith.constant 0 : index
      %get3A_870 = tpu.vector_load %arg10[%get3A_868, %get3A_869] {strides = array<i32>} : memref<106x16xf32, #tpu.memory_space<vmem>>, vector<16xf32>,
      %mul3A_871 = arith.constant 2.500000e-01 : f32
      %mul3A_872 = vector.broadcast %mul3A_871 : f32 to vector<16xf32>
      %mul3A_873 = arith.mulf %get3A_870, %mul3A_872 : vector<16xf32>
      %get3A_874 = arith.constant 59 : i32
      %get3A_875 = arith.index_cast %get3A_874 : i32 to index
      %get3A_876 = arith.constant 0 : index
      %get3A_877 = tpu.vector_load %arg10[%get3A_875, %get3A_876] {strides = array<i32>} : memref<106x16xf32, #tpu.memory_space<vmem>>, vector<16xf32>,
      %mul3A_878 = arith.constant 1.250000e-01 : f32
      %mul3A_879 = vector.broadcast %mul3A_878 : f32 to vector<16xf32>
      %mul3A_880 = arith.mulf %get3A_877, %mul3A_879 : vector<16xf32>
      %get3A_881 = arith.constant 60 : i32
      %get3A_882 = arith.index_cast %get3A_881 : i32 to index
      %get3A_883 = arith.constant 0 : index
      %get3A_884 = tpu.vector_load %arg10[%get3A_882, %get3A_883] {strides = array<i32>} : memref<106x16xf32, #tpu.memory_space<vmem>>, vector<16xf32>,
      %mul3A_885 = arith.constant 6.250000e-02 : f32
      %mul3A_886 = vector.broadcast %mul3A_885 : f32 to vector<16xf32>
      %mul3A_887 = arith.mulf %get3A_884, %mul3A_886 : vector<16xf32>
      %add3A_888 = arith.addf %get3A_859, %mul3A_887 : vector<16xf32>
      %get3A_889 = arith.constant 61 : i32
      %get3A_890 = arith.index_cast %get3A_889 : i32 to index
      %get3A_891 = arith.constant 0 : index
      %get3A_892 = tpu.vector_load %arg10[%get3A_890, %get3A_891] {strides = array<i32>} : memref<106x16xf32, #tpu.memory_space<vmem>>, vector<16xf32>,
      %mul3A_893 = arith.constant 3.125000e-02 : f32
      %mul3A_894 = vector.broadcast %mul3A_893 : f32 to vector<16xf32>
      %mul3A_895 = arith.mulf %get3A_892, %mul3A_894 : vector<16xf32>
      %add3A_896 = arith.addf %mul3A_866, %mul3A_895 : vector<16xf32>
      %get3A_897 = arith.constant 62 : i32
      %get3A_898 = arith.index_cast %get3A_897 : i32 to index
      %get3A_899 = arith.constant 0 : index
      %get3A_900 = tpu.vector_load %arg10[%get3A_898, %get3A_899] {strides = array<i32>} : memref<106x16xf32, #tpu.memory_space<vmem>>, vector<16xf32>,
      %mul3A_901 = arith.constant 1.562500e-02 : f32
      %mul3A_902 = vector.broadcast %mul3A_901 : f32 to vector<16xf32>
      %mul3A_903 = arith.mulf %get3A_900, %mul3A_902 : vector<16xf32>
      %add3A_904 = arith.addf %mul3A_873, %mul3A_903 : vector<16xf32>
      %get3A_905 = arith.constant 63 : i32
      %get3A_906 = arith.index_cast %get3A_905 : i32 to index
      %get3A_907 = arith.constant 0 : index
      %get3A_908 = tpu.vector_load %arg10[%get3A_906, %get3A_907] {strides = array<i32>} : memref<106x16xf32, #tpu.memory_space<vmem>>, vector<16xf32>,
      %mul3A_909 = arith.constant 7.812500e-03 : f32
      %mul3A_910 = vector.broadcast %mul3A_909 : f32 to vector<16xf32>
      %mul3A_911 = arith.mulf %get3A_908, %mul3A_910 : vector<16xf32>
      %add3A_912 = arith.addf %mul3A_880, %mul3A_911 : vector<16xf32>
      %get3A_913 = arith.constant 64 : i32
      %get3A_914 = arith.index_cast %get3A_913 : i32 to index
      %get3A_915 = arith.constant 0 : index
      %get3A_916 = tpu.vector_load %arg10[%get3A_914, %get3A_915] {strides = array<i32>} : memref<106x16xf32, #tpu.memory_space<vmem>>, vector<16xf32>,
      %mul3A_917 = arith.constant 3.906250e-03 : f32
      %mul3A_918 = vector.broadcast %mul3A_917 : f32 to vector<16xf32>
      %mul3A_919 = arith.mulf %get3A_916, %mul3A_918 : vector<16xf32>
      %add3A_920 = arith.addf %add3A_888, %mul3A_919 : vector<16xf32>
      %get3A_921 = arith.constant 65 : i32
      %get3A_922 = arith.index_cast %get3A_921 : i32 to index
      %get3A_923 = arith.constant 0 : index
      %get3A_924 = tpu.vector_load %arg10[%get3A_922, %get3A_923] {strides = array<i32>} : memref<106x16xf32, #tpu.memory_space<vmem>>, vector<16xf32>,
      %mul3A_925 = arith.constant 0.001953125 : f32
      %mul3A_926 = vector.broadcast %mul3A_925 : f32 to vector<16xf32>
      %mul3A_927 = arith.mulf %get3A_924, %mul3A_926 : vector<16xf32>
      %add3A_928 = arith.addf %add3A_896, %mul3A_927 : vector<16xf32>
      %get3A_929 = arith.constant 66 : i32
      %get3A_930 = arith.index_cast %get3A_929 : i32 to index
      %get3A_931 = arith.constant 0 : index
      %get3A_932 = tpu.vector_load %arg10[%get3A_930, %get3A_931] {strides = array<i32>} : memref<106x16xf32, #tpu.memory_space<vmem>>, vector<16xf32>,
      %mul3A_933 = arith.constant 9.765625E-4 : f32
      %mul3A_934 = vector.broadcast %mul3A_933 : f32 to vector<16xf32>
      %mul3A_935 = arith.mulf %get3A_932, %mul3A_934 : vector<16xf32>
      %add3A_936 = arith.addf %add3A_904, %mul3A_935 : vector<16xf32>
      %get3A_937 = arith.constant 67 : i32
      %get3A_938 = arith.index_cast %get3A_937 : i32 to index
      %get3A_939 = arith.constant 0 : index
      %get3A_940 = tpu.vector_load %arg10[%get3A_938, %get3A_939] {strides = array<i32>} : memref<106x16xf32, #tpu.memory_space<vmem>>, vector<16xf32>,
      %mul3A_941 = arith.constant 4.8828125E-4 : f32
      %mul3A_942 = vector.broadcast %mul3A_941 : f32 to vector<16xf32>
      %mul3A_943 = arith.mulf %get3A_940, %mul3A_942 : vector<16xf32>
      %add3A_944 = arith.addf %add3A_912, %mul3A_943 : vector<16xf32>
      %get3A_945 = arith.constant 68 : i32
      %get3A_946 = arith.index_cast %get3A_945 : i32 to index
      %get3A_947 = arith.constant 0 : index
      %get3A_948 = tpu.vector_load %arg10[%get3A_946, %get3A_947] {strides = array<i32>} : memref<106x16xf32, #tpu.memory_space<vmem>>, vector<16xf32>,
      %mul3A_949 = arith.constant 2.44140625E-4 : f32
      %mul3A_950 = vector.broadcast %mul3A_949 : f32 to vector<16xf32>
      %mul3A_951 = arith.mulf %get3A_948, %mul3A_950 : vector<16xf32>
      %add3A_952 = arith.addf %add3A_920, %mul3A_951 : vector<16xf32>
      %get3A_953 = arith.constant 69 : i32
      %get3A_954 = arith.index_cast %get3A_953 : i32 to index
      %get3A_955 = arith.constant 0 : index
      %get3A_956 = tpu.vector_load %arg10[%get3A_954, %get3A_955] {strides = array<i32>} : memref<106x16xf32, #tpu.memory_space<vmem>>, vector<16xf32>,
      %mul3A_957 = arith.constant 1.22070313E-4 : f32
      %mul3A_958 = vector.broadcast %mul3A_957 : f32 to vector<16xf32>
      %mul3A_959 = arith.mulf %get3A_956, %mul3A_958 : vector<16xf32>
      %add3A_960 = arith.addf %add3A_928, %mul3A_959 : vector<16xf32>
      %get3A_961 = arith.constant 70 : i32
      %get3A_962 = arith.index_cast %get3A_961 : i32 to index
      %get3A_963 = arith.constant 0 : index
      %get3A_964 = tpu.vector_load %arg10[%get3A_962, %get3A_963] {strides = array<i32>} : memref<106x16xf32, #tpu.memory_space<vmem>>, vector<16xf32>,
      %mul3A_965 = arith.constant 6.10351563E-5 : f32
      %mul3A_966 = vector.broadcast %mul3A_965 : f32 to vector<16xf32>
      %mul3A_967 = arith.mulf %get3A_964, %mul3A_966 : vector<16xf32>
      %add3A_968 = arith.addf %add3A_936, %mul3A_967 : vector<16xf32>
      %get3A_969 = arith.constant 71 : i32
      %get3A_970 = arith.index_cast %get3A_969 : i32 to index
      %get3A_971 = arith.constant 0 : index
      %get3A_972 = tpu.vector_load %arg10[%get3A_970, %get3A_971] {strides = array<i32>} : memref<106x16xf32, #tpu.memory_space<vmem>>, vector<16xf32>,
      %mul3A_973 = arith.constant 3.05175781E-5 : f32
      %mul3A_974 = vector.broadcast %mul3A_973 : f32 to vector<16xf32>
      %mul3A_975 = arith.mulf %get3A_972, %mul3A_974 : vector<16xf32>
      %add3A_976 = arith.addf %add3A_944, %mul3A_975 : vector<16xf32>
      %get3A_977 = arith.constant 72 : i32
      %get3A_978 = arith.index_cast %get3A_977 : i32 to index
      %get3A_979 = arith.constant 0 : index
      %get3A_980 = tpu.vector_load %arg10[%get3A_978, %get3A_979] {strides = array<i32>} : memref<106x16xf32, #tpu.memory_space<vmem>>, vector<16xf32>,
      %mul3A_981 = arith.constant 1.52587891E-5 : f32
      %mul3A_982 = vector.broadcast %mul3A_981 : f32 to vector<16xf32>
      %mul3A_983 = arith.mulf %get3A_980, %mul3A_982 : vector<16xf32>
      %add3A_984 = arith.addf %add3A_952, %mul3A_983 : vector<16xf32>
      %get3A_985 = arith.constant 73 : i32
      %get3A_986 = arith.index_cast %get3A_985 : i32 to index
      %get3A_987 = arith.constant 0 : index
      %get3A_988 = tpu.vector_load %arg10[%get3A_986, %get3A_987] {strides = array<i32>} : memref<106x16xf32, #tpu.memory_space<vmem>>, vector<16xf32>,
      %mul3A_989 = arith.constant 7.62939453E-6 : f32
      %mul3A_990 = vector.broadcast %mul3A_989 : f32 to vector<16xf32>
      %mul3A_991 = arith.mulf %get3A_988, %mul3A_990 : vector<16xf32>
      %add3A_992 = arith.addf %add3A_960, %mul3A_991 : vector<16xf32>
      %get3A_993 = arith.constant 74 : i32
      %get3A_994 = arith.index_cast %get3A_993 : i32 to index
      %get3A_995 = arith.constant 0 : index
      %get3A_996 = tpu.vector_load %arg10[%get3A_994, %get3A_995] {strides = array<i32>} : memref<106x16xf32, #tpu.memory_space<vmem>>, vector<16xf32>,
      %mul3A_997 = arith.constant 3.81469727E-6 : f32
      %mul3A_998 = vector.broadcast %mul3A_997 : f32 to vector<16xf32>
      %mul3A_999 = arith.mulf %get3A_996, %mul3A_998 : vector<16xf32>
      %add3A_1000 = arith.addf %add3A_968, %mul3A_999 : vector<16xf32>
      %get3A_1001 = arith.constant 75 : i32
      %get3A_1002 = arith.index_cast %get3A_1001 : i32 to index
      %get3A_1003 = arith.constant 0 : index
      %get3A_1004 = tpu.vector_load %arg10[%get3A_1002, %get3A_1003] {strides = array<i32>} : memref<106x16xf32, #tpu.memory_space<vmem>>, vector<16xf32>,
      %mul3A_1005 = arith.constant 1.90734863E-6 : f32
      %mul3A_1006 = vector.broadcast %mul3A_1005 : f32 to vector<16xf32>
      %mul3A_1007 = arith.mulf %get3A_1004, %mul3A_1006 : vector<16xf32>
      %add3A_1008 = arith.addf %add3A_976, %mul3A_1007 : vector<16xf32>
      %get3A_1009 = arith.constant 76 : i32
      %get3A_1010 = arith.index_cast %get3A_1009 : i32 to index
      %get3A_1011 = arith.constant 0 : index
      %get3A_1012 = tpu.vector_load %arg10[%get3A_1010, %get3A_1011] {strides = array<i32>} : memref<106x16xf32, #tpu.memory_space<vmem>>, vector<16xf32>,
      %mul3A_1013 = arith.constant 9.53674316E-7 : f32
      %mul3A_1014 = vector.broadcast %mul3A_1013 : f32 to vector<16xf32>
      %mul3A_1015 = arith.mulf %get3A_1012, %mul3A_1014 : vector<16xf32>
      %add3A_1016 = arith.addf %add3A_984, %mul3A_1015 : vector<16xf32>
      %get3A_1017 = arith.constant 77 : i32
      %get3A_1018 = arith.index_cast %get3A_1017 : i32 to index
      %get3A_1019 = arith.constant 0 : index
      %get3A_1020 = tpu.vector_load %arg10[%get3A_1018, %get3A_1019] {strides = array<i32>} : memref<106x16xf32, #tpu.memory_space<vmem>>, vector<16xf32>,
      %mul3A_1021 = arith.constant 4.76837158E-7 : f32
      %mul3A_1022 = vector.broadcast %mul3A_1021 : f32 to vector<16xf32>
      %mul3A_1023 = arith.mulf %get3A_1020, %mul3A_1022 : vector<16xf32>
      %add3A_1024 = arith.addf %add3A_992, %mul3A_1023 : vector<16xf32>
      %get3A_1025 = arith.constant 78 : i32
      %get3A_1026 = arith.index_cast %get3A_1025 : i32 to index
      %get3A_1027 = arith.constant 0 : index
      %get3A_1028 = tpu.vector_load %arg10[%get3A_1026, %get3A_1027] {strides = array<i32>} : memref<106x16xf32, #tpu.memory_space<vmem>>, vector<16xf32>,
      %mul3A_1029 = arith.constant 2.38418579E-7 : f32
      %mul3A_1030 = vector.broadcast %mul3A_1029 : f32 to vector<16xf32>
      %mul3A_1031 = arith.mulf %get3A_1028, %mul3A_1030 : vector<16xf32>
      %add3A_1032 = arith.addf %add3A_1000, %mul3A_1031 : vector<16xf32>
      %get3A_1033 = arith.constant 79 : i32
      %get3A_1034 = arith.index_cast %get3A_1033 : i32 to index
      %get3A_1035 = arith.constant 0 : index
      %get3A_1036 = tpu.vector_load %arg10[%get3A_1034, %get3A_1035] {strides = array<i32>} : memref<106x16xf32, #tpu.memory_space<vmem>>, vector<16xf32>,
      %mul3A_1037 = arith.constant 1.1920929E-7 : f32
      %mul3A_1038 = vector.broadcast %mul3A_1037 : f32 to vector<16xf32>
      %mul3A_1039 = arith.mulf %get3A_1036, %mul3A_1038 : vector<16xf32>
      %add3A_1040 = arith.addf %add3A_1008, %mul3A_1039 : vector<16xf32>
      %get3A_1041 = arith.constant 80 : i32
      %get3A_1042 = arith.index_cast %get3A_1041 : i32 to index
      %get3A_1043 = arith.constant 0 : index
      %get3A_1044 = tpu.vector_load %arg10[%get3A_1042, %get3A_1043] {strides = array<i32>} : memref<106x16xf32, #tpu.memory_space<vmem>>, vector<16xf32>,
      %mul3A_1045 = arith.constant 5.96046448E-8 : f32
      %mul3A_1046 = vector.broadcast %mul3A_1045 : f32 to vector<16xf32>
      %mul3A_1047 = arith.mulf %get3A_1044, %mul3A_1046 : vector<16xf32>
      %add3A_1048 = arith.addf %add3A_1016, %mul3A_1047 : vector<16xf32>
      %get3A_1049 = arith.constant 81 : i32
      %get3A_1050 = arith.index_cast %get3A_1049 : i32 to index
      %get3A_1051 = arith.constant 0 : index
      %get3A_1052 = tpu.vector_load %arg10[%get3A_1050, %get3A_1051] {strides = array<i32>} : memref<106x16xf32, #tpu.memory_space<vmem>>, vector<16xf32>,
      %mul3A_1053 = arith.constant 2.98023224E-8 : f32
      %mul3A_1054 = vector.broadcast %mul3A_1053 : f32 to vector<16xf32>
      %mul3A_1055 = arith.mulf %get3A_1052, %mul3A_1054 : vector<16xf32>
      %add3A_1056 = arith.addf %add3A_1024, %mul3A_1055 : vector<16xf32>
      %get3A_1057 = arith.constant 82 : i32
      %get3A_1058 = arith.index_cast %get3A_1057 : i32 to index
      %get3A_1059 = arith.constant 0 : index
      %get3A_1060 = tpu.vector_load %arg10[%get3A_1058, %get3A_1059] {strides = array<i32>} : memref<106x16xf32, #tpu.memory_space<vmem>>, vector<16xf32>,
      %mul3A_1061 = arith.constant 1.49011612E-8 : f32
      %mul3A_1062 = vector.broadcast %mul3A_1061 : f32 to vector<16xf32>
      %mul3A_1063 = arith.mulf %get3A_1060, %mul3A_1062 : vector<16xf32>
      %add3A_1064 = arith.addf %add3A_1032, %mul3A_1063 : vector<16xf32>
      %get3A_1065 = arith.constant 83 : i32
      %get3A_1066 = arith.index_cast %get3A_1065 : i32 to index
      %get3A_1067 = arith.constant 0 : index
      %get3A_1068 = tpu.vector_load %arg10[%get3A_1066, %get3A_1067] {strides = array<i32>} : memref<106x16xf32, #tpu.memory_space<vmem>>, vector<16xf32>,
      %mul3A_1069 = arith.constant 7.4505806E-9 : f32
      %mul3A_1070 = vector.broadcast %mul3A_1069 : f32 to vector<16xf32>
      %mul3A_1071 = arith.mulf %get3A_1068, %mul3A_1070 : vector<16xf32>
      %add3A_1072 = arith.addf %add3A_1040, %mul3A_1071 : vector<16xf32>
      %get3A_1073 = arith.constant 84 : i32
      %get3A_1074 = arith.index_cast %get3A_1073 : i32 to index
      %get3A_1075 = arith.constant 0 : index
      %get3A_1076 = tpu.vector_load %arg10[%get3A_1074, %get3A_1075] {strides = array<i32>} : memref<106x16xf32, #tpu.memory_space<vmem>>, vector<16xf32>,
      %mul3A_1077 = arith.constant 3.7252903E-9 : f32
      %mul3A_1078 = vector.broadcast %mul3A_1077 : f32 to vector<16xf32>
      %mul3A_1079 = arith.mulf %get3A_1076, %mul3A_1078 : vector<16xf32>
      %add3A_1080 = arith.addf %add3A_1048, %mul3A_1079 : vector<16xf32>
      %get3A_1081 = arith.constant 85 : i32
      %get3A_1082 = arith.index_cast %get3A_1081 : i32 to index
      %get3A_1083 = arith.constant 0 : index
      %get3A_1084 = tpu.vector_load %arg10[%get3A_1082, %get3A_1083] {strides = array<i32>} : memref<106x16xf32, #tpu.memory_space<vmem>>, vector<16xf32>,
      %mul3A_1085 = arith.constant 1.86264515E-9 : f32
      %mul3A_1086 = vector.broadcast %mul3A_1085 : f32 to vector<16xf32>
      %mul3A_1087 = arith.mulf %get3A_1084, %mul3A_1086 : vector<16xf32>
      %add3A_1088 = arith.addf %add3A_1056, %mul3A_1087 : vector<16xf32>
      %get3A_1089 = arith.constant 86 : i32
      %get3A_1090 = arith.index_cast %get3A_1089 : i32 to index
      %get3A_1091 = arith.constant 0 : index
      %get3A_1092 = tpu.vector_load %arg10[%get3A_1090, %get3A_1091] {strides = array<i32>} : memref<106x16xf32, #tpu.memory_space<vmem>>, vector<16xf32>,
      %mul3A_1093 = arith.constant 9.31322574E-10 : f32
      %mul3A_1094 = vector.broadcast %mul3A_1093 : f32 to vector<16xf32>
      %mul3A_1095 = arith.mulf %get3A_1092, %mul3A_1094 : vector<16xf32>
      %add3A_1096 = arith.addf %add3A_1064, %mul3A_1095 : vector<16xf32>
      %get3A_1097 = arith.constant 87 : i32
      %get3A_1098 = arith.index_cast %get3A_1097 : i32 to index
      %get3A_1099 = arith.constant 0 : index
      %get3A_1100 = tpu.vector_load %arg10[%get3A_1098, %get3A_1099] {strides = array<i32>} : memref<106x16xf32, #tpu.memory_space<vmem>>, vector<16xf32>,
      %mul3A_1101 = arith.constant 4.65661287E-10 : f32
      %mul3A_1102 = vector.broadcast %mul3A_1101 : f32 to vector<16xf32>
      %mul3A_1103 = arith.mulf %get3A_1100, %mul3A_1102 : vector<16xf32>
      %add3A_1104 = arith.addf %add3A_1072, %mul3A_1103 : vector<16xf32>
      %get3A_1105 = arith.constant 88 : i32
      %get3A_1106 = arith.index_cast %get3A_1105 : i32 to index
      %get3A_1107 = arith.constant 0 : index
      %get3A_1108 = tpu.vector_load %arg10[%get3A_1106, %get3A_1107] {strides = array<i32>} : memref<106x16xf32, #tpu.memory_space<vmem>>, vector<16xf32>,
      %mul3A_1109 = arith.constant 2.32830644E-10 : f32
      %mul3A_1110 = vector.broadcast %mul3A_1109 : f32 to vector<16xf32>
      %mul3A_1111 = arith.mulf %get3A_1108, %mul3A_1110 : vector<16xf32>
      %add3A_1112 = arith.addf %add3A_1080, %mul3A_1111 : vector<16xf32>
      %get3A_1113 = arith.constant 89 : i32
      %get3A_1114 = arith.index_cast %get3A_1113 : i32 to index
      %get3A_1115 = arith.constant 0 : index
      %get3A_1116 = tpu.vector_load %arg10[%get3A_1114, %get3A_1115] {strides = array<i32>} : memref<106x16xf32, #tpu.memory_space<vmem>>, vector<16xf32>,
      %mul3A_1117 = arith.constant 1.16415322E-10 : f32
      %mul3A_1118 = vector.broadcast %mul3A_1117 : f32 to vector<16xf32>
      %mul3A_1119 = arith.mulf %get3A_1116, %mul3A_1118 : vector<16xf32>
      %add3A_1120 = arith.addf %add3A_1088, %mul3A_1119 : vector<16xf32>
      %get3A_1121 = arith.constant 90 : i32
      %get3A_1122 = arith.index_cast %get3A_1121 : i32 to index
      %get3A_1123 = arith.constant 0 : index
      %get3A_1124 = tpu.vector_load %arg10[%get3A_1122, %get3A_1123] {strides = array<i32>} : memref<106x16xf32, #tpu.memory_space<vmem>>, vector<16xf32>,
      %mul3A_1125 = arith.constant 5.82076609E-11 : f32
      %mul3A_1126 = vector.broadcast %mul3A_1125 : f32 to vector<16xf32>
      %mul3A_1127 = arith.mulf %get3A_1124, %mul3A_1126 : vector<16xf32>
      %add3A_1128 = arith.addf %add3A_1096, %mul3A_1127 : vector<16xf32>
      %get3A_1129 = arith.constant 91 : i32
      %get3A_1130 = arith.index_cast %get3A_1129 : i32 to index
      %get3A_1131 = arith.constant 0 : index
      %get3A_1132 = tpu.vector_load %arg10[%get3A_1130, %get3A_1131] {strides = array<i32>} : memref<106x16xf32, #tpu.memory_space<vmem>>, vector<16xf32>,
      %mul3A_1133 = arith.constant 2.91038305E-11 : f32
      %mul3A_1134 = vector.broadcast %mul3A_1133 : f32 to vector<16xf32>
      %mul3A_1135 = arith.mulf %get3A_1132, %mul3A_1134 : vector<16xf32>
      %add3A_1136 = arith.addf %add3A_1104, %mul3A_1135 : vector<16xf32>
      %get3A_1137 = arith.constant 92 : i32
      %get3A_1138 = arith.index_cast %get3A_1137 : i32 to index
      %get3A_1139 = arith.constant 0 : index
      %get3A_1140 = tpu.vector_load %arg10[%get3A_1138, %get3A_1139] {strides = array<i32>} : memref<106x16xf32, #tpu.memory_space<vmem>>, vector<16xf32>,
      %mul3A_1141 = arith.constant 1.45519152E-11 : f32
      %mul3A_1142 = vector.broadcast %mul3A_1141 : f32 to vector<16xf32>
      %mul3A_1143 = arith.mulf %get3A_1140, %mul3A_1142 : vector<16xf32>
      %add3A_1144 = arith.addf %add3A_1112, %mul3A_1143 : vector<16xf32>
      %get3A_1145 = arith.constant 93 : i32
      %get3A_1146 = arith.index_cast %get3A_1145 : i32 to index
      %get3A_1147 = arith.constant 0 : index
      %get3A_1148 = tpu.vector_load %arg10[%get3A_1146, %get3A_1147] {strides = array<i32>} : memref<106x16xf32, #tpu.memory_space<vmem>>, vector<16xf32>,
      %mul3A_1149 = arith.constant 7.27595761E-12 : f32
      %mul3A_1150 = vector.broadcast %mul3A_1149 : f32 to vector<16xf32>
      %mul3A_1151 = arith.mulf %get3A_1148, %mul3A_1150 : vector<16xf32>
      %add3A_1152 = arith.addf %add3A_1120, %mul3A_1151 : vector<16xf32>
      %get3A_1153 = arith.constant 94 : i32
      %get3A_1154 = arith.index_cast %get3A_1153 : i32 to index
      %get3A_1155 = arith.constant 0 : index
      %get3A_1156 = tpu.vector_load %arg10[%get3A_1154, %get3A_1155] {strides = array<i32>} : memref<106x16xf32, #tpu.memory_space<vmem>>, vector<16xf32>,
      %mul3A_1157 = arith.constant 3.63797881E-12 : f32
      %mul3A_1158 = vector.broadcast %mul3A_1157 : f32 to vector<16xf32>
      %mul3A_1159 = arith.mulf %get3A_1156, %mul3A_1158 : vector<16xf32>
      %add3A_1160 = arith.addf %add3A_1128, %mul3A_1159 : vector<16xf32>
      %get3A_1161 = arith.constant 95 : i32
      %get3A_1162 = arith.index_cast %get3A_1161 : i32 to index
      %get3A_1163 = arith.constant 0 : index
      %get3A_1164 = tpu.vector_load %arg10[%get3A_1162, %get3A_1163] {strides = array<i32>} : memref<106x16xf32, #tpu.memory_space<vmem>>, vector<16xf32>,
      %mul3A_1165 = arith.constant 1.8189894E-12 : f32
      %mul3A_1166 = vector.broadcast %mul3A_1165 : f32 to vector<16xf32>
      %mul3A_1167 = arith.mulf %get3A_1164, %mul3A_1166 : vector<16xf32>
      %add3A_1168 = arith.addf %add3A_1136, %mul3A_1167 : vector<16xf32>
      %get3A_1169 = arith.constant 96 : i32
      %get3A_1170 = arith.index_cast %get3A_1169 : i32 to index
      %get3A_1171 = arith.constant 0 : index
      %get3A_1172 = tpu.vector_load %arg10[%get3A_1170, %get3A_1171] {strides = array<i32>} : memref<106x16xf32, #tpu.memory_space<vmem>>, vector<16xf32>,
      %mul3A_1173 = arith.constant 9.09494702E-13 : f32
      %mul3A_1174 = vector.broadcast %mul3A_1173 : f32 to vector<16xf32>
      %mul3A_1175 = arith.mulf %get3A_1172, %mul3A_1174 : vector<16xf32>
      %add3A_1176 = arith.addf %add3A_1144, %mul3A_1175 : vector<16xf32>
      %get3A_1177 = arith.constant 97 : i32
      %get3A_1178 = arith.index_cast %get3A_1177 : i32 to index
      %get3A_1179 = arith.constant 0 : index
      %get3A_1180 = tpu.vector_load %arg10[%get3A_1178, %get3A_1179] {strides = array<i32>} : memref<106x16xf32, #tpu.memory_space<vmem>>, vector<16xf32>,
      %mul3A_1181 = arith.constant 4.54747351E-13 : f32
      %mul3A_1182 = vector.broadcast %mul3A_1181 : f32 to vector<16xf32>
      %mul3A_1183 = arith.mulf %get3A_1180, %mul3A_1182 : vector<16xf32>
      %add3A_1184 = arith.addf %add3A_1152, %mul3A_1183 : vector<16xf32>
      %get3A_1185 = arith.constant 98 : i32
      %get3A_1186 = arith.index_cast %get3A_1185 : i32 to index
      %get3A_1187 = arith.constant 0 : index
      %get3A_1188 = tpu.vector_load %arg10[%get3A_1186, %get3A_1187] {strides = array<i32>} : memref<106x16xf32, #tpu.memory_space<vmem>>, vector<16xf32>,
      %mul3A_1189 = arith.constant 2.27373675E-13 : f32
      %mul3A_1190 = vector.broadcast %mul3A_1189 : f32 to vector<16xf32>
      %mul3A_1191 = arith.mulf %get3A_1188, %mul3A_1190 : vector<16xf32>
      %add3A_1192 = arith.addf %add3A_1160, %mul3A_1191 : vector<16xf32>
      %get3A_1193 = arith.constant 99 : i32
      %get3A_1194 = arith.index_cast %get3A_1193 : i32 to index
      %get3A_1195 = arith.constant 0 : index
      %get3A_1196 = tpu.vector_load %arg10[%get3A_1194, %get3A_1195] {strides = array<i32>} : memref<106x16xf32, #tpu.memory_space<vmem>>, vector<16xf32>,
      %mul3A_1197 = arith.constant 1.13686838E-13 : f32
      %mul3A_1198 = vector.broadcast %mul3A_1197 : f32 to vector<16xf32>
      %mul3A_1199 = arith.mulf %get3A_1196, %mul3A_1198 : vector<16xf32>
      %add3A_1200 = arith.addf %add3A_1168, %mul3A_1199 : vector<16xf32>
      %get3A_1201 = arith.constant 100 : i32
      %get3A_1202 = arith.index_cast %get3A_1201 : i32 to index
      %get3A_1203 = arith.constant 0 : index
      %get3A_1204 = tpu.vector_load %arg10[%get3A_1202, %get3A_1203] {strides = array<i32>} : memref<106x16xf32, #tpu.memory_space<vmem>>, vector<16xf32>,
      %mul3A_1205 = arith.constant 5.68434189E-14 : f32
      %mul3A_1206 = vector.broadcast %mul3A_1205 : f32 to vector<16xf32>
      %mul3A_1207 = arith.mulf %get3A_1204, %mul3A_1206 : vector<16xf32>
      %add3A_1208 = arith.addf %add3A_1176, %mul3A_1207 : vector<16xf32>
      %get3A_1209 = arith.constant 101 : i32
      %get3A_1210 = arith.index_cast %get3A_1209 : i32 to index
      %get3A_1211 = arith.constant 0 : index
      %get3A_1212 = tpu.vector_load %arg10[%get3A_1210, %get3A_1211] {strides = array<i32>} : memref<106x16xf32, #tpu.memory_space<vmem>>, vector<16xf32>,
      %mul3A_1213 = arith.constant 2.84217094E-14 : f32
      %mul3A_1214 = vector.broadcast %mul3A_1213 : f32 to vector<16xf32>
      %mul3A_1215 = arith.mulf %get3A_1212, %mul3A_1214 : vector<16xf32>
      %add3A_1216 = arith.addf %add3A_1184, %mul3A_1215 : vector<16xf32>
      %get3A_1217 = arith.constant 102 : i32
      %get3A_1218 = arith.index_cast %get3A_1217 : i32 to index
      %get3A_1219 = arith.constant 0 : index
      %get3A_1220 = tpu.vector_load %arg10[%get3A_1218, %get3A_1219] {strides = array<i32>} : memref<106x16xf32, #tpu.memory_space<vmem>>, vector<16xf32>,
      %mul3A_1221 = arith.constant 1.42108547E-14 : f32
      %mul3A_1222 = vector.broadcast %mul3A_1221 : f32 to vector<16xf32>
      %mul3A_1223 = arith.mulf %get3A_1220, %mul3A_1222 : vector<16xf32>
      %add3A_1224 = arith.addf %add3A_1192, %mul3A_1223 : vector<16xf32>
      %get3A_1225 = arith.constant 103 : i32
      %get3A_1226 = arith.index_cast %get3A_1225 : i32 to index
      %get3A_1227 = arith.constant 0 : index
      %get3A_1228 = tpu.vector_load %arg10[%get3A_1226, %get3A_1227] {strides = array<i32>} : memref<106x16xf32, #tpu.memory_space<vmem>>, vector<16xf32>,
      %mul3A_1229 = arith.constant 7.10542735E-15 : f32
      %mul3A_1230 = vector.broadcast %mul3A_1229 : f32 to vector<16xf32>
      %mul3A_1231 = arith.mulf %get3A_1228, %mul3A_1230 : vector<16xf32>
      %add3A_1232 = arith.addf %add3A_1200, %mul3A_1231 : vector<16xf32>
      %get3A_1233 = arith.constant 104 : i32
      %get3A_1234 = arith.index_cast %get3A_1233 : i32 to index
      %get3A_1235 = arith.constant 0 : index
      %get3A_1236 = tpu.vector_load %arg10[%get3A_1234, %get3A_1235] {strides = array<i32>} : memref<106x16xf32, #tpu.memory_space<vmem>>, vector<16xf32>,
      %mul3A_1237 = arith.constant 3.55271368E-15 : f32
      %mul3A_1238 = vector.broadcast %mul3A_1237 : f32 to vector<16xf32>
      %mul3A_1239 = arith.mulf %get3A_1236, %mul3A_1238 : vector<16xf32>
      %add3A_1240 = arith.addf %add3A_1208, %mul3A_1239 : vector<16xf32>
      %get3A_1241 = arith.constant 105 : i32
      %get3A_1242 = arith.index_cast %get3A_1241 : i32 to index
      %get3A_1243 = arith.constant 0 : index
      %get3A_1244 = tpu.vector_load %arg10[%get3A_1242, %get3A_1243] {strides = array<i32>} : memref<106x16xf32, #tpu.memory_space<vmem>>, vector<16xf32>,
      %mul3A_1245 = arith.constant 1.77635684E-15 : f32
      %mul3A_1246 = vector.broadcast %mul3A_1245 : f32 to vector<16xf32>
      %mul3A_1247 = arith.mulf %get3A_1244, %mul3A_1246 : vector<16xf32>
      %add3A_1248 = arith.addf %add3A_1216, %mul3A_1247 : vector<16xf32>
      %add3A_1249 = arith.addf %add3A_1240, %add3A_1248 : vector<16xf32>
      %add3A_1250 = arith.addf %add3A_1224, %add3A_1232 : vector<16xf32>
      %add3A_1251 = arith.addf %add3A_1249, %add3A_1250 : vector<16xf32>
      %get3A_1252 = arith.constant 24 : i32
      %get3A_1253 = arith.index_cast %get3A_1252 : i32 to index
      %get3A_1254 = arith.constant 0 : index
      %get3A_1255 = tpu.vector_load %arg11[%get3A_1253, %get3A_1254] {strides = array<i32>} : memref<44x32xf32, #tpu.memory_space<vmem>>, vector<16xf32>,
      %get3A_1256 = arith.constant 25 : i32
      %get3A_1257 = arith.index_cast %get3A_1256 : i32 to index
      %get3A_1258 = arith.constant 0 : index
      %get3A_1259 = tpu.vector_load %arg11[%get3A_1257, %get3A_1258] {strides = array<i32>} : memref<44x32xf32, #tpu.memory_space<vmem>>, vector<16xf32>,
      %get3A_1260 = arith.constant 26 : i32
      %get3A_1261 = arith.index_cast %get3A_1260 : i32 to index
      %get3A_1262 = arith.constant 0 : index
      %get3A_1263 = tpu.vector_load %arg11[%get3A_1261, %get3A_1262] {strides = array<i32>} : memref<44x32xf32, #tpu.memory_space<vmem>>, vector<16xf32>,
      %get3A_1264 = arith.constant 27 : i32
      %get3A_1265 = arith.index_cast %get3A_1264 : i32 to index
      %get3A_1266 = arith.constant 0 : index
      %get3A_1267 = tpu.vector_load %arg11[%get3A_1265, %get3A_1266] {strides = array<i32>} : memref<44x32xf32, #tpu.memory_space<vmem>>, vector<16xf32>,
      %get3A_1268 = arith.constant 28 : i32
      %get3A_1269 = arith.index_cast %get3A_1268 : i32 to index
      %get3A_1270 = arith.constant 0 : index
      %get3A_1271 = tpu.vector_load %arg11[%get3A_1269, %get3A_1270] {strides = array<i32>} : memref<44x32xf32, #tpu.memory_space<vmem>>, vector<16xf32>,
      %get3A_1272 = arith.constant 29 : i32
      %get3A_1273 = arith.index_cast %get3A_1272 : i32 to index
      %get3A_1274 = arith.constant 0 : index
      %get3A_1275 = tpu.vector_load %arg11[%get3A_1273, %get3A_1274] {strides = array<i32>} : memref<44x32xf32, #tpu.memory_space<vmem>>, vector<16xf32>,
      %get3A_1276 = arith.constant 30 : i32
      %get3A_1277 = arith.index_cast %get3A_1276 : i32 to index
      %get3A_1278 = arith.constant 0 : index
      %get3A_1279 = tpu.vector_load %arg11[%get3A_1277, %get3A_1278] {strides = array<i32>} : memref<44x32xf32, #tpu.memory_space<vmem>>, vector<16xf32>,
      %get3A_1280 = arith.constant 31 : i32
      %get3A_1281 = arith.index_cast %get3A_1280 : i32 to index
      %get3A_1282 = arith.constant 0 : index
      %get3A_1283 = tpu.vector_load %arg11[%get3A_1281, %get3A_1282] {strides = array<i32>} : memref<44x32xf32, #tpu.memory_space<vmem>>, vector<16xf32>,
      %get3A_1284 = arith.constant 32 : i32
      %get3A_1285 = arith.index_cast %get3A_1284 : i32 to index
      %get3A_1286 = arith.constant 0 : index
      %get3A_1287 = tpu.vector_load %arg11[%get3A_1285, %get3A_1286] {strides = array<i32>} : memref<44x32xf32, #tpu.memory_space<vmem>>, vector<16xf32>,
      %get3A_1288 = arith.constant 33 : i32
      %get3A_1289 = arith.index_cast %get3A_1288 : i32 to index
      %get3A_1290 = arith.constant 0 : index
      %get3A_1291 = tpu.vector_load %arg11[%get3A_1289, %get3A_1290] {strides = array<i32>} : memref<44x32xf32, #tpu.memory_space<vmem>>, vector<16xf32>,
      %get3A_1292 = arith.constant 34 : i32
      %get3A_1293 = arith.index_cast %get3A_1292 : i32 to index
      %get3A_1294 = arith.constant 0 : index
      %get3A_1295 = tpu.vector_load %arg11[%get3A_1293, %get3A_1294] {strides = array<i32>} : memref<44x32xf32, #tpu.memory_space<vmem>>, vector<16xf32>,
      %get3A_1296 = arith.constant 35 : i32
      %get3A_1297 = arith.index_cast %get3A_1296 : i32 to index
      %get3A_1298 = arith.constant 0 : index
      %get3A_1299 = tpu.vector_load %arg11[%get3A_1297, %get3A_1298] {strides = array<i32>} : memref<44x32xf32, #tpu.memory_space<vmem>>, vector<16xf32>,
      %get3A_1300 = arith.constant 36 : i32
      %get3A_1301 = arith.index_cast %get3A_1300 : i32 to index
      %get3A_1302 = arith.constant 0 : index
      %get3A_1303 = tpu.vector_load %arg11[%get3A_1301, %get3A_1302] {strides = array<i32>} : memref<44x32xf32, #tpu.memory_space<vmem>>, vector<16xf32>,
      %get3A_1304 = arith.constant 37 : i32
      %get3A_1305 = arith.index_cast %get3A_1304 : i32 to index
      %get3A_1306 = arith.constant 0 : index
      %get3A_1307 = tpu.vector_load %arg11[%get3A_1305, %get3A_1306] {strides = array<i32>} : memref<44x32xf32, #tpu.memory_space<vmem>>, vector<16xf32>,
      %get3A_1308 = arith.constant 38 : i32
      %get3A_1309 = arith.index_cast %get3A_1308 : i32 to index
      %get3A_1310 = arith.constant 0 : index
      %get3A_1311 = tpu.vector_load %arg11[%get3A_1309, %get3A_1310] {strides = array<i32>} : memref<44x32xf32, #tpu.memory_space<vmem>>, vector<16xf32>,
      %get3A_1312 = arith.constant 39 : i32
      %get3A_1313 = arith.index_cast %get3A_1312 : i32 to index
      %get3A_1314 = arith.constant 0 : index
      %get3A_1315 = tpu.vector_load %arg11[%get3A_1313, %get3A_1314] {strides = array<i32>} : memref<44x32xf32, #tpu.memory_space<vmem>>, vector<16xf32>,
      %get3A_1316 = arith.constant 40 : i32
      %get3A_1317 = arith.index_cast %get3A_1316 : i32 to index
      %get3A_1318 = arith.constant 0 : index
      %get3A_1319 = tpu.vector_load %arg11[%get3A_1317, %get3A_1318] {strides = array<i32>} : memref<44x32xf32, #tpu.memory_space<vmem>>, vector<16xf32>,
      %get3A_1320 = arith.constant 41 : i32
      %get3A_1321 = arith.index_cast %get3A_1320 : i32 to index
      %get3A_1322 = arith.constant 0 : index
      %get3A_1323 = tpu.vector_load %arg11[%get3A_1321, %get3A_1322] {strides = array<i32>} : memref<44x32xf32, #tpu.memory_space<vmem>>, vector<16xf32>,
      %get3A_1324 = arith.constant 42 : i32
      %get3A_1325 = arith.index_cast %get3A_1324 : i32 to index
      %get3A_1326 = arith.constant 0 : index
      %get3A_1327 = tpu.vector_load %arg11[%get3A_1325, %get3A_1326] {strides = array<i32>} : memref<44x32xf32, #tpu.memory_space<vmem>>, vector<16xf32>,
      %get3A_1328 = arith.constant 43 : i32
      %get3A_1329 = arith.index_cast %get3A_1328 : i32 to index
      %get3A_1330 = arith.constant 0 : index
      %get3A_1331 = tpu.vector_load %arg11[%get3A_1329, %get3A_1330] {strides = array<i32>} : memref<44x32xf32, #tpu.memory_space<vmem>>, vector<16xf32>,
      %add3A_1332 = arith.addf %get3A_1255, %get3A_1271 : vector<16xf32>
      %add3A_1333 = arith.addf %get3A_1259, %get3A_1275 : vector<16xf32>
      %add3A_1334 = arith.addf %get3A_1263, %get3A_1279 : vector<16xf32>
      %add3A_1335 = arith.addf %get3A_1267, %get3A_1283 : vector<16xf32>
      %add3A_1336 = arith.addf %add3A_1332, %get3A_1287 : vector<16xf32>
      %add3A_1337 = arith.addf %add3A_1333, %get3A_1291 : vector<16xf32>
      %add3A_1338 = arith.addf %add3A_1334, %get3A_1295 : vector<16xf32>
      %add3A_1339 = arith.addf %add3A_1335, %get3A_1299 : vector<16xf32>
      %add3A_1340 = arith.addf %add3A_1336, %get3A_1303 : vector<16xf32>
      %add3A_1341 = arith.addf %add3A_1337, %get3A_1307 : vector<16xf32>
      %add3A_1342 = arith.addf %add3A_1338, %get3A_1311 : vector<16xf32>
      %add3A_1343 = arith.addf %add3A_1339, %get3A_1315 : vector<16xf32>
      %add3A_1344 = arith.addf %add3A_1340, %get3A_1319 : vector<16xf32>
      %add3A_1345 = arith.addf %add3A_1341, %get3A_1323 : vector<16xf32>
      %add3A_1346 = arith.addf %add3A_1342, %get3A_1327 : vector<16xf32>
      %add3A_1347 = arith.addf %add3A_1343, %get3A_1331 : vector<16xf32>
      %add3A_1348 = arith.addf %add3A_1344, %add3A_1345 : vector<16xf32>
      %add3A_1349 = arith.addf %add3A_1346, %add3A_1347 : vector<16xf32>
      %add3A_1350 = arith.addf %add3A_1348, %add3A_1349 : vector<16xf32>
      %add3A_1351 = arith.addf %add3A_1251, %add3A_1350 : vector<16xf32>
      %broadcast_in_dim3A_1352 = arith.constant 0.000000e+00 : f32
      %broadcast_in_dim3A_1353 = vector.broadcast %broadcast_in_dim3A_1352 : f32 to vector<16xf32>
      %broadcast_in_dim3A_1354 = arith.constant 0.000000e+00 : f32
      %broadcast_in_dim3A_1355 = vector.broadcast %broadcast_in_dim3A_1354 : f32 to vector<16xf32>
      %get3A_1356 = arith.constant 24 : i32
      %get3A_1357 = arith.index_cast %get3A_1356 : i32 to index
      %get3A_1358 = arith.constant 16 : index
      %get3A_1359 = tpu.vector_load %arg11[%get3A_1357, %get3A_1358] {strides = array<i32>} : memref<44x32xf32, #tpu.memory_space<vmem>>, vector<16xf32>,
      %sub3A_1360 = arith.subf %add3A_1351, %get3A_1255 : vector<16xf32>
      %mul3A_1361 = arith.mulf %get3A_1359, %sub3A_1360 : vector<16xf32>
      %reduce_sum3A_1362 = arith.constant true
      %reduce_sum3A_1363 = vector.broadcast %reduce_sum3A_1362 : i1 to vector<16xi1>
      %reduce_sum3A_1364 = tpu.scan <sum>, %mul3A_1361 masked %reduce_sum3A_1363 : vector<16xf32>, vector<16xi1> -> vector<16xf32>
      %reduce_sum3A_1365 = vector.extract %reduce_sum3A_1364[15] : f32 from vector<16xf32>
      %eq3A_1366 = arith.constant 0 : i32
      %eq3A_1367 = vector.broadcast %eq3A_1366 : i32 to vector<16xi32>
      %eq3A_1368 = arith.cmpi eq, %iota3A, %eq3A_1367 : vector<16xi32>
      %broadcast_in_dim3A_1369 = vector.broadcast %reduce_sum3A_1365 : f32 to vector<16xf32>
      %select_n3A_1370 = arith.select %eq3A_1368, %broadcast_in_dim3A_1369, %broadcast_in_dim3A_1353 : vector<16xi1>, vector<16xf32>
      %get3A_1371 = arith.constant 25 : i32
      %get3A_1372 = arith.index_cast %get3A_1371 : i32 to index
      %get3A_1373 = arith.constant 16 : index
      %get3A_1374 = tpu.vector_load %arg11[%get3A_1372, %get3A_1373] {strides = array<i32>} : memref<44x32xf32, #tpu.memory_space<vmem>>, vector<16xf32>,
      %sub3A_1375 = arith.subf %add3A_1351, %get3A_1259 : vector<16xf32>
      %mul3A_1376 = arith.mulf %get3A_1374, %sub3A_1375 : vector<16xf32>
      %reduce_sum3A_1377 = arith.constant true
      %reduce_sum3A_1378 = vector.broadcast %reduce_sum3A_1377 : i1 to vector<16xi1>
      %reduce_sum3A_1379 = tpu.scan <sum>, %mul3A_1376 masked %reduce_sum3A_1378 : vector<16xf32>, vector<16xi1> -> vector<16xf32>
      %reduce_sum3A_1380 = vector.extract %reduce_sum3A_1379[15] : f32 from vector<16xf32>
      %eq3A_1381 = arith.constant 1 : i32
      %eq3A_1382 = vector.broadcast %eq3A_1381 : i32 to vector<16xi32>
      %eq3A_1383 = arith.cmpi eq, %iota3A, %eq3A_1382 : vector<16xi32>
      %broadcast_in_dim3A_1384 = vector.broadcast %reduce_sum3A_1380 : f32 to vector<16xf32>
      %select_n3A_1385 = arith.select %eq3A_1383, %broadcast_in_dim3A_1384, %select_n3A_1370 : vector<16xi1>, vector<16xf32>
      %get3A_1386 = arith.constant 26 : i32
      %get3A_1387 = arith.index_cast %get3A_1386 : i32 to index
      %get3A_1388 = arith.constant 16 : index
      %get3A_1389 = tpu.vector_load %arg11[%get3A_1387, %get3A_1388] {strides = array<i32>} : memref<44x32xf32, #tpu.memory_space<vmem>>, vector<16xf32>,
      %sub3A_1390 = arith.subf %add3A_1351, %get3A_1263 : vector<16xf32>
      %mul3A_1391 = arith.mulf %get3A_1389, %sub3A_1390 : vector<16xf32>
      %reduce_sum3A_1392 = arith.constant true
      %reduce_sum3A_1393 = vector.broadcast %reduce_sum3A_1392 : i1 to vector<16xi1>
      %reduce_sum3A_1394 = tpu.scan <sum>, %mul3A_1391 masked %reduce_sum3A_1393 : vector<16xf32>, vector<16xi1> -> vector<16xf32>
      %reduce_sum3A_1395 = vector.extract %reduce_sum3A_1394[15] : f32 from vector<16xf32>
      %eq3A_1396 = arith.constant 2 : i32
      %eq3A_1397 = vector.broadcast %eq3A_1396 : i32 to vector<16xi32>
      %eq3A_1398 = arith.cmpi eq, %iota3A, %eq3A_1397 : vector<16xi32>
      %broadcast_in_dim3A_1399 = vector.broadcast %reduce_sum3A_1395 : f32 to vector<16xf32>
      %select_n3A_1400 = arith.select %eq3A_1398, %broadcast_in_dim3A_1399, %select_n3A_1385 : vector<16xi1>, vector<16xf32>
      %get3A_1401 = arith.constant 27 : i32
      %get3A_1402 = arith.index_cast %get3A_1401 : i32 to index
      %get3A_1403 = arith.constant 16 : index
      %get3A_1404 = tpu.vector_load %arg11[%get3A_1402, %get3A_1403] {strides = array<i32>} : memref<44x32xf32, #tpu.memory_space<vmem>>, vector<16xf32>,
      %sub3A_1405 = arith.subf %add3A_1351, %get3A_1267 : vector<16xf32>
      %mul3A_1406 = arith.mulf %get3A_1404, %sub3A_1405 : vector<16xf32>
      %reduce_sum3A_1407 = arith.constant true
      %reduce_sum3A_1408 = vector.broadcast %reduce_sum3A_1407 : i1 to vector<16xi1>
      %reduce_sum3A_1409 = tpu.scan <sum>, %mul3A_1406 masked %reduce_sum3A_1408 : vector<16xf32>, vector<16xi1> -> vector<16xf32>
      %reduce_sum3A_1410 = vector.extract %reduce_sum3A_1409[15] : f32 from vector<16xf32>
      %eq3A_1411 = arith.constant 3 : i32
      %eq3A_1412 = vector.broadcast %eq3A_1411 : i32 to vector<16xi32>
      %eq3A_1413 = arith.cmpi eq, %iota3A, %eq3A_1412 : vector<16xi32>
      %broadcast_in_dim3A_1414 = vector.broadcast %reduce_sum3A_1410 : f32 to vector<16xf32>
      %select_n3A_1415 = arith.select %eq3A_1413, %broadcast_in_dim3A_1414, %select_n3A_1400 : vector<16xi1>, vector<16xf32>
      %get3A_1416 = arith.constant 28 : i32
      %get3A_1417 = arith.index_cast %get3A_1416 : i32 to index
      %get3A_1418 = arith.constant 16 : index
      %get3A_1419 = tpu.vector_load %arg11[%get3A_1417, %get3A_1418] {strides = array<i32>} : memref<44x32xf32, #tpu.memory_space<vmem>>, vector<16xf32>,
      %sub3A_1420 = arith.subf %add3A_1351, %get3A_1271 : vector<16xf32>
      %mul3A_1421 = arith.mulf %get3A_1419, %sub3A_1420 : vector<16xf32>
      %reduce_sum3A_1422 = arith.constant true
      %reduce_sum3A_1423 = vector.broadcast %reduce_sum3A_1422 : i1 to vector<16xi1>
      %reduce_sum3A_1424 = tpu.scan <sum>, %mul3A_1421 masked %reduce_sum3A_1423 : vector<16xf32>, vector<16xi1> -> vector<16xf32>
      %reduce_sum3A_1425 = vector.extract %reduce_sum3A_1424[15] : f32 from vector<16xf32>
      %eq3A_1426 = arith.constant 4 : i32
      %eq3A_1427 = vector.broadcast %eq3A_1426 : i32 to vector<16xi32>
      %eq3A_1428 = arith.cmpi eq, %iota3A, %eq3A_1427 : vector<16xi32>
      %broadcast_in_dim3A_1429 = vector.broadcast %reduce_sum3A_1425 : f32 to vector<16xf32>
      %select_n3A_1430 = arith.select %eq3A_1428, %broadcast_in_dim3A_1429, %select_n3A_1415 : vector<16xi1>, vector<16xf32>
      %get3A_1431 = arith.constant 29 : i32
      %get3A_1432 = arith.index_cast %get3A_1431 : i32 to index
      %get3A_1433 = arith.constant 16 : index
      %get3A_1434 = tpu.vector_load %arg11[%get3A_1432, %get3A_1433] {strides = array<i32>} : memref<44x32xf32, #tpu.memory_space<vmem>>, vector<16xf32>,
      %sub3A_1435 = arith.subf %add3A_1351, %get3A_1275 : vector<16xf32>
      %mul3A_1436 = arith.mulf %get3A_1434, %sub3A_1435 : vector<16xf32>
      %reduce_sum3A_1437 = arith.constant true
      %reduce_sum3A_1438 = vector.broadcast %reduce_sum3A_1437 : i1 to vector<16xi1>
      %reduce_sum3A_1439 = tpu.scan <sum>, %mul3A_1436 masked %reduce_sum3A_1438 : vector<16xf32>, vector<16xi1> -> vector<16xf32>
      %reduce_sum3A_1440 = vector.extract %reduce_sum3A_1439[15] : f32 from vector<16xf32>
      %eq3A_1441 = arith.constant 5 : i32
      %eq3A_1442 = vector.broadcast %eq3A_1441 : i32 to vector<16xi32>
      %eq3A_1443 = arith.cmpi eq, %iota3A, %eq3A_1442 : vector<16xi32>
      %broadcast_in_dim3A_1444 = vector.broadcast %reduce_sum3A_1440 : f32 to vector<16xf32>
      %select_n3A_1445 = arith.select %eq3A_1443, %broadcast_in_dim3A_1444, %select_n3A_1430 : vector<16xi1>, vector<16xf32>
      %get3A_1446 = arith.constant 30 : i32
      %get3A_1447 = arith.index_cast %get3A_1446 : i32 to index
      %get3A_1448 = arith.constant 16 : index
      %get3A_1449 = tpu.vector_load %arg11[%get3A_1447, %get3A_1448] {strides = array<i32>} : memref<44x32xf32, #tpu.memory_space<vmem>>, vector<16xf32>,
      %sub3A_1450 = arith.subf %add3A_1351, %get3A_1279 : vector<16xf32>
      %mul3A_1451 = arith.mulf %get3A_1449, %sub3A_1450 : vector<16xf32>
      %reduce_sum3A_1452 = arith.constant true
      %reduce_sum3A_1453 = vector.broadcast %reduce_sum3A_1452 : i1 to vector<16xi1>
      %reduce_sum3A_1454 = tpu.scan <sum>, %mul3A_1451 masked %reduce_sum3A_1453 : vector<16xf32>, vector<16xi1> -> vector<16xf32>
      %reduce_sum3A_1455 = vector.extract %reduce_sum3A_1454[15] : f32 from vector<16xf32>
      %eq3A_1456 = arith.constant 6 : i32
      %eq3A_1457 = vector.broadcast %eq3A_1456 : i32 to vector<16xi32>
      %eq3A_1458 = arith.cmpi eq, %iota3A, %eq3A_1457 : vector<16xi32>
      %broadcast_in_dim3A_1459 = vector.broadcast %reduce_sum3A_1455 : f32 to vector<16xf32>
      %select_n3A_1460 = arith.select %eq3A_1458, %broadcast_in_dim3A_1459, %select_n3A_1445 : vector<16xi1>, vector<16xf32>
      %get3A_1461 = arith.constant 31 : i32
      %get3A_1462 = arith.index_cast %get3A_1461 : i32 to index
      %get3A_1463 = arith.constant 16 : index
      %get3A_1464 = tpu.vector_load %arg11[%get3A_1462, %get3A_1463] {strides = array<i32>} : memref<44x32xf32, #tpu.memory_space<vmem>>, vector<16xf32>,
      %sub3A_1465 = arith.subf %add3A_1351, %get3A_1283 : vector<16xf32>
      %mul3A_1466 = arith.mulf %get3A_1464, %sub3A_1465 : vector<16xf32>
      %reduce_sum3A_1467 = arith.constant true
      %reduce_sum3A_1468 = vector.broadcast %reduce_sum3A_1467 : i1 to vector<16xi1>
      %reduce_sum3A_1469 = tpu.scan <sum>, %mul3A_1466 masked %reduce_sum3A_1468 : vector<16xf32>, vector<16xi1> -> vector<16xf32>
      %reduce_sum3A_1470 = vector.extract %reduce_sum3A_1469[15] : f32 from vector<16xf32>
      %eq3A_1471 = arith.constant 7 : i32
      %eq3A_1472 = vector.broadcast %eq3A_1471 : i32 to vector<16xi32>
      %eq3A_1473 = arith.cmpi eq, %iota3A, %eq3A_1472 : vector<16xi32>
      %broadcast_in_dim3A_1474 = vector.broadcast %reduce_sum3A_1470 : f32 to vector<16xf32>
      %select_n3A_1475 = arith.select %eq3A_1473, %broadcast_in_dim3A_1474, %select_n3A_1460 : vector<16xi1>, vector<16xf32>
      %get3A_1476 = arith.constant 32 : i32
      %get3A_1477 = arith.index_cast %get3A_1476 : i32 to index
      %get3A_1478 = arith.constant 16 : index
      %get3A_1479 = tpu.vector_load %arg11[%get3A_1477, %get3A_1478] {strides = array<i32>} : memref<44x32xf32, #tpu.memory_space<vmem>>, vector<16xf32>,
      %sub3A_1480 = arith.subf %add3A_1351, %get3A_1287 : vector<16xf32>
      %mul3A_1481 = arith.mulf %get3A_1479, %sub3A_1480 : vector<16xf32>
      %reduce_sum3A_1482 = arith.constant true
      %reduce_sum3A_1483 = vector.broadcast %reduce_sum3A_1482 : i1 to vector<16xi1>
      %reduce_sum3A_1484 = tpu.scan <sum>, %mul3A_1481 masked %reduce_sum3A_1483 : vector<16xf32>, vector<16xi1> -> vector<16xf32>
      %reduce_sum3A_1485 = vector.extract %reduce_sum3A_1484[15] : f32 from vector<16xf32>
      %eq3A_1486 = arith.constant 8 : i32
      %eq3A_1487 = vector.broadcast %eq3A_1486 : i32 to vector<16xi32>
      %eq3A_1488 = arith.cmpi eq, %iota3A, %eq3A_1487 : vector<16xi32>
      %broadcast_in_dim3A_1489 = vector.broadcast %reduce_sum3A_1485 : f32 to vector<16xf32>
      %select_n3A_1490 = arith.select %eq3A_1488, %broadcast_in_dim3A_1489, %select_n3A_1475 : vector<16xi1>, vector<16xf32>
      %get3A_1491 = arith.constant 33 : i32
      %get3A_1492 = arith.index_cast %get3A_1491 : i32 to index
      %get3A_1493 = arith.constant 16 : index
      %get3A_1494 = tpu.vector_load %arg11[%get3A_1492, %get3A_1493] {strides = array<i32>} : memref<44x32xf32, #tpu.memory_space<vmem>>, vector<16xf32>,
      %sub3A_1495 = arith.subf %add3A_1351, %get3A_1291 : vector<16xf32>
      %mul3A_1496 = arith.mulf %get3A_1494, %sub3A_1495 : vector<16xf32>
      %reduce_sum3A_1497 = arith.constant true
      %reduce_sum3A_1498 = vector.broadcast %reduce_sum3A_1497 : i1 to vector<16xi1>
      %reduce_sum3A_1499 = tpu.scan <sum>, %mul3A_1496 masked %reduce_sum3A_1498 : vector<16xf32>, vector<16xi1> -> vector<16xf32>
      %reduce_sum3A_1500 = vector.extract %reduce_sum3A_1499[15] : f32 from vector<16xf32>
      %eq3A_1501 = arith.constant 9 : i32
      %eq3A_1502 = vector.broadcast %eq3A_1501 : i32 to vector<16xi32>
      %eq3A_1503 = arith.cmpi eq, %iota3A, %eq3A_1502 : vector<16xi32>
      %broadcast_in_dim3A_1504 = vector.broadcast %reduce_sum3A_1500 : f32 to vector<16xf32>
      %select_n3A_1505 = arith.select %eq3A_1503, %broadcast_in_dim3A_1504, %select_n3A_1490 : vector<16xi1>, vector<16xf32>
      %get3A_1506 = arith.constant 34 : i32
      %get3A_1507 = arith.index_cast %get3A_1506 : i32 to index
      %get3A_1508 = arith.constant 16 : index
      %get3A_1509 = tpu.vector_load %arg11[%get3A_1507, %get3A_1508] {strides = array<i32>} : memref<44x32xf32, #tpu.memory_space<vmem>>, vector<16xf32>,
      %sub3A_1510 = arith.subf %add3A_1351, %get3A_1295 : vector<16xf32>
      %mul3A_1511 = arith.mulf %get3A_1509, %sub3A_1510 : vector<16xf32>
      %reduce_sum3A_1512 = arith.constant true
      %reduce_sum3A_1513 = vector.broadcast %reduce_sum3A_1512 : i1 to vector<16xi1>
      %reduce_sum3A_1514 = tpu.scan <sum>, %mul3A_1511 masked %reduce_sum3A_1513 : vector<16xf32>, vector<16xi1> -> vector<16xf32>
      %reduce_sum3A_1515 = vector.extract %reduce_sum3A_1514[15] : f32 from vector<16xf32>
      %eq3A_1516 = arith.constant 10 : i32
      %eq3A_1517 = vector.broadcast %eq3A_1516 : i32 to vector<16xi32>
      %eq3A_1518 = arith.cmpi eq, %iota3A, %eq3A_1517 : vector<16xi32>
      %broadcast_in_dim3A_1519 = vector.broadcast %reduce_sum3A_1515 : f32 to vector<16xf32>
      %select_n3A_1520 = arith.select %eq3A_1518, %broadcast_in_dim3A_1519, %select_n3A_1505 : vector<16xi1>, vector<16xf32>
      %get3A_1521 = arith.constant 35 : i32
      %get3A_1522 = arith.index_cast %get3A_1521 : i32 to index
      %get3A_1523 = arith.constant 16 : index
      %get3A_1524 = tpu.vector_load %arg11[%get3A_1522, %get3A_1523] {strides = array<i32>} : memref<44x32xf32, #tpu.memory_space<vmem>>, vector<16xf32>,
      %sub3A_1525 = arith.subf %add3A_1351, %get3A_1299 : vector<16xf32>
      %mul3A_1526 = arith.mulf %get3A_1524, %sub3A_1525 : vector<16xf32>
      %reduce_sum3A_1527 = arith.constant true
      %reduce_sum3A_1528 = vector.broadcast %reduce_sum3A_1527 : i1 to vector<16xi1>
      %reduce_sum3A_1529 = tpu.scan <sum>, %mul3A_1526 masked %reduce_sum3A_1528 : vector<16xf32>, vector<16xi1> -> vector<16xf32>
      %reduce_sum3A_1530 = vector.extract %reduce_sum3A_1529[15] : f32 from vector<16xf32>
      %eq3A_1531 = arith.constant 11 : i32
      %eq3A_1532 = vector.broadcast %eq3A_1531 : i32 to vector<16xi32>
      %eq3A_1533 = arith.cmpi eq, %iota3A, %eq3A_1532 : vector<16xi32>
      %broadcast_in_dim3A_1534 = vector.broadcast %reduce_sum3A_1530 : f32 to vector<16xf32>
      %select_n3A_1535 = arith.select %eq3A_1533, %broadcast_in_dim3A_1534, %select_n3A_1520 : vector<16xi1>, vector<16xf32>
      %get3A_1536 = arith.constant 36 : i32
      %get3A_1537 = arith.index_cast %get3A_1536 : i32 to index
      %get3A_1538 = arith.constant 16 : index
      %get3A_1539 = tpu.vector_load %arg11[%get3A_1537, %get3A_1538] {strides = array<i32>} : memref<44x32xf32, #tpu.memory_space<vmem>>, vector<16xf32>,
      %sub3A_1540 = arith.subf %add3A_1351, %get3A_1303 : vector<16xf32>
      %mul3A_1541 = arith.mulf %get3A_1539, %sub3A_1540 : vector<16xf32>
      %reduce_sum3A_1542 = arith.constant true
      %reduce_sum3A_1543 = vector.broadcast %reduce_sum3A_1542 : i1 to vector<16xi1>
      %reduce_sum3A_1544 = tpu.scan <sum>, %mul3A_1541 masked %reduce_sum3A_1543 : vector<16xf32>, vector<16xi1> -> vector<16xf32>
      %reduce_sum3A_1545 = vector.extract %reduce_sum3A_1544[15] : f32 from vector<16xf32>
      %eq3A_1546 = arith.constant 12 : i32
      %eq3A_1547 = vector.broadcast %eq3A_1546 : i32 to vector<16xi32>
      %eq3A_1548 = arith.cmpi eq, %iota3A, %eq3A_1547 : vector<16xi32>
      %broadcast_in_dim3A_1549 = vector.broadcast %reduce_sum3A_1545 : f32 to vector<16xf32>
      %select_n3A_1550 = arith.select %eq3A_1548, %broadcast_in_dim3A_1549, %select_n3A_1535 : vector<16xi1>, vector<16xf32>
      %get3A_1551 = arith.constant 37 : i32
      %get3A_1552 = arith.index_cast %get3A_1551 : i32 to index
      %get3A_1553 = arith.constant 16 : index
      %get3A_1554 = tpu.vector_load %arg11[%get3A_1552, %get3A_1553] {strides = array<i32>} : memref<44x32xf32, #tpu.memory_space<vmem>>, vector<16xf32>,
      %sub3A_1555 = arith.subf %add3A_1351, %get3A_1307 : vector<16xf32>
      %mul3A_1556 = arith.mulf %get3A_1554, %sub3A_1555 : vector<16xf32>
      %reduce_sum3A_1557 = arith.constant true
      %reduce_sum3A_1558 = vector.broadcast %reduce_sum3A_1557 : i1 to vector<16xi1>
      %reduce_sum3A_1559 = tpu.scan <sum>, %mul3A_1556 masked %reduce_sum3A_1558 : vector<16xf32>, vector<16xi1> -> vector<16xf32>
      %reduce_sum3A_1560 = vector.extract %reduce_sum3A_1559[15] : f32 from vector<16xf32>
      %eq3A_1561 = arith.constant 13 : i32
      %eq3A_1562 = vector.broadcast %eq3A_1561 : i32 to vector<16xi32>
      %eq3A_1563 = arith.cmpi eq, %iota3A, %eq3A_1562 : vector<16xi32>
      %broadcast_in_dim3A_1564 = vector.broadcast %reduce_sum3A_1560 : f32 to vector<16xf32>
      %select_n3A_1565 = arith.select %eq3A_1563, %broadcast_in_dim3A_1564, %select_n3A_1550 : vector<16xi1>, vector<16xf32>
      %get3A_1566 = arith.constant 38 : i32
      %get3A_1567 = arith.index_cast %get3A_1566 : i32 to index
      %get3A_1568 = arith.constant 16 : index
      %get3A_1569 = tpu.vector_load %arg11[%get3A_1567, %get3A_1568] {strides = array<i32>} : memref<44x32xf32, #tpu.memory_space<vmem>>, vector<16xf32>,
      %sub3A_1570 = arith.subf %add3A_1351, %get3A_1311 : vector<16xf32>
      %mul3A_1571 = arith.mulf %get3A_1569, %sub3A_1570 : vector<16xf32>
      %reduce_sum3A_1572 = arith.constant true
      %reduce_sum3A_1573 = vector.broadcast %reduce_sum3A_1572 : i1 to vector<16xi1>
      %reduce_sum3A_1574 = tpu.scan <sum>, %mul3A_1571 masked %reduce_sum3A_1573 : vector<16xf32>, vector<16xi1> -> vector<16xf32>
      %reduce_sum3A_1575 = vector.extract %reduce_sum3A_1574[15] : f32 from vector<16xf32>
      %eq3A_1576 = arith.constant 14 : i32
      %eq3A_1577 = vector.broadcast %eq3A_1576 : i32 to vector<16xi32>
      %eq3A_1578 = arith.cmpi eq, %iota3A, %eq3A_1577 : vector<16xi32>
      %broadcast_in_dim3A_1579 = vector.broadcast %reduce_sum3A_1575 : f32 to vector<16xf32>
      %select_n3A_1580 = arith.select %eq3A_1578, %broadcast_in_dim3A_1579, %select_n3A_1565 : vector<16xi1>, vector<16xf32>
      %get3A_1581 = arith.constant 39 : i32
      %get3A_1582 = arith.index_cast %get3A_1581 : i32 to index
      %get3A_1583 = arith.constant 16 : index
      %get3A_1584 = tpu.vector_load %arg11[%get3A_1582, %get3A_1583] {strides = array<i32>} : memref<44x32xf32, #tpu.memory_space<vmem>>, vector<16xf32>,
      %sub3A_1585 = arith.subf %add3A_1351, %get3A_1315 : vector<16xf32>
      %mul3A_1586 = arith.mulf %get3A_1584, %sub3A_1585 : vector<16xf32>
      %reduce_sum3A_1587 = arith.constant true
      %reduce_sum3A_1588 = vector.broadcast %reduce_sum3A_1587 : i1 to vector<16xi1>
      %reduce_sum3A_1589 = tpu.scan <sum>, %mul3A_1586 masked %reduce_sum3A_1588 : vector<16xf32>, vector<16xi1> -> vector<16xf32>
      %reduce_sum3A_1590 = vector.extract %reduce_sum3A_1589[15] : f32 from vector<16xf32>
      %eq3A_1591 = arith.constant 15 : i32
      %eq3A_1592 = vector.broadcast %eq3A_1591 : i32 to vector<16xi32>
      %eq3A_1593 = arith.cmpi eq, %iota3A, %eq3A_1592 : vector<16xi32>
      %broadcast_in_dim3A_1594 = vector.broadcast %reduce_sum3A_1590 : f32 to vector<16xf32>
      %select_n3A_1595 = arith.select %eq3A_1593, %broadcast_in_dim3A_1594, %select_n3A_1580 : vector<16xi1>, vector<16xf32>
      %get3A_1596 = arith.constant 40 : i32
      %get3A_1597 = arith.index_cast %get3A_1596 : i32 to index
      %get3A_1598 = arith.constant 16 : index
      %get3A_1599 = tpu.vector_load %arg11[%get3A_1597, %get3A_1598] {strides = array<i32>} : memref<44x32xf32, #tpu.memory_space<vmem>>, vector<16xf32>,
      %sub3A_1600 = arith.subf %add3A_1351, %get3A_1319 : vector<16xf32>
      %mul3A_1601 = arith.mulf %get3A_1599, %sub3A_1600 : vector<16xf32>
      %reduce_sum3A_1602 = arith.constant true
      %reduce_sum3A_1603 = vector.broadcast %reduce_sum3A_1602 : i1 to vector<16xi1>
      %reduce_sum3A_1604 = tpu.scan <sum>, %mul3A_1601 masked %reduce_sum3A_1603 : vector<16xf32>, vector<16xi1> -> vector<16xf32>
      %reduce_sum3A_1605 = vector.extract %reduce_sum3A_1604[15] : f32 from vector<16xf32>
      %eq3A_1606 = arith.constant 0 : i32
      %eq3A_1607 = vector.broadcast %eq3A_1606 : i32 to vector<16xi32>
      %eq3A_1608 = arith.cmpi eq, %iota3A, %eq3A_1607 : vector<16xi32>
      %broadcast_in_dim3A_1609 = vector.broadcast %reduce_sum3A_1605 : f32 to vector<16xf32>
      %select_n3A_1610 = arith.select %eq3A_1608, %broadcast_in_dim3A_1609, %broadcast_in_dim3A_1355 : vector<16xi1>, vector<16xf32>
      %get3A_1611 = arith.constant 41 : i32
      %get3A_1612 = arith.index_cast %get3A_1611 : i32 to index
      %get3A_1613 = arith.constant 16 : index
      %get3A_1614 = tpu.vector_load %arg11[%get3A_1612, %get3A_1613] {strides = array<i32>} : memref<44x32xf32, #tpu.memory_space<vmem>>, vector<16xf32>,
      %sub3A_1615 = arith.subf %add3A_1351, %get3A_1323 : vector<16xf32>
      %mul3A_1616 = arith.mulf %get3A_1614, %sub3A_1615 : vector<16xf32>
      %reduce_sum3A_1617 = arith.constant true
      %reduce_sum3A_1618 = vector.broadcast %reduce_sum3A_1617 : i1 to vector<16xi1>
      %reduce_sum3A_1619 = tpu.scan <sum>, %mul3A_1616 masked %reduce_sum3A_1618 : vector<16xf32>, vector<16xi1> -> vector<16xf32>
      %reduce_sum3A_1620 = vector.extract %reduce_sum3A_1619[15] : f32 from vector<16xf32>
      %eq3A_1621 = arith.constant 1 : i32
      %eq3A_1622 = vector.broadcast %eq3A_1621 : i32 to vector<16xi32>
      %eq3A_1623 = arith.cmpi eq, %iota3A, %eq3A_1622 : vector<16xi32>
      %broadcast_in_dim3A_1624 = vector.broadcast %reduce_sum3A_1620 : f32 to vector<16xf32>
      %select_n3A_1625 = arith.select %eq3A_1623, %broadcast_in_dim3A_1624, %select_n3A_1610 : vector<16xi1>, vector<16xf32>
      %get3A_1626 = arith.constant 42 : i32
      %get3A_1627 = arith.index_cast %get3A_1626 : i32 to index
      %get3A_1628 = arith.constant 16 : index
      %get3A_1629 = tpu.vector_load %arg11[%get3A_1627, %get3A_1628] {strides = array<i32>} : memref<44x32xf32, #tpu.memory_space<vmem>>, vector<16xf32>,
      %sub3A_1630 = arith.subf %add3A_1351, %get3A_1327 : vector<16xf32>
      %mul3A_1631 = arith.mulf %get3A_1629, %sub3A_1630 : vector<16xf32>
      %reduce_sum3A_1632 = arith.constant true
      %reduce_sum3A_1633 = vector.broadcast %reduce_sum3A_1632 : i1 to vector<16xi1>
      %reduce_sum3A_1634 = tpu.scan <sum>, %mul3A_1631 masked %reduce_sum3A_1633 : vector<16xf32>, vector<16xi1> -> vector<16xf32>
      %reduce_sum3A_1635 = vector.extract %reduce_sum3A_1634[15] : f32 from vector<16xf32>
      %eq3A_1636 = arith.constant 2 : i32
      %eq3A_1637 = vector.broadcast %eq3A_1636 : i32 to vector<16xi32>
      %eq3A_1638 = arith.cmpi eq, %iota3A, %eq3A_1637 : vector<16xi32>
      %broadcast_in_dim3A_1639 = vector.broadcast %reduce_sum3A_1635 : f32 to vector<16xf32>
      %select_n3A_1640 = arith.select %eq3A_1638, %broadcast_in_dim3A_1639, %select_n3A_1625 : vector<16xi1>, vector<16xf32>
      %get3A_1641 = arith.constant 43 : i32
      %get3A_1642 = arith.index_cast %get3A_1641 : i32 to index
      %get3A_1643 = arith.constant 16 : index
      %get3A_1644 = tpu.vector_load %arg11[%get3A_1642, %get3A_1643] {strides = array<i32>} : memref<44x32xf32, #tpu.memory_space<vmem>>, vector<16xf32>,
      %sub3A_1645 = arith.subf %add3A_1351, %get3A_1331 : vector<16xf32>
      %mul3A_1646 = arith.mulf %get3A_1644, %sub3A_1645 : vector<16xf32>
      %reduce_sum3A_1647 = arith.constant true
      %reduce_sum3A_1648 = vector.broadcast %reduce_sum3A_1647 : i1 to vector<16xi1>
      %reduce_sum3A_1649 = tpu.scan <sum>, %mul3A_1646 masked %reduce_sum3A_1648 : vector<16xf32>, vector<16xi1> -> vector<16xf32>
      %reduce_sum3A_1650 = vector.extract %reduce_sum3A_1649[15] : f32 from vector<16xf32>
      %eq3A_1651 = arith.constant 3 : i32
      %eq3A_1652 = vector.broadcast %eq3A_1651 : i32 to vector<16xi32>
      %eq3A_1653 = arith.cmpi eq, %iota3A, %eq3A_1652 : vector<16xi32>
      %broadcast_in_dim3A_1654 = vector.broadcast %reduce_sum3A_1650 : f32 to vector<16xf32>
      %select_n3A_1655 = arith.select %eq3A_1653, %broadcast_in_dim3A_1654, %select_n3A_1640 : vector<16xi1>, vector<16xf32>
      %mul3A_1656 = arith.constant 32 : i32
      %mul3A_1657 = arith.muli %add3A_855, %mul3A_1656 : i32
      %swap3A_1658 = arith.index_cast %mul3A_1657 : i32 to index
      %swap3A_1659 = tpu.vector_load %arg9[%swap3A_1658] {strides = array<i32>} : memref<16384xf32, #tpu.memory_space<vmem>>, vector<16xf32>,
      tpu.vector_store %arg9[%swap3A_1658], %select_n3A_1595 {strides = array<i32>} : memref<16384xf32, #tpu.memory_space<vmem>>, vector<16xf32>,
      %mul3A_1660 = arith.constant 32 : i32
      %mul3A_1661 = arith.muli %add3A_855, %mul3A_1660 : i32
      %add3A_1662 = arith.constant 16 : i32
      %add3A_1663 = arith.addi %mul3A_1661, %add3A_1662 : i32
      %swap3A_1664 = arith.index_cast %add3A_1663 : i32 to index
      %swap3A_1665 = tpu.vector_load %arg9[%swap3A_1664] {strides = array<i32>} : memref<16384xf32, #tpu.memory_space<vmem>>, vector<16xf32>,
      tpu.vector_store %arg9[%swap3A_1664], %select_n3A_1655 {strides = array<i32>} : memref<16384xf32, #tpu.memory_space<vmem>>, vector<16xf32>,
      %add3A_1666 = arith.constant 1 : i32
      %add3A_1667 = arith.addi %mul3A_25, %add3A_1666 : i32
      %add3A_1668 = arith.constant 1 : i32
      %add3A_1669 = arith.addi %add3A_1667, %add3A_1668 : i32
      %lt3A_1670 = arith.constant 256 : i32
      %lt3A_1671 = arith.cmpi slt, %add3A_1669, %lt3A_1670 : i32
      %convert_element_type3A_1672 = arith.extui %lt3A_1671 : i1 to i32
      %cond3A_1673 = arith.constant 0 : i32
      %cond3A_1674 = arith.cmpi ne, %convert_element_type3A_1672, %cond3A_1673 : i32
      scf.if %cond3A_1674 {
        %mul3A_3317 = arith.constant 2 : i32
        %mul3A_3318 = arith.muli %add3A_1669, %mul3A_3317 : i32
        %mul3A_3319 = arith.constant 56 : i32
        %mul3A_3320 = arith.muli %mul3A_3318, %mul3A_3319 : i32
        %dma_start3A_3321 = tpu.memref_slice %arg7[%mul3A_3320] : memref<28672xi32, #tpu.memory_space<vmem>> -> memref<106xi32, #tpu.memory_space<vmem>>
        %dma_start3A_3322 = arith.constant 0 : i32
        %dma_start3A_3323 = arith.constant 0 : i32
        %dma_start3A_3324 = tpu.memref_slice %arg4[%dma_start3A_3322, %dma_start3A_3323] : memref<1015808x16xf32, #tpu.memory_space<hbm>> -> memref<1015808x16xf32, #tpu.memory_space<hbm>>
        tpu.enqueue_indirect_dma source(%dma_start3A_3324 : memref<1015808x16xf32, #tpu.memory_space<hbm>>) target(%arg10 : memref<106x16xf32, #tpu.memory_space<vmem>>) offsets(%dma_start3A_3321 : memref<106xi32, #tpu.memory_space<vmem>>) semaphore(%arg14 : memref<!tpu.dma_semaphore, #tpu.memory_space<semaphore_mem>>)
        %mul3A_3325 = arith.constant 2 : i32
        %mul3A_3326 = arith.muli %add3A_1669, %mul3A_3325 : i32
        %mul3A_3327 = arith.constant 24 : i32
        %mul3A_3328 = arith.muli %mul3A_3326, %mul3A_3327 : i32
        %dma_start3A_3329 = tpu.memref_slice %arg8[%mul3A_3328] : memref<12288xi32, #tpu.memory_space<vmem>> -> memref<44xi32, #tpu.memory_space<vmem>>
        %dma_start3A_3330 = arith.constant 0 : i32
        %dma_start3A_3331 = arith.constant 0 : i32
        %dma_start3A_3332 = tpu.memref_slice %arg5[%dma_start3A_3330, %dma_start3A_3331] : memref<1015808x32xf32, #tpu.memory_space<hbm>> -> memref<1015808x32xf32, #tpu.memory_space<hbm>>
        tpu.enqueue_indirect_dma source(%dma_start3A_3332 : memref<1015808x32xf32, #tpu.memory_space<hbm>>) target(%arg11 : memref<44x32xf32, #tpu.memory_space<vmem>>) offsets(%dma_start3A_3329 : memref<44xi32, #tpu.memory_space<vmem>>) semaphore(%arg15 : memref<!tpu.dma_semaphore, #tpu.memory_space<semaphore_mem>>)
      } else {
      }
      %mul3A_1675 = arith.constant 2 : i32
      %mul3A_1676 = arith.muli %add3A_1667, %mul3A_1675 : i32
      %mul3A_1677 = arith.constant 56 : i32
      %mul3A_1678 = arith.muli %mul3A_1676, %mul3A_1677 : i32
      %dma_wait3A_1679 = tpu.memref_slice %arg7[%mul3A_1678] : memref<28672xi32, #tpu.memory_space<vmem>> -> memref<106xi32, #tpu.memory_space<vmem>>
      %dma_wait3A_1680 = arith.constant 0 : i32
      %dma_wait3A_1681 = arith.constant 0 : i32
      %dma_wait3A_1682 = tpu.memref_slice %arg4[%dma_wait3A_1680, %dma_wait3A_1681] : memref<1015808x16xf32, #tpu.memory_space<hbm>> -> memref<1015808x16xf32, #tpu.memory_space<hbm>>
      tpu.wait_indirect_dma semaphore(%arg16 : memref<!tpu.dma_semaphore, #tpu.memory_space<semaphore_mem>>) src(%dma_wait3A_1682 : memref<1015808x16xf32, #tpu.memory_space<hbm>>) dst(%arg12 : memref<106x16xf32, #tpu.memory_space<vmem>>)
      %mul3A_1683 = arith.constant 2 : i32
      %mul3A_1684 = arith.muli %add3A_1667, %mul3A_1683 : i32
      %mul3A_1685 = arith.constant 24 : i32
      %mul3A_1686 = arith.muli %mul3A_1684, %mul3A_1685 : i32
      %dma_wait3A_1687 = tpu.memref_slice %arg8[%mul3A_1686] : memref<12288xi32, #tpu.memory_space<vmem>> -> memref<44xi32, #tpu.memory_space<vmem>>
      %dma_wait3A_1688 = arith.constant 0 : i32
      %dma_wait3A_1689 = arith.constant 0 : i32
      %dma_wait3A_1690 = tpu.memref_slice %arg5[%dma_wait3A_1688, %dma_wait3A_1689] : memref<1015808x32xf32, #tpu.memory_space<hbm>> -> memref<1015808x32xf32, #tpu.memory_space<hbm>>
      tpu.wait_indirect_dma semaphore(%arg17 : memref<!tpu.dma_semaphore, #tpu.memory_space<semaphore_mem>>) src(%dma_wait3A_1690 : memref<1015808x32xf32, #tpu.memory_space<hbm>>) dst(%arg13 : memref<44x32xf32, #tpu.memory_space<vmem>>)
      %mul3A_1691 = arith.constant 2 : i32
      %mul3A_1692 = arith.muli %add3A_1667, %mul3A_1691 : i32
      %get3A_1693 = arith.constant 0 : i32
      %get3A_1694 = arith.index_cast %get3A_1693 : i32 to index
      %get3A_1695 = arith.constant 0 : index
      %get3A_1696 = tpu.vector_load %arg12[%get3A_1694, %get3A_1695] {strides = array<i32>} : memref<106x16xf32, #tpu.memory_space<vmem>>, vector<16xf32>,
      %get3A_1697 = arith.constant 1 : i32
      %get3A_1698 = arith.index_cast %get3A_1697 : i32 to index
      %get3A_1699 = arith.constant 0 : index
      %get3A_1700 = tpu.vector_load %arg12[%get3A_1698, %get3A_1699] {strides = array<i32>} : memref<106x16xf32, #tpu.memory_space<vmem>>, vector<16xf32>,
      %mul3A_1701 = arith.constant 5.000000e-01 : f32
      %mul3A_1702 = vector.broadcast %mul3A_1701 : f32 to vector<16xf32>
      %mul3A_1703 = arith.mulf %get3A_1700, %mul3A_1702 : vector<16xf32>
      %get3A_1704 = arith.constant 2 : i32
      %get3A_1705 = arith.index_cast %get3A_1704 : i32 to index
      %get3A_1706 = arith.constant 0 : index
      %get3A_1707 = tpu.vector_load %arg12[%get3A_1705, %get3A_1706] {strides = array<i32>} : memref<106x16xf32, #tpu.memory_space<vmem>>, vector<16xf32>,
      %mul3A_1708 = arith.constant 2.500000e-01 : f32
      %mul3A_1709 = vector.broadcast %mul3A_1708 : f32 to vector<16xf32>
      %mul3A_1710 = arith.mulf %get3A_1707, %mul3A_1709 : vector<16xf32>
      %get3A_1711 = arith.constant 3 : i32
      %get3A_1712 = arith.index_cast %get3A_1711 : i32 to index
      %get3A_1713 = arith.constant 0 : index
      %get3A_1714 = tpu.vector_load %arg12[%get3A_1712, %get3A_1713] {strides = array<i32>} : memref<106x16xf32, #tpu.memory_space<vmem>>, vector<16xf32>,
      %mul3A_1715 = arith.constant 1.250000e-01 : f32
      %mul3A_1716 = vector.broadcast %mul3A_1715 : f32 to vector<16xf32>
      %mul3A_1717 = arith.mulf %get3A_1714, %mul3A_1716 : vector<16xf32>
      %get3A_1718 = arith.constant 4 : i32
      %get3A_1719 = arith.index_cast %get3A_1718 : i32 to index
      %get3A_1720 = arith.constant 0 : index
      %get3A_1721 = tpu.vector_load %arg12[%get3A_1719, %get3A_1720] {strides = array<i32>} : memref<106x16xf32, #tpu.memory_space<vmem>>, vector<16xf32>,
      %mul3A_1722 = arith.constant 6.250000e-02 : f32
      %mul3A_1723 = vector.broadcast %mul3A_1722 : f32 to vector<16xf32>
      %mul3A_1724 = arith.mulf %get3A_1721, %mul3A_1723 : vector<16xf32>
      %add3A_1725 = arith.addf %get3A_1696, %mul3A_1724 : vector<16xf32>
      %get3A_1726 = arith.constant 5 : i32
      %get3A_1727 = arith.index_cast %get3A_1726 : i32 to index
      %get3A_1728 = arith.constant 0 : index
      %get3A_1729 = tpu.vector_load %arg12[%get3A_1727, %get3A_1728] {strides = array<i32>} : memref<106x16xf32, #tpu.memory_space<vmem>>, vector<16xf32>,
      %mul3A_1730 = arith.constant 3.125000e-02 : f32
      %mul3A_1731 = vector.broadcast %mul3A_1730 : f32 to vector<16xf32>
      %mul3A_1732 = arith.mulf %get3A_1729, %mul3A_1731 : vector<16xf32>
      %add3A_1733 = arith.addf %mul3A_1703, %mul3A_1732 : vector<16xf32>
      %get3A_1734 = arith.constant 6 : i32
      %get3A_1735 = arith.index_cast %get3A_1734 : i32 to index
      %get3A_1736 = arith.constant 0 : index
      %get3A_1737 = tpu.vector_load %arg12[%get3A_1735, %get3A_1736] {strides = array<i32>} : memref<106x16xf32, #tpu.memory_space<vmem>>, vector<16xf32>,
      %mul3A_1738 = arith.constant 1.562500e-02 : f32
      %mul3A_1739 = vector.broadcast %mul3A_1738 : f32 to vector<16xf32>
      %mul3A_1740 = arith.mulf %get3A_1737, %mul3A_1739 : vector<16xf32>
      %add3A_1741 = arith.addf %mul3A_1710, %mul3A_1740 : vector<16xf32>
      %get3A_1742 = arith.constant 7 : i32
      %get3A_1743 = arith.index_cast %get3A_1742 : i32 to index
      %get3A_1744 = arith.constant 0 : index
      %get3A_1745 = tpu.vector_load %arg12[%get3A_1743, %get3A_1744] {strides = array<i32>} : memref<106x16xf32, #tpu.memory_space<vmem>>, vector<16xf32>,
      %mul3A_1746 = arith.constant 7.812500e-03 : f32
      %mul3A_1747 = vector.broadcast %mul3A_1746 : f32 to vector<16xf32>
      %mul3A_1748 = arith.mulf %get3A_1745, %mul3A_1747 : vector<16xf32>
      %add3A_1749 = arith.addf %mul3A_1717, %mul3A_1748 : vector<16xf32>
      %get3A_1750 = arith.constant 8 : i32
      %get3A_1751 = arith.index_cast %get3A_1750 : i32 to index
      %get3A_1752 = arith.constant 0 : index
      %get3A_1753 = tpu.vector_load %arg12[%get3A_1751, %get3A_1752] {strides = array<i32>} : memref<106x16xf32, #tpu.memory_space<vmem>>, vector<16xf32>,
      %mul3A_1754 = arith.constant 3.906250e-03 : f32
      %mul3A_1755 = vector.broadcast %mul3A_1754 : f32 to vector<16xf32>
      %mul3A_1756 = arith.mulf %get3A_1753, %mul3A_1755 : vector<16xf32>
      %add3A_1757 = arith.addf %add3A_1725, %mul3A_1756 : vector<16xf32>
      %get3A_1758 = arith.constant 9 : i32
      %get3A_1759 = arith.index_cast %get3A_1758 : i32 to index
      %get3A_1760 = arith.constant 0 : index
      %get3A_1761 = tpu.vector_load %arg12[%get3A_1759, %get3A_1760] {strides = array<i32>} : memref<106x16xf32, #tpu.memory_space<vmem>>, vector<16xf32>,
      %mul3A_1762 = arith.constant 0.001953125 : f32
      %mul3A_1763 = vector.broadcast %mul3A_1762 : f32 to vector<16xf32>
      %mul3A_1764 = arith.mulf %get3A_1761, %mul3A_1763 : vector<16xf32>
      %add3A_1765 = arith.addf %add3A_1733, %mul3A_1764 : vector<16xf32>
      %get3A_1766 = arith.constant 10 : i32
      %get3A_1767 = arith.index_cast %get3A_1766 : i32 to index
      %get3A_1768 = arith.constant 0 : index
      %get3A_1769 = tpu.vector_load %arg12[%get3A_1767, %get3A_1768] {strides = array<i32>} : memref<106x16xf32, #tpu.memory_space<vmem>>, vector<16xf32>,
      %mul3A_1770 = arith.constant 9.765625E-4 : f32
      %mul3A_1771 = vector.broadcast %mul3A_1770 : f32 to vector<16xf32>
      %mul3A_1772 = arith.mulf %get3A_1769, %mul3A_1771 : vector<16xf32>
      %add3A_1773 = arith.addf %add3A_1741, %mul3A_1772 : vector<16xf32>
      %get3A_1774 = arith.constant 11 : i32
      %get3A_1775 = arith.index_cast %get3A_1774 : i32 to index
      %get3A_1776 = arith.constant 0 : index
      %get3A_1777 = tpu.vector_load %arg12[%get3A_1775, %get3A_1776] {strides = array<i32>} : memref<106x16xf32, #tpu.memory_space<vmem>>, vector<16xf32>,
      %mul3A_1778 = arith.constant 4.8828125E-4 : f32
      %mul3A_1779 = vector.broadcast %mul3A_1778 : f32 to vector<16xf32>
      %mul3A_1780 = arith.mulf %get3A_1777, %mul3A_1779 : vector<16xf32>
      %add3A_1781 = arith.addf %add3A_1749, %mul3A_1780 : vector<16xf32>
      %get3A_1782 = arith.constant 12 : i32
      %get3A_1783 = arith.index_cast %get3A_1782 : i32 to index
      %get3A_1784 = arith.constant 0 : index
      %get3A_1785 = tpu.vector_load %arg12[%get3A_1783, %get3A_1784] {strides = array<i32>} : memref<106x16xf32, #tpu.memory_space<vmem>>, vector<16xf32>,
      %mul3A_1786 = arith.constant 2.44140625E-4 : f32
      %mul3A_1787 = vector.broadcast %mul3A_1786 : f32 to vector<16xf32>
      %mul3A_1788 = arith.mulf %get3A_1785, %mul3A_1787 : vector<16xf32>
      %add3A_1789 = arith.addf %add3A_1757, %mul3A_1788 : vector<16xf32>
      %get3A_1790 = arith.constant 13 : i32
      %get3A_1791 = arith.index_cast %get3A_1790 : i32 to index
      %get3A_1792 = arith.constant 0 : index
      %get3A_1793 = tpu.vector_load %arg12[%get3A_1791, %get3A_1792] {strides = array<i32>} : memref<106x16xf32, #tpu.memory_space<vmem>>, vector<16xf32>,
      %mul3A_1794 = arith.constant 1.22070313E-4 : f32
      %mul3A_1795 = vector.broadcast %mul3A_1794 : f32 to vector<16xf32>
      %mul3A_1796 = arith.mulf %get3A_1793, %mul3A_1795 : vector<16xf32>
      %add3A_1797 = arith.addf %add3A_1765, %mul3A_1796 : vector<16xf32>
      %get3A_1798 = arith.constant 14 : i32
      %get3A_1799 = arith.index_cast %get3A_1798 : i32 to index
      %get3A_1800 = arith.constant 0 : index
      %get3A_1801 = tpu.vector_load %arg12[%get3A_1799, %get3A_1800] {strides = array<i32>} : memref<106x16xf32, #tpu.memory_space<vmem>>, vector<16xf32>,
      %mul3A_1802 = arith.constant 6.10351563E-5 : f32
      %mul3A_1803 = vector.broadcast %mul3A_1802 : f32 to vector<16xf32>
      %mul3A_1804 = arith.mulf %get3A_1801, %mul3A_1803 : vector<16xf32>
      %add3A_1805 = arith.addf %add3A_1773, %mul3A_1804 : vector<16xf32>
      %get3A_1806 = arith.constant 15 : i32
      %get3A_1807 = arith.index_cast %get3A_1806 : i32 to index
      %get3A_1808 = arith.constant 0 : index
      %get3A_1809 = tpu.vector_load %arg12[%get3A_1807, %get3A_1808] {strides = array<i32>} : memref<106x16xf32, #tpu.memory_space<vmem>>, vector<16xf32>,
      %mul3A_1810 = arith.constant 3.05175781E-5 : f32
      %mul3A_1811 = vector.broadcast %mul3A_1810 : f32 to vector<16xf32>
      %mul3A_1812 = arith.mulf %get3A_1809, %mul3A_1811 : vector<16xf32>
      %add3A_1813 = arith.addf %add3A_1781, %mul3A_1812 : vector<16xf32>
      %get3A_1814 = arith.constant 16 : i32
      %get3A_1815 = arith.index_cast %get3A_1814 : i32 to index
      %get3A_1816 = arith.constant 0 : index
      %get3A_1817 = tpu.vector_load %arg12[%get3A_1815, %get3A_1816] {strides = array<i32>} : memref<106x16xf32, #tpu.memory_space<vmem>>, vector<16xf32>,
      %mul3A_1818 = arith.constant 1.52587891E-5 : f32
      %mul3A_1819 = vector.broadcast %mul3A_1818 : f32 to vector<16xf32>
      %mul3A_1820 = arith.mulf %get3A_1817, %mul3A_1819 : vector<16xf32>
      %add3A_1821 = arith.addf %add3A_1789, %mul3A_1820 : vector<16xf32>
      %get3A_1822 = arith.constant 17 : i32
      %get3A_1823 = arith.index_cast %get3A_1822 : i32 to index
      %get3A_1824 = arith.constant 0 : index
      %get3A_1825 = tpu.vector_load %arg12[%get3A_1823, %get3A_1824] {strides = array<i32>} : memref<106x16xf32, #tpu.memory_space<vmem>>, vector<16xf32>,
      %mul3A_1826 = arith.constant 7.62939453E-6 : f32
      %mul3A_1827 = vector.broadcast %mul3A_1826 : f32 to vector<16xf32>
      %mul3A_1828 = arith.mulf %get3A_1825, %mul3A_1827 : vector<16xf32>
      %add3A_1829 = arith.addf %add3A_1797, %mul3A_1828 : vector<16xf32>
      %get3A_1830 = arith.constant 18 : i32
      %get3A_1831 = arith.index_cast %get3A_1830 : i32 to index
      %get3A_1832 = arith.constant 0 : index
      %get3A_1833 = tpu.vector_load %arg12[%get3A_1831, %get3A_1832] {strides = array<i32>} : memref<106x16xf32, #tpu.memory_space<vmem>>, vector<16xf32>,
      %mul3A_1834 = arith.constant 3.81469727E-6 : f32
      %mul3A_1835 = vector.broadcast %mul3A_1834 : f32 to vector<16xf32>
      %mul3A_1836 = arith.mulf %get3A_1833, %mul3A_1835 : vector<16xf32>
      %add3A_1837 = arith.addf %add3A_1805, %mul3A_1836 : vector<16xf32>
      %get3A_1838 = arith.constant 19 : i32
      %get3A_1839 = arith.index_cast %get3A_1838 : i32 to index
      %get3A_1840 = arith.constant 0 : index
      %get3A_1841 = tpu.vector_load %arg12[%get3A_1839, %get3A_1840] {strides = array<i32>} : memref<106x16xf32, #tpu.memory_space<vmem>>, vector<16xf32>,
      %mul3A_1842 = arith.constant 1.90734863E-6 : f32
      %mul3A_1843 = vector.broadcast %mul3A_1842 : f32 to vector<16xf32>
      %mul3A_1844 = arith.mulf %get3A_1841, %mul3A_1843 : vector<16xf32>
      %add3A_1845 = arith.addf %add3A_1813, %mul3A_1844 : vector<16xf32>
      %get3A_1846 = arith.constant 20 : i32
      %get3A_1847 = arith.index_cast %get3A_1846 : i32 to index
      %get3A_1848 = arith.constant 0 : index
      %get3A_1849 = tpu.vector_load %arg12[%get3A_1847, %get3A_1848] {strides = array<i32>} : memref<106x16xf32, #tpu.memory_space<vmem>>, vector<16xf32>,
      %mul3A_1850 = arith.constant 9.53674316E-7 : f32
      %mul3A_1851 = vector.broadcast %mul3A_1850 : f32 to vector<16xf32>
      %mul3A_1852 = arith.mulf %get3A_1849, %mul3A_1851 : vector<16xf32>
      %add3A_1853 = arith.addf %add3A_1821, %mul3A_1852 : vector<16xf32>
      %get3A_1854 = arith.constant 21 : i32
      %get3A_1855 = arith.index_cast %get3A_1854 : i32 to index
      %get3A_1856 = arith.constant 0 : index
      %get3A_1857 = tpu.vector_load %arg12[%get3A_1855, %get3A_1856] {strides = array<i32>} : memref<106x16xf32, #tpu.memory_space<vmem>>, vector<16xf32>,
      %mul3A_1858 = arith.constant 4.76837158E-7 : f32
      %mul3A_1859 = vector.broadcast %mul3A_1858 : f32 to vector<16xf32>
      %mul3A_1860 = arith.mulf %get3A_1857, %mul3A_1859 : vector<16xf32>
      %add3A_1861 = arith.addf %add3A_1829, %mul3A_1860 : vector<16xf32>
      %get3A_1862 = arith.constant 22 : i32
      %get3A_1863 = arith.index_cast %get3A_1862 : i32 to index
      %get3A_1864 = arith.constant 0 : index
      %get3A_1865 = tpu.vector_load %arg12[%get3A_1863, %get3A_1864] {strides = array<i32>} : memref<106x16xf32, #tpu.memory_space<vmem>>, vector<16xf32>,
      %mul3A_1866 = arith.constant 2.38418579E-7 : f32
      %mul3A_1867 = vector.broadcast %mul3A_1866 : f32 to vector<16xf32>
      %mul3A_1868 = arith.mulf %get3A_1865, %mul3A_1867 : vector<16xf32>
      %add3A_1869 = arith.addf %add3A_1837, %mul3A_1868 : vector<16xf32>
      %get3A_1870 = arith.constant 23 : i32
      %get3A_1871 = arith.index_cast %get3A_1870 : i32 to index
      %get3A_1872 = arith.constant 0 : index
      %get3A_1873 = tpu.vector_load %arg12[%get3A_1871, %get3A_1872] {strides = array<i32>} : memref<106x16xf32, #tpu.memory_space<vmem>>, vector<16xf32>,
      %mul3A_1874 = arith.constant 1.1920929E-7 : f32
      %mul3A_1875 = vector.broadcast %mul3A_1874 : f32 to vector<16xf32>
      %mul3A_1876 = arith.mulf %get3A_1873, %mul3A_1875 : vector<16xf32>
      %add3A_1877 = arith.addf %add3A_1845, %mul3A_1876 : vector<16xf32>
      %get3A_1878 = arith.constant 24 : i32
      %get3A_1879 = arith.index_cast %get3A_1878 : i32 to index
      %get3A_1880 = arith.constant 0 : index
      %get3A_1881 = tpu.vector_load %arg12[%get3A_1879, %get3A_1880] {strides = array<i32>} : memref<106x16xf32, #tpu.memory_space<vmem>>, vector<16xf32>,
      %mul3A_1882 = arith.constant 5.96046448E-8 : f32
      %mul3A_1883 = vector.broadcast %mul3A_1882 : f32 to vector<16xf32>
      %mul3A_1884 = arith.mulf %get3A_1881, %mul3A_1883 : vector<16xf32>
      %add3A_1885 = arith.addf %add3A_1853, %mul3A_1884 : vector<16xf32>
      %get3A_1886 = arith.constant 25 : i32
      %get3A_1887 = arith.index_cast %get3A_1886 : i32 to index
      %get3A_1888 = arith.constant 0 : index
      %get3A_1889 = tpu.vector_load %arg12[%get3A_1887, %get3A_1888] {strides = array<i32>} : memref<106x16xf32, #tpu.memory_space<vmem>>, vector<16xf32>,
      %mul3A_1890 = arith.constant 2.98023224E-8 : f32
      %mul3A_1891 = vector.broadcast %mul3A_1890 : f32 to vector<16xf32>
      %mul3A_1892 = arith.mulf %get3A_1889, %mul3A_1891 : vector<16xf32>
      %add3A_1893 = arith.addf %add3A_1861, %mul3A_1892 : vector<16xf32>
      %get3A_1894 = arith.constant 26 : i32
      %get3A_1895 = arith.index_cast %get3A_1894 : i32 to index
      %get3A_1896 = arith.constant 0 : index
      %get3A_1897 = tpu.vector_load %arg12[%get3A_1895, %get3A_1896] {strides = array<i32>} : memref<106x16xf32, #tpu.memory_space<vmem>>, vector<16xf32>,
      %mul3A_1898 = arith.constant 1.49011612E-8 : f32
      %mul3A_1899 = vector.broadcast %mul3A_1898 : f32 to vector<16xf32>
      %mul3A_1900 = arith.mulf %get3A_1897, %mul3A_1899 : vector<16xf32>
      %add3A_1901 = arith.addf %add3A_1869, %mul3A_1900 : vector<16xf32>
      %get3A_1902 = arith.constant 27 : i32
      %get3A_1903 = arith.index_cast %get3A_1902 : i32 to index
      %get3A_1904 = arith.constant 0 : index
      %get3A_1905 = tpu.vector_load %arg12[%get3A_1903, %get3A_1904] {strides = array<i32>} : memref<106x16xf32, #tpu.memory_space<vmem>>, vector<16xf32>,
      %mul3A_1906 = arith.constant 7.4505806E-9 : f32
      %mul3A_1907 = vector.broadcast %mul3A_1906 : f32 to vector<16xf32>
      %mul3A_1908 = arith.mulf %get3A_1905, %mul3A_1907 : vector<16xf32>
      %add3A_1909 = arith.addf %add3A_1877, %mul3A_1908 : vector<16xf32>
      %get3A_1910 = arith.constant 28 : i32
      %get3A_1911 = arith.index_cast %get3A_1910 : i32 to index
      %get3A_1912 = arith.constant 0 : index
      %get3A_1913 = tpu.vector_load %arg12[%get3A_1911, %get3A_1912] {strides = array<i32>} : memref<106x16xf32, #tpu.memory_space<vmem>>, vector<16xf32>,
      %mul3A_1914 = arith.constant 3.7252903E-9 : f32
      %mul3A_1915 = vector.broadcast %mul3A_1914 : f32 to vector<16xf32>
      %mul3A_1916 = arith.mulf %get3A_1913, %mul3A_1915 : vector<16xf32>
      %add3A_1917 = arith.addf %add3A_1885, %mul3A_1916 : vector<16xf32>
      %get3A_1918 = arith.constant 29 : i32
      %get3A_1919 = arith.index_cast %get3A_1918 : i32 to index
      %get3A_1920 = arith.constant 0 : index
      %get3A_1921 = tpu.vector_load %arg12[%get3A_1919, %get3A_1920] {strides = array<i32>} : memref<106x16xf32, #tpu.memory_space<vmem>>, vector<16xf32>,
      %mul3A_1922 = arith.constant 1.86264515E-9 : f32
      %mul3A_1923 = vector.broadcast %mul3A_1922 : f32 to vector<16xf32>
      %mul3A_1924 = arith.mulf %get3A_1921, %mul3A_1923 : vector<16xf32>
      %add3A_1925 = arith.addf %add3A_1893, %mul3A_1924 : vector<16xf32>
      %get3A_1926 = arith.constant 30 : i32
      %get3A_1927 = arith.index_cast %get3A_1926 : i32 to index
      %get3A_1928 = arith.constant 0 : index
      %get3A_1929 = tpu.vector_load %arg12[%get3A_1927, %get3A_1928] {strides = array<i32>} : memref<106x16xf32, #tpu.memory_space<vmem>>, vector<16xf32>,
      %mul3A_1930 = arith.constant 9.31322574E-10 : f32
      %mul3A_1931 = vector.broadcast %mul3A_1930 : f32 to vector<16xf32>
      %mul3A_1932 = arith.mulf %get3A_1929, %mul3A_1931 : vector<16xf32>
      %add3A_1933 = arith.addf %add3A_1901, %mul3A_1932 : vector<16xf32>
      %get3A_1934 = arith.constant 31 : i32
      %get3A_1935 = arith.index_cast %get3A_1934 : i32 to index
      %get3A_1936 = arith.constant 0 : index
      %get3A_1937 = tpu.vector_load %arg12[%get3A_1935, %get3A_1936] {strides = array<i32>} : memref<106x16xf32, #tpu.memory_space<vmem>>, vector<16xf32>,
      %mul3A_1938 = arith.constant 4.65661287E-10 : f32
      %mul3A_1939 = vector.broadcast %mul3A_1938 : f32 to vector<16xf32>
      %mul3A_1940 = arith.mulf %get3A_1937, %mul3A_1939 : vector<16xf32>
      %add3A_1941 = arith.addf %add3A_1909, %mul3A_1940 : vector<16xf32>
      %get3A_1942 = arith.constant 32 : i32
      %get3A_1943 = arith.index_cast %get3A_1942 : i32 to index
      %get3A_1944 = arith.constant 0 : index
      %get3A_1945 = tpu.vector_load %arg12[%get3A_1943, %get3A_1944] {strides = array<i32>} : memref<106x16xf32, #tpu.memory_space<vmem>>, vector<16xf32>,
      %mul3A_1946 = arith.constant 2.32830644E-10 : f32
      %mul3A_1947 = vector.broadcast %mul3A_1946 : f32 to vector<16xf32>
      %mul3A_1948 = arith.mulf %get3A_1945, %mul3A_1947 : vector<16xf32>
      %add3A_1949 = arith.addf %add3A_1917, %mul3A_1948 : vector<16xf32>
      %get3A_1950 = arith.constant 33 : i32
      %get3A_1951 = arith.index_cast %get3A_1950 : i32 to index
      %get3A_1952 = arith.constant 0 : index
      %get3A_1953 = tpu.vector_load %arg12[%get3A_1951, %get3A_1952] {strides = array<i32>} : memref<106x16xf32, #tpu.memory_space<vmem>>, vector<16xf32>,
      %mul3A_1954 = arith.constant 1.16415322E-10 : f32
      %mul3A_1955 = vector.broadcast %mul3A_1954 : f32 to vector<16xf32>
      %mul3A_1956 = arith.mulf %get3A_1953, %mul3A_1955 : vector<16xf32>
      %add3A_1957 = arith.addf %add3A_1925, %mul3A_1956 : vector<16xf32>
      %get3A_1958 = arith.constant 34 : i32
      %get3A_1959 = arith.index_cast %get3A_1958 : i32 to index
      %get3A_1960 = arith.constant 0 : index
      %get3A_1961 = tpu.vector_load %arg12[%get3A_1959, %get3A_1960] {strides = array<i32>} : memref<106x16xf32, #tpu.memory_space<vmem>>, vector<16xf32>,
      %mul3A_1962 = arith.constant 5.82076609E-11 : f32
      %mul3A_1963 = vector.broadcast %mul3A_1962 : f32 to vector<16xf32>
      %mul3A_1964 = arith.mulf %get3A_1961, %mul3A_1963 : vector<16xf32>
      %add3A_1965 = arith.addf %add3A_1933, %mul3A_1964 : vector<16xf32>
      %get3A_1966 = arith.constant 35 : i32
      %get3A_1967 = arith.index_cast %get3A_1966 : i32 to index
      %get3A_1968 = arith.constant 0 : index
      %get3A_1969 = tpu.vector_load %arg12[%get3A_1967, %get3A_1968] {strides = array<i32>} : memref<106x16xf32, #tpu.memory_space<vmem>>, vector<16xf32>,
      %mul3A_1970 = arith.constant 2.91038305E-11 : f32
      %mul3A_1971 = vector.broadcast %mul3A_1970 : f32 to vector<16xf32>
      %mul3A_1972 = arith.mulf %get3A_1969, %mul3A_1971 : vector<16xf32>
      %add3A_1973 = arith.addf %add3A_1941, %mul3A_1972 : vector<16xf32>
      %get3A_1974 = arith.constant 36 : i32
      %get3A_1975 = arith.index_cast %get3A_1974 : i32 to index
      %get3A_1976 = arith.constant 0 : index
      %get3A_1977 = tpu.vector_load %arg12[%get3A_1975, %get3A_1976] {strides = array<i32>} : memref<106x16xf32, #tpu.memory_space<vmem>>, vector<16xf32>,
      %mul3A_1978 = arith.constant 1.45519152E-11 : f32
      %mul3A_1979 = vector.broadcast %mul3A_1978 : f32 to vector<16xf32>
      %mul3A_1980 = arith.mulf %get3A_1977, %mul3A_1979 : vector<16xf32>
      %add3A_1981 = arith.addf %add3A_1949, %mul3A_1980 : vector<16xf32>
      %get3A_1982 = arith.constant 37 : i32
      %get3A_1983 = arith.index_cast %get3A_1982 : i32 to index
      %get3A_1984 = arith.constant 0 : index
      %get3A_1985 = tpu.vector_load %arg12[%get3A_1983, %get3A_1984] {strides = array<i32>} : memref<106x16xf32, #tpu.memory_space<vmem>>, vector<16xf32>,
      %mul3A_1986 = arith.constant 7.27595761E-12 : f32
      %mul3A_1987 = vector.broadcast %mul3A_1986 : f32 to vector<16xf32>
      %mul3A_1988 = arith.mulf %get3A_1985, %mul3A_1987 : vector<16xf32>
      %add3A_1989 = arith.addf %add3A_1957, %mul3A_1988 : vector<16xf32>
      %get3A_1990 = arith.constant 38 : i32
      %get3A_1991 = arith.index_cast %get3A_1990 : i32 to index
      %get3A_1992 = arith.constant 0 : index
      %get3A_1993 = tpu.vector_load %arg12[%get3A_1991, %get3A_1992] {strides = array<i32>} : memref<106x16xf32, #tpu.memory_space<vmem>>, vector<16xf32>,
      %mul3A_1994 = arith.constant 3.63797881E-12 : f32
      %mul3A_1995 = vector.broadcast %mul3A_1994 : f32 to vector<16xf32>
      %mul3A_1996 = arith.mulf %get3A_1993, %mul3A_1995 : vector<16xf32>
      %add3A_1997 = arith.addf %add3A_1965, %mul3A_1996 : vector<16xf32>
      %get3A_1998 = arith.constant 39 : i32
      %get3A_1999 = arith.index_cast %get3A_1998 : i32 to index
      %get3A_2000 = arith.constant 0 : index
      %get3A_2001 = tpu.vector_load %arg12[%get3A_1999, %get3A_2000] {strides = array<i32>} : memref<106x16xf32, #tpu.memory_space<vmem>>, vector<16xf32>,
      %mul3A_2002 = arith.constant 1.8189894E-12 : f32
      %mul3A_2003 = vector.broadcast %mul3A_2002 : f32 to vector<16xf32>
      %mul3A_2004 = arith.mulf %get3A_2001, %mul3A_2003 : vector<16xf32>
      %add3A_2005 = arith.addf %add3A_1973, %mul3A_2004 : vector<16xf32>
      %get3A_2006 = arith.constant 40 : i32
      %get3A_2007 = arith.index_cast %get3A_2006 : i32 to index
      %get3A_2008 = arith.constant 0 : index
      %get3A_2009 = tpu.vector_load %arg12[%get3A_2007, %get3A_2008] {strides = array<i32>} : memref<106x16xf32, #tpu.memory_space<vmem>>, vector<16xf32>,
      %mul3A_2010 = arith.constant 9.09494702E-13 : f32
      %mul3A_2011 = vector.broadcast %mul3A_2010 : f32 to vector<16xf32>
      %mul3A_2012 = arith.mulf %get3A_2009, %mul3A_2011 : vector<16xf32>
      %add3A_2013 = arith.addf %add3A_1981, %mul3A_2012 : vector<16xf32>
      %get3A_2014 = arith.constant 41 : i32
      %get3A_2015 = arith.index_cast %get3A_2014 : i32 to index
      %get3A_2016 = arith.constant 0 : index
      %get3A_2017 = tpu.vector_load %arg12[%get3A_2015, %get3A_2016] {strides = array<i32>} : memref<106x16xf32, #tpu.memory_space<vmem>>, vector<16xf32>,
      %mul3A_2018 = arith.constant 4.54747351E-13 : f32
      %mul3A_2019 = vector.broadcast %mul3A_2018 : f32 to vector<16xf32>
      %mul3A_2020 = arith.mulf %get3A_2017, %mul3A_2019 : vector<16xf32>
      %add3A_2021 = arith.addf %add3A_1989, %mul3A_2020 : vector<16xf32>
      %get3A_2022 = arith.constant 42 : i32
      %get3A_2023 = arith.index_cast %get3A_2022 : i32 to index
      %get3A_2024 = arith.constant 0 : index
      %get3A_2025 = tpu.vector_load %arg12[%get3A_2023, %get3A_2024] {strides = array<i32>} : memref<106x16xf32, #tpu.memory_space<vmem>>, vector<16xf32>,
      %mul3A_2026 = arith.constant 2.27373675E-13 : f32
      %mul3A_2027 = vector.broadcast %mul3A_2026 : f32 to vector<16xf32>
      %mul3A_2028 = arith.mulf %get3A_2025, %mul3A_2027 : vector<16xf32>
      %add3A_2029 = arith.addf %add3A_1997, %mul3A_2028 : vector<16xf32>
      %get3A_2030 = arith.constant 43 : i32
      %get3A_2031 = arith.index_cast %get3A_2030 : i32 to index
      %get3A_2032 = arith.constant 0 : index
      %get3A_2033 = tpu.vector_load %arg12[%get3A_2031, %get3A_2032] {strides = array<i32>} : memref<106x16xf32, #tpu.memory_space<vmem>>, vector<16xf32>,
      %mul3A_2034 = arith.constant 1.13686838E-13 : f32
      %mul3A_2035 = vector.broadcast %mul3A_2034 : f32 to vector<16xf32>
      %mul3A_2036 = arith.mulf %get3A_2033, %mul3A_2035 : vector<16xf32>
      %add3A_2037 = arith.addf %add3A_2005, %mul3A_2036 : vector<16xf32>
      %get3A_2038 = arith.constant 44 : i32
      %get3A_2039 = arith.index_cast %get3A_2038 : i32 to index
      %get3A_2040 = arith.constant 0 : index
      %get3A_2041 = tpu.vector_load %arg12[%get3A_2039, %get3A_2040] {strides = array<i32>} : memref<106x16xf32, #tpu.memory_space<vmem>>, vector<16xf32>,
      %mul3A_2042 = arith.constant 5.68434189E-14 : f32
      %mul3A_2043 = vector.broadcast %mul3A_2042 : f32 to vector<16xf32>
      %mul3A_2044 = arith.mulf %get3A_2041, %mul3A_2043 : vector<16xf32>
      %add3A_2045 = arith.addf %add3A_2013, %mul3A_2044 : vector<16xf32>
      %get3A_2046 = arith.constant 45 : i32
      %get3A_2047 = arith.index_cast %get3A_2046 : i32 to index
      %get3A_2048 = arith.constant 0 : index
      %get3A_2049 = tpu.vector_load %arg12[%get3A_2047, %get3A_2048] {strides = array<i32>} : memref<106x16xf32, #tpu.memory_space<vmem>>, vector<16xf32>,
      %mul3A_2050 = arith.constant 2.84217094E-14 : f32
      %mul3A_2051 = vector.broadcast %mul3A_2050 : f32 to vector<16xf32>
      %mul3A_2052 = arith.mulf %get3A_2049, %mul3A_2051 : vector<16xf32>
      %add3A_2053 = arith.addf %add3A_2021, %mul3A_2052 : vector<16xf32>
      %get3A_2054 = arith.constant 46 : i32
      %get3A_2055 = arith.index_cast %get3A_2054 : i32 to index
      %get3A_2056 = arith.constant 0 : index
      %get3A_2057 = tpu.vector_load %arg12[%get3A_2055, %get3A_2056] {strides = array<i32>} : memref<106x16xf32, #tpu.memory_space<vmem>>, vector<16xf32>,
      %mul3A_2058 = arith.constant 1.42108547E-14 : f32
      %mul3A_2059 = vector.broadcast %mul3A_2058 : f32 to vector<16xf32>
      %mul3A_2060 = arith.mulf %get3A_2057, %mul3A_2059 : vector<16xf32>
      %add3A_2061 = arith.addf %add3A_2029, %mul3A_2060 : vector<16xf32>
      %get3A_2062 = arith.constant 47 : i32
      %get3A_2063 = arith.index_cast %get3A_2062 : i32 to index
      %get3A_2064 = arith.constant 0 : index
      %get3A_2065 = tpu.vector_load %arg12[%get3A_2063, %get3A_2064] {strides = array<i32>} : memref<106x16xf32, #tpu.memory_space<vmem>>, vector<16xf32>,
      %mul3A_2066 = arith.constant 7.10542735E-15 : f32
      %mul3A_2067 = vector.broadcast %mul3A_2066 : f32 to vector<16xf32>
      %mul3A_2068 = arith.mulf %get3A_2065, %mul3A_2067 : vector<16xf32>
      %add3A_2069 = arith.addf %add3A_2037, %mul3A_2068 : vector<16xf32>
      %get3A_2070 = arith.constant 48 : i32
      %get3A_2071 = arith.index_cast %get3A_2070 : i32 to index
      %get3A_2072 = arith.constant 0 : index
      %get3A_2073 = tpu.vector_load %arg12[%get3A_2071, %get3A_2072] {strides = array<i32>} : memref<106x16xf32, #tpu.memory_space<vmem>>, vector<16xf32>,
      %mul3A_2074 = arith.constant 3.55271368E-15 : f32
      %mul3A_2075 = vector.broadcast %mul3A_2074 : f32 to vector<16xf32>
      %mul3A_2076 = arith.mulf %get3A_2073, %mul3A_2075 : vector<16xf32>
      %add3A_2077 = arith.addf %add3A_2045, %mul3A_2076 : vector<16xf32>
      %get3A_2078 = arith.constant 49 : i32
      %get3A_2079 = arith.index_cast %get3A_2078 : i32 to index
      %get3A_2080 = arith.constant 0 : index
      %get3A_2081 = tpu.vector_load %arg12[%get3A_2079, %get3A_2080] {strides = array<i32>} : memref<106x16xf32, #tpu.memory_space<vmem>>, vector<16xf32>,
      %mul3A_2082 = arith.constant 1.77635684E-15 : f32
      %mul3A_2083 = vector.broadcast %mul3A_2082 : f32 to vector<16xf32>
      %mul3A_2084 = arith.mulf %get3A_2081, %mul3A_2083 : vector<16xf32>
      %add3A_2085 = arith.addf %add3A_2053, %mul3A_2084 : vector<16xf32>
      %add3A_2086 = arith.addf %add3A_2077, %add3A_2085 : vector<16xf32>
      %add3A_2087 = arith.addf %add3A_2061, %add3A_2069 : vector<16xf32>
      %add3A_2088 = arith.addf %add3A_2086, %add3A_2087 : vector<16xf32>
      %get3A_2089 = arith.constant 0 : i32
      %get3A_2090 = arith.index_cast %get3A_2089 : i32 to index
      %get3A_2091 = arith.constant 0 : index
      %get3A_2092 = tpu.vector_load %arg13[%get3A_2090, %get3A_2091] {strides = array<i32>} : memref<44x32xf32, #tpu.memory_space<vmem>>, vector<16xf32>,
      %get3A_2093 = arith.constant 1 : i32
      %get3A_2094 = arith.index_cast %get3A_2093 : i32 to index
      %get3A_2095 = arith.constant 0 : index
      %get3A_2096 = tpu.vector_load %arg13[%get3A_2094, %get3A_2095] {strides = array<i32>} : memref<44x32xf32, #tpu.memory_space<vmem>>, vector<16xf32>,
      %get3A_2097 = arith.constant 2 : i32
      %get3A_2098 = arith.index_cast %get3A_2097 : i32 to index
      %get3A_2099 = arith.constant 0 : index
      %get3A_2100 = tpu.vector_load %arg13[%get3A_2098, %get3A_2099] {strides = array<i32>} : memref<44x32xf32, #tpu.memory_space<vmem>>, vector<16xf32>,
      %get3A_2101 = arith.constant 3 : i32
      %get3A_2102 = arith.index_cast %get3A_2101 : i32 to index
      %get3A_2103 = arith.constant 0 : index
      %get3A_2104 = tpu.vector_load %arg13[%get3A_2102, %get3A_2103] {strides = array<i32>} : memref<44x32xf32, #tpu.memory_space<vmem>>, vector<16xf32>,
      %get3A_2105 = arith.constant 4 : i32
      %get3A_2106 = arith.index_cast %get3A_2105 : i32 to index
      %get3A_2107 = arith.constant 0 : index
      %get3A_2108 = tpu.vector_load %arg13[%get3A_2106, %get3A_2107] {strides = array<i32>} : memref<44x32xf32, #tpu.memory_space<vmem>>, vector<16xf32>,
      %get3A_2109 = arith.constant 5 : i32
      %get3A_2110 = arith.index_cast %get3A_2109 : i32 to index
      %get3A_2111 = arith.constant 0 : index
      %get3A_2112 = tpu.vector_load %arg13[%get3A_2110, %get3A_2111] {strides = array<i32>} : memref<44x32xf32, #tpu.memory_space<vmem>>, vector<16xf32>,
      %get3A_2113 = arith.constant 6 : i32
      %get3A_2114 = arith.index_cast %get3A_2113 : i32 to index
      %get3A_2115 = arith.constant 0 : index
      %get3A_2116 = tpu.vector_load %arg13[%get3A_2114, %get3A_2115] {strides = array<i32>} : memref<44x32xf32, #tpu.memory_space<vmem>>, vector<16xf32>,
      %get3A_2117 = arith.constant 7 : i32
      %get3A_2118 = arith.index_cast %get3A_2117 : i32 to index
      %get3A_2119 = arith.constant 0 : index
      %get3A_2120 = tpu.vector_load %arg13[%get3A_2118, %get3A_2119] {strides = array<i32>} : memref<44x32xf32, #tpu.memory_space<vmem>>, vector<16xf32>,
      %get3A_2121 = arith.constant 8 : i32
      %get3A_2122 = arith.index_cast %get3A_2121 : i32 to index
      %get3A_2123 = arith.constant 0 : index
      %get3A_2124 = tpu.vector_load %arg13[%get3A_2122, %get3A_2123] {strides = array<i32>} : memref<44x32xf32, #tpu.memory_space<vmem>>, vector<16xf32>,
      %get3A_2125 = arith.constant 9 : i32
      %get3A_2126 = arith.index_cast %get3A_2125 : i32 to index
      %get3A_2127 = arith.constant 0 : index
      %get3A_2128 = tpu.vector_load %arg13[%get3A_2126, %get3A_2127] {strides = array<i32>} : memref<44x32xf32, #tpu.memory_space<vmem>>, vector<16xf32>,
      %get3A_2129 = arith.constant 10 : i32
      %get3A_2130 = arith.index_cast %get3A_2129 : i32 to index
      %get3A_2131 = arith.constant 0 : index
      %get3A_2132 = tpu.vector_load %arg13[%get3A_2130, %get3A_2131] {strides = array<i32>} : memref<44x32xf32, #tpu.memory_space<vmem>>, vector<16xf32>,
      %get3A_2133 = arith.constant 11 : i32
      %get3A_2134 = arith.index_cast %get3A_2133 : i32 to index
      %get3A_2135 = arith.constant 0 : index
      %get3A_2136 = tpu.vector_load %arg13[%get3A_2134, %get3A_2135] {strides = array<i32>} : memref<44x32xf32, #tpu.memory_space<vmem>>, vector<16xf32>,
      %get3A_2137 = arith.constant 12 : i32
      %get3A_2138 = arith.index_cast %get3A_2137 : i32 to index
      %get3A_2139 = arith.constant 0 : index
      %get3A_2140 = tpu.vector_load %arg13[%get3A_2138, %get3A_2139] {strides = array<i32>} : memref<44x32xf32, #tpu.memory_space<vmem>>, vector<16xf32>,
      %get3A_2141 = arith.constant 13 : i32
      %get3A_2142 = arith.index_cast %get3A_2141 : i32 to index
      %get3A_2143 = arith.constant 0 : index
      %get3A_2144 = tpu.vector_load %arg13[%get3A_2142, %get3A_2143] {strides = array<i32>} : memref<44x32xf32, #tpu.memory_space<vmem>>, vector<16xf32>,
      %get3A_2145 = arith.constant 14 : i32
      %get3A_2146 = arith.index_cast %get3A_2145 : i32 to index
      %get3A_2147 = arith.constant 0 : index
      %get3A_2148 = tpu.vector_load %arg13[%get3A_2146, %get3A_2147] {strides = array<i32>} : memref<44x32xf32, #tpu.memory_space<vmem>>, vector<16xf32>,
      %get3A_2149 = arith.constant 15 : i32
      %get3A_2150 = arith.index_cast %get3A_2149 : i32 to index
      %get3A_2151 = arith.constant 0 : index
      %get3A_2152 = tpu.vector_load %arg13[%get3A_2150, %get3A_2151] {strides = array<i32>} : memref<44x32xf32, #tpu.memory_space<vmem>>, vector<16xf32>,
      %get3A_2153 = arith.constant 16 : i32
      %get3A_2154 = arith.index_cast %get3A_2153 : i32 to index
      %get3A_2155 = arith.constant 0 : index
      %get3A_2156 = tpu.vector_load %arg13[%get3A_2154, %get3A_2155] {strides = array<i32>} : memref<44x32xf32, #tpu.memory_space<vmem>>, vector<16xf32>,
      %get3A_2157 = arith.constant 17 : i32
      %get3A_2158 = arith.index_cast %get3A_2157 : i32 to index
      %get3A_2159 = arith.constant 0 : index
      %get3A_2160 = tpu.vector_load %arg13[%get3A_2158, %get3A_2159] {strides = array<i32>} : memref<44x32xf32, #tpu.memory_space<vmem>>, vector<16xf32>,
      %get3A_2161 = arith.constant 18 : i32
      %get3A_2162 = arith.index_cast %get3A_2161 : i32 to index
      %get3A_2163 = arith.constant 0 : index
      %get3A_2164 = tpu.vector_load %arg13[%get3A_2162, %get3A_2163] {strides = array<i32>} : memref<44x32xf32, #tpu.memory_space<vmem>>, vector<16xf32>,
      %get3A_2165 = arith.constant 19 : i32
      %get3A_2166 = arith.index_cast %get3A_2165 : i32 to index
      %get3A_2167 = arith.constant 0 : index
      %get3A_2168 = tpu.vector_load %arg13[%get3A_2166, %get3A_2167] {strides = array<i32>} : memref<44x32xf32, #tpu.memory_space<vmem>>, vector<16xf32>,
      %add3A_2169 = arith.addf %get3A_2092, %get3A_2108 : vector<16xf32>
      %add3A_2170 = arith.addf %get3A_2096, %get3A_2112 : vector<16xf32>
      %add3A_2171 = arith.addf %get3A_2100, %get3A_2116 : vector<16xf32>
      %add3A_2172 = arith.addf %get3A_2104, %get3A_2120 : vector<16xf32>
      %add3A_2173 = arith.addf %add3A_2169, %get3A_2124 : vector<16xf32>
      %add3A_2174 = arith.addf %add3A_2170, %get3A_2128 : vector<16xf32>
      %add3A_2175 = arith.addf %add3A_2171, %get3A_2132 : vector<16xf32>
      %add3A_2176 = arith.addf %add3A_2172, %get3A_2136 : vector<16xf32>
      %add3A_2177 = arith.addf %add3A_2173, %get3A_2140 : vector<16xf32>
      %add3A_2178 = arith.addf %add3A_2174, %get3A_2144 : vector<16xf32>
      %add3A_2179 = arith.addf %add3A_2175, %get3A_2148 : vector<16xf32>
      %add3A_2180 = arith.addf %add3A_2176, %get3A_2152 : vector<16xf32>
      %add3A_2181 = arith.addf %add3A_2177, %get3A_2156 : vector<16xf32>
      %add3A_2182 = arith.addf %add3A_2178, %get3A_2160 : vector<16xf32>
      %add3A_2183 = arith.addf %add3A_2179, %get3A_2164 : vector<16xf32>
      %add3A_2184 = arith.addf %add3A_2180, %get3A_2168 : vector<16xf32>
      %add3A_2185 = arith.addf %add3A_2181, %add3A_2182 : vector<16xf32>
      %add3A_2186 = arith.addf %add3A_2183, %add3A_2184 : vector<16xf32>
      %add3A_2187 = arith.addf %add3A_2185, %add3A_2186 : vector<16xf32>
      %add3A_2188 = arith.addf %add3A_2088, %add3A_2187 : vector<16xf32>
      %broadcast_in_dim3A_2189 = arith.constant 0.000000e+00 : f32
      %broadcast_in_dim3A_2190 = vector.broadcast %broadcast_in_dim3A_2189 : f32 to vector<16xf32>
      %broadcast_in_dim3A_2191 = arith.constant 0.000000e+00 : f32
      %broadcast_in_dim3A_2192 = vector.broadcast %broadcast_in_dim3A_2191 : f32 to vector<16xf32>
      %get3A_2193 = arith.constant 0 : i32
      %get3A_2194 = arith.index_cast %get3A_2193 : i32 to index
      %get3A_2195 = arith.constant 16 : index
      %get3A_2196 = tpu.vector_load %arg13[%get3A_2194, %get3A_2195] {strides = array<i32>} : memref<44x32xf32, #tpu.memory_space<vmem>>, vector<16xf32>,
      %sub3A_2197 = arith.subf %add3A_2188, %get3A_2092 : vector<16xf32>
      %mul3A_2198 = arith.mulf %get3A_2196, %sub3A_2197 : vector<16xf32>
      %reduce_sum3A_2199 = arith.constant true
      %reduce_sum3A_2200 = vector.broadcast %reduce_sum3A_2199 : i1 to vector<16xi1>
      %reduce_sum3A_2201 = tpu.scan <sum>, %mul3A_2198 masked %reduce_sum3A_2200 : vector<16xf32>, vector<16xi1> -> vector<16xf32>
      %reduce_sum3A_2202 = vector.extract %reduce_sum3A_2201[15] : f32 from vector<16xf32>
      %eq3A_2203 = arith.constant 0 : i32
      %eq3A_2204 = vector.broadcast %eq3A_2203 : i32 to vector<16xi32>
      %eq3A_2205 = arith.cmpi eq, %iota3A, %eq3A_2204 : vector<16xi32>
      %broadcast_in_dim3A_2206 = vector.broadcast %reduce_sum3A_2202 : f32 to vector<16xf32>
      %select_n3A_2207 = arith.select %eq3A_2205, %broadcast_in_dim3A_2206, %broadcast_in_dim3A_2190 : vector<16xi1>, vector<16xf32>
      %get3A_2208 = arith.constant 1 : i32
      %get3A_2209 = arith.index_cast %get3A_2208 : i32 to index
      %get3A_2210 = arith.constant 16 : index
      %get3A_2211 = tpu.vector_load %arg13[%get3A_2209, %get3A_2210] {strides = array<i32>} : memref<44x32xf32, #tpu.memory_space<vmem>>, vector<16xf32>,
      %sub3A_2212 = arith.subf %add3A_2188, %get3A_2096 : vector<16xf32>
      %mul3A_2213 = arith.mulf %get3A_2211, %sub3A_2212 : vector<16xf32>
      %reduce_sum3A_2214 = arith.constant true
      %reduce_sum3A_2215 = vector.broadcast %reduce_sum3A_2214 : i1 to vector<16xi1>
      %reduce_sum3A_2216 = tpu.scan <sum>, %mul3A_2213 masked %reduce_sum3A_2215 : vector<16xf32>, vector<16xi1> -> vector<16xf32>
      %reduce_sum3A_2217 = vector.extract %reduce_sum3A_2216[15] : f32 from vector<16xf32>
      %eq3A_2218 = arith.constant 1 : i32
      %eq3A_2219 = vector.broadcast %eq3A_2218 : i32 to vector<16xi32>
      %eq3A_2220 = arith.cmpi eq, %iota3A, %eq3A_2219 : vector<16xi32>
      %broadcast_in_dim3A_2221 = vector.broadcast %reduce_sum3A_2217 : f32 to vector<16xf32>
      %select_n3A_2222 = arith.select %eq3A_2220, %broadcast_in_dim3A_2221, %select_n3A_2207 : vector<16xi1>, vector<16xf32>
      %get3A_2223 = arith.constant 2 : i32
      %get3A_2224 = arith.index_cast %get3A_2223 : i32 to index
      %get3A_2225 = arith.constant 16 : index
      %get3A_2226 = tpu.vector_load %arg13[%get3A_2224, %get3A_2225] {strides = array<i32>} : memref<44x32xf32, #tpu.memory_space<vmem>>, vector<16xf32>,
      %sub3A_2227 = arith.subf %add3A_2188, %get3A_2100 : vector<16xf32>
      %mul3A_2228 = arith.mulf %get3A_2226, %sub3A_2227 : vector<16xf32>
      %reduce_sum3A_2229 = arith.constant true
      %reduce_sum3A_2230 = vector.broadcast %reduce_sum3A_2229 : i1 to vector<16xi1>
      %reduce_sum3A_2231 = tpu.scan <sum>, %mul3A_2228 masked %reduce_sum3A_2230 : vector<16xf32>, vector<16xi1> -> vector<16xf32>
      %reduce_sum3A_2232 = vector.extract %reduce_sum3A_2231[15] : f32 from vector<16xf32>
      %eq3A_2233 = arith.constant 2 : i32
      %eq3A_2234 = vector.broadcast %eq3A_2233 : i32 to vector<16xi32>
      %eq3A_2235 = arith.cmpi eq, %iota3A, %eq3A_2234 : vector<16xi32>
      %broadcast_in_dim3A_2236 = vector.broadcast %reduce_sum3A_2232 : f32 to vector<16xf32>
      %select_n3A_2237 = arith.select %eq3A_2235, %broadcast_in_dim3A_2236, %select_n3A_2222 : vector<16xi1>, vector<16xf32>
      %get3A_2238 = arith.constant 3 : i32
      %get3A_2239 = arith.index_cast %get3A_2238 : i32 to index
      %get3A_2240 = arith.constant 16 : index
      %get3A_2241 = tpu.vector_load %arg13[%get3A_2239, %get3A_2240] {strides = array<i32>} : memref<44x32xf32, #tpu.memory_space<vmem>>, vector<16xf32>,
      %sub3A_2242 = arith.subf %add3A_2188, %get3A_2104 : vector<16xf32>
      %mul3A_2243 = arith.mulf %get3A_2241, %sub3A_2242 : vector<16xf32>
      %reduce_sum3A_2244 = arith.constant true
      %reduce_sum3A_2245 = vector.broadcast %reduce_sum3A_2244 : i1 to vector<16xi1>
      %reduce_sum3A_2246 = tpu.scan <sum>, %mul3A_2243 masked %reduce_sum3A_2245 : vector<16xf32>, vector<16xi1> -> vector<16xf32>
      %reduce_sum3A_2247 = vector.extract %reduce_sum3A_2246[15] : f32 from vector<16xf32>
      %eq3A_2248 = arith.constant 3 : i32
      %eq3A_2249 = vector.broadcast %eq3A_2248 : i32 to vector<16xi32>
      %eq3A_2250 = arith.cmpi eq, %iota3A, %eq3A_2249 : vector<16xi32>
      %broadcast_in_dim3A_2251 = vector.broadcast %reduce_sum3A_2247 : f32 to vector<16xf32>
      %select_n3A_2252 = arith.select %eq3A_2250, %broadcast_in_dim3A_2251, %select_n3A_2237 : vector<16xi1>, vector<16xf32>
      %get3A_2253 = arith.constant 4 : i32
      %get3A_2254 = arith.index_cast %get3A_2253 : i32 to index
      %get3A_2255 = arith.constant 16 : index
      %get3A_2256 = tpu.vector_load %arg13[%get3A_2254, %get3A_2255] {strides = array<i32>} : memref<44x32xf32, #tpu.memory_space<vmem>>, vector<16xf32>,
      %sub3A_2257 = arith.subf %add3A_2188, %get3A_2108 : vector<16xf32>
      %mul3A_2258 = arith.mulf %get3A_2256, %sub3A_2257 : vector<16xf32>
      %reduce_sum3A_2259 = arith.constant true
      %reduce_sum3A_2260 = vector.broadcast %reduce_sum3A_2259 : i1 to vector<16xi1>
      %reduce_sum3A_2261 = tpu.scan <sum>, %mul3A_2258 masked %reduce_sum3A_2260 : vector<16xf32>, vector<16xi1> -> vector<16xf32>
      %reduce_sum3A_2262 = vector.extract %reduce_sum3A_2261[15] : f32 from vector<16xf32>
      %eq3A_2263 = arith.constant 4 : i32
      %eq3A_2264 = vector.broadcast %eq3A_2263 : i32 to vector<16xi32>
      %eq3A_2265 = arith.cmpi eq, %iota3A, %eq3A_2264 : vector<16xi32>
      %broadcast_in_dim3A_2266 = vector.broadcast %reduce_sum3A_2262 : f32 to vector<16xf32>
      %select_n3A_2267 = arith.select %eq3A_2265, %broadcast_in_dim3A_2266, %select_n3A_2252 : vector<16xi1>, vector<16xf32>
      %get3A_2268 = arith.constant 5 : i32
      %get3A_2269 = arith.index_cast %get3A_2268 : i32 to index
      %get3A_2270 = arith.constant 16 : index
      %get3A_2271 = tpu.vector_load %arg13[%get3A_2269, %get3A_2270] {strides = array<i32>} : memref<44x32xf32, #tpu.memory_space<vmem>>, vector<16xf32>,
      %sub3A_2272 = arith.subf %add3A_2188, %get3A_2112 : vector<16xf32>
      %mul3A_2273 = arith.mulf %get3A_2271, %sub3A_2272 : vector<16xf32>
      %reduce_sum3A_2274 = arith.constant true
      %reduce_sum3A_2275 = vector.broadcast %reduce_sum3A_2274 : i1 to vector<16xi1>
      %reduce_sum3A_2276 = tpu.scan <sum>, %mul3A_2273 masked %reduce_sum3A_2275 : vector<16xf32>, vector<16xi1> -> vector<16xf32>
      %reduce_sum3A_2277 = vector.extract %reduce_sum3A_2276[15] : f32 from vector<16xf32>
      %eq3A_2278 = arith.constant 5 : i32
      %eq3A_2279 = vector.broadcast %eq3A_2278 : i32 to vector<16xi32>
      %eq3A_2280 = arith.cmpi eq, %iota3A, %eq3A_2279 : vector<16xi32>
      %broadcast_in_dim3A_2281 = vector.broadcast %reduce_sum3A_2277 : f32 to vector<16xf32>
      %select_n3A_2282 = arith.select %eq3A_2280, %broadcast_in_dim3A_2281, %select_n3A_2267 : vector<16xi1>, vector<16xf32>
      %get3A_2283 = arith.constant 6 : i32
      %get3A_2284 = arith.index_cast %get3A_2283 : i32 to index
      %get3A_2285 = arith.constant 16 : index
      %get3A_2286 = tpu.vector_load %arg13[%get3A_2284, %get3A_2285] {strides = array<i32>} : memref<44x32xf32, #tpu.memory_space<vmem>>, vector<16xf32>,
      %sub3A_2287 = arith.subf %add3A_2188, %get3A_2116 : vector<16xf32>
      %mul3A_2288 = arith.mulf %get3A_2286, %sub3A_2287 : vector<16xf32>
      %reduce_sum3A_2289 = arith.constant true
      %reduce_sum3A_2290 = vector.broadcast %reduce_sum3A_2289 : i1 to vector<16xi1>
      %reduce_sum3A_2291 = tpu.scan <sum>, %mul3A_2288 masked %reduce_sum3A_2290 : vector<16xf32>, vector<16xi1> -> vector<16xf32>
      %reduce_sum3A_2292 = vector.extract %reduce_sum3A_2291[15] : f32 from vector<16xf32>
      %eq3A_2293 = arith.constant 6 : i32
      %eq3A_2294 = vector.broadcast %eq3A_2293 : i32 to vector<16xi32>
      %eq3A_2295 = arith.cmpi eq, %iota3A, %eq3A_2294 : vector<16xi32>
      %broadcast_in_dim3A_2296 = vector.broadcast %reduce_sum3A_2292 : f32 to vector<16xf32>
      %select_n3A_2297 = arith.select %eq3A_2295, %broadcast_in_dim3A_2296, %select_n3A_2282 : vector<16xi1>, vector<16xf32>
      %get3A_2298 = arith.constant 7 : i32
      %get3A_2299 = arith.index_cast %get3A_2298 : i32 to index
      %get3A_2300 = arith.constant 16 : index
      %get3A_2301 = tpu.vector_load %arg13[%get3A_2299, %get3A_2300] {strides = array<i32>} : memref<44x32xf32, #tpu.memory_space<vmem>>, vector<16xf32>,
      %sub3A_2302 = arith.subf %add3A_2188, %get3A_2120 : vector<16xf32>
      %mul3A_2303 = arith.mulf %get3A_2301, %sub3A_2302 : vector<16xf32>
      %reduce_sum3A_2304 = arith.constant true
      %reduce_sum3A_2305 = vector.broadcast %reduce_sum3A_2304 : i1 to vector<16xi1>
      %reduce_sum3A_2306 = tpu.scan <sum>, %mul3A_2303 masked %reduce_sum3A_2305 : vector<16xf32>, vector<16xi1> -> vector<16xf32>
      %reduce_sum3A_2307 = vector.extract %reduce_sum3A_2306[15] : f32 from vector<16xf32>
      %eq3A_2308 = arith.constant 7 : i32
      %eq3A_2309 = vector.broadcast %eq3A_2308 : i32 to vector<16xi32>
      %eq3A_2310 = arith.cmpi eq, %iota3A, %eq3A_2309 : vector<16xi32>
      %broadcast_in_dim3A_2311 = vector.broadcast %reduce_sum3A_2307 : f32 to vector<16xf32>
      %select_n3A_2312 = arith.select %eq3A_2310, %broadcast_in_dim3A_2311, %select_n3A_2297 : vector<16xi1>, vector<16xf32>
      %get3A_2313 = arith.constant 8 : i32
      %get3A_2314 = arith.index_cast %get3A_2313 : i32 to index
      %get3A_2315 = arith.constant 16 : index
      %get3A_2316 = tpu.vector_load %arg13[%get3A_2314, %get3A_2315] {strides = array<i32>} : memref<44x32xf32, #tpu.memory_space<vmem>>, vector<16xf32>,
      %sub3A_2317 = arith.subf %add3A_2188, %get3A_2124 : vector<16xf32>
      %mul3A_2318 = arith.mulf %get3A_2316, %sub3A_2317 : vector<16xf32>
      %reduce_sum3A_2319 = arith.constant true
      %reduce_sum3A_2320 = vector.broadcast %reduce_sum3A_2319 : i1 to vector<16xi1>
      %reduce_sum3A_2321 = tpu.scan <sum>, %mul3A_2318 masked %reduce_sum3A_2320 : vector<16xf32>, vector<16xi1> -> vector<16xf32>
      %reduce_sum3A_2322 = vector.extract %reduce_sum3A_2321[15] : f32 from vector<16xf32>
      %eq3A_2323 = arith.constant 8 : i32
      %eq3A_2324 = vector.broadcast %eq3A_2323 : i32 to vector<16xi32>
      %eq3A_2325 = arith.cmpi eq, %iota3A, %eq3A_2324 : vector<16xi32>
      %broadcast_in_dim3A_2326 = vector.broadcast %reduce_sum3A_2322 : f32 to vector<16xf32>
      %select_n3A_2327 = arith.select %eq3A_2325, %broadcast_in_dim3A_2326, %select_n3A_2312 : vector<16xi1>, vector<16xf32>
      %get3A_2328 = arith.constant 9 : i32
      %get3A_2329 = arith.index_cast %get3A_2328 : i32 to index
      %get3A_2330 = arith.constant 16 : index
      %get3A_2331 = tpu.vector_load %arg13[%get3A_2329, %get3A_2330] {strides = array<i32>} : memref<44x32xf32, #tpu.memory_space<vmem>>, vector<16xf32>,
      %sub3A_2332 = arith.subf %add3A_2188, %get3A_2128 : vector<16xf32>
      %mul3A_2333 = arith.mulf %get3A_2331, %sub3A_2332 : vector<16xf32>
      %reduce_sum3A_2334 = arith.constant true
      %reduce_sum3A_2335 = vector.broadcast %reduce_sum3A_2334 : i1 to vector<16xi1>
      %reduce_sum3A_2336 = tpu.scan <sum>, %mul3A_2333 masked %reduce_sum3A_2335 : vector<16xf32>, vector<16xi1> -> vector<16xf32>
      %reduce_sum3A_2337 = vector.extract %reduce_sum3A_2336[15] : f32 from vector<16xf32>
      %eq3A_2338 = arith.constant 9 : i32
      %eq3A_2339 = vector.broadcast %eq3A_2338 : i32 to vector<16xi32>
      %eq3A_2340 = arith.cmpi eq, %iota3A, %eq3A_2339 : vector<16xi32>
      %broadcast_in_dim3A_2341 = vector.broadcast %reduce_sum3A_2337 : f32 to vector<16xf32>
      %select_n3A_2342 = arith.select %eq3A_2340, %broadcast_in_dim3A_2341, %select_n3A_2327 : vector<16xi1>, vector<16xf32>
      %get3A_2343 = arith.constant 10 : i32
      %get3A_2344 = arith.index_cast %get3A_2343 : i32 to index
      %get3A_2345 = arith.constant 16 : index
      %get3A_2346 = tpu.vector_load %arg13[%get3A_2344, %get3A_2345] {strides = array<i32>} : memref<44x32xf32, #tpu.memory_space<vmem>>, vector<16xf32>,
      %sub3A_2347 = arith.subf %add3A_2188, %get3A_2132 : vector<16xf32>
      %mul3A_2348 = arith.mulf %get3A_2346, %sub3A_2347 : vector<16xf32>
      %reduce_sum3A_2349 = arith.constant true
      %reduce_sum3A_2350 = vector.broadcast %reduce_sum3A_2349 : i1 to vector<16xi1>
      %reduce_sum3A_2351 = tpu.scan <sum>, %mul3A_2348 masked %reduce_sum3A_2350 : vector<16xf32>, vector<16xi1> -> vector<16xf32>
      %reduce_sum3A_2352 = vector.extract %reduce_sum3A_2351[15] : f32 from vector<16xf32>
      %eq3A_2353 = arith.constant 10 : i32
      %eq3A_2354 = vector.broadcast %eq3A_2353 : i32 to vector<16xi32>
      %eq3A_2355 = arith.cmpi eq, %iota3A, %eq3A_2354 : vector<16xi32>
      %broadcast_in_dim3A_2356 = vector.broadcast %reduce_sum3A_2352 : f32 to vector<16xf32>
      %select_n3A_2357 = arith.select %eq3A_2355, %broadcast_in_dim3A_2356, %select_n3A_2342 : vector<16xi1>, vector<16xf32>
      %get3A_2358 = arith.constant 11 : i32
      %get3A_2359 = arith.index_cast %get3A_2358 : i32 to index
      %get3A_2360 = arith.constant 16 : index
      %get3A_2361 = tpu.vector_load %arg13[%get3A_2359, %get3A_2360] {strides = array<i32>} : memref<44x32xf32, #tpu.memory_space<vmem>>, vector<16xf32>,
      %sub3A_2362 = arith.subf %add3A_2188, %get3A_2136 : vector<16xf32>
      %mul3A_2363 = arith.mulf %get3A_2361, %sub3A_2362 : vector<16xf32>
      %reduce_sum3A_2364 = arith.constant true
      %reduce_sum3A_2365 = vector.broadcast %reduce_sum3A_2364 : i1 to vector<16xi1>
      %reduce_sum3A_2366 = tpu.scan <sum>, %mul3A_2363 masked %reduce_sum3A_2365 : vector<16xf32>, vector<16xi1> -> vector<16xf32>
      %reduce_sum3A_2367 = vector.extract %reduce_sum3A_2366[15] : f32 from vector<16xf32>
      %eq3A_2368 = arith.constant 11 : i32
      %eq3A_2369 = vector.broadcast %eq3A_2368 : i32 to vector<16xi32>
      %eq3A_2370 = arith.cmpi eq, %iota3A, %eq3A_2369 : vector<16xi32>
      %broadcast_in_dim3A_2371 = vector.broadcast %reduce_sum3A_2367 : f32 to vector<16xf32>
      %select_n3A_2372 = arith.select %eq3A_2370, %broadcast_in_dim3A_2371, %select_n3A_2357 : vector<16xi1>, vector<16xf32>
      %get3A_2373 = arith.constant 12 : i32
      %get3A_2374 = arith.index_cast %get3A_2373 : i32 to index
      %get3A_2375 = arith.constant 16 : index
      %get3A_2376 = tpu.vector_load %arg13[%get3A_2374, %get3A_2375] {strides = array<i32>} : memref<44x32xf32, #tpu.memory_space<vmem>>, vector<16xf32>,
      %sub3A_2377 = arith.subf %add3A_2188, %get3A_2140 : vector<16xf32>
      %mul3A_2378 = arith.mulf %get3A_2376, %sub3A_2377 : vector<16xf32>
      %reduce_sum3A_2379 = arith.constant true
      %reduce_sum3A_2380 = vector.broadcast %reduce_sum3A_2379 : i1 to vector<16xi1>
      %reduce_sum3A_2381 = tpu.scan <sum>, %mul3A_2378 masked %reduce_sum3A_2380 : vector<16xf32>, vector<16xi1> -> vector<16xf32>
      %reduce_sum3A_2382 = vector.extract %reduce_sum3A_2381[15] : f32 from vector<16xf32>
      %eq3A_2383 = arith.constant 12 : i32
      %eq3A_2384 = vector.broadcast %eq3A_2383 : i32 to vector<16xi32>
      %eq3A_2385 = arith.cmpi eq, %iota3A, %eq3A_2384 : vector<16xi32>
      %broadcast_in_dim3A_2386 = vector.broadcast %reduce_sum3A_2382 : f32 to vector<16xf32>
      %select_n3A_2387 = arith.select %eq3A_2385, %broadcast_in_dim3A_2386, %select_n3A_2372 : vector<16xi1>, vector<16xf32>
      %get3A_2388 = arith.constant 13 : i32
      %get3A_2389 = arith.index_cast %get3A_2388 : i32 to index
      %get3A_2390 = arith.constant 16 : index
      %get3A_2391 = tpu.vector_load %arg13[%get3A_2389, %get3A_2390] {strides = array<i32>} : memref<44x32xf32, #tpu.memory_space<vmem>>, vector<16xf32>,
      %sub3A_2392 = arith.subf %add3A_2188, %get3A_2144 : vector<16xf32>
      %mul3A_2393 = arith.mulf %get3A_2391, %sub3A_2392 : vector<16xf32>
      %reduce_sum3A_2394 = arith.constant true
      %reduce_sum3A_2395 = vector.broadcast %reduce_sum3A_2394 : i1 to vector<16xi1>
      %reduce_sum3A_2396 = tpu.scan <sum>, %mul3A_2393 masked %reduce_sum3A_2395 : vector<16xf32>, vector<16xi1> -> vector<16xf32>
      %reduce_sum3A_2397 = vector.extract %reduce_sum3A_2396[15] : f32 from vector<16xf32>
      %eq3A_2398 = arith.constant 13 : i32
      %eq3A_2399 = vector.broadcast %eq3A_2398 : i32 to vector<16xi32>
      %eq3A_2400 = arith.cmpi eq, %iota3A, %eq3A_2399 : vector<16xi32>
      %broadcast_in_dim3A_2401 = vector.broadcast %reduce_sum3A_2397 : f32 to vector<16xf32>
      %select_n3A_2402 = arith.select %eq3A_2400, %broadcast_in_dim3A_2401, %select_n3A_2387 : vector<16xi1>, vector<16xf32>
      %get3A_2403 = arith.constant 14 : i32
      %get3A_2404 = arith.index_cast %get3A_2403 : i32 to index
      %get3A_2405 = arith.constant 16 : index
      %get3A_2406 = tpu.vector_load %arg13[%get3A_2404, %get3A_2405] {strides = array<i32>} : memref<44x32xf32, #tpu.memory_space<vmem>>, vector<16xf32>,
      %sub3A_2407 = arith.subf %add3A_2188, %get3A_2148 : vector<16xf32>
      %mul3A_2408 = arith.mulf %get3A_2406, %sub3A_2407 : vector<16xf32>
      %reduce_sum3A_2409 = arith.constant true
      %reduce_sum3A_2410 = vector.broadcast %reduce_sum3A_2409 : i1 to vector<16xi1>
      %reduce_sum3A_2411 = tpu.scan <sum>, %mul3A_2408 masked %reduce_sum3A_2410 : vector<16xf32>, vector<16xi1> -> vector<16xf32>
      %reduce_sum3A_2412 = vector.extract %reduce_sum3A_2411[15] : f32 from vector<16xf32>
      %eq3A_2413 = arith.constant 14 : i32
      %eq3A_2414 = vector.broadcast %eq3A_2413 : i32 to vector<16xi32>
      %eq3A_2415 = arith.cmpi eq, %iota3A, %eq3A_2414 : vector<16xi32>
      %broadcast_in_dim3A_2416 = vector.broadcast %reduce_sum3A_2412 : f32 to vector<16xf32>
      %select_n3A_2417 = arith.select %eq3A_2415, %broadcast_in_dim3A_2416, %select_n3A_2402 : vector<16xi1>, vector<16xf32>
      %get3A_2418 = arith.constant 15 : i32
      %get3A_2419 = arith.index_cast %get3A_2418 : i32 to index
      %get3A_2420 = arith.constant 16 : index
      %get3A_2421 = tpu.vector_load %arg13[%get3A_2419, %get3A_2420] {strides = array<i32>} : memref<44x32xf32, #tpu.memory_space<vmem>>, vector<16xf32>,
      %sub3A_2422 = arith.subf %add3A_2188, %get3A_2152 : vector<16xf32>
      %mul3A_2423 = arith.mulf %get3A_2421, %sub3A_2422 : vector<16xf32>
      %reduce_sum3A_2424 = arith.constant true
      %reduce_sum3A_2425 = vector.broadcast %reduce_sum3A_2424 : i1 to vector<16xi1>
      %reduce_sum3A_2426 = tpu.scan <sum>, %mul3A_2423 masked %reduce_sum3A_2425 : vector<16xf32>, vector<16xi1> -> vector<16xf32>
      %reduce_sum3A_2427 = vector.extract %reduce_sum3A_2426[15] : f32 from vector<16xf32>
      %eq3A_2428 = arith.constant 15 : i32
      %eq3A_2429 = vector.broadcast %eq3A_2428 : i32 to vector<16xi32>
      %eq3A_2430 = arith.cmpi eq, %iota3A, %eq3A_2429 : vector<16xi32>
      %broadcast_in_dim3A_2431 = vector.broadcast %reduce_sum3A_2427 : f32 to vector<16xf32>
      %select_n3A_2432 = arith.select %eq3A_2430, %broadcast_in_dim3A_2431, %select_n3A_2417 : vector<16xi1>, vector<16xf32>
      %get3A_2433 = arith.constant 16 : i32
      %get3A_2434 = arith.index_cast %get3A_2433 : i32 to index
      %get3A_2435 = arith.constant 16 : index
      %get3A_2436 = tpu.vector_load %arg13[%get3A_2434, %get3A_2435] {strides = array<i32>} : memref<44x32xf32, #tpu.memory_space<vmem>>, vector<16xf32>,
      %sub3A_2437 = arith.subf %add3A_2188, %get3A_2156 : vector<16xf32>
      %mul3A_2438 = arith.mulf %get3A_2436, %sub3A_2437 : vector<16xf32>
      %reduce_sum3A_2439 = arith.constant true
      %reduce_sum3A_2440 = vector.broadcast %reduce_sum3A_2439 : i1 to vector<16xi1>
      %reduce_sum3A_2441 = tpu.scan <sum>, %mul3A_2438 masked %reduce_sum3A_2440 : vector<16xf32>, vector<16xi1> -> vector<16xf32>
      %reduce_sum3A_2442 = vector.extract %reduce_sum3A_2441[15] : f32 from vector<16xf32>
      %eq3A_2443 = arith.constant 0 : i32
      %eq3A_2444 = vector.broadcast %eq3A_2443 : i32 to vector<16xi32>
      %eq3A_2445 = arith.cmpi eq, %iota3A, %eq3A_2444 : vector<16xi32>
      %broadcast_in_dim3A_2446 = vector.broadcast %reduce_sum3A_2442 : f32 to vector<16xf32>
      %select_n3A_2447 = arith.select %eq3A_2445, %broadcast_in_dim3A_2446, %broadcast_in_dim3A_2192 : vector<16xi1>, vector<16xf32>
      %get3A_2448 = arith.constant 17 : i32
      %get3A_2449 = arith.index_cast %get3A_2448 : i32 to index
      %get3A_2450 = arith.constant 16 : index
      %get3A_2451 = tpu.vector_load %arg13[%get3A_2449, %get3A_2450] {strides = array<i32>} : memref<44x32xf32, #tpu.memory_space<vmem>>, vector<16xf32>,
      %sub3A_2452 = arith.subf %add3A_2188, %get3A_2160 : vector<16xf32>
      %mul3A_2453 = arith.mulf %get3A_2451, %sub3A_2452 : vector<16xf32>
      %reduce_sum3A_2454 = arith.constant true
      %reduce_sum3A_2455 = vector.broadcast %reduce_sum3A_2454 : i1 to vector<16xi1>
      %reduce_sum3A_2456 = tpu.scan <sum>, %mul3A_2453 masked %reduce_sum3A_2455 : vector<16xf32>, vector<16xi1> -> vector<16xf32>
      %reduce_sum3A_2457 = vector.extract %reduce_sum3A_2456[15] : f32 from vector<16xf32>
      %eq3A_2458 = arith.constant 1 : i32
      %eq3A_2459 = vector.broadcast %eq3A_2458 : i32 to vector<16xi32>
      %eq3A_2460 = arith.cmpi eq, %iota3A, %eq3A_2459 : vector<16xi32>
      %broadcast_in_dim3A_2461 = vector.broadcast %reduce_sum3A_2457 : f32 to vector<16xf32>
      %select_n3A_2462 = arith.select %eq3A_2460, %broadcast_in_dim3A_2461, %select_n3A_2447 : vector<16xi1>, vector<16xf32>
      %get3A_2463 = arith.constant 18 : i32
      %get3A_2464 = arith.index_cast %get3A_2463 : i32 to index
      %get3A_2465 = arith.constant 16 : index
      %get3A_2466 = tpu.vector_load %arg13[%get3A_2464, %get3A_2465] {strides = array<i32>} : memref<44x32xf32, #tpu.memory_space<vmem>>, vector<16xf32>,
      %sub3A_2467 = arith.subf %add3A_2188, %get3A_2164 : vector<16xf32>
      %mul3A_2468 = arith.mulf %get3A_2466, %sub3A_2467 : vector<16xf32>
      %reduce_sum3A_2469 = arith.constant true
      %reduce_sum3A_2470 = vector.broadcast %reduce_sum3A_2469 : i1 to vector<16xi1>
      %reduce_sum3A_2471 = tpu.scan <sum>, %mul3A_2468 masked %reduce_sum3A_2470 : vector<16xf32>, vector<16xi1> -> vector<16xf32>
      %reduce_sum3A_2472 = vector.extract %reduce_sum3A_2471[15] : f32 from vector<16xf32>
      %eq3A_2473 = arith.constant 2 : i32
      %eq3A_2474 = vector.broadcast %eq3A_2473 : i32 to vector<16xi32>
      %eq3A_2475 = arith.cmpi eq, %iota3A, %eq3A_2474 : vector<16xi32>
      %broadcast_in_dim3A_2476 = vector.broadcast %reduce_sum3A_2472 : f32 to vector<16xf32>
      %select_n3A_2477 = arith.select %eq3A_2475, %broadcast_in_dim3A_2476, %select_n3A_2462 : vector<16xi1>, vector<16xf32>
      %get3A_2478 = arith.constant 19 : i32
      %get3A_2479 = arith.index_cast %get3A_2478 : i32 to index
      %get3A_2480 = arith.constant 16 : index
      %get3A_2481 = tpu.vector_load %arg13[%get3A_2479, %get3A_2480] {strides = array<i32>} : memref<44x32xf32, #tpu.memory_space<vmem>>, vector<16xf32>,
      %sub3A_2482 = arith.subf %add3A_2188, %get3A_2168 : vector<16xf32>
      %mul3A_2483 = arith.mulf %get3A_2481, %sub3A_2482 : vector<16xf32>
      %reduce_sum3A_2484 = arith.constant true
      %reduce_sum3A_2485 = vector.broadcast %reduce_sum3A_2484 : i1 to vector<16xi1>
      %reduce_sum3A_2486 = tpu.scan <sum>, %mul3A_2483 masked %reduce_sum3A_2485 : vector<16xf32>, vector<16xi1> -> vector<16xf32>
      %reduce_sum3A_2487 = vector.extract %reduce_sum3A_2486[15] : f32 from vector<16xf32>
      %eq3A_2488 = arith.constant 3 : i32
      %eq3A_2489 = vector.broadcast %eq3A_2488 : i32 to vector<16xi32>
      %eq3A_2490 = arith.cmpi eq, %iota3A, %eq3A_2489 : vector<16xi32>
      %broadcast_in_dim3A_2491 = vector.broadcast %reduce_sum3A_2487 : f32 to vector<16xf32>
      %select_n3A_2492 = arith.select %eq3A_2490, %broadcast_in_dim3A_2491, %select_n3A_2477 : vector<16xi1>, vector<16xf32>
      %mul3A_2493 = arith.constant 32 : i32
      %mul3A_2494 = arith.muli %mul3A_1692, %mul3A_2493 : i32
      %swap3A_2495 = arith.index_cast %mul3A_2494 : i32 to index
      %swap3A_2496 = tpu.vector_load %arg9[%swap3A_2495] {strides = array<i32>} : memref<16384xf32, #tpu.memory_space<vmem>>, vector<16xf32>,
      tpu.vector_store %arg9[%swap3A_2495], %select_n3A_2432 {strides = array<i32>} : memref<16384xf32, #tpu.memory_space<vmem>>, vector<16xf32>,
      %mul3A_2497 = arith.constant 32 : i32
      %mul3A_2498 = arith.muli %mul3A_1692, %mul3A_2497 : i32
      %add3A_2499 = arith.constant 16 : i32
      %add3A_2500 = arith.addi %mul3A_2498, %add3A_2499 : i32
      %swap3A_2501 = arith.index_cast %add3A_2500 : i32 to index
      %swap3A_2502 = tpu.vector_load %arg9[%swap3A_2501] {strides = array<i32>} : memref<16384xf32, #tpu.memory_space<vmem>>, vector<16xf32>,
      tpu.vector_store %arg9[%swap3A_2501], %select_n3A_2492 {strides = array<i32>} : memref<16384xf32, #tpu.memory_space<vmem>>, vector<16xf32>,
      %mul3A_2503 = arith.constant 2 : i32
      %mul3A_2504 = arith.muli %add3A_1667, %mul3A_2503 : i32
      %add3A_2505 = arith.constant 1 : i32
      %add3A_2506 = arith.addi %mul3A_2504, %add3A_2505 : i32
      %get3A_2507 = arith.constant 56 : i32
      %get3A_2508 = arith.index_cast %get3A_2507 : i32 to index
      %get3A_2509 = arith.constant 0 : index
      %get3A_2510 = tpu.vector_load %arg12[%get3A_2508, %get3A_2509] {strides = array<i32>} : memref<106x16xf32, #tpu.memory_space<vmem>>, vector<16xf32>,
      %get3A_2511 = arith.constant 57 : i32
      %get3A_2512 = arith.index_cast %get3A_2511 : i32 to index
      %get3A_2513 = arith.constant 0 : index
      %get3A_2514 = tpu.vector_load %arg12[%get3A_2512, %get3A_2513] {strides = array<i32>} : memref<106x16xf32, #tpu.memory_space<vmem>>, vector<16xf32>,
      %mul3A_2515 = arith.constant 5.000000e-01 : f32
      %mul3A_2516 = vector.broadcast %mul3A_2515 : f32 to vector<16xf32>
      %mul3A_2517 = arith.mulf %get3A_2514, %mul3A_2516 : vector<16xf32>
      %get3A_2518 = arith.constant 58 : i32
      %get3A_2519 = arith.index_cast %get3A_2518 : i32 to index
      %get3A_2520 = arith.constant 0 : index
      %get3A_2521 = tpu.vector_load %arg12[%get3A_2519, %get3A_2520] {strides = array<i32>} : memref<106x16xf32, #tpu.memory_space<vmem>>, vector<16xf32>,
      %mul3A_2522 = arith.constant 2.500000e-01 : f32
      %mul3A_2523 = vector.broadcast %mul3A_2522 : f32 to vector<16xf32>
      %mul3A_2524 = arith.mulf %get3A_2521, %mul3A_2523 : vector<16xf32>
      %get3A_2525 = arith.constant 59 : i32
      %get3A_2526 = arith.index_cast %get3A_2525 : i32 to index
      %get3A_2527 = arith.constant 0 : index
      %get3A_2528 = tpu.vector_load %arg12[%get3A_2526, %get3A_2527] {strides = array<i32>} : memref<106x16xf32, #tpu.memory_space<vmem>>, vector<16xf32>,
      %mul3A_2529 = arith.constant 1.250000e-01 : f32
      %mul3A_2530 = vector.broadcast %mul3A_2529 : f32 to vector<16xf32>
      %mul3A_2531 = arith.mulf %get3A_2528, %mul3A_2530 : vector<16xf32>
      %get3A_2532 = arith.constant 60 : i32
      %get3A_2533 = arith.index_cast %get3A_2532 : i32 to index
      %get3A_2534 = arith.constant 0 : index
      %get3A_2535 = tpu.vector_load %arg12[%get3A_2533, %get3A_2534] {strides = array<i32>} : memref<106x16xf32, #tpu.memory_space<vmem>>, vector<16xf32>,
      %mul3A_2536 = arith.constant 6.250000e-02 : f32
      %mul3A_2537 = vector.broadcast %mul3A_2536 : f32 to vector<16xf32>
      %mul3A_2538 = arith.mulf %get3A_2535, %mul3A_2537 : vector<16xf32>
      %add3A_2539 = arith.addf %get3A_2510, %mul3A_2538 : vector<16xf32>
      %get3A_2540 = arith.constant 61 : i32
      %get3A_2541 = arith.index_cast %get3A_2540 : i32 to index
      %get3A_2542 = arith.constant 0 : index
      %get3A_2543 = tpu.vector_load %arg12[%get3A_2541, %get3A_2542] {strides = array<i32>} : memref<106x16xf32, #tpu.memory_space<vmem>>, vector<16xf32>,
      %mul3A_2544 = arith.constant 3.125000e-02 : f32
      %mul3A_2545 = vector.broadcast %mul3A_2544 : f32 to vector<16xf32>
      %mul3A_2546 = arith.mulf %get3A_2543, %mul3A_2545 : vector<16xf32>
      %add3A_2547 = arith.addf %mul3A_2517, %mul3A_2546 : vector<16xf32>
      %get3A_2548 = arith.constant 62 : i32
      %get3A_2549 = arith.index_cast %get3A_2548 : i32 to index
      %get3A_2550 = arith.constant 0 : index
      %get3A_2551 = tpu.vector_load %arg12[%get3A_2549, %get3A_2550] {strides = array<i32>} : memref<106x16xf32, #tpu.memory_space<vmem>>, vector<16xf32>,
      %mul3A_2552 = arith.constant 1.562500e-02 : f32
      %mul3A_2553 = vector.broadcast %mul3A_2552 : f32 to vector<16xf32>
      %mul3A_2554 = arith.mulf %get3A_2551, %mul3A_2553 : vector<16xf32>
      %add3A_2555 = arith.addf %mul3A_2524, %mul3A_2554 : vector<16xf32>
      %get3A_2556 = arith.constant 63 : i32
      %get3A_2557 = arith.index_cast %get3A_2556 : i32 to index
      %get3A_2558 = arith.constant 0 : index
      %get3A_2559 = tpu.vector_load %arg12[%get3A_2557, %get3A_2558] {strides = array<i32>} : memref<106x16xf32, #tpu.memory_space<vmem>>, vector<16xf32>,
      %mul3A_2560 = arith.constant 7.812500e-03 : f32
      %mul3A_2561 = vector.broadcast %mul3A_2560 : f32 to vector<16xf32>
      %mul3A_2562 = arith.mulf %get3A_2559, %mul3A_2561 : vector<16xf32>
      %add3A_2563 = arith.addf %mul3A_2531, %mul3A_2562 : vector<16xf32>
      %get3A_2564 = arith.constant 64 : i32
      %get3A_2565 = arith.index_cast %get3A_2564 : i32 to index
      %get3A_2566 = arith.constant 0 : index
      %get3A_2567 = tpu.vector_load %arg12[%get3A_2565, %get3A_2566] {strides = array<i32>} : memref<106x16xf32, #tpu.memory_space<vmem>>, vector<16xf32>,
      %mul3A_2568 = arith.constant 3.906250e-03 : f32
      %mul3A_2569 = vector.broadcast %mul3A_2568 : f32 to vector<16xf32>
      %mul3A_2570 = arith.mulf %get3A_2567, %mul3A_2569 : vector<16xf32>
      %add3A_2571 = arith.addf %add3A_2539, %mul3A_2570 : vector<16xf32>
      %get3A_2572 = arith.constant 65 : i32
      %get3A_2573 = arith.index_cast %get3A_2572 : i32 to index
      %get3A_2574 = arith.constant 0 : index
      %get3A_2575 = tpu.vector_load %arg12[%get3A_2573, %get3A_2574] {strides = array<i32>} : memref<106x16xf32, #tpu.memory_space<vmem>>, vector<16xf32>,
      %mul3A_2576 = arith.constant 0.001953125 : f32
      %mul3A_2577 = vector.broadcast %mul3A_2576 : f32 to vector<16xf32>
      %mul3A_2578 = arith.mulf %get3A_2575, %mul3A_2577 : vector<16xf32>
      %add3A_2579 = arith.addf %add3A_2547, %mul3A_2578 : vector<16xf32>
      %get3A_2580 = arith.constant 66 : i32
      %get3A_2581 = arith.index_cast %get3A_2580 : i32 to index
      %get3A_2582 = arith.constant 0 : index
      %get3A_2583 = tpu.vector_load %arg12[%get3A_2581, %get3A_2582] {strides = array<i32>} : memref<106x16xf32, #tpu.memory_space<vmem>>, vector<16xf32>,
      %mul3A_2584 = arith.constant 9.765625E-4 : f32
      %mul3A_2585 = vector.broadcast %mul3A_2584 : f32 to vector<16xf32>
      %mul3A_2586 = arith.mulf %get3A_2583, %mul3A_2585 : vector<16xf32>
      %add3A_2587 = arith.addf %add3A_2555, %mul3A_2586 : vector<16xf32>
      %get3A_2588 = arith.constant 67 : i32
      %get3A_2589 = arith.index_cast %get3A_2588 : i32 to index
      %get3A_2590 = arith.constant 0 : index
      %get3A_2591 = tpu.vector_load %arg12[%get3A_2589, %get3A_2590] {strides = array<i32>} : memref<106x16xf32, #tpu.memory_space<vmem>>, vector<16xf32>,
      %mul3A_2592 = arith.constant 4.8828125E-4 : f32
      %mul3A_2593 = vector.broadcast %mul3A_2592 : f32 to vector<16xf32>
      %mul3A_2594 = arith.mulf %get3A_2591, %mul3A_2593 : vector<16xf32>
      %add3A_2595 = arith.addf %add3A_2563, %mul3A_2594 : vector<16xf32>
      %get3A_2596 = arith.constant 68 : i32
      %get3A_2597 = arith.index_cast %get3A_2596 : i32 to index
      %get3A_2598 = arith.constant 0 : index
      %get3A_2599 = tpu.vector_load %arg12[%get3A_2597, %get3A_2598] {strides = array<i32>} : memref<106x16xf32, #tpu.memory_space<vmem>>, vector<16xf32>,
      %mul3A_2600 = arith.constant 2.44140625E-4 : f32
      %mul3A_2601 = vector.broadcast %mul3A_2600 : f32 to vector<16xf32>
      %mul3A_2602 = arith.mulf %get3A_2599, %mul3A_2601 : vector<16xf32>
      %add3A_2603 = arith.addf %add3A_2571, %mul3A_2602 : vector<16xf32>
      %get3A_2604 = arith.constant 69 : i32
      %get3A_2605 = arith.index_cast %get3A_2604 : i32 to index
      %get3A_2606 = arith.constant 0 : index
      %get3A_2607 = tpu.vector_load %arg12[%get3A_2605, %get3A_2606] {strides = array<i32>} : memref<106x16xf32, #tpu.memory_space<vmem>>, vector<16xf32>,
      %mul3A_2608 = arith.constant 1.22070313E-4 : f32
      %mul3A_2609 = vector.broadcast %mul3A_2608 : f32 to vector<16xf32>
      %mul3A_2610 = arith.mulf %get3A_2607, %mul3A_2609 : vector<16xf32>
      %add3A_2611 = arith.addf %add3A_2579, %mul3A_2610 : vector<16xf32>
      %get3A_2612 = arith.constant 70 : i32
      %get3A_2613 = arith.index_cast %get3A_2612 : i32 to index
      %get3A_2614 = arith.constant 0 : index
      %get3A_2615 = tpu.vector_load %arg12[%get3A_2613, %get3A_2614] {strides = array<i32>} : memref<106x16xf32, #tpu.memory_space<vmem>>, vector<16xf32>,
      %mul3A_2616 = arith.constant 6.10351563E-5 : f32
      %mul3A_2617 = vector.broadcast %mul3A_2616 : f32 to vector<16xf32>
      %mul3A_2618 = arith.mulf %get3A_2615, %mul3A_2617 : vector<16xf32>
      %add3A_2619 = arith.addf %add3A_2587, %mul3A_2618 : vector<16xf32>
      %get3A_2620 = arith.constant 71 : i32
      %get3A_2621 = arith.index_cast %get3A_2620 : i32 to index
      %get3A_2622 = arith.constant 0 : index
      %get3A_2623 = tpu.vector_load %arg12[%get3A_2621, %get3A_2622] {strides = array<i32>} : memref<106x16xf32, #tpu.memory_space<vmem>>, vector<16xf32>,
      %mul3A_2624 = arith.constant 3.05175781E-5 : f32
      %mul3A_2625 = vector.broadcast %mul3A_2624 : f32 to vector<16xf32>
      %mul3A_2626 = arith.mulf %get3A_2623, %mul3A_2625 : vector<16xf32>
      %add3A_2627 = arith.addf %add3A_2595, %mul3A_2626 : vector<16xf32>
      %get3A_2628 = arith.constant 72 : i32
      %get3A_2629 = arith.index_cast %get3A_2628 : i32 to index
      %get3A_2630 = arith.constant 0 : index
      %get3A_2631 = tpu.vector_load %arg12[%get3A_2629, %get3A_2630] {strides = array<i32>} : memref<106x16xf32, #tpu.memory_space<vmem>>, vector<16xf32>,
      %mul3A_2632 = arith.constant 1.52587891E-5 : f32
      %mul3A_2633 = vector.broadcast %mul3A_2632 : f32 to vector<16xf32>
      %mul3A_2634 = arith.mulf %get3A_2631, %mul3A_2633 : vector<16xf32>
      %add3A_2635 = arith.addf %add3A_2603, %mul3A_2634 : vector<16xf32>
      %get3A_2636 = arith.constant 73 : i32
      %get3A_2637 = arith.index_cast %get3A_2636 : i32 to index
      %get3A_2638 = arith.constant 0 : index
      %get3A_2639 = tpu.vector_load %arg12[%get3A_2637, %get3A_2638] {strides = array<i32>} : memref<106x16xf32, #tpu.memory_space<vmem>>, vector<16xf32>,
      %mul3A_2640 = arith.constant 7.62939453E-6 : f32
      %mul3A_2641 = vector.broadcast %mul3A_2640 : f32 to vector<16xf32>
      %mul3A_2642 = arith.mulf %get3A_2639, %mul3A_2641 : vector<16xf32>
      %add3A_2643 = arith.addf %add3A_2611, %mul3A_2642 : vector<16xf32>
      %get3A_2644 = arith.constant 74 : i32
      %get3A_2645 = arith.index_cast %get3A_2644 : i32 to index
      %get3A_2646 = arith.constant 0 : index
      %get3A_2647 = tpu.vector_load %arg12[%get3A_2645, %get3A_2646] {strides = array<i32>} : memref<106x16xf32, #tpu.memory_space<vmem>>, vector<16xf32>,
      %mul3A_2648 = arith.constant 3.81469727E-6 : f32
      %mul3A_2649 = vector.broadcast %mul3A_2648 : f32 to vector<16xf32>
      %mul3A_2650 = arith.mulf %get3A_2647, %mul3A_2649 : vector<16xf32>
      %add3A_2651 = arith.addf %add3A_2619, %mul3A_2650 : vector<16xf32>
      %get3A_2652 = arith.constant 75 : i32
      %get3A_2653 = arith.index_cast %get3A_2652 : i32 to index
      %get3A_2654 = arith.constant 0 : index
      %get3A_2655 = tpu.vector_load %arg12[%get3A_2653, %get3A_2654] {strides = array<i32>} : memref<106x16xf32, #tpu.memory_space<vmem>>, vector<16xf32>,
      %mul3A_2656 = arith.constant 1.90734863E-6 : f32
      %mul3A_2657 = vector.broadcast %mul3A_2656 : f32 to vector<16xf32>
      %mul3A_2658 = arith.mulf %get3A_2655, %mul3A_2657 : vector<16xf32>
      %add3A_2659 = arith.addf %add3A_2627, %mul3A_2658 : vector<16xf32>
      %get3A_2660 = arith.constant 76 : i32
      %get3A_2661 = arith.index_cast %get3A_2660 : i32 to index
      %get3A_2662 = arith.constant 0 : index
      %get3A_2663 = tpu.vector_load %arg12[%get3A_2661, %get3A_2662] {strides = array<i32>} : memref<106x16xf32, #tpu.memory_space<vmem>>, vector<16xf32>,
      %mul3A_2664 = arith.constant 9.53674316E-7 : f32
      %mul3A_2665 = vector.broadcast %mul3A_2664 : f32 to vector<16xf32>
      %mul3A_2666 = arith.mulf %get3A_2663, %mul3A_2665 : vector<16xf32>
      %add3A_2667 = arith.addf %add3A_2635, %mul3A_2666 : vector<16xf32>
      %get3A_2668 = arith.constant 77 : i32
      %get3A_2669 = arith.index_cast %get3A_2668 : i32 to index
      %get3A_2670 = arith.constant 0 : index
      %get3A_2671 = tpu.vector_load %arg12[%get3A_2669, %get3A_2670] {strides = array<i32>} : memref<106x16xf32, #tpu.memory_space<vmem>>, vector<16xf32>,
      %mul3A_2672 = arith.constant 4.76837158E-7 : f32
      %mul3A_2673 = vector.broadcast %mul3A_2672 : f32 to vector<16xf32>
      %mul3A_2674 = arith.mulf %get3A_2671, %mul3A_2673 : vector<16xf32>
      %add3A_2675 = arith.addf %add3A_2643, %mul3A_2674 : vector<16xf32>
      %get3A_2676 = arith.constant 78 : i32
      %get3A_2677 = arith.index_cast %get3A_2676 : i32 to index
      %get3A_2678 = arith.constant 0 : index
      %get3A_2679 = tpu.vector_load %arg12[%get3A_2677, %get3A_2678] {strides = array<i32>} : memref<106x16xf32, #tpu.memory_space<vmem>>, vector<16xf32>,
      %mul3A_2680 = arith.constant 2.38418579E-7 : f32
      %mul3A_2681 = vector.broadcast %mul3A_2680 : f32 to vector<16xf32>
      %mul3A_2682 = arith.mulf %get3A_2679, %mul3A_2681 : vector<16xf32>
      %add3A_2683 = arith.addf %add3A_2651, %mul3A_2682 : vector<16xf32>
      %get3A_2684 = arith.constant 79 : i32
      %get3A_2685 = arith.index_cast %get3A_2684 : i32 to index
      %get3A_2686 = arith.constant 0 : index
      %get3A_2687 = tpu.vector_load %arg12[%get3A_2685, %get3A_2686] {strides = array<i32>} : memref<106x16xf32, #tpu.memory_space<vmem>>, vector<16xf32>,
      %mul3A_2688 = arith.constant 1.1920929E-7 : f32
      %mul3A_2689 = vector.broadcast %mul3A_2688 : f32 to vector<16xf32>
      %mul3A_2690 = arith.mulf %get3A_2687, %mul3A_2689 : vector<16xf32>
      %add3A_2691 = arith.addf %add3A_2659, %mul3A_2690 : vector<16xf32>
      %get3A_2692 = arith.constant 80 : i32
      %get3A_2693 = arith.index_cast %get3A_2692 : i32 to index
      %get3A_2694 = arith.constant 0 : index
      %get3A_2695 = tpu.vector_load %arg12[%get3A_2693, %get3A_2694] {strides = array<i32>} : memref<106x16xf32, #tpu.memory_space<vmem>>, vector<16xf32>,
      %mul3A_2696 = arith.constant 5.96046448E-8 : f32
      %mul3A_2697 = vector.broadcast %mul3A_2696 : f32 to vector<16xf32>
      %mul3A_2698 = arith.mulf %get3A_2695, %mul3A_2697 : vector<16xf32>
      %add3A_2699 = arith.addf %add3A_2667, %mul3A_2698 : vector<16xf32>
      %get3A_2700 = arith.constant 81 : i32
      %get3A_2701 = arith.index_cast %get3A_2700 : i32 to index
      %get3A_2702 = arith.constant 0 : index
      %get3A_2703 = tpu.vector_load %arg12[%get3A_2701, %get3A_2702] {strides = array<i32>} : memref<106x16xf32, #tpu.memory_space<vmem>>, vector<16xf32>,
      %mul3A_2704 = arith.constant 2.98023224E-8 : f32
      %mul3A_2705 = vector.broadcast %mul3A_2704 : f32 to vector<16xf32>
      %mul3A_2706 = arith.mulf %get3A_2703, %mul3A_2705 : vector<16xf32>
      %add3A_2707 = arith.addf %add3A_2675, %mul3A_2706 : vector<16xf32>
      %get3A_2708 = arith.constant 82 : i32
      %get3A_2709 = arith.index_cast %get3A_2708 : i32 to index
      %get3A_2710 = arith.constant 0 : index
      %get3A_2711 = tpu.vector_load %arg12[%get3A_2709, %get3A_2710] {strides = array<i32>} : memref<106x16xf32, #tpu.memory_space<vmem>>, vector<16xf32>,
      %mul3A_2712 = arith.constant 1.49011612E-8 : f32
      %mul3A_2713 = vector.broadcast %mul3A_2712 : f32 to vector<16xf32>
      %mul3A_2714 = arith.mulf %get3A_2711, %mul3A_2713 : vector<16xf32>
      %add3A_2715 = arith.addf %add3A_2683, %mul3A_2714 : vector<16xf32>
      %get3A_2716 = arith.constant 83 : i32
      %get3A_2717 = arith.index_cast %get3A_2716 : i32 to index
      %get3A_2718 = arith.constant 0 : index
      %get3A_2719 = tpu.vector_load %arg12[%get3A_2717, %get3A_2718] {strides = array<i32>} : memref<106x16xf32, #tpu.memory_space<vmem>>, vector<16xf32>,
      %mul3A_2720 = arith.constant 7.4505806E-9 : f32
      %mul3A_2721 = vector.broadcast %mul3A_2720 : f32 to vector<16xf32>
      %mul3A_2722 = arith.mulf %get3A_2719, %mul3A_2721 : vector<16xf32>
      %add3A_2723 = arith.addf %add3A_2691, %mul3A_2722 : vector<16xf32>
      %get3A_2724 = arith.constant 84 : i32
      %get3A_2725 = arith.index_cast %get3A_2724 : i32 to index
      %get3A_2726 = arith.constant 0 : index
      %get3A_2727 = tpu.vector_load %arg12[%get3A_2725, %get3A_2726] {strides = array<i32>} : memref<106x16xf32, #tpu.memory_space<vmem>>, vector<16xf32>,
      %mul3A_2728 = arith.constant 3.7252903E-9 : f32
      %mul3A_2729 = vector.broadcast %mul3A_2728 : f32 to vector<16xf32>
      %mul3A_2730 = arith.mulf %get3A_2727, %mul3A_2729 : vector<16xf32>
      %add3A_2731 = arith.addf %add3A_2699, %mul3A_2730 : vector<16xf32>
      %get3A_2732 = arith.constant 85 : i32
      %get3A_2733 = arith.index_cast %get3A_2732 : i32 to index
      %get3A_2734 = arith.constant 0 : index
      %get3A_2735 = tpu.vector_load %arg12[%get3A_2733, %get3A_2734] {strides = array<i32>} : memref<106x16xf32, #tpu.memory_space<vmem>>, vector<16xf32>,
      %mul3A_2736 = arith.constant 1.86264515E-9 : f32
      %mul3A_2737 = vector.broadcast %mul3A_2736 : f32 to vector<16xf32>
      %mul3A_2738 = arith.mulf %get3A_2735, %mul3A_2737 : vector<16xf32>
      %add3A_2739 = arith.addf %add3A_2707, %mul3A_2738 : vector<16xf32>
      %get3A_2740 = arith.constant 86 : i32
      %get3A_2741 = arith.index_cast %get3A_2740 : i32 to index
      %get3A_2742 = arith.constant 0 : index
      %get3A_2743 = tpu.vector_load %arg12[%get3A_2741, %get3A_2742] {strides = array<i32>} : memref<106x16xf32, #tpu.memory_space<vmem>>, vector<16xf32>,
      %mul3A_2744 = arith.constant 9.31322574E-10 : f32
      %mul3A_2745 = vector.broadcast %mul3A_2744 : f32 to vector<16xf32>
      %mul3A_2746 = arith.mulf %get3A_2743, %mul3A_2745 : vector<16xf32>
      %add3A_2747 = arith.addf %add3A_2715, %mul3A_2746 : vector<16xf32>
      %get3A_2748 = arith.constant 87 : i32
      %get3A_2749 = arith.index_cast %get3A_2748 : i32 to index
      %get3A_2750 = arith.constant 0 : index
      %get3A_2751 = tpu.vector_load %arg12[%get3A_2749, %get3A_2750] {strides = array<i32>} : memref<106x16xf32, #tpu.memory_space<vmem>>, vector<16xf32>,
      %mul3A_2752 = arith.constant 4.65661287E-10 : f32
      %mul3A_2753 = vector.broadcast %mul3A_2752 : f32 to vector<16xf32>
      %mul3A_2754 = arith.mulf %get3A_2751, %mul3A_2753 : vector<16xf32>
      %add3A_2755 = arith.addf %add3A_2723, %mul3A_2754 : vector<16xf32>
      %get3A_2756 = arith.constant 88 : i32
      %get3A_2757 = arith.index_cast %get3A_2756 : i32 to index
      %get3A_2758 = arith.constant 0 : index
      %get3A_2759 = tpu.vector_load %arg12[%get3A_2757, %get3A_2758] {strides = array<i32>} : memref<106x16xf32, #tpu.memory_space<vmem>>, vector<16xf32>,
      %mul3A_2760 = arith.constant 2.32830644E-10 : f32
      %mul3A_2761 = vector.broadcast %mul3A_2760 : f32 to vector<16xf32>
      %mul3A_2762 = arith.mulf %get3A_2759, %mul3A_2761 : vector<16xf32>
      %add3A_2763 = arith.addf %add3A_2731, %mul3A_2762 : vector<16xf32>
      %get3A_2764 = arith.constant 89 : i32
      %get3A_2765 = arith.index_cast %get3A_2764 : i32 to index
      %get3A_2766 = arith.constant 0 : index
      %get3A_2767 = tpu.vector_load %arg12[%get3A_2765, %get3A_2766] {strides = array<i32>} : memref<106x16xf32, #tpu.memory_space<vmem>>, vector<16xf32>,
      %mul3A_2768 = arith.constant 1.16415322E-10 : f32
      %mul3A_2769 = vector.broadcast %mul3A_2768 : f32 to vector<16xf32>
      %mul3A_2770 = arith.mulf %get3A_2767, %mul3A_2769 : vector<16xf32>
      %add3A_2771 = arith.addf %add3A_2739, %mul3A_2770 : vector<16xf32>
      %get3A_2772 = arith.constant 90 : i32
      %get3A_2773 = arith.index_cast %get3A_2772 : i32 to index
      %get3A_2774 = arith.constant 0 : index
      %get3A_2775 = tpu.vector_load %arg12[%get3A_2773, %get3A_2774] {strides = array<i32>} : memref<106x16xf32, #tpu.memory_space<vmem>>, vector<16xf32>,
      %mul3A_2776 = arith.constant 5.82076609E-11 : f32
      %mul3A_2777 = vector.broadcast %mul3A_2776 : f32 to vector<16xf32>
      %mul3A_2778 = arith.mulf %get3A_2775, %mul3A_2777 : vector<16xf32>
      %add3A_2779 = arith.addf %add3A_2747, %mul3A_2778 : vector<16xf32>
      %get3A_2780 = arith.constant 91 : i32
      %get3A_2781 = arith.index_cast %get3A_2780 : i32 to index
      %get3A_2782 = arith.constant 0 : index
      %get3A_2783 = tpu.vector_load %arg12[%get3A_2781, %get3A_2782] {strides = array<i32>} : memref<106x16xf32, #tpu.memory_space<vmem>>, vector<16xf32>,
      %mul3A_2784 = arith.constant 2.91038305E-11 : f32
      %mul3A_2785 = vector.broadcast %mul3A_2784 : f32 to vector<16xf32>
      %mul3A_2786 = arith.mulf %get3A_2783, %mul3A_2785 : vector<16xf32>
      %add3A_2787 = arith.addf %add3A_2755, %mul3A_2786 : vector<16xf32>
      %get3A_2788 = arith.constant 92 : i32
      %get3A_2789 = arith.index_cast %get3A_2788 : i32 to index
      %get3A_2790 = arith.constant 0 : index
      %get3A_2791 = tpu.vector_load %arg12[%get3A_2789, %get3A_2790] {strides = array<i32>} : memref<106x16xf32, #tpu.memory_space<vmem>>, vector<16xf32>,
      %mul3A_2792 = arith.constant 1.45519152E-11 : f32
      %mul3A_2793 = vector.broadcast %mul3A_2792 : f32 to vector<16xf32>
      %mul3A_2794 = arith.mulf %get3A_2791, %mul3A_2793 : vector<16xf32>
      %add3A_2795 = arith.addf %add3A_2763, %mul3A_2794 : vector<16xf32>
      %get3A_2796 = arith.constant 93 : i32
      %get3A_2797 = arith.index_cast %get3A_2796 : i32 to index
      %get3A_2798 = arith.constant 0 : index
      %get3A_2799 = tpu.vector_load %arg12[%get3A_2797, %get3A_2798] {strides = array<i32>} : memref<106x16xf32, #tpu.memory_space<vmem>>, vector<16xf32>,
      %mul3A_2800 = arith.constant 7.27595761E-12 : f32
      %mul3A_2801 = vector.broadcast %mul3A_2800 : f32 to vector<16xf32>
      %mul3A_2802 = arith.mulf %get3A_2799, %mul3A_2801 : vector<16xf32>
      %add3A_2803 = arith.addf %add3A_2771, %mul3A_2802 : vector<16xf32>
      %get3A_2804 = arith.constant 94 : i32
      %get3A_2805 = arith.index_cast %get3A_2804 : i32 to index
      %get3A_2806 = arith.constant 0 : index
      %get3A_2807 = tpu.vector_load %arg12[%get3A_2805, %get3A_2806] {strides = array<i32>} : memref<106x16xf32, #tpu.memory_space<vmem>>, vector<16xf32>,
      %mul3A_2808 = arith.constant 3.63797881E-12 : f32
      %mul3A_2809 = vector.broadcast %mul3A_2808 : f32 to vector<16xf32>
      %mul3A_2810 = arith.mulf %get3A_2807, %mul3A_2809 : vector<16xf32>
      %add3A_2811 = arith.addf %add3A_2779, %mul3A_2810 : vector<16xf32>
      %get3A_2812 = arith.constant 95 : i32
      %get3A_2813 = arith.index_cast %get3A_2812 : i32 to index
      %get3A_2814 = arith.constant 0 : index
      %get3A_2815 = tpu.vector_load %arg12[%get3A_2813, %get3A_2814] {strides = array<i32>} : memref<106x16xf32, #tpu.memory_space<vmem>>, vector<16xf32>,
      %mul3A_2816 = arith.constant 1.8189894E-12 : f32
      %mul3A_2817 = vector.broadcast %mul3A_2816 : f32 to vector<16xf32>
      %mul3A_2818 = arith.mulf %get3A_2815, %mul3A_2817 : vector<16xf32>
      %add3A_2819 = arith.addf %add3A_2787, %mul3A_2818 : vector<16xf32>
      %get3A_2820 = arith.constant 96 : i32
      %get3A_2821 = arith.index_cast %get3A_2820 : i32 to index
      %get3A_2822 = arith.constant 0 : index
      %get3A_2823 = tpu.vector_load %arg12[%get3A_2821, %get3A_2822] {strides = array<i32>} : memref<106x16xf32, #tpu.memory_space<vmem>>, vector<16xf32>,
      %mul3A_2824 = arith.constant 9.09494702E-13 : f32
      %mul3A_2825 = vector.broadcast %mul3A_2824 : f32 to vector<16xf32>
      %mul3A_2826 = arith.mulf %get3A_2823, %mul3A_2825 : vector<16xf32>
      %add3A_2827 = arith.addf %add3A_2795, %mul3A_2826 : vector<16xf32>
      %get3A_2828 = arith.constant 97 : i32
      %get3A_2829 = arith.index_cast %get3A_2828 : i32 to index
      %get3A_2830 = arith.constant 0 : index
      %get3A_2831 = tpu.vector_load %arg12[%get3A_2829, %get3A_2830] {strides = array<i32>} : memref<106x16xf32, #tpu.memory_space<vmem>>, vector<16xf32>,
      %mul3A_2832 = arith.constant 4.54747351E-13 : f32
      %mul3A_2833 = vector.broadcast %mul3A_2832 : f32 to vector<16xf32>
      %mul3A_2834 = arith.mulf %get3A_2831, %mul3A_2833 : vector<16xf32>
      %add3A_2835 = arith.addf %add3A_2803, %mul3A_2834 : vector<16xf32>
      %get3A_2836 = arith.constant 98 : i32
      %get3A_2837 = arith.index_cast %get3A_2836 : i32 to index
      %get3A_2838 = arith.constant 0 : index
      %get3A_2839 = tpu.vector_load %arg12[%get3A_2837, %get3A_2838] {strides = array<i32>} : memref<106x16xf32, #tpu.memory_space<vmem>>, vector<16xf32>,
      %mul3A_2840 = arith.constant 2.27373675E-13 : f32
      %mul3A_2841 = vector.broadcast %mul3A_2840 : f32 to vector<16xf32>
      %mul3A_2842 = arith.mulf %get3A_2839, %mul3A_2841 : vector<16xf32>
      %add3A_2843 = arith.addf %add3A_2811, %mul3A_2842 : vector<16xf32>
      %get3A_2844 = arith.constant 99 : i32
      %get3A_2845 = arith.index_cast %get3A_2844 : i32 to index
      %get3A_2846 = arith.constant 0 : index
      %get3A_2847 = tpu.vector_load %arg12[%get3A_2845, %get3A_2846] {strides = array<i32>} : memref<106x16xf32, #tpu.memory_space<vmem>>, vector<16xf32>,
      %mul3A_2848 = arith.constant 1.13686838E-13 : f32
      %mul3A_2849 = vector.broadcast %mul3A_2848 : f32 to vector<16xf32>
      %mul3A_2850 = arith.mulf %get3A_2847, %mul3A_2849 : vector<16xf32>
      %add3A_2851 = arith.addf %add3A_2819, %mul3A_2850 : vector<16xf32>
      %get3A_2852 = arith.constant 100 : i32
      %get3A_2853 = arith.index_cast %get3A_2852 : i32 to index
      %get3A_2854 = arith.constant 0 : index
      %get3A_2855 = tpu.vector_load %arg12[%get3A_2853, %get3A_2854] {strides = array<i32>} : memref<106x16xf32, #tpu.memory_space<vmem>>, vector<16xf32>,
      %mul3A_2856 = arith.constant 5.68434189E-14 : f32
      %mul3A_2857 = vector.broadcast %mul3A_2856 : f32 to vector<16xf32>
      %mul3A_2858 = arith.mulf %get3A_2855, %mul3A_2857 : vector<16xf32>
      %add3A_2859 = arith.addf %add3A_2827, %mul3A_2858 : vector<16xf32>
      %get3A_2860 = arith.constant 101 : i32
      %get3A_2861 = arith.index_cast %get3A_2860 : i32 to index
      %get3A_2862 = arith.constant 0 : index
      %get3A_2863 = tpu.vector_load %arg12[%get3A_2861, %get3A_2862] {strides = array<i32>} : memref<106x16xf32, #tpu.memory_space<vmem>>, vector<16xf32>,
      %mul3A_2864 = arith.constant 2.84217094E-14 : f32
      %mul3A_2865 = vector.broadcast %mul3A_2864 : f32 to vector<16xf32>
      %mul3A_2866 = arith.mulf %get3A_2863, %mul3A_2865 : vector<16xf32>
      %add3A_2867 = arith.addf %add3A_2835, %mul3A_2866 : vector<16xf32>
      %get3A_2868 = arith.constant 102 : i32
      %get3A_2869 = arith.index_cast %get3A_2868 : i32 to index
      %get3A_2870 = arith.constant 0 : index
      %get3A_2871 = tpu.vector_load %arg12[%get3A_2869, %get3A_2870] {strides = array<i32>} : memref<106x16xf32, #tpu.memory_space<vmem>>, vector<16xf32>,
      %mul3A_2872 = arith.constant 1.42108547E-14 : f32
      %mul3A_2873 = vector.broadcast %mul3A_2872 : f32 to vector<16xf32>
      %mul3A_2874 = arith.mulf %get3A_2871, %mul3A_2873 : vector<16xf32>
      %add3A_2875 = arith.addf %add3A_2843, %mul3A_2874 : vector<16xf32>
      %get3A_2876 = arith.constant 103 : i32
      %get3A_2877 = arith.index_cast %get3A_2876 : i32 to index
      %get3A_2878 = arith.constant 0 : index
      %get3A_2879 = tpu.vector_load %arg12[%get3A_2877, %get3A_2878] {strides = array<i32>} : memref<106x16xf32, #tpu.memory_space<vmem>>, vector<16xf32>,
      %mul3A_2880 = arith.constant 7.10542735E-15 : f32
      %mul3A_2881 = vector.broadcast %mul3A_2880 : f32 to vector<16xf32>
      %mul3A_2882 = arith.mulf %get3A_2879, %mul3A_2881 : vector<16xf32>
      %add3A_2883 = arith.addf %add3A_2851, %mul3A_2882 : vector<16xf32>
      %get3A_2884 = arith.constant 104 : i32
      %get3A_2885 = arith.index_cast %get3A_2884 : i32 to index
      %get3A_2886 = arith.constant 0 : index
      %get3A_2887 = tpu.vector_load %arg12[%get3A_2885, %get3A_2886] {strides = array<i32>} : memref<106x16xf32, #tpu.memory_space<vmem>>, vector<16xf32>,
      %mul3A_2888 = arith.constant 3.55271368E-15 : f32
      %mul3A_2889 = vector.broadcast %mul3A_2888 : f32 to vector<16xf32>
      %mul3A_2890 = arith.mulf %get3A_2887, %mul3A_2889 : vector<16xf32>
      %add3A_2891 = arith.addf %add3A_2859, %mul3A_2890 : vector<16xf32>
      %get3A_2892 = arith.constant 105 : i32
      %get3A_2893 = arith.index_cast %get3A_2892 : i32 to index
      %get3A_2894 = arith.constant 0 : index
      %get3A_2895 = tpu.vector_load %arg12[%get3A_2893, %get3A_2894] {strides = array<i32>} : memref<106x16xf32, #tpu.memory_space<vmem>>, vector<16xf32>,
      %mul3A_2896 = arith.constant 1.77635684E-15 : f32
      %mul3A_2897 = vector.broadcast %mul3A_2896 : f32 to vector<16xf32>
      %mul3A_2898 = arith.mulf %get3A_2895, %mul3A_2897 : vector<16xf32>
      %add3A_2899 = arith.addf %add3A_2867, %mul3A_2898 : vector<16xf32>
      %add3A_2900 = arith.addf %add3A_2891, %add3A_2899 : vector<16xf32>
      %add3A_2901 = arith.addf %add3A_2875, %add3A_2883 : vector<16xf32>
      %add3A_2902 = arith.addf %add3A_2900, %add3A_2901 : vector<16xf32>
      %get3A_2903 = arith.constant 24 : i32
      %get3A_2904 = arith.index_cast %get3A_2903 : i32 to index
      %get3A_2905 = arith.constant 0 : index
      %get3A_2906 = tpu.vector_load %arg13[%get3A_2904, %get3A_2905] {strides = array<i32>} : memref<44x32xf32, #tpu.memory_space<vmem>>, vector<16xf32>,
      %get3A_2907 = arith.constant 25 : i32
      %get3A_2908 = arith.index_cast %get3A_2907 : i32 to index
      %get3A_2909 = arith.constant 0 : index
      %get3A_2910 = tpu.vector_load %arg13[%get3A_2908, %get3A_2909] {strides = array<i32>} : memref<44x32xf32, #tpu.memory_space<vmem>>, vector<16xf32>,
      %get3A_2911 = arith.constant 26 : i32
      %get3A_2912 = arith.index_cast %get3A_2911 : i32 to index
      %get3A_2913 = arith.constant 0 : index
      %get3A_2914 = tpu.vector_load %arg13[%get3A_2912, %get3A_2913] {strides = array<i32>} : memref<44x32xf32, #tpu.memory_space<vmem>>, vector<16xf32>,
      %get3A_2915 = arith.constant 27 : i32
      %get3A_2916 = arith.index_cast %get3A_2915 : i32 to index
      %get3A_2917 = arith.constant 0 : index
      %get3A_2918 = tpu.vector_load %arg13[%get3A_2916, %get3A_2917] {strides = array<i32>} : memref<44x32xf32, #tpu.memory_space<vmem>>, vector<16xf32>,
      %get3A_2919 = arith.constant 28 : i32
      %get3A_2920 = arith.index_cast %get3A_2919 : i32 to index
      %get3A_2921 = arith.constant 0 : index
      %get3A_2922 = tpu.vector_load %arg13[%get3A_2920, %get3A_2921] {strides = array<i32>} : memref<44x32xf32, #tpu.memory_space<vmem>>, vector<16xf32>,
      %get3A_2923 = arith.constant 29 : i32
      %get3A_2924 = arith.index_cast %get3A_2923 : i32 to index
      %get3A_2925 = arith.constant 0 : index
      %get3A_2926 = tpu.vector_load %arg13[%get3A_2924, %get3A_2925] {strides = array<i32>} : memref<44x32xf32, #tpu.memory_space<vmem>>, vector<16xf32>,
      %get3A_2927 = arith.constant 30 : i32
      %get3A_2928 = arith.index_cast %get3A_2927 : i32 to index
      %get3A_2929 = arith.constant 0 : index
      %get3A_2930 = tpu.vector_load %arg13[%get3A_2928, %get3A_2929] {strides = array<i32>} : memref<44x32xf32, #tpu.memory_space<vmem>>, vector<16xf32>,
      %get3A_2931 = arith.constant 31 : i32
      %get3A_2932 = arith.index_cast %get3A_2931 : i32 to index
      %get3A_2933 = arith.constant 0 : index
      %get3A_2934 = tpu.vector_load %arg13[%get3A_2932, %get3A_2933] {strides = array<i32>} : memref<44x32xf32, #tpu.memory_space<vmem>>, vector<16xf32>,
      %get3A_2935 = arith.constant 32 : i32
      %get3A_2936 = arith.index_cast %get3A_2935 : i32 to index
      %get3A_2937 = arith.constant 0 : index
      %get3A_2938 = tpu.vector_load %arg13[%get3A_2936, %get3A_2937] {strides = array<i32>} : memref<44x32xf32, #tpu.memory_space<vmem>>, vector<16xf32>,
      %get3A_2939 = arith.constant 33 : i32
      %get3A_2940 = arith.index_cast %get3A_2939 : i32 to index
      %get3A_2941 = arith.constant 0 : index
      %get3A_2942 = tpu.vector_load %arg13[%get3A_2940, %get3A_2941] {strides = array<i32>} : memref<44x32xf32, #tpu.memory_space<vmem>>, vector<16xf32>,
      %get3A_2943 = arith.constant 34 : i32
      %get3A_2944 = arith.index_cast %get3A_2943 : i32 to index
      %get3A_2945 = arith.constant 0 : index
      %get3A_2946 = tpu.vector_load %arg13[%get3A_2944, %get3A_2945] {strides = array<i32>} : memref<44x32xf32, #tpu.memory_space<vmem>>, vector<16xf32>,
      %get3A_2947 = arith.constant 35 : i32
      %get3A_2948 = arith.index_cast %get3A_2947 : i32 to index
      %get3A_2949 = arith.constant 0 : index
      %get3A_2950 = tpu.vector_load %arg13[%get3A_2948, %get3A_2949] {strides = array<i32>} : memref<44x32xf32, #tpu.memory_space<vmem>>, vector<16xf32>,
      %get3A_2951 = arith.constant 36 : i32
      %get3A_2952 = arith.index_cast %get3A_2951 : i32 to index
      %get3A_2953 = arith.constant 0 : index
      %get3A_2954 = tpu.vector_load %arg13[%get3A_2952, %get3A_2953] {strides = array<i32>} : memref<44x32xf32, #tpu.memory_space<vmem>>, vector<16xf32>,
      %get3A_2955 = arith.constant 37 : i32
      %get3A_2956 = arith.index_cast %get3A_2955 : i32 to index
      %get3A_2957 = arith.constant 0 : index
      %get3A_2958 = tpu.vector_load %arg13[%get3A_2956, %get3A_2957] {strides = array<i32>} : memref<44x32xf32, #tpu.memory_space<vmem>>, vector<16xf32>,
      %get3A_2959 = arith.constant 38 : i32
      %get3A_2960 = arith.index_cast %get3A_2959 : i32 to index
      %get3A_2961 = arith.constant 0 : index
      %get3A_2962 = tpu.vector_load %arg13[%get3A_2960, %get3A_2961] {strides = array<i32>} : memref<44x32xf32, #tpu.memory_space<vmem>>, vector<16xf32>,
      %get3A_2963 = arith.constant 39 : i32
      %get3A_2964 = arith.index_cast %get3A_2963 : i32 to index
      %get3A_2965 = arith.constant 0 : index
      %get3A_2966 = tpu.vector_load %arg13[%get3A_2964, %get3A_2965] {strides = array<i32>} : memref<44x32xf32, #tpu.memory_space<vmem>>, vector<16xf32>,
      %get3A_2967 = arith.constant 40 : i32
      %get3A_2968 = arith.index_cast %get3A_2967 : i32 to index
      %get3A_2969 = arith.constant 0 : index
      %get3A_2970 = tpu.vector_load %arg13[%get3A_2968, %get3A_2969] {strides = array<i32>} : memref<44x32xf32, #tpu.memory_space<vmem>>, vector<16xf32>,
      %get3A_2971 = arith.constant 41 : i32
      %get3A_2972 = arith.index_cast %get3A_2971 : i32 to index
      %get3A_2973 = arith.constant 0 : index
      %get3A_2974 = tpu.vector_load %arg13[%get3A_2972, %get3A_2973] {strides = array<i32>} : memref<44x32xf32, #tpu.memory_space<vmem>>, vector<16xf32>,
      %get3A_2975 = arith.constant 42 : i32
      %get3A_2976 = arith.index_cast %get3A_2975 : i32 to index
      %get3A_2977 = arith.constant 0 : index
      %get3A_2978 = tpu.vector_load %arg13[%get3A_2976, %get3A_2977] {strides = array<i32>} : memref<44x32xf32, #tpu.memory_space<vmem>>, vector<16xf32>,
      %get3A_2979 = arith.constant 43 : i32
      %get3A_2980 = arith.index_cast %get3A_2979 : i32 to index
      %get3A_2981 = arith.constant 0 : index
      %get3A_2982 = tpu.vector_load %arg13[%get3A_2980, %get3A_2981] {strides = array<i32>} : memref<44x32xf32, #tpu.memory_space<vmem>>, vector<16xf32>,
      %add3A_2983 = arith.addf %get3A_2906, %get3A_2922 : vector<16xf32>
      %add3A_2984 = arith.addf %get3A_2910, %get3A_2926 : vector<16xf32>
      %add3A_2985 = arith.addf %get3A_2914, %get3A_2930 : vector<16xf32>
      %add3A_2986 = arith.addf %get3A_2918, %get3A_2934 : vector<16xf32>
      %add3A_2987 = arith.addf %add3A_2983, %get3A_2938 : vector<16xf32>
      %add3A_2988 = arith.addf %add3A_2984, %get3A_2942 : vector<16xf32>
      %add3A_2989 = arith.addf %add3A_2985, %get3A_2946 : vector<16xf32>
      %add3A_2990 = arith.addf %add3A_2986, %get3A_2950 : vector<16xf32>
      %add3A_2991 = arith.addf %add3A_2987, %get3A_2954 : vector<16xf32>
      %add3A_2992 = arith.addf %add3A_2988, %get3A_2958 : vector<16xf32>
      %add3A_2993 = arith.addf %add3A_2989, %get3A_2962 : vector<16xf32>
      %add3A_2994 = arith.addf %add3A_2990, %get3A_2966 : vector<16xf32>
      %add3A_2995 = arith.addf %add3A_2991, %get3A_2970 : vector<16xf32>
      %add3A_2996 = arith.addf %add3A_2992, %get3A_2974 : vector<16xf32>
      %add3A_2997 = arith.addf %add3A_2993, %get3A_2978 : vector<16xf32>
      %add3A_2998 = arith.addf %add3A_2994, %get3A_2982 : vector<16xf32>
      %add3A_2999 = arith.addf %add3A_2995, %add3A_2996 : vector<16xf32>
      %add3A_3000 = arith.addf %add3A_2997, %add3A_2998 : vector<16xf32>
      %add3A_3001 = arith.addf %add3A_2999, %add3A_3000 : vector<16xf32>
      %add3A_3002 = arith.addf %add3A_2902, %add3A_3001 : vector<16xf32>
      %broadcast_in_dim3A_3003 = arith.constant 0.000000e+00 : f32
      %broadcast_in_dim3A_3004 = vector.broadcast %broadcast_in_dim3A_3003 : f32 to vector<16xf32>
      %broadcast_in_dim3A_3005 = arith.constant 0.000000e+00 : f32
      %broadcast_in_dim3A_3006 = vector.broadcast %broadcast_in_dim3A_3005 : f32 to vector<16xf32>
      %get3A_3007 = arith.constant 24 : i32
      %get3A_3008 = arith.index_cast %get3A_3007 : i32 to index
      %get3A_3009 = arith.constant 16 : index
      %get3A_3010 = tpu.vector_load %arg13[%get3A_3008, %get3A_3009] {strides = array<i32>} : memref<44x32xf32, #tpu.memory_space<vmem>>, vector<16xf32>,
      %sub3A_3011 = arith.subf %add3A_3002, %get3A_2906 : vector<16xf32>
      %mul3A_3012 = arith.mulf %get3A_3010, %sub3A_3011 : vector<16xf32>
      %reduce_sum3A_3013 = arith.constant true
      %reduce_sum3A_3014 = vector.broadcast %reduce_sum3A_3013 : i1 to vector<16xi1>
      %reduce_sum3A_3015 = tpu.scan <sum>, %mul3A_3012 masked %reduce_sum3A_3014 : vector<16xf32>, vector<16xi1> -> vector<16xf32>
      %reduce_sum3A_3016 = vector.extract %reduce_sum3A_3015[15] : f32 from vector<16xf32>
      %eq3A_3017 = arith.constant 0 : i32
      %eq3A_3018 = vector.broadcast %eq3A_3017 : i32 to vector<16xi32>
      %eq3A_3019 = arith.cmpi eq, %iota3A, %eq3A_3018 : vector<16xi32>
      %broadcast_in_dim3A_3020 = vector.broadcast %reduce_sum3A_3016 : f32 to vector<16xf32>
      %select_n3A_3021 = arith.select %eq3A_3019, %broadcast_in_dim3A_3020, %broadcast_in_dim3A_3004 : vector<16xi1>, vector<16xf32>
      %get3A_3022 = arith.constant 25 : i32
      %get3A_3023 = arith.index_cast %get3A_3022 : i32 to index
      %get3A_3024 = arith.constant 16 : index
      %get3A_3025 = tpu.vector_load %arg13[%get3A_3023, %get3A_3024] {strides = array<i32>} : memref<44x32xf32, #tpu.memory_space<vmem>>, vector<16xf32>,
      %sub3A_3026 = arith.subf %add3A_3002, %get3A_2910 : vector<16xf32>
      %mul3A_3027 = arith.mulf %get3A_3025, %sub3A_3026 : vector<16xf32>
      %reduce_sum3A_3028 = arith.constant true
      %reduce_sum3A_3029 = vector.broadcast %reduce_sum3A_3028 : i1 to vector<16xi1>
      %reduce_sum3A_3030 = tpu.scan <sum>, %mul3A_3027 masked %reduce_sum3A_3029 : vector<16xf32>, vector<16xi1> -> vector<16xf32>
      %reduce_sum3A_3031 = vector.extract %reduce_sum3A_3030[15] : f32 from vector<16xf32>
      %eq3A_3032 = arith.constant 1 : i32
      %eq3A_3033 = vector.broadcast %eq3A_3032 : i32 to vector<16xi32>
      %eq3A_3034 = arith.cmpi eq, %iota3A, %eq3A_3033 : vector<16xi32>
      %broadcast_in_dim3A_3035 = vector.broadcast %reduce_sum3A_3031 : f32 to vector<16xf32>
      %select_n3A_3036 = arith.select %eq3A_3034, %broadcast_in_dim3A_3035, %select_n3A_3021 : vector<16xi1>, vector<16xf32>
      %get3A_3037 = arith.constant 26 : i32
      %get3A_3038 = arith.index_cast %get3A_3037 : i32 to index
      %get3A_3039 = arith.constant 16 : index
      %get3A_3040 = tpu.vector_load %arg13[%get3A_3038, %get3A_3039] {strides = array<i32>} : memref<44x32xf32, #tpu.memory_space<vmem>>, vector<16xf32>,
      %sub3A_3041 = arith.subf %add3A_3002, %get3A_2914 : vector<16xf32>
      %mul3A_3042 = arith.mulf %get3A_3040, %sub3A_3041 : vector<16xf32>
      %reduce_sum3A_3043 = arith.constant true
      %reduce_sum3A_3044 = vector.broadcast %reduce_sum3A_3043 : i1 to vector<16xi1>
      %reduce_sum3A_3045 = tpu.scan <sum>, %mul3A_3042 masked %reduce_sum3A_3044 : vector<16xf32>, vector<16xi1> -> vector<16xf32>
      %reduce_sum3A_3046 = vector.extract %reduce_sum3A_3045[15] : f32 from vector<16xf32>
      %eq3A_3047 = arith.constant 2 : i32
      %eq3A_3048 = vector.broadcast %eq3A_3047 : i32 to vector<16xi32>
      %eq3A_3049 = arith.cmpi eq, %iota3A, %eq3A_3048 : vector<16xi32>
      %broadcast_in_dim3A_3050 = vector.broadcast %reduce_sum3A_3046 : f32 to vector<16xf32>
      %select_n3A_3051 = arith.select %eq3A_3049, %broadcast_in_dim3A_3050, %select_n3A_3036 : vector<16xi1>, vector<16xf32>
      %get3A_3052 = arith.constant 27 : i32
      %get3A_3053 = arith.index_cast %get3A_3052 : i32 to index
      %get3A_3054 = arith.constant 16 : index
      %get3A_3055 = tpu.vector_load %arg13[%get3A_3053, %get3A_3054] {strides = array<i32>} : memref<44x32xf32, #tpu.memory_space<vmem>>, vector<16xf32>,
      %sub3A_3056 = arith.subf %add3A_3002, %get3A_2918 : vector<16xf32>
      %mul3A_3057 = arith.mulf %get3A_3055, %sub3A_3056 : vector<16xf32>
      %reduce_sum3A_3058 = arith.constant true
      %reduce_sum3A_3059 = vector.broadcast %reduce_sum3A_3058 : i1 to vector<16xi1>
      %reduce_sum3A_3060 = tpu.scan <sum>, %mul3A_3057 masked %reduce_sum3A_3059 : vector<16xf32>, vector<16xi1> -> vector<16xf32>
      %reduce_sum3A_3061 = vector.extract %reduce_sum3A_3060[15] : f32 from vector<16xf32>
      %eq3A_3062 = arith.constant 3 : i32
      %eq3A_3063 = vector.broadcast %eq3A_3062 : i32 to vector<16xi32>
      %eq3A_3064 = arith.cmpi eq, %iota3A, %eq3A_3063 : vector<16xi32>
      %broadcast_in_dim3A_3065 = vector.broadcast %reduce_sum3A_3061 : f32 to vector<16xf32>
      %select_n3A_3066 = arith.select %eq3A_3064, %broadcast_in_dim3A_3065, %select_n3A_3051 : vector<16xi1>, vector<16xf32>
      %get3A_3067 = arith.constant 28 : i32
      %get3A_3068 = arith.index_cast %get3A_3067 : i32 to index
      %get3A_3069 = arith.constant 16 : index
      %get3A_3070 = tpu.vector_load %arg13[%get3A_3068, %get3A_3069] {strides = array<i32>} : memref<44x32xf32, #tpu.memory_space<vmem>>, vector<16xf32>,
      %sub3A_3071 = arith.subf %add3A_3002, %get3A_2922 : vector<16xf32>
      %mul3A_3072 = arith.mulf %get3A_3070, %sub3A_3071 : vector<16xf32>
      %reduce_sum3A_3073 = arith.constant true
      %reduce_sum3A_3074 = vector.broadcast %reduce_sum3A_3073 : i1 to vector<16xi1>
      %reduce_sum3A_3075 = tpu.scan <sum>, %mul3A_3072 masked %reduce_sum3A_3074 : vector<16xf32>, vector<16xi1> -> vector<16xf32>
      %reduce_sum3A_3076 = vector.extract %reduce_sum3A_3075[15] : f32 from vector<16xf32>
      %eq3A_3077 = arith.constant 4 : i32
      %eq3A_3078 = vector.broadcast %eq3A_3077 : i32 to vector<16xi32>
      %eq3A_3079 = arith.cmpi eq, %iota3A, %eq3A_3078 : vector<16xi32>
      %broadcast_in_dim3A_3080 = vector.broadcast %reduce_sum3A_3076 : f32 to vector<16xf32>
      %select_n3A_3081 = arith.select %eq3A_3079, %broadcast_in_dim3A_3080, %select_n3A_3066 : vector<16xi1>, vector<16xf32>
      %get3A_3082 = arith.constant 29 : i32
      %get3A_3083 = arith.index_cast %get3A_3082 : i32 to index
      %get3A_3084 = arith.constant 16 : index
      %get3A_3085 = tpu.vector_load %arg13[%get3A_3083, %get3A_3084] {strides = array<i32>} : memref<44x32xf32, #tpu.memory_space<vmem>>, vector<16xf32>,
      %sub3A_3086 = arith.subf %add3A_3002, %get3A_2926 : vector<16xf32>
      %mul3A_3087 = arith.mulf %get3A_3085, %sub3A_3086 : vector<16xf32>
      %reduce_sum3A_3088 = arith.constant true
      %reduce_sum3A_3089 = vector.broadcast %reduce_sum3A_3088 : i1 to vector<16xi1>
      %reduce_sum3A_3090 = tpu.scan <sum>, %mul3A_3087 masked %reduce_sum3A_3089 : vector<16xf32>, vector<16xi1> -> vector<16xf32>
      %reduce_sum3A_3091 = vector.extract %reduce_sum3A_3090[15] : f32 from vector<16xf32>
      %eq3A_3092 = arith.constant 5 : i32
      %eq3A_3093 = vector.broadcast %eq3A_3092 : i32 to vector<16xi32>
      %eq3A_3094 = arith.cmpi eq, %iota3A, %eq3A_3093 : vector<16xi32>
      %broadcast_in_dim3A_3095 = vector.broadcast %reduce_sum3A_3091 : f32 to vector<16xf32>
      %select_n3A_3096 = arith.select %eq3A_3094, %broadcast_in_dim3A_3095, %select_n3A_3081 : vector<16xi1>, vector<16xf32>
      %get3A_3097 = arith.constant 30 : i32
      %get3A_3098 = arith.index_cast %get3A_3097 : i32 to index
      %get3A_3099 = arith.constant 16 : index
      %get3A_3100 = tpu.vector_load %arg13[%get3A_3098, %get3A_3099] {strides = array<i32>} : memref<44x32xf32, #tpu.memory_space<vmem>>, vector<16xf32>,
      %sub3A_3101 = arith.subf %add3A_3002, %get3A_2930 : vector<16xf32>
      %mul3A_3102 = arith.mulf %get3A_3100, %sub3A_3101 : vector<16xf32>
      %reduce_sum3A_3103 = arith.constant true
      %reduce_sum3A_3104 = vector.broadcast %reduce_sum3A_3103 : i1 to vector<16xi1>
      %reduce_sum3A_3105 = tpu.scan <sum>, %mul3A_3102 masked %reduce_sum3A_3104 : vector<16xf32>, vector<16xi1> -> vector<16xf32>
      %reduce_sum3A_3106 = vector.extract %reduce_sum3A_3105[15] : f32 from vector<16xf32>
      %eq3A_3107 = arith.constant 6 : i32
      %eq3A_3108 = vector.broadcast %eq3A_3107 : i32 to vector<16xi32>
      %eq3A_3109 = arith.cmpi eq, %iota3A, %eq3A_3108 : vector<16xi32>
      %broadcast_in_dim3A_3110 = vector.broadcast %reduce_sum3A_3106 : f32 to vector<16xf32>
      %select_n3A_3111 = arith.select %eq3A_3109, %broadcast_in_dim3A_3110, %select_n3A_3096 : vector<16xi1>, vector<16xf32>
      %get3A_3112 = arith.constant 31 : i32
      %get3A_3113 = arith.index_cast %get3A_3112 : i32 to index
      %get3A_3114 = arith.constant 16 : index
      %get3A_3115 = tpu.vector_load %arg13[%get3A_3113, %get3A_3114] {strides = array<i32>} : memref<44x32xf32, #tpu.memory_space<vmem>>, vector<16xf32>,
      %sub3A_3116 = arith.subf %add3A_3002, %get3A_2934 : vector<16xf32>
      %mul3A_3117 = arith.mulf %get3A_3115, %sub3A_3116 : vector<16xf32>
      %reduce_sum3A_3118 = arith.constant true
      %reduce_sum3A_3119 = vector.broadcast %reduce_sum3A_3118 : i1 to vector<16xi1>
      %reduce_sum3A_3120 = tpu.scan <sum>, %mul3A_3117 masked %reduce_sum3A_3119 : vector<16xf32>, vector<16xi1> -> vector<16xf32>
      %reduce_sum3A_3121 = vector.extract %reduce_sum3A_3120[15] : f32 from vector<16xf32>
      %eq3A_3122 = arith.constant 7 : i32
      %eq3A_3123 = vector.broadcast %eq3A_3122 : i32 to vector<16xi32>
      %eq3A_3124 = arith.cmpi eq, %iota3A, %eq3A_3123 : vector<16xi32>
      %broadcast_in_dim3A_3125 = vector.broadcast %reduce_sum3A_3121 : f32 to vector<16xf32>
      %select_n3A_3126 = arith.select %eq3A_3124, %broadcast_in_dim3A_3125, %select_n3A_3111 : vector<16xi1>, vector<16xf32>
      %get3A_3127 = arith.constant 32 : i32
      %get3A_3128 = arith.index_cast %get3A_3127 : i32 to index
      %get3A_3129 = arith.constant 16 : index
      %get3A_3130 = tpu.vector_load %arg13[%get3A_3128, %get3A_3129] {strides = array<i32>} : memref<44x32xf32, #tpu.memory_space<vmem>>, vector<16xf32>,
      %sub3A_3131 = arith.subf %add3A_3002, %get3A_2938 : vector<16xf32>
      %mul3A_3132 = arith.mulf %get3A_3130, %sub3A_3131 : vector<16xf32>
      %reduce_sum3A_3133 = arith.constant true
      %reduce_sum3A_3134 = vector.broadcast %reduce_sum3A_3133 : i1 to vector<16xi1>
      %reduce_sum3A_3135 = tpu.scan <sum>, %mul3A_3132 masked %reduce_sum3A_3134 : vector<16xf32>, vector<16xi1> -> vector<16xf32>
      %reduce_sum3A_3136 = vector.extract %reduce_sum3A_3135[15] : f32 from vector<16xf32>
      %eq3A_3137 = arith.constant 8 : i32
      %eq3A_3138 = vector.broadcast %eq3A_3137 : i32 to vector<16xi32>
      %eq3A_3139 = arith.cmpi eq, %iota3A, %eq3A_3138 : vector<16xi32>
      %broadcast_in_dim3A_3140 = vector.broadcast %reduce_sum3A_3136 : f32 to vector<16xf32>
      %select_n3A_3141 = arith.select %eq3A_3139, %broadcast_in_dim3A_3140, %select_n3A_3126 : vector<16xi1>, vector<16xf32>
      %get3A_3142 = arith.constant 33 : i32
      %get3A_3143 = arith.index_cast %get3A_3142 : i32 to index
      %get3A_3144 = arith.constant 16 : index
      %get3A_3145 = tpu.vector_load %arg13[%get3A_3143, %get3A_3144] {strides = array<i32>} : memref<44x32xf32, #tpu.memory_space<vmem>>, vector<16xf32>,
      %sub3A_3146 = arith.subf %add3A_3002, %get3A_2942 : vector<16xf32>
      %mul3A_3147 = arith.mulf %get3A_3145, %sub3A_3146 : vector<16xf32>
      %reduce_sum3A_3148 = arith.constant true
      %reduce_sum3A_3149 = vector.broadcast %reduce_sum3A_3148 : i1 to vector<16xi1>
      %reduce_sum3A_3150 = tpu.scan <sum>, %mul3A_3147 masked %reduce_sum3A_3149 : vector<16xf32>, vector<16xi1> -> vector<16xf32>
      %reduce_sum3A_3151 = vector.extract %reduce_sum3A_3150[15] : f32 from vector<16xf32>
      %eq3A_3152 = arith.constant 9 : i32
      %eq3A_3153 = vector.broadcast %eq3A_3152 : i32 to vector<16xi32>
      %eq3A_3154 = arith.cmpi eq, %iota3A, %eq3A_3153 : vector<16xi32>
      %broadcast_in_dim3A_3155 = vector.broadcast %reduce_sum3A_3151 : f32 to vector<16xf32>
      %select_n3A_3156 = arith.select %eq3A_3154, %broadcast_in_dim3A_3155, %select_n3A_3141 : vector<16xi1>, vector<16xf32>
      %get3A_3157 = arith.constant 34 : i32
      %get3A_3158 = arith.index_cast %get3A_3157 : i32 to index
      %get3A_3159 = arith.constant 16 : index
      %get3A_3160 = tpu.vector_load %arg13[%get3A_3158, %get3A_3159] {strides = array<i32>} : memref<44x32xf32, #tpu.memory_space<vmem>>, vector<16xf32>,
      %sub3A_3161 = arith.subf %add3A_3002, %get3A_2946 : vector<16xf32>
      %mul3A_3162 = arith.mulf %get3A_3160, %sub3A_3161 : vector<16xf32>
      %reduce_sum3A_3163 = arith.constant true
      %reduce_sum3A_3164 = vector.broadcast %reduce_sum3A_3163 : i1 to vector<16xi1>
      %reduce_sum3A_3165 = tpu.scan <sum>, %mul3A_3162 masked %reduce_sum3A_3164 : vector<16xf32>, vector<16xi1> -> vector<16xf32>
      %reduce_sum3A_3166 = vector.extract %reduce_sum3A_3165[15] : f32 from vector<16xf32>
      %eq3A_3167 = arith.constant 10 : i32
      %eq3A_3168 = vector.broadcast %eq3A_3167 : i32 to vector<16xi32>
      %eq3A_3169 = arith.cmpi eq, %iota3A, %eq3A_3168 : vector<16xi32>
      %broadcast_in_dim3A_3170 = vector.broadcast %reduce_sum3A_3166 : f32 to vector<16xf32>
      %select_n3A_3171 = arith.select %eq3A_3169, %broadcast_in_dim3A_3170, %select_n3A_3156 : vector<16xi1>, vector<16xf32>
      %get3A_3172 = arith.constant 35 : i32
      %get3A_3173 = arith.index_cast %get3A_3172 : i32 to index
      %get3A_3174 = arith.constant 16 : index
      %get3A_3175 = tpu.vector_load %arg13[%get3A_3173, %get3A_3174] {strides = array<i32>} : memref<44x32xf32, #tpu.memory_space<vmem>>, vector<16xf32>,
      %sub3A_3176 = arith.subf %add3A_3002, %get3A_2950 : vector<16xf32>
      %mul3A_3177 = arith.mulf %get3A_3175, %sub3A_3176 : vector<16xf32>
      %reduce_sum3A_3178 = arith.constant true
      %reduce_sum3A_3179 = vector.broadcast %reduce_sum3A_3178 : i1 to vector<16xi1>
      %reduce_sum3A_3180 = tpu.scan <sum>, %mul3A_3177 masked %reduce_sum3A_3179 : vector<16xf32>, vector<16xi1> -> vector<16xf32>
      %reduce_sum3A_3181 = vector.extract %reduce_sum3A_3180[15] : f32 from vector<16xf32>
      %eq3A_3182 = arith.constant 11 : i32
      %eq3A_3183 = vector.broadcast %eq3A_3182 : i32 to vector<16xi32>
      %eq3A_3184 = arith.cmpi eq, %iota3A, %eq3A_3183 : vector<16xi32>
      %broadcast_in_dim3A_3185 = vector.broadcast %reduce_sum3A_3181 : f32 to vector<16xf32>
      %select_n3A_3186 = arith.select %eq3A_3184, %broadcast_in_dim3A_3185, %select_n3A_3171 : vector<16xi1>, vector<16xf32>
      %get3A_3187 = arith.constant 36 : i32
      %get3A_3188 = arith.index_cast %get3A_3187 : i32 to index
      %get3A_3189 = arith.constant 16 : index
      %get3A_3190 = tpu.vector_load %arg13[%get3A_3188, %get3A_3189] {strides = array<i32>} : memref<44x32xf32, #tpu.memory_space<vmem>>, vector<16xf32>,
      %sub3A_3191 = arith.subf %add3A_3002, %get3A_2954 : vector<16xf32>
      %mul3A_3192 = arith.mulf %get3A_3190, %sub3A_3191 : vector<16xf32>
      %reduce_sum3A_3193 = arith.constant true
      %reduce_sum3A_3194 = vector.broadcast %reduce_sum3A_3193 : i1 to vector<16xi1>
      %reduce_sum3A_3195 = tpu.scan <sum>, %mul3A_3192 masked %reduce_sum3A_3194 : vector<16xf32>, vector<16xi1> -> vector<16xf32>
      %reduce_sum3A_3196 = vector.extract %reduce_sum3A_3195[15] : f32 from vector<16xf32>
      %eq3A_3197 = arith.constant 12 : i32
      %eq3A_3198 = vector.broadcast %eq3A_3197 : i32 to vector<16xi32>
      %eq3A_3199 = arith.cmpi eq, %iota3A, %eq3A_3198 : vector<16xi32>
      %broadcast_in_dim3A_3200 = vector.broadcast %reduce_sum3A_3196 : f32 to vector<16xf32>
      %select_n3A_3201 = arith.select %eq3A_3199, %broadcast_in_dim3A_3200, %select_n3A_3186 : vector<16xi1>, vector<16xf32>
      %get3A_3202 = arith.constant 37 : i32
      %get3A_3203 = arith.index_cast %get3A_3202 : i32 to index
      %get3A_3204 = arith.constant 16 : index
      %get3A_3205 = tpu.vector_load %arg13[%get3A_3203, %get3A_3204] {strides = array<i32>} : memref<44x32xf32, #tpu.memory_space<vmem>>, vector<16xf32>,
      %sub3A_3206 = arith.subf %add3A_3002, %get3A_2958 : vector<16xf32>
      %mul3A_3207 = arith.mulf %get3A_3205, %sub3A_3206 : vector<16xf32>
      %reduce_sum3A_3208 = arith.constant true
      %reduce_sum3A_3209 = vector.broadcast %reduce_sum3A_3208 : i1 to vector<16xi1>
      %reduce_sum3A_3210 = tpu.scan <sum>, %mul3A_3207 masked %reduce_sum3A_3209 : vector<16xf32>, vector<16xi1> -> vector<16xf32>
      %reduce_sum3A_3211 = vector.extract %reduce_sum3A_3210[15] : f32 from vector<16xf32>
      %eq3A_3212 = arith.constant 13 : i32
      %eq3A_3213 = vector.broadcast %eq3A_3212 : i32 to vector<16xi32>
      %eq3A_3214 = arith.cmpi eq, %iota3A, %eq3A_3213 : vector<16xi32>
      %broadcast_in_dim3A_3215 = vector.broadcast %reduce_sum3A_3211 : f32 to vector<16xf32>
      %select_n3A_3216 = arith.select %eq3A_3214, %broadcast_in_dim3A_3215, %select_n3A_3201 : vector<16xi1>, vector<16xf32>
      %get3A_3217 = arith.constant 38 : i32
      %get3A_3218 = arith.index_cast %get3A_3217 : i32 to index
      %get3A_3219 = arith.constant 16 : index
      %get3A_3220 = tpu.vector_load %arg13[%get3A_3218, %get3A_3219] {strides = array<i32>} : memref<44x32xf32, #tpu.memory_space<vmem>>, vector<16xf32>,
      %sub3A_3221 = arith.subf %add3A_3002, %get3A_2962 : vector<16xf32>
      %mul3A_3222 = arith.mulf %get3A_3220, %sub3A_3221 : vector<16xf32>
      %reduce_sum3A_3223 = arith.constant true
      %reduce_sum3A_3224 = vector.broadcast %reduce_sum3A_3223 : i1 to vector<16xi1>
      %reduce_sum3A_3225 = tpu.scan <sum>, %mul3A_3222 masked %reduce_sum3A_3224 : vector<16xf32>, vector<16xi1> -> vector<16xf32>
      %reduce_sum3A_3226 = vector.extract %reduce_sum3A_3225[15] : f32 from vector<16xf32>
      %eq3A_3227 = arith.constant 14 : i32
      %eq3A_3228 = vector.broadcast %eq3A_3227 : i32 to vector<16xi32>
      %eq3A_3229 = arith.cmpi eq, %iota3A, %eq3A_3228 : vector<16xi32>
      %broadcast_in_dim3A_3230 = vector.broadcast %reduce_sum3A_3226 : f32 to vector<16xf32>
      %select_n3A_3231 = arith.select %eq3A_3229, %broadcast_in_dim3A_3230, %select_n3A_3216 : vector<16xi1>, vector<16xf32>
      %get3A_3232 = arith.constant 39 : i32
      %get3A_3233 = arith.index_cast %get3A_3232 : i32 to index
      %get3A_3234 = arith.constant 16 : index
      %get3A_3235 = tpu.vector_load %arg13[%get3A_3233, %get3A_3234] {strides = array<i32>} : memref<44x32xf32, #tpu.memory_space<vmem>>, vector<16xf32>,
      %sub3A_3236 = arith.subf %add3A_3002, %get3A_2966 : vector<16xf32>
      %mul3A_3237 = arith.mulf %get3A_3235, %sub3A_3236 : vector<16xf32>
      %reduce_sum3A_3238 = arith.constant true
      %reduce_sum3A_3239 = vector.broadcast %reduce_sum3A_3238 : i1 to vector<16xi1>
      %reduce_sum3A_3240 = tpu.scan <sum>, %mul3A_3237 masked %reduce_sum3A_3239 : vector<16xf32>, vector<16xi1> -> vector<16xf32>
      %reduce_sum3A_3241 = vector.extract %reduce_sum3A_3240[15] : f32 from vector<16xf32>
      %eq3A_3242 = arith.constant 15 : i32
      %eq3A_3243 = vector.broadcast %eq3A_3242 : i32 to vector<16xi32>
      %eq3A_3244 = arith.cmpi eq, %iota3A, %eq3A_3243 : vector<16xi32>
      %broadcast_in_dim3A_3245 = vector.broadcast %reduce_sum3A_3241 : f32 to vector<16xf32>
      %select_n3A_3246 = arith.select %eq3A_3244, %broadcast_in_dim3A_3245, %select_n3A_3231 : vector<16xi1>, vector<16xf32>
      %get3A_3247 = arith.constant 40 : i32
      %get3A_3248 = arith.index_cast %get3A_3247 : i32 to index
      %get3A_3249 = arith.constant 16 : index
      %get3A_3250 = tpu.vector_load %arg13[%get3A_3248, %get3A_3249] {strides = array<i32>} : memref<44x32xf32, #tpu.memory_space<vmem>>, vector<16xf32>,
      %sub3A_3251 = arith.subf %add3A_3002, %get3A_2970 : vector<16xf32>
      %mul3A_3252 = arith.mulf %get3A_3250, %sub3A_3251 : vector<16xf32>
      %reduce_sum3A_3253 = arith.constant true
      %reduce_sum3A_3254 = vector.broadcast %reduce_sum3A_3253 : i1 to vector<16xi1>
      %reduce_sum3A_3255 = tpu.scan <sum>, %mul3A_3252 masked %reduce_sum3A_3254 : vector<16xf32>, vector<16xi1> -> vector<16xf32>
      %reduce_sum3A_3256 = vector.extract %reduce_sum3A_3255[15] : f32 from vector<16xf32>
      %eq3A_3257 = arith.constant 0 : i32
      %eq3A_3258 = vector.broadcast %eq3A_3257 : i32 to vector<16xi32>
      %eq3A_3259 = arith.cmpi eq, %iota3A, %eq3A_3258 : vector<16xi32>
      %broadcast_in_dim3A_3260 = vector.broadcast %reduce_sum3A_3256 : f32 to vector<16xf32>
      %select_n3A_3261 = arith.select %eq3A_3259, %broadcast_in_dim3A_3260, %broadcast_in_dim3A_3006 : vector<16xi1>, vector<16xf32>
      %get3A_3262 = arith.constant 41 : i32
      %get3A_3263 = arith.index_cast %get3A_3262 : i32 to index
      %get3A_3264 = arith.constant 16 : index
      %get3A_3265 = tpu.vector_load %arg13[%get3A_3263, %get3A_3264] {strides = array<i32>} : memref<44x32xf32, #tpu.memory_space<vmem>>, vector<16xf32>,
      %sub3A_3266 = arith.subf %add3A_3002, %get3A_2974 : vector<16xf32>
      %mul3A_3267 = arith.mulf %get3A_3265, %sub3A_3266 : vector<16xf32>
      %reduce_sum3A_3268 = arith.constant true
      %reduce_sum3A_3269 = vector.broadcast %reduce_sum3A_3268 : i1 to vector<16xi1>
      %reduce_sum3A_3270 = tpu.scan <sum>, %mul3A_3267 masked %reduce_sum3A_3269 : vector<16xf32>, vector<16xi1> -> vector<16xf32>
      %reduce_sum3A_3271 = vector.extract %reduce_sum3A_3270[15] : f32 from vector<16xf32>
      %eq3A_3272 = arith.constant 1 : i32
      %eq3A_3273 = vector.broadcast %eq3A_3272 : i32 to vector<16xi32>
      %eq3A_3274 = arith.cmpi eq, %iota3A, %eq3A_3273 : vector<16xi32>
      %broadcast_in_dim3A_3275 = vector.broadcast %reduce_sum3A_3271 : f32 to vector<16xf32>
      %select_n3A_3276 = arith.select %eq3A_3274, %broadcast_in_dim3A_3275, %select_n3A_3261 : vector<16xi1>, vector<16xf32>
      %get3A_3277 = arith.constant 42 : i32
      %get3A_3278 = arith.index_cast %get3A_3277 : i32 to index
      %get3A_3279 = arith.constant 16 : index
      %get3A_3280 = tpu.vector_load %arg13[%get3A_3278, %get3A_3279] {strides = array<i32>} : memref<44x32xf32, #tpu.memory_space<vmem>>, vector<16xf32>,
      %sub3A_3281 = arith.subf %add3A_3002, %get3A_2978 : vector<16xf32>
      %mul3A_3282 = arith.mulf %get3A_3280, %sub3A_3281 : vector<16xf32>
      %reduce_sum3A_3283 = arith.constant true
      %reduce_sum3A_3284 = vector.broadcast %reduce_sum3A_3283 : i1 to vector<16xi1>
      %reduce_sum3A_3285 = tpu.scan <sum>, %mul3A_3282 masked %reduce_sum3A_3284 : vector<16xf32>, vector<16xi1> -> vector<16xf32>
      %reduce_sum3A_3286 = vector.extract %reduce_sum3A_3285[15] : f32 from vector<16xf32>
      %eq3A_3287 = arith.constant 2 : i32
      %eq3A_3288 = vector.broadcast %eq3A_3287 : i32 to vector<16xi32>
      %eq3A_3289 = arith.cmpi eq, %iota3A, %eq3A_3288 : vector<16xi32>
      %broadcast_in_dim3A_3290 = vector.broadcast %reduce_sum3A_3286 : f32 to vector<16xf32>
      %select_n3A_3291 = arith.select %eq3A_3289, %broadcast_in_dim3A_3290, %select_n3A_3276 : vector<16xi1>, vector<16xf32>
      %get3A_3292 = arith.constant 43 : i32
      %get3A_3293 = arith.index_cast %get3A_3292 : i32 to index
      %get3A_3294 = arith.constant 16 : index
      %get3A_3295 = tpu.vector_load %arg13[%get3A_3293, %get3A_3294] {strides = array<i32>} : memref<44x32xf32, #tpu.memory_space<vmem>>, vector<16xf32>,
      %sub3A_3296 = arith.subf %add3A_3002, %get3A_2982 : vector<16xf32>
      %mul3A_3297 = arith.mulf %get3A_3295, %sub3A_3296 : vector<16xf32>
      %reduce_sum3A_3298 = arith.constant true
      %reduce_sum3A_3299 = vector.broadcast %reduce_sum3A_3298 : i1 to vector<16xi1>
      %reduce_sum3A_3300 = tpu.scan <sum>, %mul3A_3297 masked %reduce_sum3A_3299 : vector<16xf32>, vector<16xi1> -> vector<16xf32>
      %reduce_sum3A_3301 = vector.extract %reduce_sum3A_3300[15] : f32 from vector<16xf32>
      %eq3A_3302 = arith.constant 3 : i32
      %eq3A_3303 = vector.broadcast %eq3A_3302 : i32 to vector<16xi32>
      %eq3A_3304 = arith.cmpi eq, %iota3A, %eq3A_3303 : vector<16xi32>
      %broadcast_in_dim3A_3305 = vector.broadcast %reduce_sum3A_3301 : f32 to vector<16xf32>
      %select_n3A_3306 = arith.select %eq3A_3304, %broadcast_in_dim3A_3305, %select_n3A_3291 : vector<16xi1>, vector<16xf32>
      %mul3A_3307 = arith.constant 32 : i32
      %mul3A_3308 = arith.muli %add3A_2506, %mul3A_3307 : i32
      %swap3A_3309 = arith.index_cast %mul3A_3308 : i32 to index
      %swap3A_3310 = tpu.vector_load %arg9[%swap3A_3309] {strides = array<i32>} : memref<16384xf32, #tpu.memory_space<vmem>>, vector<16xf32>,
      tpu.vector_store %arg9[%swap3A_3309], %select_n3A_3246 {strides = array<i32>} : memref<16384xf32, #tpu.memory_space<vmem>>, vector<16xf32>,
      %mul3A_3311 = arith.constant 32 : i32
      %mul3A_3312 = arith.muli %add3A_2506, %mul3A_3311 : i32
      %add3A_3313 = arith.constant 16 : i32
      %add3A_3314 = arith.addi %mul3A_3312, %add3A_3313 : i32
      %swap3A_3315 = arith.index_cast %add3A_3314 : i32 to index
      %swap3A_3316 = tpu.vector_load %arg9[%swap3A_3315] {strides = array<i32>} : memref<16384xf32, #tpu.memory_space<vmem>>, vector<16xf32>,
      tpu.vector_store %arg9[%swap3A_3315], %select_n3A_3306 {strides = array<i32>} : memref<16384xf32, #tpu.memory_space<vmem>>, vector<16xf32>,
    }
    %scan3A_20 = arith.constant 128 : i32
    %mul3A_21 = arith.constant 32 : i32
    %mul3A_22 = arith.muli %mul3A_2, %mul3A_21 : i32
    "tpu.region"() ({
      %run_scoped3A = tpu.sem_alloc : memref<!tpu.dma_semaphore, #tpu.memory_space<semaphore_mem>>
      %dma_start3A_23 = tpu.memref_slice %arg6[%mul3A_22] : memref<524288xf32, #tpu.memory_space<hbm>> -> memref<16384xf32, #tpu.memory_space<hbm>>
      %dma_start3A_24 = tpu.memref_slice %arg6[%mul3A_22] : memref<524288xf32, #tpu.memory_space<hbm>> -> memref<16384xf32, #tpu.memory_space<hbm>>
      tpu.enqueue_dma source(%arg9 : memref<16384xf32, #tpu.memory_space<vmem>>) target(%dma_start3A_24 : memref<16384xf32, #tpu.memory_space<hbm>>) target_semaphore(%run_scoped3A : memref<!tpu.dma_semaphore, #tpu.memory_space<semaphore_mem>>)
      %dma_wait3A = tpu.memref_slice %arg6[%mul3A_22] : memref<524288xf32, #tpu.memory_space<hbm>> -> memref<16384xf32, #tpu.memory_space<hbm>>
      %dma_wait3A_25 = tpu.memref_slice %arg6[%mul3A_22] : memref<524288xf32, #tpu.memory_space<hbm>> -> memref<16384xf32, #tpu.memory_space<hbm>>
      tpu.wait_dma2 semaphore(%run_scoped3A : memref<!tpu.dma_semaphore, #tpu.memory_space<semaphore_mem>>) src(%arg9 : memref<16384xf32, #tpu.memory_space<vmem>>) dst(%dma_wait3A_25 : memref<16384xf32, #tpu.memory_space<hbm>>)
      tpu.yield
    }) : () -> ()
    return
  }
}

module attributes {stable_mosaic.version = 14 : i64} {
  func.func @_repack_body(%arg0: i32, %arg1: memref<16x32768xf32, #tpu.memory_space<vmem>>, %arg2: memref<16x32768xf32, #tpu.memory_space<vmem>>, %arg3: memref<16x32768xf32, #tpu.memory_space<vmem>>, %arg4: memref<4096x128xf32, #tpu.memory_space<vmem>>, %arg5: memref<8192x128xf32, #tpu.memory_space<vmem>>) attributes {dimension_semantics = [#tpu.dimension_semantics<arbitrary>], iteration_bounds = array<i64: 31>, scalar_prefetch = 0 : i64, scratch_operands = 0 : i64, tpu.core_type = #tpu.core_type<tc>, window_params = [{transform_indices = @transform_0, window_bounds = array<i64: 16, 32768>}, {transform_indices = @transform_1, window_bounds = array<i64: 16, 32768>}, {transform_indices = @transform_2, window_bounds = array<i64: 16, 32768>}, {transform_indices = @transform_3, window_bounds = array<i64: 4096, 128>}, {transform_indices = @transform_4, window_bounds = array<i64: 8192, 128>}]} {
    %get3A = arith.constant 0 : index
    %get3A_0 = arith.constant 0 : index
    %get3A_1 = vector.load %arg1[%get3A, %get3A_0] : memref<16x32768xf32, #tpu.memory_space<vmem>>, vector<16x32768xf32>
    %slice3A = vector.extract_strided_slice %get3A_1 {offsets = [0, 0], sizes = [16, 4096], strides = [1, 1]} : vector<16x32768xf32> to vector<16x4096xf32>
    %slice3A_2 = vector.extract_strided_slice %get3A_1 {offsets = [0, 4096], sizes = [16, 4096], strides = [1, 1]} : vector<16x32768xf32> to vector<16x4096xf32>
    %slice3A_3 = vector.extract_strided_slice %get3A_1 {offsets = [0, 8192], sizes = [16, 4096], strides = [1, 1]} : vector<16x32768xf32> to vector<16x4096xf32>
    %slice3A_4 = vector.extract_strided_slice %get3A_1 {offsets = [0, 12288], sizes = [16, 4096], strides = [1, 1]} : vector<16x32768xf32> to vector<16x4096xf32>
    %slice3A_5 = vector.extract_strided_slice %get3A_1 {offsets = [0, 16384], sizes = [16, 4096], strides = [1, 1]} : vector<16x32768xf32> to vector<16x4096xf32>
    %slice3A_6 = vector.extract_strided_slice %get3A_1 {offsets = [0, 20480], sizes = [16, 4096], strides = [1, 1]} : vector<16x32768xf32> to vector<16x4096xf32>
    %slice3A_7 = vector.extract_strided_slice %get3A_1 {offsets = [0, 24576], sizes = [16, 4096], strides = [1, 1]} : vector<16x32768xf32> to vector<16x4096xf32>
    %slice3A_8 = vector.extract_strided_slice %get3A_1 {offsets = [0, 28672], sizes = [16, 4096], strides = [1, 1]} : vector<16x32768xf32> to vector<16x4096xf32>
    %concatenate3A = tpu.concatenate %slice3A, %slice3A_2, %slice3A_3, %slice3A_4, %slice3A_5, %slice3A_6, %slice3A_7, %slice3A_8 in 0 : vector<16x4096xf32>, vector<16x4096xf32>, vector<16x4096xf32>, vector<16x4096xf32>, vector<16x4096xf32>, vector<16x4096xf32>, vector<16x4096xf32>, vector<16x4096xf32> -> vector<128x4096xf32>
    %iota3A = tpu.iota {dimensions = array<i32: 0>} : vector<128x128xi32>
    %iota3A_9 = tpu.iota {dimensions = array<i32: 1>} : vector<128x128xi32>
    %add3A = arith.constant 0 : i32
    %add3A_10 = vector.broadcast %add3A : i32 to vector<128x128xi32>
    %add3A_11 = arith.addi %iota3A, %add3A_10 : vector<128x128xi32>
    %eq3A = arith.cmpi eq, %add3A_11, %iota3A_9 : vector<128x128xi32>
    %convert_element_type3A = arith.extui %eq3A : vector<128x128xi1> to vector<128x128xi32>
    %convert_element_type3A_12 = arith.sitofp %convert_element_type3A : vector<128x128xi32> to vector<128x128xf32>
    %dot_general3A = arith.constant dense<0.000000e+00> : vector<4096x128xf32>
    %dot_general3A_13 = tpu.matmul %concatenate3A, %convert_element_type3A_12, %dot_general3A {dimension_numbers = #tpu.dot_dimension_numbers<[0], [0], [1], [1], [0, 1, 1, 1], [], []>, transpose_lhs_hint = false} : vector<128x4096xf32>, vector<128x128xf32>, vector<4096x128xf32> -> vector<4096x128xf32>
    %swap3A = arith.constant 0 : index
    %swap3A_14 = arith.constant 0 : index
    %swap3A_15 = vector.load %arg4[%swap3A, %swap3A_14] : memref<4096x128xf32, #tpu.memory_space<vmem>>, vector<4096x128xf32>
    tpu.vector_store %arg4[%swap3A, %swap3A_14], %dot_general3A_13 {strides = array<i32>} : memref<4096x128xf32, #tpu.memory_space<vmem>>, vector<4096x128xf32>,
    %get3A_16 = arith.constant 0 : index
    %get3A_17 = arith.constant 0 : index
    %get3A_18 = vector.load %arg2[%get3A_16, %get3A_17] : memref<16x32768xf32, #tpu.memory_space<vmem>>, vector<16x32768xf32>
    %get3A_19 = arith.constant 0 : index
    %get3A_20 = arith.constant 0 : index
    %get3A_21 = vector.load %arg3[%get3A_19, %get3A_20] : memref<16x32768xf32, #tpu.memory_space<vmem>>, vector<16x32768xf32>
    %slice3A_22 = vector.extract_strided_slice %get3A_18 {offsets = [0, 0], sizes = [16, 8192], strides = [1, 1]} : vector<16x32768xf32> to vector<16x8192xf32>
    %slice3A_23 = vector.extract_strided_slice %get3A_21 {offsets = [0, 0], sizes = [16, 8192], strides = [1, 1]} : vector<16x32768xf32> to vector<16x8192xf32>
    %slice3A_24 = vector.extract_strided_slice %get3A_18 {offsets = [0, 8192], sizes = [16, 8192], strides = [1, 1]} : vector<16x32768xf32> to vector<16x8192xf32>
    %slice3A_25 = vector.extract_strided_slice %get3A_21 {offsets = [0, 8192], sizes = [16, 8192], strides = [1, 1]} : vector<16x32768xf32> to vector<16x8192xf32>
    %slice3A_26 = vector.extract_strided_slice %get3A_18 {offsets = [0, 16384], sizes = [16, 8192], strides = [1, 1]} : vector<16x32768xf32> to vector<16x8192xf32>
    %slice3A_27 = vector.extract_strided_slice %get3A_21 {offsets = [0, 16384], sizes = [16, 8192], strides = [1, 1]} : vector<16x32768xf32> to vector<16x8192xf32>
    %slice3A_28 = vector.extract_strided_slice %get3A_18 {offsets = [0, 24576], sizes = [16, 8192], strides = [1, 1]} : vector<16x32768xf32> to vector<16x8192xf32>
    %slice3A_29 = vector.extract_strided_slice %get3A_21 {offsets = [0, 24576], sizes = [16, 8192], strides = [1, 1]} : vector<16x32768xf32> to vector<16x8192xf32>
    %concatenate3A_30 = tpu.concatenate %slice3A_22, %slice3A_23, %slice3A_24, %slice3A_25, %slice3A_26, %slice3A_27, %slice3A_28, %slice3A_29 in 0 : vector<16x8192xf32>, vector<16x8192xf32>, vector<16x8192xf32>, vector<16x8192xf32>, vector<16x8192xf32>, vector<16x8192xf32>, vector<16x8192xf32>, vector<16x8192xf32> -> vector<128x8192xf32>
    %iota3A_31 = tpu.iota {dimensions = array<i32: 0>} : vector<128x128xi32>
    %iota3A_32 = tpu.iota {dimensions = array<i32: 1>} : vector<128x128xi32>
    %add3A_33 = arith.constant 0 : i32
    %add3A_34 = vector.broadcast %add3A_33 : i32 to vector<128x128xi32>
    %add3A_35 = arith.addi %iota3A_31, %add3A_34 : vector<128x128xi32>
    %eq3A_36 = arith.cmpi eq, %add3A_35, %iota3A_32 : vector<128x128xi32>
    %convert_element_type3A_37 = arith.extui %eq3A_36 : vector<128x128xi1> to vector<128x128xi32>
    %convert_element_type3A_38 = arith.sitofp %convert_element_type3A_37 : vector<128x128xi32> to vector<128x128xf32>
    %dot_general3A_39 = arith.constant dense<0.000000e+00> : vector<8192x128xf32>
    %dot_general3A_40 = tpu.matmul %concatenate3A_30, %convert_element_type3A_38, %dot_general3A_39 {dimension_numbers = #tpu.dot_dimension_numbers<[0], [0], [1], [1], [0, 1, 1, 1], [], []>, transpose_lhs_hint = false} : vector<128x8192xf32>, vector<128x128xf32>, vector<8192x128xf32> -> vector<8192x128xf32>
    %swap3A_41 = arith.constant 0 : index
    %swap3A_42 = arith.constant 0 : index
    %swap3A_43 = vector.load %arg5[%swap3A_41, %swap3A_42] : memref<8192x128xf32, #tpu.memory_space<vmem>>, vector<8192x128xf32>
    tpu.vector_store %arg5[%swap3A_41, %swap3A_42], %dot_general3A_40 {strides = array<i32>} : memref<8192x128xf32, #tpu.memory_space<vmem>>, vector<8192x128xf32>,
    return
  }
  func.func @transform_0(%arg0: i32) -> (i32, i32) {
    %c0_i32 = arith.constant 0 : i32
    %c0_i32_0 = arith.constant 0 : i32
    return %c0_i32, %arg0 : i32, i32
  }
  func.func @transform_1(%arg0: i32) -> (i32, i32) {
    %c0_i32 = arith.constant 0 : i32
    %c0_i32_0 = arith.constant 0 : i32
    return %c0_i32, %arg0 : i32, i32
  }
  func.func @transform_2(%arg0: i32) -> (i32, i32) {
    %c0_i32 = arith.constant 0 : i32
    %c0_i32_0 = arith.constant 0 : i32
    return %c0_i32, %arg0 : i32, i32
  }
  func.func @transform_3(%arg0: i32) -> (i32, i32) {
    %c0_i32 = arith.constant 0 : i32
    %c0_i32_0 = arith.constant 0 : i32
    return %arg0, %c0_i32 : i32, i32
  }
  func.func @transform_4(%arg0: i32) -> (i32, i32) {
    %c0_i32 = arith.constant 0 : i32
    %c0_i32_0 = arith.constant 0 : i32
    return %arg0, %c0_i32 : i32, i32
  }
}

module attributes {stable_mosaic.version = 14 : i64} {
  func.func @_softmax_body(%arg0: i32, %arg1: memref<2048x32xf32, #tpu.memory_space<vmem>>, %arg2: memref<2048x1xi32, #tpu.memory_space<vmem>>, %arg3: memref<2048x20xf32, #tpu.memory_space<vmem>>) attributes {dimension_semantics = [#tpu.dimension_semantics<arbitrary>], iteration_bounds = array<i64: 8>, scalar_prefetch = 0 : i64, scratch_operands = 0 : i64, tpu.core_type = #tpu.core_type<tc>, window_params = [{transform_indices = @transform_0, window_bounds = array<i64: 2048, 32>}, {transform_indices = @transform_1, window_bounds = array<i64: 2048, 1>}, {transform_indices = @transform_2, window_bounds = array<i64: 2048, 20>}]} {
    %get3A = arith.constant 0 : index
    %get3A_0 = arith.constant 0 : index
    %get3A_1 = vector.load %arg1[%get3A, %get3A_0] : memref<2048x32xf32, #tpu.memory_space<vmem>>, vector<2048x32xf32>
    %get3A_2 = arith.constant 0 : index
    %get3A_3 = arith.constant 0 : index
    %get3A_4 = vector.load %arg2[%get3A_2, %get3A_3] : memref<2048x1xi32, #tpu.memory_space<vmem>>, vector<2048x1xi32>
    %iota3A = tpu.iota {dimensions = array<i32: 1>} : vector<2048x32xi32>
    %ge3A = vector.broadcast %get3A_4 : vector<2048x1xi32> to vector<2048x32xi32>
    %ge3A_5 = arith.cmpi sge, %iota3A, %ge3A : vector<2048x32xi32>
    %ge3A_6 = arith.constant 20 : i32
    %ge3A_7 = vector.broadcast %ge3A_6 : i32 to vector<2048x32xi32>
    %ge3A_8 = arith.cmpi sge, %iota3A, %ge3A_7 : vector<2048x32xi32>
    %or3A = arith.ori %ge3A_5, %ge3A_8 : vector<2048x32xi1>
    %jit3A = arith.constant 0xFF800000 : f32
    %broadcast_in_dim3A = vector.broadcast %jit3A : f32 to vector<2048x32xf32>
    %select_n3A = arith.select %or3A, %broadcast_in_dim3A, %get3A_1 : vector<2048x32xi1>, vector<2048x32xf32>
    %reduce_max3A = arith.constant dense<0xFF800000> : vector<2048xf32>
    %reduce_max3A_9 = vector.multi_reduction <maximumf>, %select_n3A, %reduce_max3A [1] : vector<2048x32xf32> to vector<2048xf32>
    %broadcast_in_dim3A_10 = vector.shape_cast %reduce_max3A_9 : vector<2048xf32> to vector<2048x1xf32>
    %sub3A = vector.broadcast %broadcast_in_dim3A_10 : vector<2048x1xf32> to vector<2048x32xf32>
    %sub3A_11 = arith.subf %select_n3A, %sub3A : vector<2048x32xf32>
    %exp3A = math.exp %sub3A_11 : vector<2048x32xf32>
    %reduce_sum3A = arith.constant dense<0.000000e+00> : vector<2048xf32>
    %reduce_sum3A_12 = vector.multi_reduction <add>, %exp3A, %reduce_sum3A [1] : vector<2048x32xf32> to vector<2048xf32>
    %broadcast_in_dim3A_13 = vector.shape_cast %reduce_sum3A_12 : vector<2048xf32> to vector<2048x1xf32>
    %log3A = math.log %broadcast_in_dim3A_13 : vector<2048x1xf32>
    %sub3A_14 = vector.broadcast %log3A : vector<2048x1xf32> to vector<2048x32xf32>
    %sub3A_15 = arith.subf %sub3A_11, %sub3A_14 : vector<2048x32xf32>
    %slice3A = vector.extract_strided_slice %sub3A_15 {offsets = [0, 0], sizes = [2048, 20], strides = [1, 1]} : vector<2048x32xf32> to vector<2048x20xf32>
    %swap3A = arith.constant 0 : index
    %swap3A_16 = arith.constant 0 : index
    %swap3A_17 = vector.load %arg3[%swap3A, %swap3A_16] : memref<2048x20xf32, #tpu.memory_space<vmem>>, vector<2048x20xf32>
    tpu.vector_store %arg3[%swap3A, %swap3A_16], %slice3A {strides = array<i32>} : memref<2048x20xf32, #tpu.memory_space<vmem>>, vector<2048x20xf32>,
    return
  }
  func.func @transform_0(%arg0: i32) -> (i32, i32) {
    %c0_i32 = arith.constant 0 : i32
    %c0_i32_0 = arith.constant 0 : i32
    return %arg0, %c0_i32 : i32, i32
  }
  func.func @transform_1(%arg0: i32) -> (i32, i32) {
    %c0_i32 = arith.constant 0 : i32
    %c0_i32_0 = arith.constant 0 : i32
    return %arg0, %c0_i32 : i32, i32
  }
  func.func @transform_2(%arg0: i32) -> (i32, i32) {
    %c0_i32 = arith.constant 0 : i32
    %c0_i32_0 = arith.constant 0 : i32
    return %arg0, %c0_i32 : i32, i32
  }
}

</mosaic_0001>

<sc_bundles>
// kernel: kernel.5.cloned.1.call-start
scs
__scs_entry_jumppad:
0x0: {  	(pc) =	sbr.rel $0x88, $3  }
0x1: {  	(tag) =	ssettag $0x0;
	lr =	simm.s32 $0x1  }
0x2: {  	[smem:$0x3F9B] =	sst lr;
	_ =	strace $0xD0000000  }
0x3: {  	_ = 	snop  }
0x4: {  	_ = 	snop  }
0x5: {  	_ = 	snop  }
0x6: {  	_ = 	snop  }
0x7: {  	_ = 	snop  }
__scs_overlays_trampoline_lowered:
0x8: {  	[smem:$0x3FAA] =	sst s0  }
0x9: {  	[smem:$0x3FAB] =	sst s1  }
0xa: {  	[smem:$0x3FAC] =	sst s2  }
0xb: {  	[smem:$0x3FAD] =	sst s3  }
0xc: {  	[smem:$0x3FAE] =	sst s4  }
0xd: {  	[smem:$0x3FAF] =	sst s5  }
0xe: {  	[smem:$0x3FB0] =	sst s6  }
0xf: {  	[smem:$0x3FB1] =	sst s7  }
0x10: {  	[smem:$0x3FB2] =	sst s8  }
0x11: {  	[smem:$0x3FB3] =	sst s9;
	s0 =	simm.s32 @!p0 $0x0  }
0x12: {  	s1 =	sld [smem:$0x3F99];
	s0 =	simm.s32 @p0 $0x1  }
0x13: {  	[smem:$0x3FB4] =	sst s0;
	s0 =	simm.s32 @!p1 $0x0  }
0x14: {  	s2 =	sld [smem:$0x3F98];
	s0 =	simm.s32 @p1 $0x1  }
0x15: {  	[smem:$0x3FB5] =	sst s0;
	s0 =	simm.s32 @!p2 $0x0  }
0x16: {  	s3 =	sld [smem:$0x3FDB];
	s0 =	simm.s32 @p2 $0x1  }
0x17: {  	s4 =	simm.s32 $0x1BF5;
	[smem:$0x3FB7] =	sst s0  }
0x18: {  	s0 =	sld [smem:$0x3F9A];
	_ =	swait.ge [sflag:s4], $0x0  }
0x19: {  	s7 =	sld [smem:$0x3F9B]  }
0x1a: {  	s8 =	sadd.s32 $0xFFFFE003, lr  }
0x1b: {  	s9 =	sadd.s32 $0xFFFFFEF7, lr;
	s5 =	simm.s32 $0xFFFFFFFF;
	p2 =	slt.u32 s8, $0xFFFFF086  }
0x1c: {  	p1 =	slt.u32 s9, $0xF7A;
	s5 =	simm.s32 @!p2 $0x0  }
0x1d: {  	s5 =	simm.s32 @p1 $0x1;
	p0 =	seq.s32 s7, s2  }
0x1e: {  	s7 =	smul.u32 @!p0 $0xF7A, s2;
	p2 =	seq.s32 @!p0 s5, $0x0  }
0x1f: {  	s9 =	smul.u32 $0xF7A, s1;
	s8 =	simm.s32 @!p0 $0x1BF5;
	p2 =	por !p2, p0  }
0x20: {  	[sflag:s8] =	ssyncset.s32 @!p0 $0xFFFFF086;
	s6 =	sadd.s32 @!p0 s3, s7;
	s7 =	simm.s32 @!p0 $0x108  }
0x21: {  	s3 =	sadd.s32 s3, s9;
	s6 =	sadd.s32 @!p0 $0x88, s6;
	s7 =	simm.s32 @p2 $0x1082  }
0x22: {  	[simem:s7], [sflag:s8] =	dma.local @!p0 [hbm:s6], $0xF7A  }
0x23: {  	s9 =	sor.u32 $0xD0000000, s2;
	s6 =	simm.s32 $0x108;
	_ =	swait.ge @!p0 [sflag:s8], $0x0  }
0x24: {  	s3 =	sadd.s32 $0x88, s3;
	s6 =	simm.s32 @!p1 $0x1082;
	[sflag:s4] =	ssyncset.s32 $0xFFFFF086  }
0x25: {  	[simem:s6], [sflag:s4] =	dma.local [hbm:s3], $0xF7A  }
0x26: {  	[smem:$0x3F9B] =	sst s1;
	(tag) =	ssettag s2;
	_ =	strace s9  }
0x27: {  	s1 =	sld [smem:$0x3FAB]  }
0x28: {  	s2 =	sld [smem:$0x3FAC]  }
0x29: {  	s4 =	sld [smem:$0x3FAE]  }
0x2a: {  	p0 =	seq.s32 s5, $0x0;
	s5 =	sld [smem:$0x3FAF]  }
0x2b: {  	s6 =	sld [smem:$0x3FB0]  }
0x2c: {  	s7 =	sld [smem:$0x3FB1]  }
0x2d: {  	s3 =	simm.s32 $0x108;
	s8 =	sld [smem:$0x3FB2]  }
0x2e: {  	s3 =	simm.s32 @!p0 $0x1082;
	s9 =	sld [smem:$0x3FB3]  }
0x2f: {  	lr =	sadd.s32 s0, s3;
	s0 =	sld [smem:$0x3FAA]  }
0x30: {  	s3 =	sld [smem:$0x3FAD]  }
0x31: {  	[smem:$0x3FB6] =	sst s10  }
0x32: {  	s10 =	sld [smem:$0x3FB4];
	_ =	sdelay $0x3  }
0x33: {  	p0 =	seq.s32 s10, $0x1;
	s10 =	sld [smem:$0x3FB6];
	_ =	sdelay $0x3  }
0x34: {  	[smem:$0x3FB6] =	sst s10  }
0x35: {  	s10 =	sld [smem:$0x3FB5];
	_ =	sdelay $0x3  }
0x36: {  	p1 =	seq.s32 s10, $0x1;
	s10 =	sld [smem:$0x3FB6];
	_ =	sdelay $0x3  }
0x37: {  	[smem:$0x3FB6] =	sst s10  }
0x38: {  	s10 =	sld [smem:$0x3FB7]  }
0x39: {  	_ = 	snop;
	(pc) =	sbr.ind lr, $3  }
0x3a: {  	_ = 	snop  }
0x3b: {  	_ = 	snop  }
0x3c: {  	p2 =	seq.s32 s10, $0x1;
	s10 =	sld [smem:$0x3FB6]  }
0x3d: {  	_ =	shalt  }
0x3e: {  	_ =	shalt  }
0x3f: {  	_ =	shalt  }
0x40: {  	_ =	shalt  }
0x41: {  	_ =	shalt  }
0x42: {  	_ =	shalt  }
0x43: {  	_ =	shalt  }
0x44: {  	_ =	shalt  }
0x45: {  	_ =	shalt  }
0x46: {  	_ =	shalt  }
0x47: {  	_ =	shalt  }
0x48: {  	_ =	shalt  }
0x49: {  	_ =	shalt  }
0x4a: {  	_ =	shalt  }
0x4b: {  	_ =	shalt  }
0x4c: {  	_ =	shalt  }
0x4d: {  	_ =	shalt  }
0x4e: {  	_ =	shalt  }
0x4f: {  	_ =	shalt  }
0x50: {  	_ =	shalt  }
0x51: {  	_ =	shalt  }
0x52: {  	_ =	shalt  }
0x53: {  	_ =	shalt  }
0x54: {  	_ =	shalt  }
0x55: {  	_ =	shalt  }
0x56: {  	_ =	shalt  }
0x57: {  	_ =	shalt  }
0x58: {  	_ =	shalt  }
0x59: {  	_ =	shalt  }
0x5a: {  	_ =	shalt  }
0x5b: {  	_ =	shalt  }
0x5c: {  	_ =	shalt  }
0x5d: {  	_ =	shalt  }
0x5e: {  	_ =	shalt  }
0x5f: {  	_ =	shalt  }
0x60: {  	_ =	shalt  }
0x61: {  	_ =	shalt  }
0x62: {  	_ =	shalt  }
0x63: {  	_ =	shalt  }
0x64: {  	_ =	shalt  }
0x65: {  	_ =	shalt  }
0x66: {  	_ =	shalt  }
0x67: {  	_ =	shalt  }
0x68: {  	_ =	shalt  }
0x69: {  	_ =	shalt  }
0x6a: {  	_ =	shalt  }
0x6b: {  	_ =	shalt  }
0x6c: {  	_ =	shalt  }
0x6d: {  	_ =	shalt  }
0x6e: {  	_ =	shalt  }
0x6f: {  	_ =	shalt  }
0x70: {  	_ =	shalt  }
0x71: {  	_ =	shalt  }
0x72: {  	_ =	shalt  }
0x73: {  	_ =	shalt  }
0x74: {  	_ =	shalt  }
0x75: {  	_ =	shalt  }
0x76: {  	_ =	shalt  }
0x77: {  	_ =	shalt  }
0x78: {  	_ =	shalt  }
0x79: {  	_ =	shalt  }
0x7a: {  	_ =	shalt  }
0x7b: {  	_ =	shalt  }
0x7c: {  	_ =	shalt  }
0x7d: {  	_ =	shalt  }
0x7e: {  	_ =	shalt  }
0x7f: {  	_ =	shalt  }
0x80: {  	_ =	shalt  }
0x81: {  	_ =	shalt  }
0x82: {  	_ =	shalt  }
0x83: {  	_ =	shalt  }
0x84: {  	_ =	shalt  }
0x85: {  	_ =	shalt  }
0x86: {  	_ =	shalt  }
0x87: {  	_ =	shalt  }
.Lfunc_end0:
.L_simem_size_0:
called_computation_lowered:
.L_overlay_start_0:
0x88: {  	s2 =	sld [smem:$0x3FD9]  }
0x89: {  	s3 =	sld [smem:$0x3FFE];
	_ =	sdelay $0x1  }
0x8a: {  	s1 =	srdreg.scid  }
0x8b: {  	s0 =	sand.u32 $0x1, s1  }
0x8c: {  	s17 =	sshll.u32 s0, $0xA;
	s2 =	sadd.s32 s3, s2  }
0x8d: {  	s2 =	sadd.s32 s2, s17  }
0x8e: {  	[smem:$0x3FC2] =	sst s2  }
0x8f: {  	_ = 	snop  }
0x90: {  	s2 =	sld [smem:$0x3FD0];
	(tm) =	ssettm $0x1  }
0x91: {  	s18 =	sld [smem:$0x3FFB];
	_ =	sdelay $0x3  }
0x92: {  	_ =	strace s18  }
0x93: {  	s3 =	sld [smem:$0x3FFC];
	_ =	sdelay $0x3  }
0x94: {  	_ =	strace s3  }
0x95: {  	s3 =	sld [smem:$0x3FFD];
	_ =	sdelay $0x3  }
0x96: {  	_ =	strace s3  }
0x97: {  	_ =	strace $0x8FFFFFFF  }
0x98: {  	s19 =	sld [smem:$0x3FDB];
	_ =	sdelay $0x1  }
0x99: {  	s4 =	simm.s32 $_scs_section_size  }
0x9a: {  	s5 =	simm.s32 $_size__tile_overlayer_lowered;
	s6 =	simm.s32 $_tile_overlayer_lowered  }
0x9b: {  	s22 =	simm.s32 $0x1BFF;
	s21 =	sshll.u32 s6, $0x1;
	s3 =	sadd.s32 s4, s19  }
0x9c: {  	s7 =	simm.s32 $0x0;
	s20 =	sshll.u32 s5, $0x1;
	s5 =	sadd.s32 s21, s3  }
0x9d: {  	[timem:s7], [sflag:s22] =	dma.local [hbm:s5], s20  }
0x9e: {  	_ =	swait.ge [sflag:s22], s20  }
0x9f: {  	s4 =	ssub.s32 $0x0, s20;
	[sflag:s22] =	ssyncset.done $0x0  }
0xa0: {  	[sflag:s22] =	ssyncadd.s32 s4;
	_ =	sdelay $0x1  }
0xa1: {  	s23 =	simm.s32 $0x1B8B  }
0xa2: {  	_ =	swait.ge [sflag:s23], $0x1  }
0xa3: {  	[sflag:s23] =	ssyncset.done $0x0  }
0xa4: {  	s25 =	simm.s32 $0x1B8E;
	s24 =	sld [smem:$0x3FFE];
	[sflag:s23] =	ssyncadd.s32 $0xFFFFFFFF  }
0xa5: {  	s26 =	simm.s32 $execute0_lowered;
	[smem:$0x3FD2] =	sst s25  }
0xa6: {  	s5 =	sshll.u32 s26, $0x1;
	_ =	strace $0x80000046;
	[dreg:$0x1] =	wrdreg $0xFFFFFFFF  }
0xa7: {  	s28 =	simm.s32 $_size_execute0_lowered;
	s3 =	sadd.s32 s3, s5;
	[dreg:$0x0] =	wrdreg $0x0  }
0xa8: {  	s5 =	sshll.u32 s28, $0x1;
	[dreg:$0x2] =	wrdreg s3  }
0xa9: {  	[dreg:$0x3] =	wrdreg s5  }
0xaa: {  	[dreg:$0x4] =	wrdreg $0xC0  }
0xab: {  	_ =	task [dreg:s7], $0x5FFFF  }
0xac: {  	[dreg:$0x1] =	wrdreg $0xFFFFFFFF  }
0xad: {  	[dreg:$0x0] =	wrdreg $0x60  }
0xae: {  	[dreg:$0x2] =	wrdreg s24  }
0xaf: {  	[dreg:$0x3] =	wrdreg s2  }
0xb0: {  	[dreg:$0x4] =	wrdreg $0x9  }
0xb1: {  	_ =	task.clear_ibuf [dreg:s7], $0x5FFFF;
	_ =	strace $0x90000046  }
0xb2: {  	s29 =	simm.s32 $0x9;
	_ =	strace $0x80000048  }
0xb3: {  	_ =	swait.ge [sflag:s29], $0x1  }
0xb4: {  	[sflag:s29] =	ssyncadd.s32 $0xFFFFFFFF  }
0xb5: {  	_ =	strace $0x90000048  }
0xb6: {  	_ =	sfence  }
0xb7: {  	s30 =	sld [smem:$0x0];
	_ =	sdelay $0x2  }
0xb8: {  	s31 =	sshll.u32 s1, $0xD;
	s1 =	sshrl.u32 s1, $0x2  }
0xb9: {  	s3 =	sand.u32 $0x4000, s31;
	s1 =	sadd.s32 s1, s30  }
0xba: {  	s0 =	sor.u32 s3, s0;
	s1 =	sshll.u32 s1, $0x11  }
0xbb: {  	s0 =	sor.u32 s1, s0  }
0xbc: {  	s0 =	sadd.s32 $0x8F2B, s0  }
0xbd: {  	[sflag:s0] =	ssyncadd.remote.s32 $0x1  }
0xbe: {  	_ =	sfence.sel $0xFFFF  }
0xbf: {  	[dreg:$0x0] =	wrdreg $0xFFFFFFFF;
	(pc) =	sbr.abs _section_cstart, $3  }
0xc0: {  	[dreg:$0x1] =	wrdreg $0xFFFFFFFF  }
0xc1: {  	_ =	task.clear_ibuf [dreg:s7], $0x2FFFF;
	_ =	strace $0x9FFFFFFF  }
0xc2: {  	(tm) =	ssettm $0x7FFFFFFF  }
0xc3: {  	_ =	shalt  }
tec
execute0_lowered:
.L_overlay_start_1:
0x0: {  	(tag) =	ssettag $0x1  }
0x1: {  	s5 =	rddreg [dreg:$0x0]  }
0x2: {  	s1 =	srdreg.scid;
	s0 =	stileid.u32  }
0x3: {  	s6 =	rddreg [dreg:$0x1];
	s2 =	simm.s32 $0x0;
	s12 =	simm.s32 $0xE000  }
0x4: {  	s13 =	simm.s32 $0x2C;
	s14 =	simm.s32 $0xE6A0;
	s15 =	simm.s32 $0xEC20  }
0x5: {  	s16 =	simm.s32 $0xF2C0;
	s17 =	simm.s32 $0x1;
	s18 =	simm.s32 $0x2  }
0x6: {  	s19 =	simm.s32 $0x3;
	s20 =	simm.s32 $0x4;
	s21 =	simm.s32 $0xA000  }
0x7: {  	s4 =	sand.u32 $0x1, s1;
	s3 =	sshll.u32 s0, $0x1;
	s1 =	rddreg [dreg:$0x2]  }
0x8: {  	s22 =	simm.s32 $0x0;
	[smem:$0x7FF] =	sst s2;
	s7 =	sor.u32 s4, s3  }
0x9: {  	vm0 =	vmmov $0x1;
	vm1 =	vmmov $0x3;
	_ =	strace $0x80000047;
	s9 =	ssub.s32 $0x2, s4;
	s4 =	sadd.s32 $0x20CA00, s5  }
0xa: {  	vm3 =	vmmov $0x7;
	vm4 =	vmmov $0xf;
	vm5 =	vmmov $0x1f;
	s3 =	smul.u32 $0xE00, s7;
	s10 =	sshll.u32 s7, $0xB;
	s11 =	sshrl.u32 s9, $0x1  }
0xb: {  	vm6 =	vmmov $0x3f;
	vm7 =	vmmov $0x7f;
	vm8 =	vmmov $0xff;
	s7 =	smul.u32 $0x600, s7;
	s10 =	sadd.s32 s10, s5;
	s9 =	ssub.s32 s9, s11  }
0xc: {  	vm9 =	vmmov $0x1ff;
	vm10 =	vmmov $0x3ff;
	v0 =	vimm.s32 $0x0;
	s11 =	simm.s32 $0x6A;
	s8 =	sadd.s32 s3, s5;
	s3 =	sadd.s32 $0x1CA00, s5  }
0xd: {  	vm11 =	vmmov $0x7ff;
	vm12 =	vmmov $0xfff;
	v0 =	vsel vm1, $0xFFFFFFFF, v0;
	s6 =	sadd.s32 s6, s7;
	s7 =	sadd.s32 $0x5ECA00, s10;
	s10 =	simm.s32 $0x7000  }
0xe: {  	vm13 =	vmmov $0x1fff;
	vm14 =	vmmov $0x3fff;
	vm2 =	vmmov $0x7fff;
	[tilespmem:$0x1FFF0] =	vst v0;
	s5 =	sadd.s32 $0xA00, s8;
	s8 =	smax.u32 s9, $0x1;
	s9 =	simm.s32 $0x5  }
.LBB2_1:
0xf: {  	[tilespmem:s2], [sflag:$0x5] =	stream.linear.gather [hbm4b:s5+s2], $0x7000, $0x38;
	[tilespmem:$0xF840] =	vst v63  }
0x10: {  	_ =	swait.ge [sflag:s9], $0x7000  }
0x11: {  	[sflag:s9] =	ssyncset.done $0x0  }
0x12: {  	[sflag:s9] =	ssyncadd.s32 $0xFFFF9000  }
0x13: {  	[tilespmem:s10], [sflag:$0x5] =	stream.linear.gather [hbm4b:s6+s2], $0x3000, $0x38;
	[tilespmem:$0xF840] =	vst v63  }
0x14: {  	_ =	swait.ge [sflag:s9], $0x3000  }
0x15: {  	[sflag:s9] =	ssyncset.done $0x0  }
0x16: {  	[sflag:s9] =	ssyncadd.s32 $0xFFFFD000  }
0x17: {  	[tilespmem:s12], [sflag:$0x1] =	stream.indirect.gather [hbm4b:s3+s11], $0x10, s2, s11, $0xb8;
	[tilespmem:$0xF840] =	vst v63  }
0x18: {  	s23 =	simm.s32 $0x7060;
	s24 =	simm.s32 $0xA040;
	s25 =	simm.s32 $0x0  }
0x19: {  	[tilespmem:s14], [sflag:$0x2] =	stream.indirect.gather [hbm4b:s4+s13], $0x20, s10, s13, $0xb8;
	[tilespmem:$0xF840] =	vst v63  }
.LBB2_2:
0x1a: {  	s26 =	sshra.s32 s25, $0x2  }
0x1b: {  	s26 =	sadd.s32 $0x70, s26  }
0x1c: {  	[tilespmem:s15], [sflag:$0x3] =	stream.indirect.gather [hbm4b:s3+s11], $0x10, s26, s11, $0xb8;
	[tilespmem:$0xF840] =	vst v63  }
0x1d: {  	s31 =	sadd.s32 $0xFFFFFFD0, s23  }
0x1e: {  	[tilespmem:s16], [sflag:$0x4] =	stream.indirect.gather [hbm4b:s4+s13], $0x20, s31, s13, $0xb8;
	[tilespmem:$0xF840] =	vst v63  }
0x1f: {  	_ =	swait.ge [sflag:s17], $0x6A0  }
0x20: {  	[sflag:s17] =	ssyncset.done $0x0  }
0x21: {  	[sflag:s17] =	ssyncadd.s32 $0xFFFFF960  }
0x22: {  	_ =	swait.ge [sflag:s18], $0x580  }
0x23: {  	[sflag:s18] =	ssyncset.done $0x0  }
0x24: {  	[sflag:s18] =	ssyncadd.s32 $0xFFFFFA80  }
0x25: {  	v0 =	vld [tilespmem:$0xE000]  }
0x26: {  	v1 =	vld [tilespmem:$0xE010]  }
0x27: {  	v2 =	vld [tilespmem:$0xE020]  }
0x28: {  	v3 =	vld [tilespmem:$0xE030]  }
0x29: {  	v4 =	vld [tilespmem:$0xE040]  }
0x2a: {  	v5 =	vld [tilespmem:$0xE050]  }
0x2b: {  	v6 =	vld [tilespmem:$0xE060]  }
0x2c: {  	v7 =	vld [tilespmem:$0xE070]  }
0x2d: {  	v8 =	vld [tilespmem:$0xE080]  }
0x2e: {  	v9 =	vld [tilespmem:$0xE090]  }
0x2f: {  	v10 =	vld [tilespmem:$0xE0A0]  }
0x30: {  	v11 =	vld [tilespmem:$0xE0B0]  }
0x31: {  	v12 =	vld [tilespmem:$0xE0C0]  }
0x32: {  	v13 =	vld [tilespmem:$0xE0D0]  }
0x33: {  	v14 =	vld [tilespmem:$0xE0E0]  }
0x34: {  	v15 =	vld [tilespmem:$0xE0F0]  }
0x35: {  	v16 =	vld [tilespmem:$0xE100]  }
0x36: {  	v17 =	vld [tilespmem:$0xE110]  }
0x37: {  	v18 =	vld [tilespmem:$0xE120]  }
0x38: {  	v19 =	vld [tilespmem:$0xE130]  }
0x39: {  	v20 =	vld [tilespmem:$0xE140]  }
0x3a: {  	v21 =	vld [tilespmem:$0xE150]  }
0x3b: {  	v22 =	vld [tilespmem:$0xE160]  }
0x3c: {  	v23 =	vld [tilespmem:$0xE170]  }
0x3d: {  	v24 =	vld [tilespmem:$0xE180]  }
0x3e: {  	v25 =	vld [tilespmem:$0xE190]  }
0x3f: {  	v26 =	vld [tilespmem:$0xE1A0]  }
0x40: {  	v27 =	vld [tilespmem:$0xE1B0]  }
0x41: {  	v28 =	vld [tilespmem:$0xE1C0]  }
0x42: {  	v29 =	vld [tilespmem:$0xE1D0]  }
0x43: {  	v30 =	vld [tilespmem:$0xE1E0]  }
0x44: {  	v31 =	vld [tilespmem:$0xE1F0]  }
0x45: {  	v32 =	vld [tilespmem:$0xE200]  }
0x46: {  	v33 =	vld [tilespmem:$0xE210];
	v1 =	vmul.f32 $5.000000000e-01, v1;
	v2 =	vmul.f32 $2.500000000e-01, v2  }
0x47: {  	v34 =	vld [tilespmem:$0xE220];
	v3 =	vmul.f32 $1.250000000e-01, v3;
	v4 =	vmul.f32 $6.250000000e-02, v4  }
0x48: {  	v35 =	vld [tilespmem:$0xE230];
	v5 =	vmul.f32 $3.125000000e-02, v5;
	v6 =	vmul.f32 $1.562500000e-02, v6  }
0x49: {  	v36 =	vld [tilespmem:$0xE240];
	v7 =	vmul.f32 $7.812500000e-03, v7;
	v50 =	vmul.f32 $3.906250000e-03, v8  }
0x4a: {  	v51 =	vmul.f32 $1.953125000e-03, v9;
	v52 =	vmul.f32 $9.765625000e-04, v10;
	v1 =	vadd.f32 v5, v1;
	v5 =	vld [tilespmem:$0xE250]  }
0x4b: {  	v53 =	vmul.f32 $4.882812500e-04, v11;
	v54 =	vmul.f32 $2.441406250e-04, v12;
	v3 =	vadd.f32 v7, v3;
	v7 =	vld [tilespmem:$0xE260]  }
0x4c: {  	v55 =	vmul.f32 $1.220703130e-04, v13;
	v56 =	vmul.f32 $6.103515630e-05, v14;
	v9 =	vld [tilespmem:$0xE270]  }
0x4d: {  	v57 =	vmul.f32 $3.051757810e-05, v15;
	v58 =	vmul.f32 $1.525878910e-05, v16;
	v11 =	vld [tilespmem:$0xE280]  }
0x4e: {  	v59 =	vmul.f32 $7.629394530e-06, v17;
	v60 =	vmul.f32 $3.814697270e-06, v18;
	v10 =	vld [tilespmem:$0xE2A0]  }
0x4f: {  	v61 =	vmul.f32 $1.907348630e-06, v19;
	v62 =	vmul.f32 $9.536743160e-07, v20;
	v13 =	vld [tilespmem:$0xE2B0]  }
0x50: {  	v21 =	vmul.f32 $4.768371580e-07, v21;
	v22 =	vmul.f32 $2.384185790e-07, v22;
	v14 =	vld [tilespmem:$0xE2E0]  }
0x51: {  	v23 =	vmul.f32 $1.192092900e-07, v23;
	v24 =	vmul.f32 $5.960464480e-08, v24;
	v0 =	vadd.f32 v4, v0;
	v41 =	vld [tilespmem:$0xE6A0]  }
0x52: {  	v25 =	vmul.f32 $2.980232240e-08, v25;
	v38 =	vmul.f32 $1.490116120e-08, v26;
	v2 =	vadd.f32 v6, v2;
	v44 =	vld [tilespmem:$0xE6C0]  }
0x53: {  	v40 =	vmul.f32 $7.450580600e-09, v27;
	v47 =	vld [tilespmem:$0xE6E0];
	v0 =	vadd.f32 v50, v0;
	v1 =	vadd.f32 v51, v1  }
0x54: {  	v42 =	vmul.f32 $3.725290300e-09, v28;
	v2 =	vadd.f32 v52, v2;
	v3 =	vadd.f32 v53, v3;
	v51 =	vld [tilespmem:$0xE720]  }
0x55: {  	v43 =	vmul.f32 $1.862645150e-09, v29;
	v49 =	vld [tilespmem:$0xE700];
	v0 =	vadd.f32 v54, v0;
	v1 =	vadd.f32 v55, v1  }
0x56: {  	v45 =	vmul.f32 $9.313225740e-10, v30;
	v2 =	vadd.f32 v56, v2;
	v3 =	vadd.f32 v57, v3;
	v54 =	vld [tilespmem:$0xE740]  }
0x57: {  	v46 =	vmul.f32 $4.656612870e-10, v31;
	v56 =	vld [tilespmem:$0xE760];
	v0 =	vadd.f32 v58, v0;
	v1 =	vadd.f32 v59, v1  }
0x58: {  	v48 =	vmul.f32 $2.328306440e-10, v32;
	v6 =	vld [tilespmem:$0xE7A0];
	v2 =	vadd.f32 v60, v2;
	v3 =	vadd.f32 v61, v3  }
0x59: {  	v57 =	vmul.f32 $3.637978810e-12, v7;
	v7 =	vld [tilespmem:$0xE780];
	v30 =	vadd.f32 v51, v41;
	v0 =	vadd.f32 v62, v0  }
0x5a: {  	v58 =	vmul.f32 $1.818989400e-12, v9;
	v9 =	vld [tilespmem:$0xE7C0];
	v1 =	vadd.f32 v21, v1;
	v2 =	vadd.f32 v22, v2  }
0x5b: {  	v59 =	vmul.f32 $9.094947020e-13, v11;
	v11 =	vld [tilespmem:$0xE7E0];
	v3 =	vadd.f32 v23, v3;
	v31 =	vadd.f32 v54, v44  }
0x5c: {  	v15 =	vld [tilespmem:$0xE2C0];
	v50 =	vmul.f32 $1.164153220e-10, v33;
	v32 =	vadd.f32 v56, v47;
	v0 =	vadd.f32 v24, v0  }
0x5d: {  	v60 =	vmul.f32 $2.273736750e-13, v10;
	v10 =	vld [tilespmem:$0xE820];
	v1 =	vadd.f32 v25, v1;
	v2 =	vadd.f32 v38, v2  }
0x5e: {  	v61 =	vmul.f32 $1.136868380e-13, v13;
	v13 =	vld [tilespmem:$0xE840];
	v3 =	vadd.f32 v40, v3;
	v33 =	vadd.f32 v7, v49  }
0x5f: {  	v8 =	vld [tilespmem:$0xE290];
	v24 =	vmul.f32 $1.421085470e-14, v14;
	v14 =	vadd.f32 v6, v30;
	v16 =	vadd.f32 v9, v31  }
0x60: {  	v63 =	vld [tilespmem:$0xE2D0];
	v53 =	vmul.f32 $2.910383050e-11, v35;
	v19 =	vadd.f32 v11, v32;
	v1 =	vadd.f32 v43, v1  }
0x61: {  	v17 =	vld [tilespmem:$0xE2F0];
	v5 =	vmul.f32 $7.275957610e-12, v5;
	v0 =	vadd.f32 v42, v0;
	v2 =	vadd.f32 v45, v2  }
0x62: {  	v62 =	vmul.f32 $5.684341890e-14, v15;
	v15 =	vld [tilespmem:$0xE860];
	v3 =	vadd.f32 v46, v3;
	v1 =	vadd.f32 v50, v1  }
0x63: {  	v37 =	vld [tilespmem:$0xE300];
	v52 =	vmul.f32 $5.820766090e-11, v34;
	v14 =	vadd.f32 v10, v14;
	v16 =	vadd.f32 v13, v16  }
0x64: {  	v12 =	vld [tilespmem:$0xE8C0];
	v8 =	vmul.f32 $4.547473510e-13, v8;
	v3 =	vadd.f32 v53, v3;
	v1 =	vadd.f32 v5, v1  }
0x65: {  	v39 =	vld [tilespmem:$0xE310];
	v0 =	vadd.f32 v48, v0;
	v2 =	vadd.f32 v52, v2  }
0x66: {  	v55 =	vmul.f32 $1.455191520e-11, v36;
	v3 =	vadd.f32 v58, v3;
	v1 =	vadd.f32 v8, v1;
	v8 =	vld [tilespmem:$0xE800]  }
0x67: {  	v27 =	vmul.f32 $7.105427350e-15, v17;
	v17 =	vld [tilespmem:$0xE8E0];
	v19 =	vadd.f32 v15, v19;
	v2 =	vadd.f32 v57, v2  }
0x68: {  	v4 =	vld [tilespmem:$0xE880];
	v0 =	vadd.f32 v55, v0;
	v3 =	vadd.f32 v61, v3  }
0x69: {  	v16 =	vadd.f32 v12, v16;
	v5 =	vld [tilespmem:$0xE8A0];
	v2 =	vadd.f32 v60, v2  }
0x6a: {  	v0 =	vadd.f32 v59, v0;
	v3 =	vadd.f32 v27, v3;
	v27 =	vld [tilespmem:$0xE900]  }
0x6b: {  	v63 =	vmul.f32 $2.842170940e-14, v63;
	v2 =	vadd.f32 v24, v2;
	v24 =	vadd.f32 v8, v33  }
0x6c: {  	v28 =	vmul.f32 $3.552713680e-15, v37;
	v19 =	vadd.f32 v17, v19;
	v0 =	vadd.f32 v62, v0  }
0x6d: {  	v29 =	vmul.f32 $1.776356840e-15, v39;
	v1 =	vadd.f32 v63, v1;
	v24 =	vadd.f32 v4, v24  }
0x6e: {  	v14 =	vadd.f32 v5, v14;
	v0 =	vadd.f32 v28, v0  }
0x6f: {  	v1 =	vadd.f32 v29, v1;
	v24 =	vadd.f32 v27, v24  }
0x70: {  	v34 =	vadd.f32 v3, v2;
	v35 =	vadd.f32 v16, v14  }
0x71: {  	v0 =	vadd.f32 v1, v0;
	v36 =	vadd.f32 v24, v19;
	_ =	sdelay $0x1  }
0x72: {  	v20 =	vld [tilespmem:$0xE830];
	v0 =	vadd.f32 v0, v34;
	v37 =	vadd.f32 v36, v35  }
0x73: {  	v38 =	vld [tilespmem:$0xE6B0]  }
0x74: {  	v39 =	vld [tilespmem:$0xE6D0];
	v0 =	vadd.f32 v37, v0  }
0x75: {  	v40 =	vld [tilespmem:$0xE6F0]  }
0x76: {  	v42 =	vld [tilespmem:$0xE710];
	v41 =	vsub.f32 v0, v41  }
0x77: {  	v43 =	vsub.f32 v0, v44;
	v44 =	vld [tilespmem:$0xE730]  }
0x78: {  	v46 =	vld [tilespmem:$0xE750];
	v45 =	vsub.f32 v0, v47;
	v2 =	vmul.f32 v41, v38  }
0x79: {  	v48 =	vld [tilespmem:$0xE770];
	v47 =	vsub.f32 v0, v49;
	v1 =	vmul.f32 v43, v39  }
0x7a: {  	v50 =	vsub.f32 v0, v51;
	v51 =	vld [tilespmem:$0xE790];
	v49 =	vmul.f32 v45, v40;
	(xrf2) =	vadd.scan.msk.f32 $0xffff, v2  }
0x7b: {  	v53 =	vsub.f32 v0, v54;
	v54 =	vld [tilespmem:$0xE7B0];
	v52 =	vmul.f32 v47, v42;
	(xrf2) =	vadd.scan.msk.f32 $0xffff, v1  }
0x7c: {  	v57 =	vld [tilespmem:$0xE7D0];
	v56 =	vsub.f32 v0, v56;
	v55 =	vmul.f32 v50, v44;
	(xrf2) =	vadd.scan.msk.f32 $0xffff, v49  }
0x7d: {  	v59 =	vld [tilespmem:$0xE7F0];
	v7 =	vsub.f32 v0, v7;
	v58 =	vmul.f32 v46, v53;
	(xrf2) =	vadd.scan.msk.f32 $0xffff, v52  }
0x7e: {  	v62 =	vld [tilespmem:$0xE810];
	v61 =	vsub.f32 v0, v6;
	v60 =	vmul.f32 v48, v56;
	(xrf2) =	vadd.scan.msk.f32 $0xffff, v55  }
0x7f: {  	v26 =	vld [tilespmem:$0xE870];
	v14 =	vsub.f32 v0, v9;
	v63 =	vmul.f32 v51, v7;
	(xrf2) =	vadd.scan.msk.f32 $0xffff, v58  }
0x80: {  	v23 =	vld [tilespmem:$0xE850];
	v22 =	vsub.f32 v0, v11;
	v21 =	vmul.f32 v54, v61;
	(xrf2) =	vadd.scan.msk.f32 $0xffff, v60  }
0x81: {  	v30 =	vld [tilespmem:$0xE890];
	v25 =	vsub.f32 v0, v8;
	v24 =	vmul.f32 v57, v14;
	(xrf2) =	vadd.scan.msk.f32 $0xffff, v63  }
0x82: {  	v33 =	vld [tilespmem:$0xE8B0];
	v29 =	vsub.f32 v0, v10;
	v28 =	vmul.f32 v59, v22;
	(xrf2) =	vadd.scan.msk.f32 $0xffff, v21  }
0x83: {  	v37 =	vld [tilespmem:$0xE8D0];
	v32 =	vsub.f32 v0, v13;
	v31 =	vmul.f32 v62, v25;
	(xrf2) =	vadd.scan.msk.f32 $0xffff, v24  }
0x84: {  	v36 =	vsub.f32 v0, v15;
	v35 =	vmul.f32 v20, v29;
	v34, _, _ =	vpop (xrf2);
	(xrf2) =	vadd.scan.msk.f32 $0xffff, v28  }
0x85: {  	v4 =	vsub.f32 v0, v4;
	v39 =	vmul.f32 v23, v32;
	v40 =	vld [tilespmem:$0xE8F0];
	v38, _, _ =	vpop (xrf2);
	(xrf2) =	vadd.scan.msk.f32 $0xffff, v31  }
0x86: {  	v42 =	vmul.f32 v26, v36;
	v43 =	vsub.f32 v0, v5;
	v47 =	vsub.f32 v0, v12;
	v44 =	vld [tilespmem:$0xE910];
	v41, _, _ =	vpop (xrf2);
	(xrf2) =	vadd.scan.msk.f32 $0xffff, v35  }
0x87: {  	v46 =	vmul.f32 v30, v4;
	v45, _, _ =	vpop (xrf2);
	(xrf2) =	vadd.scan.msk.f32 $0xffff, v39  }
0x88: {  	v50 =	vmul.f32 v33, v43;
	v51 =	vsub.f32 v0, v17;
	v54 =	vmul.f32 v37, v47;
	v49, _, _ =	vpop (xrf2);
	(xrf2) =	vadd.scan.msk.f32 $0xffff, v42  }
0x89: {  	v0 =	vsub.f32 v0, v27;
	v48 =	vbroadcast v34, $0xF;
	v52 =	vbroadcast v38, $0xF;
	v53, _, _ =	vpop (xrf2);
	(xrf2) =	vadd.scan.msk.f32 $0xffff, v46  }
0x8a: {  	v57 =	vmul.f32 v40, v51;
	v55 =	vbroadcast v41, $0xF;
	v56, _, _ =	vpop (xrf2);
	(xrf2) =	vadd.scan.msk.f32 $0xffff, v50  }
0x8b: {  	v0 =	vmul.f32 v44, v0;
	v58 =	vsel vm0, v48, v52;
	v59 =	vbroadcast v45, $0xF;
	v60, _, _ =	vpop (xrf2);
	(xrf2) =	vadd.scan.msk.f32 $0xffff, v54  }
0x8c: {  	v61 =	vsel vm1, v58, v55;
	v62 =	vbroadcast v49, $0xF;
	v63, _, _ =	vpop (xrf2);
	(xrf2) =	vadd.scan.msk.f32 $0xffff, v57  }
0x8d: {  	v1 =	vsel vm3, v61, v59;
	v8 =	vbroadcast v53, $0xF;
	v10, _, _ =	vpop (xrf2);
	(xrf2) =	vadd.scan.msk.f32 $0xffff, v0  }
0x8e: {  	v11 =	vsel vm4, v1, v62;
	v12 =	vbroadcast v56, $0xF;
	v13, _, _ =	vpop (xrf2)  }
0x8f: {  	v14 =	vbroadcast v60, $0xF;
	v0 =	vsel vm5, v11, v8;
	v15, _, _ =	vpop (xrf2)  }
0x90: {  	v16 =	vbroadcast v63, $0xF;
	v0 =	vsel vm6, v0, v12;
	v17, _, _ =	vpop (xrf2)  }
0x91: {  	v18 =	vbroadcast v10, $0xF;
	v0 =	vsel vm7, v0, v14;
	v19, _, _ =	vpop (xrf2)  }
0x92: {  	v20 =	vbroadcast v13, $0xF;
	v0 =	vsel vm8, v0, v16;
	v21, _, _ =	vpop (xrf2)  }
0x93: {  	vm15 =	vcmask $0x710;
	v22 =	vbroadcast v15, $0xF;
	v0 =	vsel vm9, v0, v18;
	v23, _, _ =	vpop (xrf2)  }
0x94: {  	vm1 =	vcmask $0x310;
	v24 =	vbroadcast v17, $0xF;
	v0 =	vsel vm10, v0, v20;
	v25, _, _ =	vpop (xrf2)  }
0x95: {  	v26 =	vbroadcast v19, $0xF;
	v0 =	vsel vm11, v0, v22;
	v4 =	vbroadcast v25, $0xF;
	v27, _, _ =	vpop (xrf2)  }
0x96: {  	v28 =	vbroadcast v21, $0xF;
	v0 =	vsel vm12, v0, v24;
	v29 =	vbroadcast v27, $0xF;
	v30, _, _ =	vpop (xrf2)  }
0x97: {  	v0 =	vsel vm13, v0, v26;
	v31 =	vnsel vm0, $0x0, v4;
	v32 =	vbroadcast v30, $0xF;
	v33, _, _ =	vpop (xrf2)  }
0x98: {  	v0 =	vsel vm14, v0, v28;
	v34 =	vsel vm1, v31, v29;
	v35 =	vbroadcast v33, $0xF  }
0x99: {  	v0 =	vsel vm2, v0, v23;
	v1 =	vsel vm15, v34, v32;
	vm15 =	vcmask $0xB10  }
0x9a: {  	[tilespmem:s24+$0xFFFFFFC0] =	vst v0;
	v1 =	vsel vm15, v1, v35  }
0x9b: {  	[tilespmem:s24+$0xFFFFFFD0] =	vst v1  }
0x9c: {  	v0 =	vld [tilespmem:$0xE380]  }
0x9d: {  	v1 =	vld [tilespmem:$0xE390]  }
0x9e: {  	v2 =	vld [tilespmem:$0xE3A0]  }
0x9f: {  	v3 =	vld [tilespmem:$0xE3B0]  }
0xa0: {  	v36 =	vld [tilespmem:$0xE3C0]  }
0xa1: {  	v37 =	vld [tilespmem:$0xE3D0]  }
0xa2: {  	v38 =	vld [tilespmem:$0xE3E0]  }
0xa3: {  	v39 =	vld [tilespmem:$0xE3F0]  }
0xa4: {  	v54 =	vld [tilespmem:$0xE400]  }
0xa5: {  	v55 =	vld [tilespmem:$0xE410]  }
0xa6: {  	v56 =	vld [tilespmem:$0xE420]  }
0xa7: {  	v57 =	vld [tilespmem:$0xE430]  }
0xa8: {  	v58 =	vld [tilespmem:$0xE440]  }
0xa9: {  	v59 =	vld [tilespmem:$0xE450]  }
0xaa: {  	v60 =	vld [tilespmem:$0xE460]  }
0xab: {  	v61 =	vld [tilespmem:$0xE470]  }
0xac: {  	v62 =	vld [tilespmem:$0xE480]  }
0xad: {  	v63 =	vld [tilespmem:$0xE490]  }
0xae: {  	v40 =	vld [tilespmem:$0xE4A0]  }
0xaf: {  	v41 =	vld [tilespmem:$0xE4B0]  }
0xb0: {  	v42 =	vld [tilespmem:$0xE4C0]  }
0xb1: {  	v43 =	vld [tilespmem:$0xE4D0]  }
0xb2: {  	v44 =	vld [tilespmem:$0xE4E0]  }
0xb3: {  	v45 =	vld [tilespmem:$0xE4F0]  }
0xb4: {  	v46 =	vld [tilespmem:$0xE500]  }
0xb5: {  	v47 =	vld [tilespmem:$0xE510]  }
0xb6: {  	v48 =	vld [tilespmem:$0xE520]  }
0xb7: {  	v49 =	vld [tilespmem:$0xE530]  }
0xb8: {  	v50 =	vld [tilespmem:$0xE540]  }
0xb9: {  	v51 =	vld [tilespmem:$0xE550]  }
0xba: {  	v52 =	vld [tilespmem:$0xE560]  }
0xbb: {  	v53 =	vld [tilespmem:$0xE570];
	v1 =	vmul.f32 $5.000000000e-01, v1  }
0xbc: {  	v32 =	vld [tilespmem:$0xE580];
	v2 =	vmul.f32 $2.500000000e-01, v2;
	v3 =	vmul.f32 $1.250000000e-01, v3  }
0xbd: {  	v33 =	vld [tilespmem:$0xE590];
	v4 =	vmul.f32 $6.250000000e-02, v36;
	v5 =	vmul.f32 $3.125000000e-02, v37  }
0xbe: {  	v34 =	vld [tilespmem:$0xE5A0];
	v6 =	vmul.f32 $1.562500000e-02, v38;
	v7 =	vmul.f32 $7.812500000e-03, v39  }
0xbf: {  	v35 =	vld [tilespmem:$0xE5B0];
	v54 =	vmul.f32 $3.906250000e-03, v54;
	v55 =	vmul.f32 $1.953125000e-03, v55  }
0xc0: {  	v9 =	vld [tilespmem:$0xE5F0];
	v56 =	vmul.f32 $9.765625000e-04, v56;
	v57 =	vmul.f32 $4.882812500e-04, v57  }
0xc1: {  	v11 =	vld [tilespmem:$0xE600];
	v58 =	vmul.f32 $2.441406250e-04, v58;
	v59 =	vmul.f32 $1.220703130e-04, v59  }
0xc2: {  	v10 =	vld [tilespmem:$0xE620];
	v60 =	vmul.f32 $6.103515630e-05, v60;
	v61 =	vmul.f32 $3.051757810e-05, v61  }
0xc3: {  	v13 =	vld [tilespmem:$0xE630];
	v62 =	vmul.f32 $1.525878910e-05, v62;
	v63 =	vmul.f32 $7.629394530e-06, v63  }
0xc4: {  	v15 =	vld [tilespmem:$0xE640];
	v18 =	vmul.f32 $3.814697270e-06, v40;
	v19 =	vmul.f32 $1.907348630e-06, v41  }
0xc5: {  	v12 =	vld [tilespmem:$0xE650];
	v37 =	vmul.f32 $4.768371580e-07, v43;
	v40 =	vmul.f32 $1.192092900e-07, v45  }
0xc6: {  	v38 =	vld [tilespmem:$0xE660];
	v43 =	vmul.f32 $2.980232240e-08, v47;
	v45 =	vmul.f32 $1.490116120e-08, v48  }
0xc7: {  	v47 =	vmul.f32 $7.450580600e-09, v49;
	v48 =	vld [tilespmem:$0xE9A0];
	v49 =	vmul.f32 $3.725290300e-09, v50  }
0xc8: {  	v50 =	vmul.f32 $1.862645150e-09, v51;
	v51 =	vld [tilespmem:$0xE9C0];
	v0 =	vadd.f32 v4, v0;
	v1 =	vadd.f32 v5, v1  }
0xc9: {  	v27 =	vmul.f32 $1.818989400e-12, v9;
	v9 =	vld [tilespmem:$0xEAC0];
	v2 =	vadd.f32 v6, v2;
	v3 =	vadd.f32 v7, v3  }
0xca: {  	v20 =	vmul.f32 $9.536743160e-07, v42;
	v7 =	vld [tilespmem:$0xE5E0];
	v0 =	vadd.f32 v54, v0;
	v1 =	vadd.f32 v55, v1  }
0xcb: {  	v39 =	vmul.f32 $2.384185790e-07, v44;
	v2 =	vadd.f32 v56, v2;
	v3 =	vadd.f32 v57, v3;
	v54 =	vld [tilespmem:$0xE9E0]  }
0xcc: {  	v42 =	vmul.f32 $5.960464480e-08, v46;
	v0 =	vadd.f32 v58, v0;
	v1 =	vadd.f32 v59, v1;
	v58 =	vld [tilespmem:$0xEA20]  }
0xcd: {  	v52 =	vmul.f32 $9.313225740e-10, v52;
	v2 =	vadd.f32 v60, v2;
	v3 =	vadd.f32 v61, v3;
	v61 =	vld [tilespmem:$0xEA40]  }
0xce: {  	v53 =	vmul.f32 $4.656612870e-10, v53;
	v56 =	vld [tilespmem:$0xEA00];
	v0 =	vadd.f32 v62, v0;
	v1 =	vadd.f32 v63, v1  }
0xcf: {  	v24 =	vmul.f32 $3.637978810e-12, v7;
	v7 =	vld [tilespmem:$0xEA80];
	v2 =	vadd.f32 v18, v2;
	v3 =	vadd.f32 v19, v3  }
0xd0: {  	v28 =	vmul.f32 $9.094947020e-13, v11;
	v63 =	vld [tilespmem:$0xEA60];
	v0 =	vadd.f32 v20, v0;
	v1 =	vadd.f32 v37, v1  }
0xd1: {  	v6 =	vld [tilespmem:$0xEAA0];
	v57 =	vmul.f32 $1.164153220e-10, v33;
	v2 =	vadd.f32 v39, v2;
	v3 =	vadd.f32 v40, v3  }
0xd2: {  	v11 =	vld [tilespmem:$0xEAE0];
	v33 =	vmul.f32 $1.421085470e-14, v38;
	v37 =	vadd.f32 v58, v48;
	v38 =	vadd.f32 v61, v51  }
0xd3: {  	v29 =	vmul.f32 $2.273736750e-13, v10;
	v10 =	vld [tilespmem:$0xEB20];
	v0 =	vadd.f32 v42, v0;
	v1 =	vadd.f32 v43, v1  }
0xd4: {  	v30 =	vmul.f32 $1.136868380e-13, v13;
	v5 =	vld [tilespmem:$0xE5D0];
	v2 =	vadd.f32 v45, v2;
	v3 =	vadd.f32 v47, v3  }
0xd5: {  	v31 =	vmul.f32 $5.684341890e-14, v15;
	v13 =	vld [tilespmem:$0xEB40];
	v40 =	vadd.f32 v7, v56;
	v39 =	vadd.f32 v63, v54  }
0xd6: {  	v8 =	vld [tilespmem:$0xE610];
	v55 =	vmul.f32 $2.328306440e-10, v32;
	v14 =	vadd.f32 v6, v37;
	v16 =	vadd.f32 v9, v38  }
0xd7: {  	v36 =	vld [tilespmem:$0xE5C0];
	v32 =	vmul.f32 $2.842170940e-14, v12;
	v0 =	vadd.f32 v49, v0;
	v1 =	vadd.f32 v50, v1  }
0xd8: {  	v15 =	vld [tilespmem:$0xEB60];
	v59 =	vmul.f32 $5.820766090e-11, v34;
	v2 =	vadd.f32 v52, v2;
	v3 =	vadd.f32 v53, v3  }
0xd9: {  	v12 =	vld [tilespmem:$0xEBC0];
	v5 =	vmul.f32 $7.275957610e-12, v5;
	v19 =	vadd.f32 v11, v39;
	v1 =	vadd.f32 v57, v1  }
0xda: {  	v17 =	vld [tilespmem:$0xEBE0];
	v60 =	vmul.f32 $2.910383050e-11, v35;
	v14 =	vadd.f32 v10, v14;
	v16 =	vadd.f32 v13, v16  }
0xdb: {  	v41 =	vld [tilespmem:$0xE670];
	v8 =	vmul.f32 $4.547473510e-13, v8;
	v0 =	vadd.f32 v55, v0;
	v1 =	vadd.f32 v5, v1  }
0xdc: {  	v44 =	vld [tilespmem:$0xE680];
	v62 =	vmul.f32 $1.455191520e-11, v36;
	v2 =	vadd.f32 v59, v2;
	v3 =	vadd.f32 v60, v3  }
0xdd: {  	v19 =	vadd.f32 v15, v19;
	v1 =	vadd.f32 v8, v1;
	v8 =	vld [tilespmem:$0xEB00]  }
0xde: {  	v46 =	vld [tilespmem:$0xE690];
	v16 =	vadd.f32 v12, v16;
	v0 =	vadd.f32 v62, v0  }
0xdf: {  	v4 =	vld [tilespmem:$0xEB80];
	v2 =	vadd.f32 v24, v2;
	v3 =	vadd.f32 v27, v3  }
0xe0: {  	v5 =	vld [tilespmem:$0xEBA0];
	v19 =	vadd.f32 v17, v19;
	v0 =	vadd.f32 v28, v0  }
0xe1: {  	v27 =	vld [tilespmem:$0xEC00];
	v2 =	vadd.f32 v29, v2;
	v3 =	vadd.f32 v30, v3  }
0xe2: {  	v34 =	vmul.f32 $7.105427350e-15, v41;
	v0 =	vadd.f32 v31, v0;
	v24 =	vadd.f32 v8, v40  }
0xe3: {  	v35 =	vmul.f32 $3.552713680e-15, v44;
	v1 =	vadd.f32 v32, v1;
	v2 =	vadd.f32 v33, v2  }
0xe4: {  	v36 =	vmul.f32 $1.776356840e-15, v46;
	v3 =	vadd.f32 v34, v3;
	v24 =	vadd.f32 v4, v24  }
0xe5: {  	v14 =	vadd.f32 v5, v14;
	v0 =	vadd.f32 v35, v0  }
0xe6: {  	v1 =	vadd.f32 v36, v1;
	v24 =	vadd.f32 v27, v24  }
0xe7: {  	v41 =	vadd.f32 v3, v2;
	v42 =	vadd.f32 v16, v14  }
0xe8: {  	v0 =	vadd.f32 v1, v0;
	v43 =	vadd.f32 v24, v19  }
0xe9: {  	v22 =	vld [tilespmem:$0xEAD0]  }
0xea: {  	v46 =	vld [tilespmem:$0xE9D0];
	v0 =	vadd.f32 v0, v41;
	v44 =	vadd.f32 v43, v42  }
0xeb: {  	v45 =	vld [tilespmem:$0xE9B0]  }
0xec: {  	v47 =	vld [tilespmem:$0xE9F0];
	v0 =	vadd.f32 v44, v0  }
0xed: {  	v37 =	vld [tilespmem:$0xEB70]  }
0xee: {  	v49 =	vld [tilespmem:$0xEA10];
	v48 =	vsub.f32 v0, v48  }
0xef: {  	v50 =	vsub.f32 v0, v51;
	v51 =	vld [tilespmem:$0xEA30]  }
0xf0: {  	v53 =	vld [tilespmem:$0xEA50];
	v52 =	vsub.f32 v0, v54;
	v2 =	vmul.f32 v48, v45  }
0xf1: {  	v55 =	vld [tilespmem:$0xEA70];
	v54 =	vsub.f32 v0, v56;
	v1 =	vmul.f32 v50, v46  }
0xf2: {  	v57 =	vsub.f32 v0, v58;
	v58 =	vld [tilespmem:$0xEA90];
	v56 =	vmul.f32 v52, v47;
	(xrf2) =	vadd.scan.msk.f32 $0xffff, v2  }
0xf3: {  	v60 =	vsub.f32 v0, v61;
	v61 =	vld [tilespmem:$0xEAB0];
	v59 =	vmul.f32 v54, v49;
	(xrf2) =	vadd.scan.msk.f32 $0xffff, v1  }
0xf4: {  	v28 =	vld [tilespmem:$0xEB10];
	v63 =	vsub.f32 v0, v63;
	v62 =	vmul.f32 v57, v51;
	(xrf2) =	vadd.scan.msk.f32 $0xffff, v56  }
0xf5: {  	v24 =	vld [tilespmem:$0xEAF0];
	v7 =	vsub.f32 v0, v7;
	v23 =	vmul.f32 v53, v60;
	(xrf2) =	vadd.scan.msk.f32 $0xffff, v59  }
0xf6: {  	v31 =	vld [tilespmem:$0xEB30];
	v26 =	vsub.f32 v0, v6;
	v25 =	vmul.f32 v55, v63;
	(xrf2) =	vadd.scan.msk.f32 $0xffff, v62  }
0xf7: {  	v34 =	vld [tilespmem:$0xEB50];
	v30 =	vsub.f32 v0, v9;
	v29 =	vmul.f32 v58, v7;
	(xrf2) =	vadd.scan.msk.f32 $0xffff, v23  }
0xf8: {  	v40 =	vld [tilespmem:$0xEB90];
	v33 =	vsub.f32 v0, v11;
	v32 =	vmul.f32 v61, v26;
	(xrf2) =	vadd.scan.msk.f32 $0xffff, v25  }
0xf9: {  	v43 =	vld [tilespmem:$0xEBB0];
	v36 =	vsub.f32 v0, v8;
	v35 =	vmul.f32 v22, v30;
	(xrf2) =	vadd.scan.msk.f32 $0xffff, v29  }
0xfa: {  	v39 =	vsub.f32 v0, v10;
	v38 =	vmul.f32 v24, v33;
	v47 =	vld [tilespmem:$0xEBD0];
	(xrf2) =	vadd.scan.msk.f32 $0xffff, v32  }
0xfb: {  	v42 =	vsub.f32 v0, v13;
	v41 =	vmul.f32 v28, v36;
	v50 =	vld [tilespmem:$0xEBF0];
	(xrf2) =	vadd.scan.msk.f32 $0xffff, v35  }
0xfc: {  	v45 =	vmul.f32 v31, v39;
	v46 =	vsub.f32 v0, v15;
	v44, _, _ =	vpop (xrf2);
	(xrf2) =	vadd.scan.msk.f32 $0xffff, v38  }
0xfd: {  	v4 =	vsub.f32 v0, v4;
	v49 =	vmul.f32 v34, v42;
	v53 =	vsub.f32 v0, v5;
	v54 =	vld [tilespmem:$0xEC10];
	v48, _, _ =	vpop (xrf2);
	(xrf2) =	vadd.scan.msk.f32 $0xffff, v41  }
0xfe: {  	v52 =	vmul.f32 v37, v46;
	v57 =	vsub.f32 v0, v12;
	v61 =	vsub.f32 v0, v17;
	v23 =	vld [tilespmem:$0x1FFF0];
	v51, _, _ =	vpop (xrf2);
	(xrf2) =	vadd.scan.msk.f32 $0xffff, v45  }
0xff: {  	v60 =	vmul.f32 v43, v53;
	v56 =	vmul.f32 v40, v4;
	v55, _, _ =	vpop (xrf2);
	(xrf2) =	vadd.scan.msk.f32 $0xffff, v49  }
0x100: {  	v0 =	vsub.f32 v0, v27;
	v16 =	vmul.f32 v47, v57;
	v19 =	vmul.f32 v50, v61;
	v59, _, _ =	vpop (xrf2);
	(xrf2) =	vadd.scan.msk.f32 $0xffff, v52  }
0x101: {  	v58 =	vbroadcast v44, $0xF;
	v62 =	vbroadcast v48, $0xF;
	v63, _, _ =	vpop (xrf2);
	(xrf2) =	vadd.scan.msk.f32 $0xffff, v56  }
0x102: {  	v0 =	vmul.f32 v54, v0;
	v17 =	vbroadcast v51, $0xF;
	v18, _, _ =	vpop (xrf2);
	(xrf2) =	vadd.scan.msk.f32 $0xffff, v60  }
0x103: {  	vm15 =	vnez.u8 v23;
	v20 =	vsel vm0, v58, v62;
	v21 =	vbroadcast v55, $0xF;
	v22, _, _ =	vpop (xrf2);
	(xrf2) =	vadd.scan.msk.f32 $0xffff, v16  }
0x104: {  	v1 =	vsel vm15, v20, v17;
	v24 =	vbroadcast v59, $0xF;
	v25, _, _ =	vpop (xrf2);
	(xrf2) =	vadd.scan.msk.f32 $0xffff, v19  }
0x105: {  	v1 =	vsel vm3, v1, v21;
	v26 =	vbroadcast v63, $0xF;
	v27, _, _ =	vpop (xrf2);
	(xrf2) =	vadd.scan.msk.f32 $0xffff, v0  }
0x106: {  	v28 =	vsel vm4, v1, v24;
	v29 =	vbroadcast v18, $0xF;
	v30, _, _ =	vpop (xrf2)  }
0x107: {  	v31 =	vbroadcast v22, $0xF;
	v0 =	vsel vm5, v28, v26;
	v32, _, _ =	vpop (xrf2)  }
0x108: {  	v33 =	vbroadcast v25, $0xF;
	v0 =	vsel vm6, v0, v29;
	v34, _, _ =	vpop (xrf2)  }
0x109: {  	v35 =	vbroadcast v27, $0xF;
	v0 =	vsel vm7, v0, v31;
	v36, _, _ =	vpop (xrf2)  }
0x10a: {  	v37 =	vbroadcast v30, $0xF;
	v0 =	vsel vm8, v0, v33;
	v38, _, _ =	vpop (xrf2)  }
0x10b: {  	v39 =	vbroadcast v32, $0xF;
	v0 =	vsel vm9, v0, v35;
	v40, _, _ =	vpop (xrf2)  }
0x10c: {  	vm15 =	vcmask $0x710;
	v41 =	vbroadcast v34, $0xF;
	v0 =	vsel vm10, v0, v37;
	v42, _, _ =	vpop (xrf2)  }
0x10d: {  	v43 =	vbroadcast v36, $0xF;
	v0 =	vsel vm11, v0, v39;
	v4 =	vbroadcast v42, $0xF;
	v44, _, _ =	vpop (xrf2)  }
0x10e: {  	v45 =	vbroadcast v38, $0xF;
	v0 =	vsel vm12, v0, v41;
	v46 =	vbroadcast v44, $0xF;
	v47, _, _ =	vpop (xrf2)  }
0x10f: {  	v0 =	vsel vm13, v0, v43;
	v48 =	vnsel vm0, $0x0, v4;
	v49 =	vbroadcast v47, $0xF;
	v50, _, _ =	vpop (xrf2)  }
0x110: {  	v0 =	vsel vm14, v0, v45;
	v51 =	vsel vm1, v48, v46;
	v52 =	vbroadcast v50, $0xF  }
0x111: {  	p0 =	seq.s32 s25, $0x1BC80;
	v0 =	vsel vm2, v0, v40;
	v1 =	vsel vm15, v51, v49;
	vm15 =	vcmask $0xB10  }
0x112: {  	s26 =	sshra.s32 @!p0 s25, $0x2;
	[tilespmem:s24+$0xFFFFFFE0] =	vst v0;
	v1 =	vsel vm15, v1, v52  }
0x113: {  	s28 =	simm.s32 @!p0 $0x6A;
	s29 =	simm.s32 @!p0 $0xE000;
	s26 =	sadd.s32 @!p0 $0xE0, s26;
	[tilespmem:s24+$0xFFFFFFF0] =	vst v1  }
0x114: {  	[tilespmem:s29], [sflag:$0x1] =	stream.indirect.gather @!p0 [hbm4b:s3+s28], $0x10, s26, s28, $0xb8;
	[tilespmem:$0xF840] =	vst v63  }
0x115: {  	s26 =	simm.s32 @!p0 $0x2C;
	s28 =	simm.s32 @!p0 $0xE6A0  }
0x116: {  	[tilespmem:s28], [sflag:$0x2] =	stream.indirect.gather @!p0 [hbm4b:s4+s26], $0x20, s23, s26, $0xb8;
	[tilespmem:$0xF840] =	vst v63  }
0x117: {  	_ =	swait.ge [sflag:s19], $0x6A0  }
0x118: {  	[sflag:s19] =	ssyncset.done $0x0  }
0x119: {  	[sflag:s19] =	ssyncadd.s32 $0xFFFFF960  }
0x11a: {  	_ =	swait.ge [sflag:s20], $0x580  }
0x11b: {  	[sflag:s20] =	ssyncset.done $0x0  }
0x11c: {  	[sflag:s20] =	ssyncadd.s32 $0xFFFFFA80  }
0x11d: {  	v0 =	vld [tilespmem:$0xEC20]  }
0x11e: {  	v53 =	vld [tilespmem:$0xEC30]  }
0x11f: {  	v2 =	vld [tilespmem:$0xEC40]  }
0x120: {  	v3 =	vld [tilespmem:$0xEC50]  }
0x121: {  	v36 =	vld [tilespmem:$0xEC60]  }
0x122: {  	v37 =	vld [tilespmem:$0xEC70]  }
0x123: {  	v38 =	vld [tilespmem:$0xEC80]  }
0x124: {  	v39 =	vld [tilespmem:$0xEC90]  }
0x125: {  	v54 =	vld [tilespmem:$0xECA0]  }
0x126: {  	v55 =	vld [tilespmem:$0xECB0]  }
0x127: {  	v56 =	vld [tilespmem:$0xECC0]  }
0x128: {  	v57 =	vld [tilespmem:$0xECD0]  }
0x129: {  	v58 =	vld [tilespmem:$0xECE0]  }
0x12a: {  	v59 =	vld [tilespmem:$0xECF0]  }
0x12b: {  	v60 =	vld [tilespmem:$0xED00]  }
0x12c: {  	v61 =	vld [tilespmem:$0xED10]  }
0x12d: {  	v62 =	vld [tilespmem:$0xED20]  }
0x12e: {  	v63 =	vld [tilespmem:$0xED30]  }
0x12f: {  	v18 =	vld [tilespmem:$0xED40]  }
0x130: {  	v19 =	vld [tilespmem:$0xED50]  }
0x131: {  	v40 =	vld [tilespmem:$0xED60]  }
0x132: {  	v41 =	vld [tilespmem:$0xED70]  }
0x133: {  	v42 =	vld [tilespmem:$0xED80]  }
0x134: {  	v43 =	vld [tilespmem:$0xED90]  }
0x135: {  	v44 =	vld [tilespmem:$0xEDA0]  }
0x136: {  	v45 =	vld [tilespmem:$0xEDB0]  }
0x137: {  	v46 =	vld [tilespmem:$0xEDC0]  }
0x138: {  	v47 =	vld [tilespmem:$0xEDD0]  }
0x139: {  	v48 =	vld [tilespmem:$0xEDE0]  }
0x13a: {  	v49 =	vld [tilespmem:$0xEDF0]  }
0x13b: {  	v50 =	vld [tilespmem:$0xEE00]  }
0x13c: {  	v51 =	vld [tilespmem:$0xEE10];
	v1 =	vmul.f32 $5.000000000e-01, v53;
	v2 =	vmul.f32 $2.500000000e-01, v2  }
0x13d: {  	v52 =	vld [tilespmem:$0xEE20];
	v3 =	vmul.f32 $1.250000000e-01, v3;
	v4 =	vmul.f32 $6.250000000e-02, v36  }
0x13e: {  	v34 =	vld [tilespmem:$0xEE40];
	v5 =	vmul.f32 $3.125000000e-02, v37;
	v6 =	vmul.f32 $1.562500000e-02, v38  }
0x13f: {  	v35 =	vld [tilespmem:$0xEE50];
	v7 =	vmul.f32 $7.812500000e-03, v39;
	v54 =	vmul.f32 $3.906250000e-03, v54  }
0x140: {  	v9 =	vld [tilespmem:$0xEE90];
	v55 =	vmul.f32 $1.953125000e-03, v55;
	v56 =	vmul.f32 $9.765625000e-04, v56  }
0x141: {  	v11 =	vld [tilespmem:$0xEEA0];
	v57 =	vmul.f32 $4.882812500e-04, v57;
	v58 =	vmul.f32 $2.441406250e-04, v58  }
0x142: {  	v8 =	vld [tilespmem:$0xEEB0];
	v59 =	vmul.f32 $1.220703130e-04, v59;
	v60 =	vmul.f32 $6.103515630e-05, v60  }
0x143: {  	v10 =	vld [tilespmem:$0xEEC0];
	v61 =	vmul.f32 $3.051757810e-05, v61;
	v62 =	vmul.f32 $1.525878910e-05, v62  }
0x144: {  	v13 =	vld [tilespmem:$0xEED0];
	v63 =	vmul.f32 $7.629394530e-06, v63;
	v18 =	vmul.f32 $3.814697270e-06, v18  }
0x145: {  	v15 =	vld [tilespmem:$0xEEE0];
	v19 =	vmul.f32 $1.907348630e-06, v19;
	v20 =	vmul.f32 $9.536743160e-07, v40  }
0x146: {  	v14 =	vld [tilespmem:$0xEF00];
	v21 =	vmul.f32 $4.768371580e-07, v41;
	v22 =	vmul.f32 $2.384185790e-07, v42  }
0x147: {  	v53 =	vld [tilespmem:$0xEE30];
	v23 =	vmul.f32 $1.192092900e-07, v43;
	v38 =	vmul.f32 $5.960464480e-08, v44  }
0x148: {  	v39 =	vmul.f32 $2.980232240e-08, v45;
	v43 =	vmul.f32 $7.450580600e-09, v47;
	v44 =	vld [tilespmem:$0xF2C0]  }
0x149: {  	v45 =	vmul.f32 $3.725290300e-09, v48;
	v47 =	vld [tilespmem:$0xF2E0];
	v0 =	vadd.f32 v4, v0;
	v1 =	vadd.f32 v5, v1  }
0x14a: {  	v48 =	vmul.f32 $9.313225740e-10, v50;
	v50 =	vld [tilespmem:$0xF300];
	v2 =	vadd.f32 v6, v2;
	v3 =	vadd.f32 v7, v3  }
0x14b: {  	v41 =	vmul.f32 $1.490116120e-08, v46;
	v0 =	vadd.f32 v54, v0;
	v1 =	vadd.f32 v55, v1;
	v54 =	vld [tilespmem:$0xF340]  }
0x14c: {  	v46 =	vmul.f32 $1.862645150e-09, v49;
	v2 =	vadd.f32 v56, v2;
	v3 =	vadd.f32 v57, v3;
	v57 =	vld [tilespmem:$0xF360]  }
0x14d: {  	v49 =	vmul.f32 $4.656612870e-10, v51;
	v7 =	vld [tilespmem:$0xEE80];
	v0 =	vadd.f32 v58, v0;
	v1 =	vadd.f32 v59, v1  }
0x14e: {  	v51 =	vmul.f32 $2.328306440e-10, v52;
	v6 =	vld [tilespmem:$0xF3C0];
	v2 =	vadd.f32 v60, v2;
	v3 =	vadd.f32 v61, v3  }
0x14f: {  	v28 =	vmul.f32 $1.421085470e-14, v14;
	v59 =	vld [tilespmem:$0xF380];
	v0 =	vadd.f32 v62, v0;
	v1 =	vadd.f32 v63, v1  }
0x150: {  	v61 =	vmul.f32 $1.818989400e-12, v9;
	v9 =	vld [tilespmem:$0xF3E0];
	v2 =	vadd.f32 v18, v2;
	v3 =	vadd.f32 v19, v3  }
0x151: {  	v52 =	vld [tilespmem:$0xF320];
	v55 =	vmul.f32 $5.820766090e-11, v34;
	v32 =	vadd.f32 v54, v44;
	v33 =	vadd.f32 v57, v47  }
0x152: {  	v60 =	vmul.f32 $3.637978810e-12, v7;
	v7 =	vld [tilespmem:$0xF3A0];
	v0 =	vadd.f32 v20, v0;
	v1 =	vadd.f32 v21, v1  }
0x153: {  	v62 =	vmul.f32 $9.094947020e-13, v11;
	v11 =	vld [tilespmem:$0xF400];
	v2 =	vadd.f32 v22, v2;
	v3 =	vadd.f32 v23, v3  }
0x154: {  	v63 =	vmul.f32 $2.273736750e-13, v10;
	v10 =	vld [tilespmem:$0xF440];
	v34 =	vadd.f32 v59, v50;
	v14 =	vadd.f32 v6, v32  }
0x155: {  	v5 =	vld [tilespmem:$0xEE70];
	v16 =	vadd.f32 v9, v33;
	v0 =	vadd.f32 v38, v0  }
0x156: {  	v36 =	vld [tilespmem:$0xEE60];
	v1 =	vadd.f32 v39, v1;
	v2 =	vadd.f32 v41, v2  }
0x157: {  	v12 =	vld [tilespmem:$0xEEF0];
	v56 =	vmul.f32 $2.910383050e-11, v35;
	v3 =	vadd.f32 v43, v3;
	v35 =	vadd.f32 v7, v52  }
0x158: {  	v17 =	vld [tilespmem:$0xF500];
	v53 =	vmul.f32 $1.164153220e-10, v53;
	v19 =	vadd.f32 v11, v34;
	v1 =	vadd.f32 v46, v1  }
0x159: {  	v37 =	vld [tilespmem:$0xEF10];
	v24 =	vmul.f32 $5.684341890e-14, v15;
	v14 =	vadd.f32 v10, v14;
	v0 =	vadd.f32 v45, v0  }
0x15a: {  	v15 =	vld [tilespmem:$0xF480];
	v5 =	vmul.f32 $7.275957610e-12, v5;
	v3 =	vadd.f32 v49, v3;
	v1 =	vadd.f32 v53, v1  }
0x15b: {  	v40 =	vld [tilespmem:$0xEF20];
	v58 =	vmul.f32 $1.455191520e-11, v36;
	v2 =	vadd.f32 v48, v2;
	v0 =	vadd.f32 v51, v0  }
0x15c: {  	v42 =	vld [tilespmem:$0xEF30];
	v8 =	vmul.f32 $4.547473510e-13, v8;
	v3 =	vadd.f32 v56, v3;
	v1 =	vadd.f32 v5, v1  }
0x15d: {  	v4 =	vld [tilespmem:$0xF4A0];
	v2 =	vadd.f32 v55, v2;
	v0 =	vadd.f32 v58, v0  }
0x15e: {  	v13 =	vmul.f32 $1.136868380e-13, v13;
	v3 =	vadd.f32 v61, v3;
	v1 =	vadd.f32 v8, v1;
	v8 =	vld [tilespmem:$0xF420]  }
0x15f: {  	v19 =	vadd.f32 v15, v19;
	v2 =	vadd.f32 v60, v2;
	v5 =	vld [tilespmem:$0xF4C0]  }
0x160: {  	v27 =	vmul.f32 $2.842170940e-14, v12;
	v0 =	vadd.f32 v62, v0;
	v3 =	vadd.f32 v13, v3;
	v13 =	vld [tilespmem:$0xF460]  }
0x161: {  	v12 =	vld [tilespmem:$0xF4E0];
	v19 =	vadd.f32 v17, v19;
	v2 =	vadd.f32 v63, v2  }
0x162: {  	v29 =	vmul.f32 $7.105427350e-15, v37;
	v0 =	vadd.f32 v24, v0;
	v1 =	vadd.f32 v27, v1;
	v27 =	vld [tilespmem:$0xF520]  }
0x163: {  	v30 =	vmul.f32 $3.552713680e-15, v40;
	v2 =	vadd.f32 v28, v2;
	v24 =	vadd.f32 v8, v35  }
0x164: {  	v31 =	vmul.f32 $1.776356840e-15, v42;
	v3 =	vadd.f32 v29, v3;
	v14 =	vadd.f32 v5, v14  }
0x165: {  	v16 =	vadd.f32 v13, v16;
	v24 =	vadd.f32 v4, v24  }
0x166: {  	v0 =	vadd.f32 v30, v0;
	v1 =	vadd.f32 v31, v1  }
0x167: {  	v16 =	vadd.f32 v12, v16;
	v24 =	vadd.f32 v27, v24  }
0x168: {  	v36 =	vadd.f32 v3, v2;
	v0 =	vadd.f32 v1, v0  }
0x169: {  	v37 =	vadd.f32 v16, v14;
	v38 =	vadd.f32 v24, v19;
	_ =	sdelay $0x1  }
0x16a: {  	v26 =	vld [tilespmem:$0xF470];
	v0 =	vadd.f32 v0, v36;
	v39 =	vadd.f32 v38, v37  }
0x16b: {  	v40 =	vld [tilespmem:$0xF2D0]  }
0x16c: {  	v41 =	vld [tilespmem:$0xF2F0];
	v0 =	vadd.f32 v39, v0  }
0x16d: {  	v42 =	vld [tilespmem:$0xF310]  }
0x16e: {  	v43 =	vsub.f32 v0, v44;
	v44 =	vld [tilespmem:$0xF330]  }
0x16f: {  	v46 =	vld [tilespmem:$0xF350];
	v45 =	vsub.f32 v0, v47  }
0x170: {  	v48 =	vld [tilespmem:$0xF370];
	v47 =	vsub.f32 v0, v50;
	v2 =	vmul.f32 v43, v40  }
0x171: {  	v49 =	vsub.f32 v0, v52;
	v50 =	vld [tilespmem:$0xF390];
	v1 =	vmul.f32 v45, v41  }
0x172: {  	v53 =	vld [tilespmem:$0xF3B0];
	v52 =	vsub.f32 v0, v54;
	v51 =	vmul.f32 v47, v42;
	(xrf2) =	vadd.scan.msk.f32 $0xffff, v2  }
0x173: {  	v56 =	vld [tilespmem:$0xF3D0];
	v55 =	vsub.f32 v0, v57;
	(xrf2) =	vadd.scan.msk.f32 $0xffff, v1;
	v54 =	vmul.f32 v49, v44  }
0x174: {  	v58 =	vsub.f32 v0, v59;
	v59 =	vld [tilespmem:$0xF3F0];
	v57 =	vmul.f32 v52, v46;
	(xrf2) =	vadd.scan.msk.f32 $0xffff, v51  }
0x175: {  	v61 =	vld [tilespmem:$0xF410];
	v7 =	vsub.f32 v0, v7;
	v60 =	vmul.f32 v48, v55;
	(xrf2) =	vadd.scan.msk.f32 $0xffff, v54  }
0x176: {  	v20 =	vld [tilespmem:$0xF430];
	v63 =	vsub.f32 v0, v6;
	v62 =	vmul.f32 v50, v58;
	(xrf2) =	vadd.scan.msk.f32 $0xffff, v57  }
0x177: {  	v23 =	vld [tilespmem:$0xF450];
	v22 =	vsub.f32 v0, v9;
	v21 =	vmul.f32 v53, v7;
	(xrf2) =	vadd.scan.msk.f32 $0xffff, v60  }
0x178: {  	v33 =	vld [tilespmem:$0xF4B0];
	v25 =	vsub.f32 v0, v11;
	v24 =	vmul.f32 v56, v63;
	(xrf2) =	vadd.scan.msk.f32 $0xffff, v62  }
0x179: {  	v30 =	vld [tilespmem:$0xF490];
	v29 =	vsub.f32 v0, v8;
	v28 =	vmul.f32 v59, v22;
	(xrf2) =	vadd.scan.msk.f32 $0xffff, v21  }
0x17a: {  	v36 =	vld [tilespmem:$0xF4D0];
	v32 =	vsub.f32 v0, v10;
	v31 =	vmul.f32 v61, v25;
	(xrf2) =	vadd.scan.msk.f32 $0xffff, v24  }
0x17b: {  	v35 =	vsub.f32 v0, v13;
	v34 =	vmul.f32 v20, v29;
	v40 =	vld [tilespmem:$0xF4F0];
	(xrf2) =	vadd.scan.msk.f32 $0xffff, v28  }
0x17c: {  	v39 =	vsub.f32 v0, v15;
	v38 =	vmul.f32 v23, v32;
	v43 =	vld [tilespmem:$0xF510];
	v37, _, _ =	vpop (xrf2);
	(xrf2) =	vadd.scan.msk.f32 $0xffff, v31  }
0x17d: {  	v4 =	vsub.f32 v0, v4;
	v42 =	vmul.f32 v26, v35;
	v46 =	vsub.f32 v0, v5;
	v5 =	vld [tilespmem:$0x1FFF0];
	v41, _, _ =	vpop (xrf2);
	(xrf2) =	vadd.scan.msk.f32 $0xffff, v34  }
0x17e: {  	v45 =	vmul.f32 v30, v39;
	v47 =	vld [tilespmem:$0xF530];
	v50 =	vsub.f32 v0, v12;
	v44, _, _ =	vpop (xrf2);
	(xrf2) =	vadd.scan.msk.f32 $0xffff, v38  }
0x17f: {  	v49 =	vmul.f32 v33, v4;
	v48, _, _ =	vpop (xrf2);
	(xrf2) =	vadd.scan.msk.f32 $0xffff, v42  }
0x180: {  	v53 =	vmul.f32 v36, v46;
	v54 =	vsub.f32 v0, v17;
	v57 =	vmul.f32 v40, v50;
	v52, _, _ =	vpop (xrf2);
	(xrf2) =	vadd.scan.msk.f32 $0xffff, v45  }
0x181: {  	v0 =	vsub.f32 v0, v27;
	v51 =	vbroadcast v37, $0xF;
	v55 =	vbroadcast v41, $0xF;
	v56, _, _ =	vpop (xrf2);
	(xrf2) =	vadd.scan.msk.f32 $0xffff, v49  }
0x182: {  	vm15 =	vnez.u8 v5;
	v60 =	vmul.f32 v43, v54;
	v58 =	vbroadcast v44, $0xF;
	v59, _, _ =	vpop (xrf2);
	(xrf2) =	vadd.scan.msk.f32 $0xffff, v53  }
0x183: {  	v0 =	vmul.f32 v47, v0;
	v61 =	vsel vm0, v51, v55;
	v62 =	vbroadcast v48, $0xF;
	v63, _, _ =	vpop (xrf2);
	(xrf2) =	vadd.scan.msk.f32 $0xffff, v57  }
0x184: {  	v1 =	vsel vm15, v61, v58;
	v8 =	vbroadcast v52, $0xF;
	v10, _, _ =	vpop (xrf2);
	(xrf2) =	vadd.scan.msk.f32 $0xffff, v60  }
0x185: {  	v1 =	vsel vm3, v1, v62;
	v11 =	vbroadcast v56, $0xF;
	v12, _, _ =	vpop (xrf2);
	(xrf2) =	vadd.scan.msk.f32 $0xffff, v0  }
0x186: {  	v13 =	vsel vm4, v1, v8;
	v14 =	vbroadcast v59, $0xF;
	v15, _, _ =	vpop (xrf2)  }
0x187: {  	v16 =	vbroadcast v63, $0xF;
	v0 =	vsel vm5, v13, v11;
	v17, _, _ =	vpop (xrf2)  }
0x188: {  	v18 =	vbroadcast v10, $0xF;
	v0 =	vsel vm6, v0, v14;
	v19, _, _ =	vpop (xrf2)  }
0x189: {  	v20 =	vbroadcast v12, $0xF;
	v0 =	vsel vm7, v0, v16;
	v21, _, _ =	vpop (xrf2)  }
0x18a: {  	v22 =	vbroadcast v15, $0xF;
	v0 =	vsel vm8, v0, v18;
	v23, _, _ =	vpop (xrf2)  }
0x18b: {  	v24 =	vbroadcast v17, $0xF;
	v0 =	vsel vm9, v0, v20;
	v25, _, _ =	vpop (xrf2)  }
0x18c: {  	vm15 =	vcmask $0x710;
	v26 =	vbroadcast v19, $0xF;
	v0 =	vsel vm10, v0, v22;
	v27, _, _ =	vpop (xrf2)  }
0x18d: {  	v28 =	vbroadcast v21, $0xF;
	v0 =	vsel vm11, v0, v24;
	v4 =	vbroadcast v27, $0xF;
	v29, _, _ =	vpop (xrf2)  }
0x18e: {  	v30 =	vbroadcast v23, $0xF;
	v0 =	vsel vm12, v0, v26;
	v31 =	vbroadcast v29, $0xF;
	v32, _, _ =	vpop (xrf2)  }
0x18f: {  	v0 =	vsel vm13, v0, v28;
	v33 =	vnsel vm0, $0x0, v4;
	v34 =	vbroadcast v32, $0xF;
	v35, _, _ =	vpop (xrf2)  }
0x190: {  	v0 =	vsel vm14, v0, v30;
	v36 =	vsel vm1, v33, v31;
	v37 =	vbroadcast v35, $0xF  }
0x191: {  	v0 =	vsel vm2, v0, v25;
	v1 =	vsel vm15, v36, v34;
	vm15 =	vcmask $0xB10  }
0x192: {  	[tilespmem:s24+$0x0] =	vst v0;
	v1 =	vsel vm15, v1, v37  }
0x193: {  	[tilespmem:s24+$0x10] =	vst v1  }
0x194: {  	v0 =	vld [tilespmem:$0xEFA0]  }
0x195: {  	v1 =	vld [tilespmem:$0xEFB0]  }
0x196: {  	v38 =	vld [tilespmem:$0xEFC0]  }
0x197: {  	v39 =	vld [tilespmem:$0xEFD0]  }
0x198: {  	v55 =	vld [tilespmem:$0xEFE0]  }
0x199: {  	v56 =	vld [tilespmem:$0xEFF0]  }
0x19a: {  	v57 =	vld [tilespmem:$0xF000]  }
0x19b: {  	v58 =	vld [tilespmem:$0xF010]  }
0x19c: {  	v59 =	vld [tilespmem:$0xF020]  }
0x19d: {  	v60 =	vld [tilespmem:$0xF030]  }
0x19e: {  	v61 =	vld [tilespmem:$0xF040]  }
0x19f: {  	v62 =	vld [tilespmem:$0xF050]  }
0x1a0: {  	v63 =	vld [tilespmem:$0xF060]  }
0x1a1: {  	v40 =	vld [tilespmem:$0xF070]  }
0x1a2: {  	v41 =	vld [tilespmem:$0xF080]  }
0x1a3: {  	v42 =	vld [tilespmem:$0xF090]  }
0x1a4: {  	v43 =	vld [tilespmem:$0xF0A0]  }
0x1a5: {  	v44 =	vld [tilespmem:$0xF0B0]  }
0x1a6: {  	v45 =	vld [tilespmem:$0xF0C0]  }
0x1a7: {  	v46 =	vld [tilespmem:$0xF0D0]  }
0x1a8: {  	v47 =	vld [tilespmem:$0xF0E0]  }
0x1a9: {  	v48 =	vld [tilespmem:$0xF0F0]  }
0x1aa: {  	v49 =	vld [tilespmem:$0xF100]  }
0x1ab: {  	v50 =	vld [tilespmem:$0xF110]  }
0x1ac: {  	v51 =	vld [tilespmem:$0xF120]  }
0x1ad: {  	v52 =	vld [tilespmem:$0xF130]  }
0x1ae: {  	v53 =	vld [tilespmem:$0xF140]  }
0x1af: {  	v54 =	vld [tilespmem:$0xF150]  }
0x1b0: {  	v28 =	vld [tilespmem:$0xF160]  }
0x1b1: {  	v29 =	vld [tilespmem:$0xF170]  }
0x1b2: {  	v30 =	vld [tilespmem:$0xF180]  }
0x1b3: {  	v31 =	vld [tilespmem:$0xF190];
	v1 =	vmul.f32 $5.000000000e-01, v1;
	v2 =	vmul.f32 $2.500000000e-01, v38  }
0x1b4: {  	v32 =	vld [tilespmem:$0xF1A0];
	v3 =	vmul.f32 $1.250000000e-01, v39;
	v4 =	vmul.f32 $6.250000000e-02, v55  }
0x1b5: {  	v33 =	vld [tilespmem:$0xF1B0];
	v5 =	vmul.f32 $3.125000000e-02, v56;
	v6 =	vmul.f32 $1.562500000e-02, v57  }
0x1b6: {  	v34 =	vld [tilespmem:$0xF1C0];
	v7 =	vmul.f32 $7.812500000e-03, v58;
	v55 =	vmul.f32 $3.906250000e-03, v59  }
0x1b7: {  	v35 =	vld [tilespmem:$0xF1D0];
	v56 =	vmul.f32 $1.953125000e-03, v60;
	v57 =	vmul.f32 $9.765625000e-04, v61  }
0x1b8: {  	v36 =	vld [tilespmem:$0xF1E0];
	v58 =	vmul.f32 $4.882812500e-04, v62;
	v59 =	vmul.f32 $2.441406250e-04, v63  }
0x1b9: {  	v9 =	vld [tilespmem:$0xF210];
	v60 =	vmul.f32 $1.220703130e-04, v40;
	v61 =	vmul.f32 $6.103515630e-05, v41  }
0x1ba: {  	v11 =	vld [tilespmem:$0xF220];
	v62 =	vmul.f32 $3.051757810e-05, v42;
	v63 =	vmul.f32 $1.525878910e-05, v43  }
0x1bb: {  	v8 =	vld [tilespmem:$0xF230];
	v37 =	vmul.f32 $7.629394530e-06, v44;
	v39 =	vmul.f32 $3.814697270e-06, v45  }
0x1bc: {  	v10 =	vld [tilespmem:$0xF240];
	v40 =	vmul.f32 $1.907348630e-06, v46;
	v42 =	vmul.f32 $9.536743160e-07, v47  }
0x1bd: {  	v18 =	vld [tilespmem:$0xF5C0];
	v44 =	vmul.f32 $4.768371580e-07, v48;
	v46 =	vmul.f32 $2.384185790e-07, v49  }
0x1be: {  	v22 =	vld [tilespmem:$0xF640];
	v47 =	vmul.f32 $1.192092900e-07, v50;
	v49 =	vmul.f32 $5.960464480e-08, v51  }
0x1bf: {  	v13 =	vld [tilespmem:$0xF760];
	v50 =	vmul.f32 $2.980232240e-08, v52;
	v0 =	vadd.f32 v4, v0;
	v1 =	vadd.f32 v5, v1  }
0x1c0: {  	v45 =	vld [tilespmem:$0xF280];
	v52 =	vmul.f32 $1.490116120e-08, v53;
	v2 =	vadd.f32 v6, v2;
	v3 =	vadd.f32 v7, v3  }
0x1c1: {  	v54 =	vmul.f32 $7.450580600e-09, v54;
	v7 =	vld [tilespmem:$0xF200];
	v0 =	vadd.f32 v55, v0;
	v1 =	vadd.f32 v56, v1  }
0x1c2: {  	v2 =	vadd.f32 v57, v2;
	v55 =	vmul.f32 $3.725290300e-09, v28;
	v56 =	vmul.f32 $1.862645150e-09, v29;
	v57 =	vld [tilespmem:$0xF5E0]  }
0x1c3: {  	v3 =	vadd.f32 v58, v3;
	v58 =	vmul.f32 $9.313225740e-10, v30;
	v28 =	vmul.f32 $5.820766090e-11, v34;
	v30 =	vld [tilespmem:$0xF660]  }
0x1c4: {  	v34 =	vmul.f32 $1.818989400e-12, v9;
	v9 =	vld [tilespmem:$0xF6E0];
	v0 =	vadd.f32 v59, v0;
	v1 =	vadd.f32 v60, v1  }
0x1c5: {  	v29 =	vmul.f32 $2.910383050e-11, v35;
	v2 =	vadd.f32 v61, v2;
	v3 =	vadd.f32 v62, v3;
	v60 =	vld [tilespmem:$0xF600]  }
0x1c6: {  	v61 =	vmul.f32 $2.328306440e-10, v32;
	v32 =	vld [tilespmem:$0xF680];
	v0 =	vadd.f32 v63, v0;
	v1 =	vadd.f32 v37, v1  }
0x1c7: {  	v6 =	vld [tilespmem:$0xF6C0];
	v2 =	vadd.f32 v39, v2;
	v3 =	vadd.f32 v40, v3;
	v63 =	vmul.f32 $1.164153220e-10, v33  }
0x1c8: {  	v62 =	vld [tilespmem:$0xF620];
	v40 =	vmul.f32 $1.421085470e-14, v45;
	v45 =	vadd.f32 v30, v57;
	v0 =	vadd.f32 v42, v0  }
0x1c9: {  	v33 =	vmul.f32 $3.637978810e-12, v7;
	v7 =	vld [tilespmem:$0xF6A0];
	v1 =	vadd.f32 v44, v1;
	v2 =	vadd.f32 v46, v2  }
0x1ca: {  	v35 =	vmul.f32 $9.094947020e-13, v11;
	v11 =	vld [tilespmem:$0xF700];
	v3 =	vadd.f32 v47, v3;
	v44 =	vadd.f32 v22, v18  }
0x1cb: {  	v15 =	vld [tilespmem:$0xF780];
	v59 =	vmul.f32 $4.656612870e-10, v31;
	v46 =	vadd.f32 v32, v60;
	v16 =	vadd.f32 v9, v45  }
0x1cc: {  	v5 =	vld [tilespmem:$0xF1F0];
	v31 =	vmul.f32 $1.455191520e-11, v36;
	v0 =	vadd.f32 v49, v0;
	v1 =	vadd.f32 v50, v1  }
0x1cd: {  	v36 =	vmul.f32 $2.273736750e-13, v10;
	v10 =	vld [tilespmem:$0xF740];
	v2 =	vadd.f32 v52, v2;
	v3 =	vadd.f32 v54, v3  }
0x1ce: {  	v12 =	vld [tilespmem:$0xF7E0];
	v14 =	vadd.f32 v6, v44;
	v47 =	vadd.f32 v7, v62  }
0x1cf: {  	v17 =	vld [tilespmem:$0xF800];
	v19 =	vadd.f32 v11, v46;
	v1 =	vadd.f32 v56, v1  }
0x1d0: {  	v38 =	vld [tilespmem:$0xF250];
	v16 =	vadd.f32 v13, v16;
	v0 =	vadd.f32 v55, v0  }
0x1d1: {  	v41 =	vld [tilespmem:$0xF260];
	v5 =	vmul.f32 $7.275957610e-12, v5;
	v2 =	vadd.f32 v58, v2;
	v1 =	vadd.f32 v63, v1  }
0x1d2: {  	v43 =	vld [tilespmem:$0xF270];
	v3 =	vadd.f32 v59, v3;
	v14 =	vadd.f32 v10, v14  }
0x1d3: {  	v48 =	vld [tilespmem:$0xF290];
	v8 =	vmul.f32 $4.547473510e-13, v8;
	v19 =	vadd.f32 v15, v19;
	v1 =	vadd.f32 v5, v1  }
0x1d4: {  	v51 =	vld [tilespmem:$0xF2A0];
	v0 =	vadd.f32 v61, v0;
	v2 =	vadd.f32 v28, v2  }
0x1d5: {  	v3 =	vadd.f32 v29, v3;
	v1 =	vadd.f32 v8, v1;
	v8 =	vld [tilespmem:$0xF720]  }
0x1d6: {  	v53 =	vld [tilespmem:$0xF2B0];
	v16 =	vadd.f32 v12, v16;
	v0 =	vadd.f32 v31, v0  }
0x1d7: {  	v4 =	vld [tilespmem:$0xF7A0];
	v37 =	vmul.f32 $1.136868380e-13, v38;
	v2 =	vadd.f32 v33, v2;
	v3 =	vadd.f32 v34, v3  }
0x1d8: {  	v38 =	vmul.f32 $5.684341890e-14, v41;
	v19 =	vadd.f32 v17, v19;
	v5 =	vld [tilespmem:$0xF7C0];
	v0 =	vadd.f32 v35, v0  }
0x1d9: {  	v27 =	vld [tilespmem:$0xF820];
	v39 =	vmul.f32 $2.842170940e-14, v43;
	v2 =	vadd.f32 v36, v2;
	v3 =	vadd.f32 v37, v3  }
0x1da: {  	v41 =	vmul.f32 $7.105427350e-15, v48;
	v0 =	vadd.f32 v38, v0;
	v24 =	vadd.f32 v8, v47  }
0x1db: {  	v42 =	vmul.f32 $3.552713680e-15, v51;
	v1 =	vadd.f32 v39, v1;
	v2 =	vadd.f32 v40, v2  }
0x1dc: {  	v43 =	vmul.f32 $1.776356840e-15, v53;
	v3 =	vadd.f32 v41, v3;
	v24 =	vadd.f32 v4, v24  }
0x1dd: {  	v14 =	vadd.f32 v5, v14;
	v0 =	vadd.f32 v42, v0  }
0x1de: {  	v1 =	vadd.f32 v43, v1;
	v24 =	vadd.f32 v27, v24  }
0x1df: {  	v48 =	vadd.f32 v3, v2;
	v49 =	vadd.f32 v16, v14  }
0x1e0: {  	v0 =	vadd.f32 v1, v0;
	v50 =	vadd.f32 v24, v19;
	_ =	sdelay $0x1  }
0x1e1: {  	v23 =	vld [tilespmem:$0xF6B0];
	v0 =	vadd.f32 v0, v48;
	v51 =	vadd.f32 v50, v49  }
0x1e2: {  	v52 =	vld [tilespmem:$0xF5D0]  }
0x1e3: {  	v53 =	vld [tilespmem:$0xF5F0];
	v0 =	vadd.f32 v51, v0  }
0x1e4: {  	v54 =	vld [tilespmem:$0xF610]  }
0x1e5: {  	v56 =	vld [tilespmem:$0xF630];
	v55 =	vsub.f32 v0, v18  }
0x1e6: {  	v58 =	vld [tilespmem:$0xF650];
	v57 =	vsub.f32 v0, v57  }
0x1e7: {  	v59 =	vsub.f32 v0, v60;
	v60 =	vld [tilespmem:$0xF670];
	v2 =	vmul.f32 v55, v52  }
0x1e8: {  	v61 =	vsub.f32 v0, v62;
	v62 =	vld [tilespmem:$0xF690];
	v1 =	vmul.f32 v57, v53  }
0x1e9: {  	v46 =	vld [tilespmem:$0xF790];
	v22 =	vsub.f32 v0, v22;
	v63 =	vmul.f32 v59, v54;
	(xrf2) =	vadd.scan.msk.f32 $0xffff, v2  }
0x1ea: {  	v29 =	vld [tilespmem:$0xF6D0];
	v28 =	vsub.f32 v0, v30;
	v24 =	vmul.f32 v61, v56;
	(xrf2) =	vadd.scan.msk.f32 $0xffff, v1  }
0x1eb: {  	v31 =	vsub.f32 v0, v32;
	v32 =	vld [tilespmem:$0xF6F0];
	v30 =	vmul.f32 v22, v58;
	(xrf2) =	vadd.scan.msk.f32 $0xffff, v63  }
0x1ec: {  	v34 =	vld [tilespmem:$0xF710];
	v7 =	vsub.f32 v0, v7;
	v33 =	vmul.f32 v60, v28;
	(xrf2) =	vadd.scan.msk.f32 $0xffff, v24  }
0x1ed: {  	v37 =	vld [tilespmem:$0xF730];
	v36 =	vsub.f32 v0, v6;
	v35 =	vmul.f32 v62, v31;
	(xrf2) =	vadd.scan.msk.f32 $0xffff, v30  }
0x1ee: {  	v40 =	vld [tilespmem:$0xF750];
	v39 =	vsub.f32 v0, v9;
	v38 =	vmul.f32 v23, v7;
	(xrf2) =	vadd.scan.msk.f32 $0xffff, v33  }
0x1ef: {  	v43 =	vld [tilespmem:$0xF770];
	v42 =	vsub.f32 v0, v11;
	v41 =	vmul.f32 v29, v36;
	(xrf2) =	vadd.scan.msk.f32 $0xffff, v35  }
0x1f0: {  	v49 =	vld [tilespmem:$0xF7B0];
	v45 =	vsub.f32 v0, v8;
	v44 =	vmul.f32 v32, v39;
	(xrf2) =	vadd.scan.msk.f32 $0xffff, v38  }
0x1f1: {  	v48 =	vsub.f32 v0, v10;
	v47 =	vmul.f32 v34, v42;
	v52 =	vld [tilespmem:$0xF7D0];
	(xrf2) =	vadd.scan.msk.f32 $0xffff, v41  }
0x1f2: {  	v51 =	vsub.f32 v0, v13;
	v50 =	vmul.f32 v37, v45;
	v56 =	vld [tilespmem:$0xF7F0];
	(xrf2) =	vadd.scan.msk.f32 $0xffff, v44  }
0x1f3: {  	v54 =	vmul.f32 v40, v48;
	v55 =	vsub.f32 v0, v15;
	v59 =	vld [tilespmem:$0xF810];
	v53, _, _ =	vpop (xrf2);
	(xrf2) =	vadd.scan.msk.f32 $0xffff, v47  }
0x1f4: {  	v4 =	vsub.f32 v0, v4;
	v58 =	vmul.f32 v43, v51;
	v34 =	vld [tilespmem:$0x1FFF0];
	v57, _, _ =	vpop (xrf2);
	(xrf2) =	vadd.scan.msk.f32 $0xffff, v50  }
0x1f5: {  	v19 =	vsub.f32 v0, v12;
	v61 =	vmul.f32 v46, v55;
	v62 =	vsub.f32 v0, v5;
	v63 =	vld [tilespmem:$0xF830];
	v60, _, _ =	vpop (xrf2);
	(xrf2) =	vadd.scan.msk.f32 $0xffff, v54  }
0x1f6: {  	v18 =	vmul.f32 v49, v4;
	v16, _, _ =	vpop (xrf2);
	(xrf2) =	vadd.scan.msk.f32 $0xffff, v58  }
0x1f7: {  	v23 =	vsub.f32 v0, v17;
	v22 =	vmul.f32 v52, v62;
	v26 =	vmul.f32 v56, v19;
	v21, _, _ =	vpop (xrf2);
	(xrf2) =	vadd.scan.msk.f32 $0xffff, v61  }
0x1f8: {  	v0 =	vsub.f32 v0, v27;
	v20 =	vbroadcast v53, $0xF;
	v24 =	vbroadcast v57, $0xF;
	v25, _, _ =	vpop (xrf2);
	(xrf2) =	vadd.scan.msk.f32 $0xffff, v18  }
0x1f9: {  	vm15 =	vnez.u8 v34;
	v30 =	vmul.f32 v59, v23;
	v28 =	vbroadcast v60, $0xF;
	v29, _, _ =	vpop (xrf2);
	(xrf2) =	vadd.scan.msk.f32 $0xffff, v22  }
0x1fa: {  	v0 =	vmul.f32 v63, v0;
	v31 =	vsel vm0, v20, v24;
	v32 =	vbroadcast v16, $0xF;
	v33, _, _ =	vpop (xrf2);
	(xrf2) =	vadd.scan.msk.f32 $0xffff, v26  }
0x1fb: {  	v1 =	vsel vm15, v31, v28;
	v35 =	vbroadcast v21, $0xF;
	v36, _, _ =	vpop (xrf2);
	(xrf2) =	vadd.scan.msk.f32 $0xffff, v30  }
0x1fc: {  	v1 =	vsel vm3, v1, v32;
	v37 =	vbroadcast v25, $0xF;
	v38, _, _ =	vpop (xrf2);
	(xrf2) =	vadd.scan.msk.f32 $0xffff, v0  }
0x1fd: {  	v1 =	vsel vm4, v1, v35;
	v40 =	vbroadcast v29, $0xF;
	v39, _, _ =	vpop (xrf2)  }
0x1fe: {  	v1 =	vsel vm5, v1, v37;
	v42 =	vbroadcast v33, $0xF;
	v41, _, _ =	vpop (xrf2)  }
0x1ff: {  	v1 =	vsel vm6, v1, v40;
	v44 =	vbroadcast v36, $0xF;
	v43, _, _ =	vpop (xrf2)  }
0x200: {  	v1 =	vsel vm7, v1, v42;
	v46 =	vbroadcast v38, $0xF;
	v45, _, _ =	vpop (xrf2)  }
0x201: {  	v1 =	vsel vm8, v1, v44;
	v0 =	vbroadcast v39, $0xF;
	v47, _, _ =	vpop (xrf2)  }
0x202: {  	v1 =	vsel vm9, v1, v46;
	v49 =	vbroadcast v41, $0xF;
	v48, _, _ =	vpop (xrf2)  }
0x203: {  	vm15 =	vcmask $0x710;
	v0 =	vsel vm10, v1, v0;
	v51 =	vbroadcast v43, $0xF;
	v50, _, _ =	vpop (xrf2)  }
0x204: {  	s25 =	sadd.s32 $0x380, s25;
	v0 =	vsel vm11, v0, v49;
	v53 =	vbroadcast v45, $0xF;
	v52, _, _ =	vpop (xrf2);
	v54 =	vbroadcast v50, $0xF  }
0x205: {  	p0 =	sne.s32 s25, $0x1C000;
	v62 =	vld [tilespmem:$0x1FFF0];
	v0 =	vsel vm12, v0, v51;
	v56 =	vbroadcast v47, $0xF;
	v55, _, _ =	vpop (xrf2);
	v57 =	vbroadcast v52, $0xF  }
.Ltmp0:
0x206: {  	v0 =	vsel vm13, v0, v53;
	v58 =	vnsel vm0, $0x0, v54;
	v59 =	vbroadcast v55, $0xF;
	v60, _, _ =	vpop (xrf2);
	(pc) =	sbr.rel @p0 .LBB2_2-.Ltmp0, $4  }
0x207: {  	v0 =	vsel vm14, v0, v56;
	v61 =	vsel vm1, v58, v57;
	v63 =	vbroadcast v60, $0xF  }
0x208: {  	v0 =	vsel vm2, v0, v48;
	v1 =	vsel vm15, v61, v59;
	vm15 =	vcmask $0xB10  }
0x209: {  	[tilespmem:s24+$0x20] =	vst v0;
	v1 =	vsel vm15, v1, v63  }
0x20a: {  	s23 =	sadd.s32 $0x60, s23;
	vm1 =	vnez.u8 v62;
	[tilespmem:s24+$0x30] =	vst v1;
	s24 =	sadd.s32 $0x80, s24  }
0x20b: {  	s22 =	sadd.s32 $0x1, s22  }
0x20c: {  	p0 =	sne.s32 s22, s8  }
.Ltmp1:
0x20d: {  	_ = 	snop;
	(pc) =	sbr.rel @p0 .LBB2_1-.Ltmp1, $4  }
0x20e: {  	[hbm4b:s7+s2] =	stream.linear.scatter [tilespmem:s21], [sflag:$0x5], $0x4000, $0x38;
	[tilespmem:$0xF840] =	vst v63  }
0x20f: {  	_ =	swait.ge [sflag:s9], $0x4000  }
0x210: {  	[sflag:s9] =	ssyncset.done $0x0  }
0x211: {  	[sflag:s9] =	ssyncadd.s32 $0xFFFFC000  }
0x212: {  	_ =	sfence.sel $0x180000  }
0x213: {  	[bflag:$0x0] =	sbarrier.arrive $0xFFFF  }
0x214: {  	p0 =	sne.s32 s0, $0x0;
	_ =	strace $0x90000047  }
0x215: {  	s0 =	sadd.s32 @!p0 $0x100000, s1;
	[bflag:$0x2] =	sbarrier.arrive $0xFFFF  }
0x216: {  	[sflag:s0] =	ssyncadd.tile.s32 @!p0 $0x1;
	_ =	shalt  }
.Lfunc_end2:
_tile_overlayer_lowered:
.L_overlay_start_2:
0x217: {  	(tag) =	ssettag $0x2  }
0x218: {  	s0 =	rddreg [dreg:$0x0];
	s2 =	stileid.u32  }
0x219: {  	s1 =	rddreg [dreg:$0x1];
	p0 =	sne.s32 s2, $0x0  }
0x21a: {  	s3 =	rddreg [dreg:$0x2];
	[bflag:$0x3] =	sbarrier.arrive $0xFFFF;
	s2 =	simm.s32 @!p0 $0x1C05  }
0x21b: {  	[timem:s3], [sflag:s2] =	dma.local @!p0 [hbm:s0], s1  }
0x21c: {  	s0 =	simm.s32 @!p0 $0x5  }
0x21d: {  	_ =	swait.ge @!p0 [sflag:s0], s1  }
0x21e: {  	s1 =	ssub.s32 @!p0 $0x0, s1;
	[sflag:s0] =	ssyncset.done @!p0 $0x0  }
0x21f: {  	[sflag:s0] =	ssyncadd.s32 @!p0 s1  }
0x220: {  	[bflag:$0x3] =	sbarrier.arrive $0xFFFF  }
0x221: {  	_ =	shalt  }

</sc_bundles>
